<compile_context>
chip_gen: v7x
topology: tpu7x:2x2x1
jax: 0.10.2.dev20260603
libtpu: 0.0.44.dev20260713+nightly
codegen_flags: <defaults>
</compile_context>

<pallas_src>
import functools

import jax
import jax.numpy as jnp
from jax import lax
from jax.experimental import pallas as pl
from jax.experimental.pallas import tpu as pltpu
from jax.experimental.pallas import tpu_sc as plsc

N = 10000
E = 320000
IN_DIM = 128
OUT_DIM = 32
NUM_HEADS = 4
D = NUM_HEADS * OUT_DIM

NC = 2
NS = 16
NW = NC * NS
CH = 80
NCHUNK = E // CH
RSTEP = 640
NB = 3

_f32 = jnp.float32



_HI = jax.lax.Precision.HIGHEST


def _iota(shape, dim):
    return lax.broadcasted_iota(jnp.int32, shape, dim)


def _tc_pre_body(x_ref, w_ref, a_ref, zp_ref, es_ref, ed_ref, m_ref):
    d32 = _iota((OUT_DIM, D), 0)
    j128 = _iota((OUT_DIM, D), 1)
    wc = jnp.dot(w_ref[0], (j128 == 4 * d32).astype(_f32),
                 preferred_element_type=_f32, precision=_HI)
    for h in range(1, NUM_HEADS):
        wc = wc + jnp.dot(w_ref[h], (j128 == 4 * d32 + h).astype(_f32),
                          preferred_element_type=_f32, precision=_HI)
    z = jnp.dot(x_ref[...], wc, preferred_element_type=_f32)
    zp_ref[...] = z

    a_mat = a_ref[...].reshape(NUM_HEADS, 2 * OUT_DIM)
    jj = _iota((D, 2 * OUT_DIM), 0)
    dd = _iota((D, 2 * OUT_DIM), 1)
    l_src = (dd == jj // 4).astype(_f32)
    l_dst = (dd == OUT_DIM + jj // 4).astype(_f32)
    dn = (((1,), (1,)), ((), ()))
    p_src = lax.dot_general(l_src, a_mat, dn, precision=_HI)
    p_dst = lax.dot_general(l_dst, a_mat, dn, precision=_HI)
    r4 = (_iota((NUM_HEADS, 16), 0) == _iota((NUM_HEADS, 16), 1) % 4)
    mask = (_iota((D, 16), 0) % 4 == _iota((D, 16), 1) % 4).astype(_f32)
    asrc_t = jnp.dot(p_src, r4.astype(_f32), precision=_HI) * mask
    adst_t = jnp.dot(p_dst, r4.astype(_f32), precision=_HI) * mask

    es = jnp.dot(z, asrc_t, preferred_element_type=_f32)
    ed = jnp.dot(z, adst_t, preferred_element_type=_f32)
    es_ref[...] = es
    ed_ref[...] = ed
    m = jnp.max(es, axis=0) + jnp.max(ed, axis=0)
    m = jnp.where(m > 0, m, 0.01 * m)
    m_ref[...] = jnp.broadcast_to(m[None, :], (8, 16))


def _tc_pre(x, w, a):
    return pl.pallas_call(
        _tc_pre_body,
        out_shape=(
            jax.ShapeDtypeStruct((N, D), _f32),
            jax.ShapeDtypeStruct((N, 16), _f32),
            jax.ShapeDtypeStruct((N, 16), _f32),
            jax.ShapeDtypeStruct((8, 16), _f32),
        ),
    )(x, w, a)



NCHW = NCHUNK // NW


def _sc_body(zp_hbm, es_hbm, ed_hbm, m_hbm, ei_hbm,
             h_out, s_out,
             h_sh, s_sh,
             idxb, esb, edb, zb, mb,
             sem_i, sem_es, sem_ed, sem_z, sem_s, sem_h):
    cid = lax.axis_index("c")
    sid = lax.axis_index("s")
    wid = sid * NC + cid
    zeros16 = jnp.zeros((16,), _f32)

    def zzh(i, _):
        for g in range(8):
            zb[0, i, pl.ds(16 * g, 16)] = zeros16
        esb[0, i] = zeros16
        return 0

    lax.fori_loop(0, CH, zzh, 0)
    row0 = sid * RSTEP

    nz = jnp.where(sid == NS - 1, 5, 8)

    def zcopy(r, _):
        pltpu.make_async_copy(zb.at[0], h_sh.at[pl.ds(row0 + r * CH, CH), :],
                              sem_h.at[0]).start()
        pltpu.make_async_copy(esb.at[0], s_sh.at[pl.ds(row0 + r * CH, CH), :],
                              sem_s.at[0]).start()
        return 0

    def zwait(r, _):
        pltpu.make_async_copy(zb.at[0], h_sh.at[pl.ds(row0 + r * CH, CH), :],
                              sem_h.at[0]).wait()
        pltpu.make_async_copy(esb.at[0], s_sh.at[pl.ds(row0 + r * CH, CH), :],
                              sem_s.at[0]).wait()
        return 0

    lax.fori_loop(0, nz, zcopy, 0)
    lax.fori_loop(0, nz, zwait, 0)
    pltpu.sync_copy(m_hbm, mb)
    plsc.subcore_barrier()

    mvec = mb[0]

    def _start_idx(b, i):
        eb = (i * NW + wid) * CH
        pltpu.make_async_copy(ei_hbm.at[:, pl.ds(eb, CH)], idxb.at[b],
                              sem_i.at[b]).start()

    def _wait_idx(b, i):
        eb = (i * NW + wid) * CH
        pltpu.make_async_copy(ei_hbm.at[:, pl.ds(eb, CH)], idxb.at[b],
                              sem_i.at[b]).wait()

    def _start_gathers(b):
        pltpu.make_async_copy(zp_hbm.at[idxb.at[b, 0]], zb.at[b],
                              sem_z.at[b]).start()
        pltpu.make_async_copy(es_hbm.at[idxb.at[b, 0]], esb.at[b],
                              sem_es.at[b]).start()
        pltpu.make_async_copy(ed_hbm.at[idxb.at[b, 1]], edb.at[b],
                              sem_ed.at[b]).start()

    def _wait_gathers(b):
        pltpu.make_async_copy(zp_hbm.at[idxb.at[b, 0]], zb.at[b],
                              sem_z.at[b]).wait()
        pltpu.make_async_copy(es_hbm.at[idxb.at[b, 0]], esb.at[b],
                              sem_es.at[b]).wait()
        pltpu.make_async_copy(ed_hbm.at[idxb.at[b, 1]], edb.at[b],
                              sem_ed.at[b]).wait()

    def _compute(b):
        @plsc.parallel_loop(0, CH, 1, unroll=8)
        def _(e):
            v = esb[b, e] + edb[b, e]
            v = jnp.where(v > 0, v, 0.01 * v)
            ex = jnp.exp(v - mvec)
            esb[b, e] = ex
            for g in range(8):
                zb[b, e, pl.ds(16 * g, 16)] = zb[b, e, pl.ds(16 * g, 16)] * ex

    def _start_scatters(b):
        pltpu.make_async_copy(esb.at[b], s_sh.at[idxb.at[b, 1]],
                              sem_s.at[b]).start(add=True)
        pltpu.make_async_copy(zb.at[b], h_sh.at[idxb.at[b, 1]],
                              sem_h.at[b]).start(add=True)

    def _wait_scatters(b):
        pltpu.make_async_copy(esb.at[b], s_sh.at[idxb.at[b, 1]],
                              sem_s.at[b]).wait()
        pltpu.make_async_copy(zb.at[b], h_sh.at[idxb.at[b, 1]],
                              sem_h.at[b]).wait()

    _start_idx(0, 0)
    _start_idx(1, 1)
    _wait_idx(0, 0)
    _start_gathers(0)

    def trip_body(j, _):
        for b in range(NB):
            i = NB * j + b
            bm1 = (b - 1) % NB
            bp1 = (b + 1) % NB
            bp2 = (b + 2) % NB

            @pl.when(i > 0)
            def _():
                _wait_scatters(bm1)

            @pl.when(i + 2 < NCHW)
            def _():
                _start_idx(bp2, i + 2)

            @pl.when(i + 1 < NCHW)
            def _():
                _wait_idx(bp1, i + 1)
                _start_gathers(bp1)

            _wait_gathers(b)
            _compute(b)
            _start_scatters(b)
        return 0

    lax.fori_loop(0, NCHW // NB, trip_body, 0)

    _wait_scatters(2)
    _wait_idx(1, NCHW - 1)
    _start_gathers(1)
    _wait_gathers(0)
    _compute(0)
    _start_scatters(0)
    _wait_scatters(0)
    _wait_gathers(1)
    _compute(1)
    _start_scatters(1)
    _wait_scatters(1)

    plsc.subcore_barrier()

    def _copy_out(nrows):
        pltpu.make_async_copy(h_sh.at[pl.ds(row0, nrows), :],
                              h_out.at[cid, pl.ds(row0, nrows), :],
                              sem_h.at[0]).start()
        pltpu.make_async_copy(s_sh.at[pl.ds(row0, nrows), :],
                              s_out.at[cid, pl.ds(row0, nrows), :],
                              sem_s.at[0]).start()
        pltpu.make_async_copy(h_sh.at[pl.ds(row0, nrows), :],
                              h_out.at[cid, pl.ds(row0, nrows), :],
                              sem_h.at[0]).wait()
        pltpu.make_async_copy(s_sh.at[pl.ds(row0, nrows), :],
                              s_out.at[cid, pl.ds(row0, nrows), :],
                              sem_s.at[0]).wait()

    @pl.when(sid < NS - 1)
    def _():
        _copy_out(RSTEP)

    @pl.when(sid == NS - 1)
    def _():
        _copy_out(400)


def _sc_edge_pass(zp, es, ed, m, edge_index):
    mesh = plsc.VectorSubcoreMesh(core_axis_name="c", subcore_axis_name="s")
    f = pl.kernel(
        _sc_body,
        out_type=(
            jax.ShapeDtypeStruct((NC, N, D), _f32),
            jax.ShapeDtypeStruct((NC, N, 16), _f32),
        ),
        mesh=mesh,
        scratch_types=[
            pltpu.VMEM_SHARED((N, D), _f32),
            pltpu.VMEM_SHARED((N, 16), _f32),
            pltpu.VMEM((NB, 2, CH), jnp.int32),
            pltpu.VMEM((NB, CH, 16), _f32),
            pltpu.VMEM((NB, CH, 16), _f32),
            pltpu.VMEM((NB, CH, D), _f32),
            pltpu.VMEM((8, 16), _f32),
            pltpu.SemaphoreType.DMA((NB,)),
            pltpu.SemaphoreType.DMA((NB,)),
            pltpu.SemaphoreType.DMA((NB,)),
            pltpu.SemaphoreType.DMA((NB,)),
            pltpu.SemaphoreType.DMA((NB,)),
            pltpu.SemaphoreType.DMA((NB,)),
        ],
        compiler_params=pltpu.CompilerParams(use_tc_tiling_on_sc=False),
    )
    return f(zp, es, ed, m, edge_index)



def _tc_post_body(hp_ref, sp_ref, t2_ref, p_ref, out_ref):
    ht = hp_ref[0] + hp_ref[1]
    st = sp_ref[0] + sp_ref[1]
    r2 = jnp.dot(1.0 / (st + 1e-16), t2_ref[...],
                 preferred_element_type=_f32,
                 precision=jax.lax.Precision.HIGHEST)
    scaled = (ht * r2).reshape(N, D)
    out_ref[...] = jnp.dot(scaled, p_ref[...],
                           preferred_element_type=_f32,
                           precision=jax.lax.Precision.HIGHEST)


def _tc_post(hp, sp, t2, perm):
    return pl.pallas_call(
        _tc_post_body,
        out_shape=jax.ShapeDtypeStruct((N, D), _f32),
    )(hp, sp, t2, perm)



@jax.jit
def kernel(x, edge_index, W, a):
    j = jnp.arange(D)
    heads = j % NUM_HEADS
    dims = j // NUM_HEADS
    perm = jax.nn.one_hot(heads * OUT_DIM + dims, D, dtype=_f32)
    mcol = jnp.arange(8 * D)
    t2 = jax.nn.one_hot(16 * (mcol // D) + (mcol % D) % NUM_HEADS,
                        D, dtype=_f32).T

    zp, es, ed, m = _tc_pre(x, W, a)
    hp, sp = _sc_edge_pass(zp, es, ed, m, edge_index)
    hp8 = hp.reshape(NC, N // 8, 8 * D)
    sp8 = sp.reshape(NC, N // 8, 8 * 16)
    return _tc_post(hp8, sp8, t2, perm)

# --- scband reference (transcript-rebuilt; emitter-appended) ---
"""Pipeline reference for scband-multi-head-qgatlayer-19018115187415 (READ-ONLY COPY).

The authoritative reference and input builder live on the scoring server;
editing this copy changes nothing except your own understanding.
"""

import jax, jax.numpy as jnp
import numpy as np

N = 10000
E = 320000
IN_DIM = 128
OUT_DIM = 32
NUM_HEADS = 4


def setup_inputs(seed: int = 0) -> dict:
    key = jax.random.key(seed)
    k1, k2, k3, k4 = jax.random.split(key, 4)
    x = jax.random.normal(k1, (N, IN_DIM), dtype=jnp.float32)
    edge_index = jax.random.randint(k2, (2, E), 0, N, dtype=jnp.int32)
    # xavier-normal-ish init (gain for relu ~ sqrt(2))
    std_w = float(np.sqrt(2.0) * np.sqrt(2.0 / (IN_DIM + OUT_DIM)))
    W = jax.random.normal(k3, (NUM_HEADS, IN_DIM, OUT_DIM), dtype=jnp.float32) * std_w
    std_a = float(np.sqrt(2.0) * np.sqrt(2.0 / (2 * OUT_DIM + 1)))
    a = jax.random.normal(k4, (NUM_HEADS, 2 * OUT_DIM, 1), dtype=jnp.float32) * std_a
    return {"x": x, "edge_index": edge_index, "W": W, "a": a}


def _gat_head(x, src, dst, Wh, ah):
    # projection (no bias), eval mode so no dropout
    z = x @ Wh  # [N, OUT_DIM]
    z_src = z[src]  # gather [E, OUT_DIM]
    z_dst = z[dst]  # gather [E, OUT_DIM]
    z2 = jnp.concatenate([z_src, z_dst], axis=1)  # [E, 2*OUT_DIM]
    e = jax.nn.leaky_relu(z2 @ ah, negative_slope=0.01)[:, 0]  # [E]
    # edge softmax over incoming edges of each dst node
    m = jax.ops.segment_max(e, dst, num_segments=N)
    m = jnp.where(jnp.isfinite(m), m, 0.0)
    ex = jnp.exp(e - jax.lax.stop_gradient(m)[dst])
    s = jax.ops.segment_sum(ex, dst, num_segments=N)
    alpha = ex / (s[dst] + 1e-16)  # [E]
    # weighted aggregation: scatter-add messages to dst nodes
    h = jax.ops.segment_sum(alpha[:, None] * z_src, dst, num_segments=N)
    return h  # [N, OUT_DIM]


def reference(x, edge_index, W, a):
    src = edge_index[0]
    dst = edge_index[1]
    outs = [_gat_head(x, src, dst, W[i], a[i]) for i in range(NUM_HEADS)]
    # merge == 'cat'
    return jnp.concatenate(outs, axis=1)  # [N, NUM_HEADS*OUT_DIM]

if __name__ == "__main__":
    import jax
    _d = setup_inputs()
    print(jax.jit(kernel)(*tuple(_d.values())))

</pallas_src>

<mosaic_0001>
#map = affine_map<(d0, d1) -> (0, 0)>
#map1 = affine_map<(d0, d1) -> (0, 0, 0)>
module attributes {stable_mosaic.version = 14 : i64} {
  func.func @_sc_body(%arg0: i32, %arg1: i32, %arg2: memref<10000x128xf32, #tpu.memory_space<hbm>>, %arg3: memref<10000x16xf32, #tpu.memory_space<hbm>>, %arg4: memref<10000x16xf32, #tpu.memory_space<hbm>>, %arg5: memref<8x16xf32, #tpu.memory_space<hbm>>, %arg6: memref<2x320000xi32, #tpu.memory_space<hbm>>, %arg7: memref<2x10000x128xf32, #tpu.memory_space<hbm>>, %arg8: memref<2x10000x16xf32, #tpu.memory_space<hbm>>, %arg9: memref<10000x128xf32, #tpu.memory_space<vmem_shared>>, %arg10: memref<10000x16xf32, #tpu.memory_space<vmem_shared>>, %arg11: memref<3x2x80xi32, #tpu.memory_space<vmem>>, %arg12: memref<3x80x16xf32, #tpu.memory_space<vmem>>, %arg13: memref<3x80x16xf32, #tpu.memory_space<vmem>>, %arg14: memref<3x80x128xf32, #tpu.memory_space<vmem>>, %arg15: memref<8x16xf32, #tpu.memory_space<vmem>>, %arg16: memref<3x!tpu.dma_semaphore, #tpu.memory_space<semaphore_mem>>, %arg17: memref<3x!tpu.dma_semaphore, #tpu.memory_space<semaphore_mem>>, %arg18: memref<3x!tpu.dma_semaphore, #tpu.memory_space<semaphore_mem>>, %arg19: memref<3x!tpu.dma_semaphore, #tpu.memory_space<semaphore_mem>>, %arg20: memref<3x!tpu.dma_semaphore, #tpu.memory_space<semaphore_mem>>, %arg21: memref<3x!tpu.dma_semaphore, #tpu.memory_space<semaphore_mem>>) attributes {dimension_semantics = [#tpu.dimension_semantics<core_parallel>, #tpu.dimension_semantics<subcore_parallel>], iteration_bounds = array<i64: 2, 16>, scalar_prefetch = 0 : i64, scratch_operands = 13 : i64, tpu.core_type = #tpu.core_type<sc_vector_subcore>, window_params = [{transform_indices = #map}, {transform_indices = #map}, {transform_indices = #map}, {transform_indices = #map}, {transform_indices = #map}, {transform_indices = #map1}, {transform_indices = #map1}]} {
    %mul3A = arith.constant 2 : i32
    %mul3A_0 = arith.muli %arg1, %mul3A : i32
    %add3A = arith.addi %mul3A_0, %arg0 : i32
    %broadcast_in_dim3A = arith.constant 0.000000e+00 : f32
    %broadcast_in_dim3A_1 = vector.broadcast %broadcast_in_dim3A : f32 to vector<16xf32>
    %scan3A = arith.constant 0 : i32
    %scan3A_2 = arith.constant 0 : i32
    %scan3A_3 = arith.constant 80 : i32
    %scan3A_4 = arith.addi %scan3A_2, %scan3A_3 : i32
    %scan3A_5 = arith.constant 1 : i32
    %scan3A_6 = scf.for %scan3A_489 = %scan3A_2 to %scan3A_4 step %scan3A_5 iter_args(%scan3A_490 = %scan3A) -> (i32)  : i32 {
      %swap3A = arith.constant 0 : i32
      %swap3A_491 = arith.index_cast %swap3A : i32 to index
      %swap3A_492 = arith.index_cast %scan3A_489 : i32 to index
      %swap3A_493 = arith.constant 0 : index
      %swap3A_494 = tpu.vector_load %arg14[%swap3A_491, %swap3A_492, %swap3A_493] {strides = array<i32>} : memref<3x80x128xf32, #tpu.memory_space<vmem>>, vector<1x1x16xf32>,
      %swap3A_495 = vector.shape_cast %swap3A_494 : vector<1x1x16xf32> to vector<16xf32>
      %swap3A_496 = vector.shape_cast %broadcast_in_dim3A_1 : vector<16xf32> to vector<1x1x16xf32>
      tpu.vector_store %arg14[%swap3A_491, %swap3A_492, %swap3A_493], %swap3A_496 {strides = array<i32>} : memref<3x80x128xf32, #tpu.memory_space<vmem>>, vector<1x1x16xf32>,
      %swap3A_497 = arith.constant 0 : i32
      %swap3A_498 = arith.index_cast %swap3A_497 : i32 to index
      %swap3A_499 = arith.index_cast %scan3A_489 : i32 to index
      %swap3A_500 = arith.constant 16 : index
      %swap3A_501 = tpu.vector_load %arg14[%swap3A_498, %swap3A_499, %swap3A_500] {strides = array<i32>} : memref<3x80x128xf32, #tpu.memory_space<vmem>>, vector<1x1x16xf32>,
      %swap3A_502 = vector.shape_cast %swap3A_501 : vector<1x1x16xf32> to vector<16xf32>
      %swap3A_503 = vector.shape_cast %broadcast_in_dim3A_1 : vector<16xf32> to vector<1x1x16xf32>
      tpu.vector_store %arg14[%swap3A_498, %swap3A_499, %swap3A_500], %swap3A_503 {strides = array<i32>} : memref<3x80x128xf32, #tpu.memory_space<vmem>>, vector<1x1x16xf32>,
      %swap3A_504 = arith.constant 0 : i32
      %swap3A_505 = arith.index_cast %swap3A_504 : i32 to index
      %swap3A_506 = arith.index_cast %scan3A_489 : i32 to index
      %swap3A_507 = arith.constant 32 : index
      %swap3A_508 = tpu.vector_load %arg14[%swap3A_505, %swap3A_506, %swap3A_507] {strides = array<i32>} : memref<3x80x128xf32, #tpu.memory_space<vmem>>, vector<1x1x16xf32>,
      %swap3A_509 = vector.shape_cast %swap3A_508 : vector<1x1x16xf32> to vector<16xf32>
      %swap3A_510 = vector.shape_cast %broadcast_in_dim3A_1 : vector<16xf32> to vector<1x1x16xf32>
      tpu.vector_store %arg14[%swap3A_505, %swap3A_506, %swap3A_507], %swap3A_510 {strides = array<i32>} : memref<3x80x128xf32, #tpu.memory_space<vmem>>, vector<1x1x16xf32>,
      %swap3A_511 = arith.constant 0 : i32
      %swap3A_512 = arith.index_cast %swap3A_511 : i32 to index
      %swap3A_513 = arith.index_cast %scan3A_489 : i32 to index
      %swap3A_514 = arith.constant 48 : index
      %swap3A_515 = tpu.vector_load %arg14[%swap3A_512, %swap3A_513, %swap3A_514] {strides = array<i32>} : memref<3x80x128xf32, #tpu.memory_space<vmem>>, vector<1x1x16xf32>,
      %swap3A_516 = vector.shape_cast %swap3A_515 : vector<1x1x16xf32> to vector<16xf32>
      %swap3A_517 = vector.shape_cast %broadcast_in_dim3A_1 : vector<16xf32> to vector<1x1x16xf32>
      tpu.vector_store %arg14[%swap3A_512, %swap3A_513, %swap3A_514], %swap3A_517 {strides = array<i32>} : memref<3x80x128xf32, #tpu.memory_space<vmem>>, vector<1x1x16xf32>,
      %swap3A_518 = arith.constant 0 : i32
      %swap3A_519 = arith.index_cast %swap3A_518 : i32 to index
      %swap3A_520 = arith.index_cast %scan3A_489 : i32 to index
      %swap3A_521 = arith.constant 64 : index
      %swap3A_522 = tpu.vector_load %arg14[%swap3A_519, %swap3A_520, %swap3A_521] {strides = array<i32>} : memref<3x80x128xf32, #tpu.memory_space<vmem>>, vector<1x1x16xf32>,
      %swap3A_523 = vector.shape_cast %swap3A_522 : vector<1x1x16xf32> to vector<16xf32>
      %swap3A_524 = vector.shape_cast %broadcast_in_dim3A_1 : vector<16xf32> to vector<1x1x16xf32>
      tpu.vector_store %arg14[%swap3A_519, %swap3A_520, %swap3A_521], %swap3A_524 {strides = array<i32>} : memref<3x80x128xf32, #tpu.memory_space<vmem>>, vector<1x1x16xf32>,
      %swap3A_525 = arith.constant 0 : i32
      %swap3A_526 = arith.index_cast %swap3A_525 : i32 to index
      %swap3A_527 = arith.index_cast %scan3A_489 : i32 to index
      %swap3A_528 = arith.constant 80 : index
      %swap3A_529 = tpu.vector_load %arg14[%swap3A_526, %swap3A_527, %swap3A_528] {strides = array<i32>} : memref<3x80x128xf32, #tpu.memory_space<vmem>>, vector<1x1x16xf32>,
      %swap3A_530 = vector.shape_cast %swap3A_529 : vector<1x1x16xf32> to vector<16xf32>
      %swap3A_531 = vector.shape_cast %broadcast_in_dim3A_1 : vector<16xf32> to vector<1x1x16xf32>
      tpu.vector_store %arg14[%swap3A_526, %swap3A_527, %swap3A_528], %swap3A_531 {strides = array<i32>} : memref<3x80x128xf32, #tpu.memory_space<vmem>>, vector<1x1x16xf32>,
      %swap3A_532 = arith.constant 0 : i32
      %swap3A_533 = arith.index_cast %swap3A_532 : i32 to index
      %swap3A_534 = arith.index_cast %scan3A_489 : i32 to index
      %swap3A_535 = arith.constant 96 : index
      %swap3A_536 = tpu.vector_load %arg14[%swap3A_533, %swap3A_534, %swap3A_535] {strides = array<i32>} : memref<3x80x128xf32, #tpu.memory_space<vmem>>, vector<1x1x16xf32>,
      %swap3A_537 = vector.shape_cast %swap3A_536 : vector<1x1x16xf32> to vector<16xf32>
      %swap3A_538 = vector.shape_cast %broadcast_in_dim3A_1 : vector<16xf32> to vector<1x1x16xf32>
      tpu.vector_store %arg14[%swap3A_533, %swap3A_534, %swap3A_535], %swap3A_538 {strides = array<i32>} : memref<3x80x128xf32, #tpu.memory_space<vmem>>, vector<1x1x16xf32>,
      %swap3A_539 = arith.constant 0 : i32
      %swap3A_540 = arith.index_cast %swap3A_539 : i32 to index
      %swap3A_541 = arith.index_cast %scan3A_489 : i32 to index
      %swap3A_542 = arith.constant 112 : index
      %swap3A_543 = tpu.vector_load %arg14[%swap3A_540, %swap3A_541, %swap3A_542] {strides = array<i32>} : memref<3x80x128xf32, #tpu.memory_space<vmem>>, vector<1x1x16xf32>,
      %swap3A_544 = vector.shape_cast %swap3A_543 : vector<1x1x16xf32> to vector<16xf32>
      %swap3A_545 = vector.shape_cast %broadcast_in_dim3A_1 : vector<16xf32> to vector<1x1x16xf32>
      tpu.vector_store %arg14[%swap3A_540, %swap3A_541, %swap3A_542], %swap3A_545 {strides = array<i32>} : memref<3x80x128xf32, #tpu.memory_space<vmem>>, vector<1x1x16xf32>,
      %swap3A_546 = arith.constant 0 : i32
      %swap3A_547 = arith.index_cast %swap3A_546 : i32 to index
      %swap3A_548 = arith.index_cast %scan3A_489 : i32 to index
      %swap3A_549 = arith.constant 0 : index
      %swap3A_550 = tpu.vector_load %arg12[%swap3A_547, %swap3A_548, %swap3A_549] {strides = array<i32>} : memref<3x80x16xf32, #tpu.memory_space<vmem>>, vector<1x1x16xf32>,
      %swap3A_551 = vector.shape_cast %swap3A_550 : vector<1x1x16xf32> to vector<16xf32>
      %swap3A_552 = vector.shape_cast %broadcast_in_dim3A_1 : vector<16xf32> to vector<1x1x16xf32>
      tpu.vector_store %arg12[%swap3A_547, %swap3A_548, %swap3A_549], %swap3A_552 {strides = array<i32>} : memref<3x80x16xf32, #tpu.memory_space<vmem>>, vector<1x1x16xf32>,
      %scan3A_553 = arith.constant 0 : i32
      scf.yield %scan3A_553 : i32
    }
    %scan3A_7 = arith.constant 80 : i32
    %mul3A_8 = arith.constant 640 : i32
    %mul3A_9 = arith.muli %arg1, %mul3A_8 : i32
    %eq3A = arith.constant 15 : i32
    %eq3A_10 = arith.cmpi eq, %arg1, %eq3A : i32
    %jit3A = arith.constant 5 : i32
    %jit3A_11 = arith.constant 8 : i32
    %select_n3A = arith.select %eq3A_10, %jit3A, %jit3A_11 : i32
    %while3A = arith.constant 0 : i32
    %while3A_12 = arith.constant 0 : i32
    %while3A_13 = arith.subi %select_n3A, %while3A : i32
    %while3A_14 = arith.addi %while3A, %while3A_13 : i32
    %while3A_15 = arith.constant 1 : i32
    %while3A_16 = arith.divsi %while3A_13, %while3A_15 : i32
    %while3A_17 = arith.muli %while3A_16, %while3A_15 : i32
    %while3A_18 = arith.addi %while3A, %while3A_17 : i32
    %while3A_19 = arith.constant 1 : i32
    %while3A_20 = scf.for %while3A_489 = %while3A to %while3A_18 step %while3A_19 iter_args(%while3A_490 = %while3A_12) -> (i32)  : i32 {
      %mul3A_491 = arith.constant 80 : i32
      %mul3A_492 = arith.muli %while3A_489, %mul3A_491 : i32
      %add3A_493 = arith.addi %mul3A_9, %mul3A_492 : i32
      %dma_start3A_494 = arith.constant 0 : i32
      %dma_start3A_495 = arith.constant 0 : i32
      %dma_start3A_496 = arith.constant 0 : i32
      %dma_start3A_497 = arith.constant 0 : i32
      %dma_start3A_498 = tpu.memref_slice %arg14[%dma_start3A_494, %dma_start3A_496, %dma_start3A_497] : memref<3x80x128xf32, #tpu.memory_space<vmem>> -> memref<1x80x128xf32, #tpu.memory_space<vmem>>
      %dma_start3A_499 = tpu.memref_squeeze %dma_start3A_498 : memref<1x80x128xf32, #tpu.memory_space<vmem>> -> memref<80x128xf32, #tpu.memory_space<vmem>>
      %dma_start3A_500 = arith.constant 0 : i32
      %dma_start3A_501 = tpu.memref_slice %arg9[%add3A_493, %dma_start3A_500] : memref<10000x128xf32, #tpu.memory_space<vmem_shared>> -> memref<80x128xf32, #tpu.memory_space<vmem_shared>>
      %dma_start3A_502 = tpu.memref_slice %arg21[%dma_start3A_495] : memref<3x!tpu.dma_semaphore, #tpu.memory_space<semaphore_mem>> -> memref<1x!tpu.dma_semaphore, #tpu.memory_space<semaphore_mem>>
      %dma_start3A_503 = tpu.memref_squeeze %dma_start3A_502 : memref<1x!tpu.dma_semaphore, #tpu.memory_space<semaphore_mem>> -> memref<!tpu.dma_semaphore, #tpu.memory_space<semaphore_mem>>
      %dma_start3A_504 = arith.constant 0 : i32
      %dma_start3A_505 = tpu.memref_slice %arg9[%add3A_493, %dma_start3A_504] : memref<10000x128xf32, #tpu.memory_space<vmem_shared>> -> memref<80x128xf32, #tpu.memory_space<vmem_shared>>
      %dma_start3A_506 = arith.constant 0 : i32
      %dma_start3A_507 = arith.constant 0 : i32
      %dma_start3A_508 = tpu.memref_slice %arg14[%dma_start3A_494, %dma_start3A_506, %dma_start3A_507] : memref<3x80x128xf32, #tpu.memory_space<vmem>> -> memref<1x80x128xf32, #tpu.memory_space<vmem>>
      %dma_start3A_509 = tpu.memref_squeeze %dma_start3A_508 : memref<1x80x128xf32, #tpu.memory_space<vmem>> -> memref<80x128xf32, #tpu.memory_space<vmem>>
      tpu.enqueue_dma source(%dma_start3A_509 : memref<80x128xf32, #tpu.memory_space<vmem>>) target(%dma_start3A_505 : memref<80x128xf32, #tpu.memory_space<vmem_shared>>) target_semaphore(%dma_start3A_503 : memref<!tpu.dma_semaphore, #tpu.memory_space<semaphore_mem>>)
      %mul3A_510 = arith.constant 80 : i32
      %mul3A_511 = arith.muli %while3A_489, %mul3A_510 : i32
      %add3A_512 = arith.addi %mul3A_9, %mul3A_511 : i32
      %dma_start3A_513 = arith.constant 0 : i32
      %dma_start3A_514 = arith.constant 0 : i32
      %dma_start3A_515 = arith.constant 0 : i32
      %dma_start3A_516 = arith.constant 0 : i32
      %dma_start3A_517 = tpu.memref_slice %arg12[%dma_start3A_513, %dma_start3A_515, %dma_start3A_516] : memref<3x80x16xf32, #tpu.memory_space<vmem>> -> memref<1x80x16xf32, #tpu.memory_space<vmem>>
      %dma_start3A_518 = tpu.memref_squeeze %dma_start3A_517 : memref<1x80x16xf32, #tpu.memory_space<vmem>> -> memref<80x16xf32, #tpu.memory_space<vmem>>
      %dma_start3A_519 = arith.constant 0 : i32
      %dma_start3A_520 = tpu.memref_slice %arg10[%add3A_512, %dma_start3A_519] : memref<10000x16xf32, #tpu.memory_space<vmem_shared>> -> memref<80x16xf32, #tpu.memory_space<vmem_shared>>
      %dma_start3A_521 = tpu.memref_slice %arg20[%dma_start3A_514] : memref<3x!tpu.dma_semaphore, #tpu.memory_space<semaphore_mem>> -> memref<1x!tpu.dma_semaphore, #tpu.memory_space<semaphore_mem>>
      %dma_start3A_522 = tpu.memref_squeeze %dma_start3A_521 : memref<1x!tpu.dma_semaphore, #tpu.memory_space<semaphore_mem>> -> memref<!tpu.dma_semaphore, #tpu.memory_space<semaphore_mem>>
      %dma_start3A_523 = arith.constant 0 : i32
      %dma_start3A_524 = tpu.memref_slice %arg10[%add3A_512, %dma_start3A_523] : memref<10000x16xf32, #tpu.memory_space<vmem_shared>> -> memref<80x16xf32, #tpu.memory_space<vmem_shared>>
      %dma_start3A_525 = arith.constant 0 : i32
      %dma_start3A_526 = arith.constant 0 : i32
      %dma_start3A_527 = tpu.memref_slice %arg12[%dma_start3A_513, %dma_start3A_525, %dma_start3A_526] : memref<3x80x16xf32, #tpu.memory_space<vmem>> -> memref<1x80x16xf32, #tpu.memory_space<vmem>>
      %dma_start3A_528 = tpu.memref_squeeze %dma_start3A_527 : memref<1x80x16xf32, #tpu.memory_space<vmem>> -> memref<80x16xf32, #tpu.memory_space<vmem>>
      tpu.enqueue_dma source(%dma_start3A_528 : memref<80x16xf32, #tpu.memory_space<vmem>>) target(%dma_start3A_524 : memref<80x16xf32, #tpu.memory_space<vmem_shared>>) target_semaphore(%dma_start3A_522 : memref<!tpu.dma_semaphore, #tpu.memory_space<semaphore_mem>>)
      %while3A_529 = arith.constant 0 : i32
      scf.yield %while3A_529 : i32
    }
    %while3A_21 = arith.constant 1 : i32
    %while3A_22 = scf.for %while3A_489 = %while3A_18 to %while3A_14 step %while3A_21 iter_args(%while3A_490 = %while3A_20) -> (i32)  : i32 {
      %mul3A_491 = arith.constant 80 : i32
      %mul3A_492 = arith.muli %while3A_489, %mul3A_491 : i32
      %add3A_493 = arith.addi %mul3A_9, %mul3A_492 : i32
      %dma_start3A_494 = arith.constant 0 : i32
      %dma_start3A_495 = arith.constant 0 : i32
      %dma_start3A_496 = arith.constant 0 : i32
      %dma_start3A_497 = arith.constant 0 : i32
      %dma_start3A_498 = tpu.memref_slice %arg14[%dma_start3A_494, %dma_start3A_496, %dma_start3A_497] : memref<3x80x128xf32, #tpu.memory_space<vmem>> -> memref<1x80x128xf32, #tpu.memory_space<vmem>>
      %dma_start3A_499 = tpu.memref_squeeze %dma_start3A_498 : memref<1x80x128xf32, #tpu.memory_space<vmem>> -> memref<80x128xf32, #tpu.memory_space<vmem>>
      %dma_start3A_500 = arith.constant 0 : i32
      %dma_start3A_501 = tpu.memref_slice %arg9[%add3A_493, %dma_start3A_500] : memref<10000x128xf32, #tpu.memory_space<vmem_shared>> -> memref<80x128xf32, #tpu.memory_space<vmem_shared>>
      %dma_start3A_502 = tpu.memref_slice %arg21[%dma_start3A_495] : memref<3x!tpu.dma_semaphore, #tpu.memory_space<semaphore_mem>> -> memref<1x!tpu.dma_semaphore, #tpu.memory_space<semaphore_mem>>
      %dma_start3A_503 = tpu.memref_squeeze %dma_start3A_502 : memref<1x!tpu.dma_semaphore, #tpu.memory_space<semaphore_mem>> -> memref<!tpu.dma_semaphore, #tpu.memory_space<semaphore_mem>>
      %dma_start3A_504 = arith.constant 0 : i32
      %dma_start3A_505 = tpu.memref_slice %arg9[%add3A_493, %dma_start3A_504] : memref<10000x128xf32, #tpu.memory_space<vmem_shared>> -> memref<80x128xf32, #tpu.memory_space<vmem_shared>>
      %dma_start3A_506 = arith.constant 0 : i32
      %dma_start3A_507 = arith.constant 0 : i32
      %dma_start3A_508 = tpu.memref_slice %arg14[%dma_start3A_494, %dma_start3A_506, %dma_start3A_507] : memref<3x80x128xf32, #tpu.memory_space<vmem>> -> memref<1x80x128xf32, #tpu.memory_space<vmem>>
      %dma_start3A_509 = tpu.memref_squeeze %dma_start3A_508 : memref<1x80x128xf32, #tpu.memory_space<vmem>> -> memref<80x128xf32, #tpu.memory_space<vmem>>
      tpu.enqueue_dma source(%dma_start3A_509 : memref<80x128xf32, #tpu.memory_space<vmem>>) target(%dma_start3A_505 : memref<80x128xf32, #tpu.memory_space<vmem_shared>>) target_semaphore(%dma_start3A_503 : memref<!tpu.dma_semaphore, #tpu.memory_space<semaphore_mem>>)
      %mul3A_510 = arith.constant 80 : i32
      %mul3A_511 = arith.muli %while3A_489, %mul3A_510 : i32
      %add3A_512 = arith.addi %mul3A_9, %mul3A_511 : i32
      %dma_start3A_513 = arith.constant 0 : i32
      %dma_start3A_514 = arith.constant 0 : i32
      %dma_start3A_515 = arith.constant 0 : i32
      %dma_start3A_516 = arith.constant 0 : i32
      %dma_start3A_517 = tpu.memref_slice %arg12[%dma_start3A_513, %dma_start3A_515, %dma_start3A_516] : memref<3x80x16xf32, #tpu.memory_space<vmem>> -> memref<1x80x16xf32, #tpu.memory_space<vmem>>
      %dma_start3A_518 = tpu.memref_squeeze %dma_start3A_517 : memref<1x80x16xf32, #tpu.memory_space<vmem>> -> memref<80x16xf32, #tpu.memory_space<vmem>>
      %dma_start3A_519 = arith.constant 0 : i32
      %dma_start3A_520 = tpu.memref_slice %arg10[%add3A_512, %dma_start3A_519] : memref<10000x16xf32, #tpu.memory_space<vmem_shared>> -> memref<80x16xf32, #tpu.memory_space<vmem_shared>>
      %dma_start3A_521 = tpu.memref_slice %arg20[%dma_start3A_514] : memref<3x!tpu.dma_semaphore, #tpu.memory_space<semaphore_mem>> -> memref<1x!tpu.dma_semaphore, #tpu.memory_space<semaphore_mem>>
      %dma_start3A_522 = tpu.memref_squeeze %dma_start3A_521 : memref<1x!tpu.dma_semaphore, #tpu.memory_space<semaphore_mem>> -> memref<!tpu.dma_semaphore, #tpu.memory_space<semaphore_mem>>
      %dma_start3A_523 = arith.constant 0 : i32
      %dma_start3A_524 = tpu.memref_slice %arg10[%add3A_512, %dma_start3A_523] : memref<10000x16xf32, #tpu.memory_space<vmem_shared>> -> memref<80x16xf32, #tpu.memory_space<vmem_shared>>
      %dma_start3A_525 = arith.constant 0 : i32
      %dma_start3A_526 = arith.constant 0 : i32
      %dma_start3A_527 = tpu.memref_slice %arg12[%dma_start3A_513, %dma_start3A_525, %dma_start3A_526] : memref<3x80x16xf32, #tpu.memory_space<vmem>> -> memref<1x80x16xf32, #tpu.memory_space<vmem>>
      %dma_start3A_528 = tpu.memref_squeeze %dma_start3A_527 : memref<1x80x16xf32, #tpu.memory_space<vmem>> -> memref<80x16xf32, #tpu.memory_space<vmem>>
      tpu.enqueue_dma source(%dma_start3A_528 : memref<80x16xf32, #tpu.memory_space<vmem>>) target(%dma_start3A_524 : memref<80x16xf32, #tpu.memory_space<vmem_shared>>) target_semaphore(%dma_start3A_522 : memref<!tpu.dma_semaphore, #tpu.memory_space<semaphore_mem>>)
      %while3A_529 = arith.constant 0 : i32
      scf.yield %while3A_529 : i32
    }
    %while3A_23 = arith.constant 0 : i32
    %while3A_24 = arith.constant 0 : i32
    %while3A_25 = arith.subi %select_n3A, %while3A_23 : i32
    %while3A_26 = arith.addi %while3A_23, %while3A_25 : i32
    %while3A_27 = arith.constant 1 : i32
    %while3A_28 = arith.divsi %while3A_25, %while3A_27 : i32
    %while3A_29 = arith.muli %while3A_28, %while3A_27 : i32
    %while3A_30 = arith.addi %while3A_23, %while3A_29 : i32
    %while3A_31 = arith.constant 1 : i32
    %while3A_32 = scf.for %while3A_489 = %while3A_23 to %while3A_30 step %while3A_31 iter_args(%while3A_490 = %while3A_24) -> (i32)  : i32 {
      %mul3A_491 = arith.constant 80 : i32
      %mul3A_492 = arith.muli %while3A_489, %mul3A_491 : i32
      %add3A_493 = arith.addi %mul3A_9, %mul3A_492 : i32
      %dma_wait3A_494 = arith.constant 0 : i32
      %dma_wait3A_495 = arith.constant 0 : i32
      %dma_wait3A_496 = arith.constant 0 : i32
      %dma_wait3A_497 = arith.constant 0 : i32
      %dma_wait3A_498 = tpu.memref_slice %arg14[%dma_wait3A_494, %dma_wait3A_496, %dma_wait3A_497] : memref<3x80x128xf32, #tpu.memory_space<vmem>> -> memref<1x80x128xf32, #tpu.memory_space<vmem>>
      %dma_wait3A_499 = tpu.memref_squeeze %dma_wait3A_498 : memref<1x80x128xf32, #tpu.memory_space<vmem>> -> memref<80x128xf32, #tpu.memory_space<vmem>>
      %dma_wait3A_500 = arith.constant 0 : i32
      %dma_wait3A_501 = tpu.memref_slice %arg9[%add3A_493, %dma_wait3A_500] : memref<10000x128xf32, #tpu.memory_space<vmem_shared>> -> memref<80x128xf32, #tpu.memory_space<vmem_shared>>
      %dma_wait3A_502 = tpu.memref_slice %arg21[%dma_wait3A_495] : memref<3x!tpu.dma_semaphore, #tpu.memory_space<semaphore_mem>> -> memref<1x!tpu.dma_semaphore, #tpu.memory_space<semaphore_mem>>
      %dma_wait3A_503 = tpu.memref_squeeze %dma_wait3A_502 : memref<1x!tpu.dma_semaphore, #tpu.memory_space<semaphore_mem>> -> memref<!tpu.dma_semaphore, #tpu.memory_space<semaphore_mem>>
      %dma_wait3A_504 = arith.constant 0 : i32
      %dma_wait3A_505 = tpu.memref_slice %arg9[%add3A_493, %dma_wait3A_504] : memref<10000x128xf32, #tpu.memory_space<vmem_shared>> -> memref<80x128xf32, #tpu.memory_space<vmem_shared>>
      %dma_wait3A_506 = arith.constant 0 : i32
      %dma_wait3A_507 = arith.constant 0 : i32
      %dma_wait3A_508 = tpu.memref_slice %arg14[%dma_wait3A_494, %dma_wait3A_506, %dma_wait3A_507] : memref<3x80x128xf32, #tpu.memory_space<vmem>> -> memref<1x80x128xf32, #tpu.memory_space<vmem>>
      %dma_wait3A_509 = tpu.memref_squeeze %dma_wait3A_508 : memref<1x80x128xf32, #tpu.memory_space<vmem>> -> memref<80x128xf32, #tpu.memory_space<vmem>>
      tpu.wait_dma2 semaphore(%dma_wait3A_503 : memref<!tpu.dma_semaphore, #tpu.memory_space<semaphore_mem>>) src(%dma_wait3A_509 : memref<80x128xf32, #tpu.memory_space<vmem>>) dst(%dma_wait3A_505 : memref<80x128xf32, #tpu.memory_space<vmem_shared>>)
      %mul3A_510 = arith.constant 80 : i32
      %mul3A_511 = arith.muli %while3A_489, %mul3A_510 : i32
      %add3A_512 = arith.addi %mul3A_9, %mul3A_511 : i32
      %dma_wait3A_513 = arith.constant 0 : i32
      %dma_wait3A_514 = arith.constant 0 : i32
      %dma_wait3A_515 = arith.constant 0 : i32
      %dma_wait3A_516 = arith.constant 0 : i32
      %dma_wait3A_517 = tpu.memref_slice %arg12[%dma_wait3A_513, %dma_wait3A_515, %dma_wait3A_516] : memref<3x80x16xf32, #tpu.memory_space<vmem>> -> memref<1x80x16xf32, #tpu.memory_space<vmem>>
      %dma_wait3A_518 = tpu.memref_squeeze %dma_wait3A_517 : memref<1x80x16xf32, #tpu.memory_space<vmem>> -> memref<80x16xf32, #tpu.memory_space<vmem>>
      %dma_wait3A_519 = arith.constant 0 : i32
      %dma_wait3A_520 = tpu.memref_slice %arg10[%add3A_512, %dma_wait3A_519] : memref<10000x16xf32, #tpu.memory_space<vmem_shared>> -> memref<80x16xf32, #tpu.memory_space<vmem_shared>>
      %dma_wait3A_521 = tpu.memref_slice %arg20[%dma_wait3A_514] : memref<3x!tpu.dma_semaphore, #tpu.memory_space<semaphore_mem>> -> memref<1x!tpu.dma_semaphore, #tpu.memory_space<semaphore_mem>>
      %dma_wait3A_522 = tpu.memref_squeeze %dma_wait3A_521 : memref<1x!tpu.dma_semaphore, #tpu.memory_space<semaphore_mem>> -> memref<!tpu.dma_semaphore, #tpu.memory_space<semaphore_mem>>
      %dma_wait3A_523 = arith.constant 0 : i32
      %dma_wait3A_524 = tpu.memref_slice %arg10[%add3A_512, %dma_wait3A_523] : memref<10000x16xf32, #tpu.memory_space<vmem_shared>> -> memref<80x16xf32, #tpu.memory_space<vmem_shared>>
      %dma_wait3A_525 = arith.constant 0 : i32
      %dma_wait3A_526 = arith.constant 0 : i32
      %dma_wait3A_527 = tpu.memref_slice %arg12[%dma_wait3A_513, %dma_wait3A_525, %dma_wait3A_526] : memref<3x80x16xf32, #tpu.memory_space<vmem>> -> memref<1x80x16xf32, #tpu.memory_space<vmem>>
      %dma_wait3A_528 = tpu.memref_squeeze %dma_wait3A_527 : memref<1x80x16xf32, #tpu.memory_space<vmem>> -> memref<80x16xf32, #tpu.memory_space<vmem>>
      tpu.wait_dma2 semaphore(%dma_wait3A_522 : memref<!tpu.dma_semaphore, #tpu.memory_space<semaphore_mem>>) src(%dma_wait3A_528 : memref<80x16xf32, #tpu.memory_space<vmem>>) dst(%dma_wait3A_524 : memref<80x16xf32, #tpu.memory_space<vmem_shared>>)
      %while3A_529 = arith.constant 0 : i32
      scf.yield %while3A_529 : i32
    }
    %while3A_33 = arith.constant 1 : i32
    %while3A_34 = scf.for %while3A_489 = %while3A_30 to %while3A_26 step %while3A_33 iter_args(%while3A_490 = %while3A_32) -> (i32)  : i32 {
      %mul3A_491 = arith.constant 80 : i32
      %mul3A_492 = arith.muli %while3A_489, %mul3A_491 : i32
      %add3A_493 = arith.addi %mul3A_9, %mul3A_492 : i32
      %dma_wait3A_494 = arith.constant 0 : i32
      %dma_wait3A_495 = arith.constant 0 : i32
      %dma_wait3A_496 = arith.constant 0 : i32
      %dma_wait3A_497 = arith.constant 0 : i32
      %dma_wait3A_498 = tpu.memref_slice %arg14[%dma_wait3A_494, %dma_wait3A_496, %dma_wait3A_497] : memref<3x80x128xf32, #tpu.memory_space<vmem>> -> memref<1x80x128xf32, #tpu.memory_space<vmem>>
      %dma_wait3A_499 = tpu.memref_squeeze %dma_wait3A_498 : memref<1x80x128xf32, #tpu.memory_space<vmem>> -> memref<80x128xf32, #tpu.memory_space<vmem>>
      %dma_wait3A_500 = arith.constant 0 : i32
      %dma_wait3A_501 = tpu.memref_slice %arg9[%add3A_493, %dma_wait3A_500] : memref<10000x128xf32, #tpu.memory_space<vmem_shared>> -> memref<80x128xf32, #tpu.memory_space<vmem_shared>>
      %dma_wait3A_502 = tpu.memref_slice %arg21[%dma_wait3A_495] : memref<3x!tpu.dma_semaphore, #tpu.memory_space<semaphore_mem>> -> memref<1x!tpu.dma_semaphore, #tpu.memory_space<semaphore_mem>>
      %dma_wait3A_503 = tpu.memref_squeeze %dma_wait3A_502 : memref<1x!tpu.dma_semaphore, #tpu.memory_space<semaphore_mem>> -> memref<!tpu.dma_semaphore, #tpu.memory_space<semaphore_mem>>
      %dma_wait3A_504 = arith.constant 0 : i32
      %dma_wait3A_505 = tpu.memref_slice %arg9[%add3A_493, %dma_wait3A_504] : memref<10000x128xf32, #tpu.memory_space<vmem_shared>> -> memref<80x128xf32, #tpu.memory_space<vmem_shared>>
      %dma_wait3A_506 = arith.constant 0 : i32
      %dma_wait3A_507 = arith.constant 0 : i32
      %dma_wait3A_508 = tpu.memref_slice %arg14[%dma_wait3A_494, %dma_wait3A_506, %dma_wait3A_507] : memref<3x80x128xf32, #tpu.memory_space<vmem>> -> memref<1x80x128xf32, #tpu.memory_space<vmem>>
      %dma_wait3A_509 = tpu.memref_squeeze %dma_wait3A_508 : memref<1x80x128xf32, #tpu.memory_space<vmem>> -> memref<80x128xf32, #tpu.memory_space<vmem>>
      tpu.wait_dma2 semaphore(%dma_wait3A_503 : memref<!tpu.dma_semaphore, #tpu.memory_space<semaphore_mem>>) src(%dma_wait3A_509 : memref<80x128xf32, #tpu.memory_space<vmem>>) dst(%dma_wait3A_505 : memref<80x128xf32, #tpu.memory_space<vmem_shared>>)
      %mul3A_510 = arith.constant 80 : i32
      %mul3A_511 = arith.muli %while3A_489, %mul3A_510 : i32
      %add3A_512 = arith.addi %mul3A_9, %mul3A_511 : i32
      %dma_wait3A_513 = arith.constant 0 : i32
      %dma_wait3A_514 = arith.constant 0 : i32
      %dma_wait3A_515 = arith.constant 0 : i32
      %dma_wait3A_516 = arith.constant 0 : i32
      %dma_wait3A_517 = tpu.memref_slice %arg12[%dma_wait3A_513, %dma_wait3A_515, %dma_wait3A_516] : memref<3x80x16xf32, #tpu.memory_space<vmem>> -> memref<1x80x16xf32, #tpu.memory_space<vmem>>
      %dma_wait3A_518 = tpu.memref_squeeze %dma_wait3A_517 : memref<1x80x16xf32, #tpu.memory_space<vmem>> -> memref<80x16xf32, #tpu.memory_space<vmem>>
      %dma_wait3A_519 = arith.constant 0 : i32
      %dma_wait3A_520 = tpu.memref_slice %arg10[%add3A_512, %dma_wait3A_519] : memref<10000x16xf32, #tpu.memory_space<vmem_shared>> -> memref<80x16xf32, #tpu.memory_space<vmem_shared>>
      %dma_wait3A_521 = tpu.memref_slice %arg20[%dma_wait3A_514] : memref<3x!tpu.dma_semaphore, #tpu.memory_space<semaphore_mem>> -> memref<1x!tpu.dma_semaphore, #tpu.memory_space<semaphore_mem>>
      %dma_wait3A_522 = tpu.memref_squeeze %dma_wait3A_521 : memref<1x!tpu.dma_semaphore, #tpu.memory_space<semaphore_mem>> -> memref<!tpu.dma_semaphore, #tpu.memory_space<semaphore_mem>>
      %dma_wait3A_523 = arith.constant 0 : i32
      %dma_wait3A_524 = tpu.memref_slice %arg10[%add3A_512, %dma_wait3A_523] : memref<10000x16xf32, #tpu.memory_space<vmem_shared>> -> memref<80x16xf32, #tpu.memory_space<vmem_shared>>
      %dma_wait3A_525 = arith.constant 0 : i32
      %dma_wait3A_526 = arith.constant 0 : i32
      %dma_wait3A_527 = tpu.memref_slice %arg12[%dma_wait3A_513, %dma_wait3A_525, %dma_wait3A_526] : memref<3x80x16xf32, #tpu.memory_space<vmem>> -> memref<1x80x16xf32, #tpu.memory_space<vmem>>
      %dma_wait3A_528 = tpu.memref_squeeze %dma_wait3A_527 : memref<1x80x16xf32, #tpu.memory_space<vmem>> -> memref<80x16xf32, #tpu.memory_space<vmem>>
      tpu.wait_dma2 semaphore(%dma_wait3A_522 : memref<!tpu.dma_semaphore, #tpu.memory_space<semaphore_mem>>) src(%dma_wait3A_528 : memref<80x16xf32, #tpu.memory_space<vmem>>) dst(%dma_wait3A_524 : memref<80x16xf32, #tpu.memory_space<vmem_shared>>)
      %while3A_529 = arith.constant 0 : i32
      scf.yield %while3A_529 : i32
    }
    "tpu.region"() ({
      %run_scoped3A = tpu.sem_alloc : memref<!tpu.dma_semaphore, #tpu.memory_space<semaphore_mem>>
      tpu.enqueue_dma source(%arg5 : memref<8x16xf32, #tpu.memory_space<hbm>>) target(%arg15 : memref<8x16xf32, #tpu.memory_space<vmem>>) target_semaphore(%run_scoped3A : memref<!tpu.dma_semaphore, #tpu.memory_space<semaphore_mem>>)
      tpu.wait_dma2 semaphore(%run_scoped3A : memref<!tpu.dma_semaphore, #tpu.memory_space<semaphore_mem>>) src(%arg5 : memref<8x16xf32, #tpu.memory_space<hbm>>) dst(%arg15 : memref<8x16xf32, #tpu.memory_space<vmem>>)
      tpu.yield
    }) : () -> ()
    %barrier3A = arith.constant 0 : index
    tpu.barrier barrier_id(%barrier3A)
    %get3A = arith.constant 0 : i32
    %get3A_35 = arith.index_cast %get3A : i32 to index
    %get3A_36 = arith.constant 0 : index
    %get3A_37 = tpu.vector_load %arg15[%get3A_35, %get3A_36] {strides = array<i32>} : memref<8x16xf32, #tpu.memory_space<vmem>>, vector<1x16xf32>,
    %get3A_38 = vector.shape_cast %get3A_37 : vector<1x16xf32> to vector<16xf32>
    %add3A_39 = arith.constant 0 : i32
    %add3A_40 = arith.addi %add3A_39, %add3A : i32
    %mul3A_41 = arith.constant 80 : i32
    %mul3A_42 = arith.muli %add3A_40, %mul3A_41 : i32
    %dma_start3A = arith.constant 0 : i32
    %dma_start3A_43 = arith.constant 0 : i32
    %dma_start3A_44 = arith.constant 0 : i32
    %dma_start3A_45 = arith.constant 0 : i32
    %dma_start3A_46 = tpu.memref_slice %arg11[%dma_start3A, %dma_start3A_44, %dma_start3A_45] : memref<3x2x80xi32, #tpu.memory_space<vmem>> -> memref<1x2x80xi32, #tpu.memory_space<vmem>>
    %dma_start3A_47 = tpu.memref_squeeze %dma_start3A_46 : memref<1x2x80xi32, #tpu.memory_space<vmem>> -> memref<2x80xi32, #tpu.memory_space<vmem>>
    %dma_start3A_48 = arith.constant 0 : i32
    %dma_start3A_49 = tpu.memref_slice %arg6[%dma_start3A_48, %mul3A_42] : memref<2x320000xi32, #tpu.memory_space<hbm>> -> memref<2x80xi32, #tpu.memory_space<hbm>>
    %dma_start3A_50 = tpu.memref_slice %arg16[%dma_start3A_43] : memref<3x!tpu.dma_semaphore, #tpu.memory_space<semaphore_mem>> -> memref<1x!tpu.dma_semaphore, #tpu.memory_space<semaphore_mem>>
    %dma_start3A_51 = tpu.memref_squeeze %dma_start3A_50 : memref<1x!tpu.dma_semaphore, #tpu.memory_space<semaphore_mem>> -> memref<!tpu.dma_semaphore, #tpu.memory_space<semaphore_mem>>
    %dma_start3A_52 = arith.constant 0 : i32
    %dma_start3A_53 = arith.constant 0 : i32
    %dma_start3A_54 = tpu.memref_slice %arg11[%dma_start3A, %dma_start3A_52, %dma_start3A_53] : memref<3x2x80xi32, #tpu.memory_space<vmem>> -> memref<1x2x80xi32, #tpu.memory_space<vmem>>
    %dma_start3A_55 = tpu.memref_squeeze %dma_start3A_54 : memref<1x2x80xi32, #tpu.memory_space<vmem>> -> memref<2x80xi32, #tpu.memory_space<vmem>>
    %dma_start3A_56 = arith.constant 0 : i32
    %dma_start3A_57 = tpu.memref_slice %arg6[%dma_start3A_56, %mul3A_42] : memref<2x320000xi32, #tpu.memory_space<hbm>> -> memref<2x80xi32, #tpu.memory_space<hbm>>
    tpu.enqueue_dma source(%dma_start3A_57 : memref<2x80xi32, #tpu.memory_space<hbm>>) target(%dma_start3A_55 : memref<2x80xi32, #tpu.memory_space<vmem>>) target_semaphore(%dma_start3A_51 : memref<!tpu.dma_semaphore, #tpu.memory_space<semaphore_mem>>)
    %add3A_58 = arith.constant 32 : i32
    %add3A_59 = arith.addi %add3A_58, %add3A : i32
    %mul3A_60 = arith.constant 80 : i32
    %mul3A_61 = arith.muli %add3A_59, %mul3A_60 : i32
    %dma_start3A_62 = arith.constant 1 : i32
    %dma_start3A_63 = arith.constant 1 : i32
    %dma_start3A_64 = arith.constant 0 : i32
    %dma_start3A_65 = arith.constant 0 : i32
    %dma_start3A_66 = tpu.memref_slice %arg11[%dma_start3A_62, %dma_start3A_64, %dma_start3A_65] : memref<3x2x80xi32, #tpu.memory_space<vmem>> -> memref<1x2x80xi32, #tpu.memory_space<vmem>>
    %dma_start3A_67 = tpu.memref_squeeze %dma_start3A_66 : memref<1x2x80xi32, #tpu.memory_space<vmem>> -> memref<2x80xi32, #tpu.memory_space<vmem>>
    %dma_start3A_68 = arith.constant 0 : i32
    %dma_start3A_69 = tpu.memref_slice %arg6[%dma_start3A_68, %mul3A_61] : memref<2x320000xi32, #tpu.memory_space<hbm>> -> memref<2x80xi32, #tpu.memory_space<hbm>>
    %dma_start3A_70 = tpu.memref_slice %arg16[%dma_start3A_63] : memref<3x!tpu.dma_semaphore, #tpu.memory_space<semaphore_mem>> -> memref<1x!tpu.dma_semaphore, #tpu.memory_space<semaphore_mem>>
    %dma_start3A_71 = tpu.memref_squeeze %dma_start3A_70 : memref<1x!tpu.dma_semaphore, #tpu.memory_space<semaphore_mem>> -> memref<!tpu.dma_semaphore, #tpu.memory_space<semaphore_mem>>
    %dma_start3A_72 = arith.constant 0 : i32
    %dma_start3A_73 = arith.constant 0 : i32
    %dma_start3A_74 = tpu.memref_slice %arg11[%dma_start3A_62, %dma_start3A_72, %dma_start3A_73] : memref<3x2x80xi32, #tpu.memory_space<vmem>> -> memref<1x2x80xi32, #tpu.memory_space<vmem>>
    %dma_start3A_75 = tpu.memref_squeeze %dma_start3A_74 : memref<1x2x80xi32, #tpu.memory_space<vmem>> -> memref<2x80xi32, #tpu.memory_space<vmem>>
    %dma_start3A_76 = arith.constant 0 : i32
    %dma_start3A_77 = tpu.memref_slice %arg6[%dma_start3A_76, %mul3A_61] : memref<2x320000xi32, #tpu.memory_space<hbm>> -> memref<2x80xi32, #tpu.memory_space<hbm>>
    tpu.enqueue_dma source(%dma_start3A_77 : memref<2x80xi32, #tpu.memory_space<hbm>>) target(%dma_start3A_75 : memref<2x80xi32, #tpu.memory_space<vmem>>) target_semaphore(%dma_start3A_71 : memref<!tpu.dma_semaphore, #tpu.memory_space<semaphore_mem>>)
    %add3A_78 = arith.constant 0 : i32
    %add3A_79 = arith.addi %add3A_78, %add3A : i32
    %mul3A_80 = arith.constant 80 : i32
    %mul3A_81 = arith.muli %add3A_79, %mul3A_80 : i32
    %dma_wait3A = arith.constant 0 : i32
    %dma_wait3A_82 = arith.constant 0 : i32
    %dma_wait3A_83 = arith.constant 0 : i32
    %dma_wait3A_84 = arith.constant 0 : i32
    %dma_wait3A_85 = tpu.memref_slice %arg11[%dma_wait3A, %dma_wait3A_83, %dma_wait3A_84] : memref<3x2x80xi32, #tpu.memory_space<vmem>> -> memref<1x2x80xi32, #tpu.memory_space<vmem>>
    %dma_wait3A_86 = tpu.memref_squeeze %dma_wait3A_85 : memref<1x2x80xi32, #tpu.memory_space<vmem>> -> memref<2x80xi32, #tpu.memory_space<vmem>>
    %dma_wait3A_87 = arith.constant 0 : i32
    %dma_wait3A_88 = tpu.memref_slice %arg6[%dma_wait3A_87, %mul3A_81] : memref<2x320000xi32, #tpu.memory_space<hbm>> -> memref<2x80xi32, #tpu.memory_space<hbm>>
    %dma_wait3A_89 = tpu.memref_slice %arg16[%dma_wait3A_82] : memref<3x!tpu.dma_semaphore, #tpu.memory_space<semaphore_mem>> -> memref<1x!tpu.dma_semaphore, #tpu.memory_space<semaphore_mem>>
    %dma_wait3A_90 = tpu.memref_squeeze %dma_wait3A_89 : memref<1x!tpu.dma_semaphore, #tpu.memory_space<semaphore_mem>> -> memref<!tpu.dma_semaphore, #tpu.memory_space<semaphore_mem>>
    %dma_wait3A_91 = arith.constant 0 : i32
    %dma_wait3A_92 = arith.constant 0 : i32
    %dma_wait3A_93 = tpu.memref_slice %arg11[%dma_wait3A, %dma_wait3A_91, %dma_wait3A_92] : memref<3x2x80xi32, #tpu.memory_space<vmem>> -> memref<1x2x80xi32, #tpu.memory_space<vmem>>
    %dma_wait3A_94 = tpu.memref_squeeze %dma_wait3A_93 : memref<1x2x80xi32, #tpu.memory_space<vmem>> -> memref<2x80xi32, #tpu.memory_space<vmem>>
    %dma_wait3A_95 = arith.constant 0 : i32
    %dma_wait3A_96 = tpu.memref_slice %arg6[%dma_wait3A_95, %mul3A_81] : memref<2x320000xi32, #tpu.memory_space<hbm>> -> memref<2x80xi32, #tpu.memory_space<hbm>>
    tpu.wait_dma2 semaphore(%dma_wait3A_90 : memref<!tpu.dma_semaphore, #tpu.memory_space<semaphore_mem>>) src(%dma_wait3A_96 : memref<2x80xi32, #tpu.memory_space<hbm>>) dst(%dma_wait3A_94 : memref<2x80xi32, #tpu.memory_space<vmem>>)
    %dma_start3A_97 = arith.constant 0 : i32
    %dma_start3A_98 = arith.constant 0 : i32
    %dma_start3A_99 = arith.constant 0 : i32
    %dma_start3A_100 = arith.constant 0 : i32
    %dma_start3A_101 = arith.constant 0 : i32
    %dma_start3A_102 = arith.constant 0 : i32
    %dma_start3A_103 = tpu.memref_slice %arg14[%dma_start3A_99, %dma_start3A_101, %dma_start3A_102] : memref<3x80x128xf32, #tpu.memory_space<vmem>> -> memref<1x80x128xf32, #tpu.memory_space<vmem>>
    %dma_start3A_104 = tpu.memref_squeeze %dma_start3A_103 : memref<1x80x128xf32, #tpu.memory_space<vmem>> -> memref<80x128xf32, #tpu.memory_space<vmem>>
    %dma_start3A_105 = arith.constant 0 : i32
    %dma_start3A_106 = tpu.memref_slice %arg11[%dma_start3A_97, %dma_start3A_98, %dma_start3A_105] : memref<3x2x80xi32, #tpu.memory_space<vmem>> -> memref<1x1x80xi32, #tpu.memory_space<vmem>>
    %dma_start3A_107 = tpu.memref_squeeze %dma_start3A_106 : memref<1x1x80xi32, #tpu.memory_space<vmem>> -> memref<80xi32, #tpu.memory_space<vmem>>
    %dma_start3A_108 = arith.constant 0 : i32
    %dma_start3A_109 = arith.constant 0 : i32
    %dma_start3A_110 = tpu.memref_slice %arg2[%dma_start3A_108, %dma_start3A_109] : memref<10000x128xf32, #tpu.memory_space<hbm>> -> memref<10000x128xf32, #tpu.memory_space<hbm>>
    %dma_start3A_111 = tpu.memref_slice %arg19[%dma_start3A_100] : memref<3x!tpu.dma_semaphore, #tpu.memory_space<semaphore_mem>> -> memref<1x!tpu.dma_semaphore, #tpu.memory_space<semaphore_mem>>
    %dma_start3A_112 = tpu.memref_squeeze %dma_start3A_111 : memref<1x!tpu.dma_semaphore, #tpu.memory_space<semaphore_mem>> -> memref<!tpu.dma_semaphore, #tpu.memory_space<semaphore_mem>>
    tpu.enqueue_indirect_dma source(%dma_start3A_110 : memref<10000x128xf32, #tpu.memory_space<hbm>>) target(%dma_start3A_104 : memref<80x128xf32, #tpu.memory_space<vmem>>) offsets(%dma_start3A_107 : memref<80xi32, #tpu.memory_space<vmem>>) semaphore(%dma_start3A_112 : memref<!tpu.dma_semaphore, #tpu.memory_space<semaphore_mem>>)
    %dma_start3A_113 = arith.constant 0 : i32
    %dma_start3A_114 = arith.constant 0 : i32
    %dma_start3A_115 = arith.constant 0 : i32
    %dma_start3A_116 = arith.constant 0 : i32
    %dma_start3A_117 = arith.constant 0 : i32
    %dma_start3A_118 = arith.constant 0 : i32
    %dma_start3A_119 = tpu.memref_slice %arg12[%dma_start3A_115, %dma_start3A_117, %dma_start3A_118] : memref<3x80x16xf32, #tpu.memory_space<vmem>> -> memref<1x80x16xf32, #tpu.memory_space<vmem>>
    %dma_start3A_120 = tpu.memref_squeeze %dma_start3A_119 : memref<1x80x16xf32, #tpu.memory_space<vmem>> -> memref<80x16xf32, #tpu.memory_space<vmem>>
    %dma_start3A_121 = arith.constant 0 : i32
    %dma_start3A_122 = tpu.memref_slice %arg11[%dma_start3A_113, %dma_start3A_114, %dma_start3A_121] : memref<3x2x80xi32, #tpu.memory_space<vmem>> -> memref<1x1x80xi32, #tpu.memory_space<vmem>>
    %dma_start3A_123 = tpu.memref_squeeze %dma_start3A_122 : memref<1x1x80xi32, #tpu.memory_space<vmem>> -> memref<80xi32, #tpu.memory_space<vmem>>
    %dma_start3A_124 = arith.constant 0 : i32
    %dma_start3A_125 = arith.constant 0 : i32
    %dma_start3A_126 = tpu.memref_slice %arg3[%dma_start3A_124, %dma_start3A_125] : memref<10000x16xf32, #tpu.memory_space<hbm>> -> memref<10000x16xf32, #tpu.memory_space<hbm>>
    %dma_start3A_127 = tpu.memref_slice %arg17[%dma_start3A_116] : memref<3x!tpu.dma_semaphore, #tpu.memory_space<semaphore_mem>> -> memref<1x!tpu.dma_semaphore, #tpu.memory_space<semaphore_mem>>
    %dma_start3A_128 = tpu.memref_squeeze %dma_start3A_127 : memref<1x!tpu.dma_semaphore, #tpu.memory_space<semaphore_mem>> -> memref<!tpu.dma_semaphore, #tpu.memory_space<semaphore_mem>>
    tpu.enqueue_indirect_dma source(%dma_start3A_126 : memref<10000x16xf32, #tpu.memory_space<hbm>>) target(%dma_start3A_120 : memref<80x16xf32, #tpu.memory_space<vmem>>) offsets(%dma_start3A_123 : memref<80xi32, #tpu.memory_space<vmem>>) semaphore(%dma_start3A_128 : memref<!tpu.dma_semaphore, #tpu.memory_space<semaphore_mem>>)
    %dma_start3A_129 = arith.constant 0 : i32
    %dma_start3A_130 = arith.constant 1 : i32
    %dma_start3A_131 = arith.constant 0 : i32
    %dma_start3A_132 = arith.constant 0 : i32
    %dma_start3A_133 = arith.constant 0 : i32
    %dma_start3A_134 = arith.constant 0 : i32
    %dma_start3A_135 = tpu.memref_slice %arg13[%dma_start3A_131, %dma_start3A_133, %dma_start3A_134] : memref<3x80x16xf32, #tpu.memory_space<vmem>> -> memref<1x80x16xf32, #tpu.memory_space<vmem>>
    %dma_start3A_136 = tpu.memref_squeeze %dma_start3A_135 : memref<1x80x16xf32, #tpu.memory_space<vmem>> -> memref<80x16xf32, #tpu.memory_space<vmem>>
    %dma_start3A_137 = arith.constant 0 : i32
    %dma_start3A_138 = tpu.memref_slice %arg11[%dma_start3A_129, %dma_start3A_130, %dma_start3A_137] : memref<3x2x80xi32, #tpu.memory_space<vmem>> -> memref<1x1x80xi32, #tpu.memory_space<vmem>>
    %dma_start3A_139 = tpu.memref_squeeze %dma_start3A_138 : memref<1x1x80xi32, #tpu.memory_space<vmem>> -> memref<80xi32, #tpu.memory_space<vmem>>
    %dma_start3A_140 = arith.constant 0 : i32
    %dma_start3A_141 = arith.constant 0 : i32
    %dma_start3A_142 = tpu.memref_slice %arg4[%dma_start3A_140, %dma_start3A_141] : memref<10000x16xf32, #tpu.memory_space<hbm>> -> memref<10000x16xf32, #tpu.memory_space<hbm>>
    %dma_start3A_143 = tpu.memref_slice %arg18[%dma_start3A_132] : memref<3x!tpu.dma_semaphore, #tpu.memory_space<semaphore_mem>> -> memref<1x!tpu.dma_semaphore, #tpu.memory_space<semaphore_mem>>
    %dma_start3A_144 = tpu.memref_squeeze %dma_start3A_143 : memref<1x!tpu.dma_semaphore, #tpu.memory_space<semaphore_mem>> -> memref<!tpu.dma_semaphore, #tpu.memory_space<semaphore_mem>>
    tpu.enqueue_indirect_dma source(%dma_start3A_142 : memref<10000x16xf32, #tpu.memory_space<hbm>>) target(%dma_start3A_136 : memref<80x16xf32, #tpu.memory_space<vmem>>) offsets(%dma_start3A_139 : memref<80xi32, #tpu.memory_space<vmem>>) semaphore(%dma_start3A_144 : memref<!tpu.dma_semaphore, #tpu.memory_space<semaphore_mem>>)
    %scan3A_145 = arith.constant 0 : i32
    %scan3A_146 = arith.constant 0 : i32
    %scan3A_147 = arith.constant 41 : i32
    %scan3A_148 = arith.addi %scan3A_146, %scan3A_147 : i32
    %scan3A_149 = arith.constant 1 : i32
    %scan3A_150 = scf.for %scan3A_489 = %scan3A_146 to %scan3A_148 step %scan3A_149 iter_args(%scan3A_490 = %scan3A_145) -> (i32)  : i32 {
      %mul3A_491 = arith.constant 3 : i32
      %mul3A_492 = arith.muli %mul3A_491, %scan3A_489 : i32
      %add3A_493 = arith.constant 0 : i32
      %add3A_494 = arith.addi %mul3A_492, %add3A_493 : i32
      %gt3A = arith.constant 0 : i32
      %gt3A_495 = arith.cmpi sgt, %add3A_494, %gt3A : i32
      %convert_element_type3A_496 = arith.extui %gt3A_495 : i1 to i32
      %cond3A_497 = arith.constant 0 : i32
      %cond3A_498 = arith.cmpi ne, %convert_element_type3A_496, %cond3A_497 : i32
      scf.if %cond3A_498 {
        %dma_wait3A_809 = arith.constant 2 : i32
        %dma_wait3A_810 = arith.constant 2 : i32
        %dma_wait3A_811 = arith.constant 1 : i32
        %dma_wait3A_812 = arith.constant 2 : i32
        %dma_wait3A_813 = arith.constant 0 : i32
        %dma_wait3A_814 = arith.constant 0 : i32
        %dma_wait3A_815 = tpu.memref_slice %arg12[%dma_wait3A_809, %dma_wait3A_813, %dma_wait3A_814] : memref<3x80x16xf32, #tpu.memory_space<vmem>> -> memref<1x80x16xf32, #tpu.memory_space<vmem>>
        %dma_wait3A_816 = tpu.memref_squeeze %dma_wait3A_815 : memref<1x80x16xf32, #tpu.memory_space<vmem>> -> memref<80x16xf32, #tpu.memory_space<vmem>>
        %dma_wait3A_817 = arith.constant 0 : i32
        %dma_wait3A_818 = tpu.memref_slice %arg11[%dma_wait3A_810, %dma_wait3A_811, %dma_wait3A_817] : memref<3x2x80xi32, #tpu.memory_space<vmem>> -> memref<1x1x80xi32, #tpu.memory_space<vmem>>
        %dma_wait3A_819 = tpu.memref_squeeze %dma_wait3A_818 : memref<1x1x80xi32, #tpu.memory_space<vmem>> -> memref<80xi32, #tpu.memory_space<vmem>>
        %dma_wait3A_820 = arith.constant 0 : i32
        %dma_wait3A_821 = arith.constant 0 : i32
        %dma_wait3A_822 = tpu.memref_slice %arg10[%dma_wait3A_820, %dma_wait3A_821] : memref<10000x16xf32, #tpu.memory_space<vmem_shared>> -> memref<10000x16xf32, #tpu.memory_space<vmem_shared>>
        %dma_wait3A_823 = tpu.memref_slice %arg20[%dma_wait3A_812] : memref<3x!tpu.dma_semaphore, #tpu.memory_space<semaphore_mem>> -> memref<1x!tpu.dma_semaphore, #tpu.memory_space<semaphore_mem>>
        %dma_wait3A_824 = tpu.memref_squeeze %dma_wait3A_823 : memref<1x!tpu.dma_semaphore, #tpu.memory_space<semaphore_mem>> -> memref<!tpu.dma_semaphore, #tpu.memory_space<semaphore_mem>>
        tpu.wait_indirect_dma semaphore(%dma_wait3A_824 : memref<!tpu.dma_semaphore, #tpu.memory_space<semaphore_mem>>) src(%dma_wait3A_816 : memref<80x16xf32, #tpu.memory_space<vmem>>) dst(%dma_wait3A_822 : memref<10000x16xf32, #tpu.memory_space<vmem_shared>>)
        %dma_wait3A_825 = arith.constant 2 : i32
        %dma_wait3A_826 = arith.constant 2 : i32
        %dma_wait3A_827 = arith.constant 1 : i32
        %dma_wait3A_828 = arith.constant 2 : i32
        %dma_wait3A_829 = arith.constant 0 : i32
        %dma_wait3A_830 = arith.constant 0 : i32
        %dma_wait3A_831 = tpu.memref_slice %arg14[%dma_wait3A_825, %dma_wait3A_829, %dma_wait3A_830] : memref<3x80x128xf32, #tpu.memory_space<vmem>> -> memref<1x80x128xf32, #tpu.memory_space<vmem>>
        %dma_wait3A_832 = tpu.memref_squeeze %dma_wait3A_831 : memref<1x80x128xf32, #tpu.memory_space<vmem>> -> memref<80x128xf32, #tpu.memory_space<vmem>>
        %dma_wait3A_833 = arith.constant 0 : i32
        %dma_wait3A_834 = tpu.memref_slice %arg11[%dma_wait3A_826, %dma_wait3A_827, %dma_wait3A_833] : memref<3x2x80xi32, #tpu.memory_space<vmem>> -> memref<1x1x80xi32, #tpu.memory_space<vmem>>
        %dma_wait3A_835 = tpu.memref_squeeze %dma_wait3A_834 : memref<1x1x80xi32, #tpu.memory_space<vmem>> -> memref<80xi32, #tpu.memory_space<vmem>>
        %dma_wait3A_836 = arith.constant 0 : i32
        %dma_wait3A_837 = arith.constant 0 : i32
        %dma_wait3A_838 = tpu.memref_slice %arg9[%dma_wait3A_836, %dma_wait3A_837] : memref<10000x128xf32, #tpu.memory_space<vmem_shared>> -> memref<10000x128xf32, #tpu.memory_space<vmem_shared>>
        %dma_wait3A_839 = tpu.memref_slice %arg21[%dma_wait3A_828] : memref<3x!tpu.dma_semaphore, #tpu.memory_space<semaphore_mem>> -> memref<1x!tpu.dma_semaphore, #tpu.memory_space<semaphore_mem>>
        %dma_wait3A_840 = tpu.memref_squeeze %dma_wait3A_839 : memref<1x!tpu.dma_semaphore, #tpu.memory_space<semaphore_mem>> -> memref<!tpu.dma_semaphore, #tpu.memory_space<semaphore_mem>>
        tpu.wait_indirect_dma semaphore(%dma_wait3A_840 : memref<!tpu.dma_semaphore, #tpu.memory_space<semaphore_mem>>) src(%dma_wait3A_832 : memref<80x128xf32, #tpu.memory_space<vmem>>) dst(%dma_wait3A_838 : memref<10000x128xf32, #tpu.memory_space<vmem_shared>>)
      } else {
      }
      %add3A_499 = arith.constant 2 : i32
      %add3A_500 = arith.addi %add3A_494, %add3A_499 : i32
      %lt3A_501 = arith.constant 125 : i32
      %lt3A_502 = arith.cmpi slt, %add3A_500, %lt3A_501 : i32
      %convert_element_type3A_503 = arith.extui %lt3A_502 : i1 to i32
      %cond3A_504 = arith.constant 0 : i32
      %cond3A_505 = arith.cmpi ne, %convert_element_type3A_503, %cond3A_504 : i32
      scf.if %cond3A_505 {
        %add3A_809 = arith.constant 2 : i32
        %add3A_810 = arith.addi %add3A_494, %add3A_809 : i32
        %mul3A_811 = arith.constant 32 : i32
        %mul3A_812 = arith.muli %add3A_810, %mul3A_811 : i32
        %add3A_813 = arith.addi %mul3A_812, %add3A : i32
        %mul3A_814 = arith.constant 80 : i32
        %mul3A_815 = arith.muli %add3A_813, %mul3A_814 : i32
        %dma_start3A_816 = arith.constant 2 : i32
        %dma_start3A_817 = arith.constant 2 : i32
        %dma_start3A_818 = arith.constant 0 : i32
        %dma_start3A_819 = arith.constant 0 : i32
        %dma_start3A_820 = tpu.memref_slice %arg11[%dma_start3A_816, %dma_start3A_818, %dma_start3A_819] : memref<3x2x80xi32, #tpu.memory_space<vmem>> -> memref<1x2x80xi32, #tpu.memory_space<vmem>>
        %dma_start3A_821 = tpu.memref_squeeze %dma_start3A_820 : memref<1x2x80xi32, #tpu.memory_space<vmem>> -> memref<2x80xi32, #tpu.memory_space<vmem>>
        %dma_start3A_822 = arith.constant 0 : i32
        %dma_start3A_823 = tpu.memref_slice %arg6[%dma_start3A_822, %mul3A_815] : memref<2x320000xi32, #tpu.memory_space<hbm>> -> memref<2x80xi32, #tpu.memory_space<hbm>>
        %dma_start3A_824 = tpu.memref_slice %arg16[%dma_start3A_817] : memref<3x!tpu.dma_semaphore, #tpu.memory_space<semaphore_mem>> -> memref<1x!tpu.dma_semaphore, #tpu.memory_space<semaphore_mem>>
        %dma_start3A_825 = tpu.memref_squeeze %dma_start3A_824 : memref<1x!tpu.dma_semaphore, #tpu.memory_space<semaphore_mem>> -> memref<!tpu.dma_semaphore, #tpu.memory_space<semaphore_mem>>
        %dma_start3A_826 = arith.constant 0 : i32
        %dma_start3A_827 = arith.constant 0 : i32
        %dma_start3A_828 = tpu.memref_slice %arg11[%dma_start3A_816, %dma_start3A_826, %dma_start3A_827] : memref<3x2x80xi32, #tpu.memory_space<vmem>> -> memref<1x2x80xi32, #tpu.memory_space<vmem>>
        %dma_start3A_829 = tpu.memref_squeeze %dma_start3A_828 : memref<1x2x80xi32, #tpu.memory_space<vmem>> -> memref<2x80xi32, #tpu.memory_space<vmem>>
        %dma_start3A_830 = arith.constant 0 : i32
        %dma_start3A_831 = tpu.memref_slice %arg6[%dma_start3A_830, %mul3A_815] : memref<2x320000xi32, #tpu.memory_space<hbm>> -> memref<2x80xi32, #tpu.memory_space<hbm>>
        tpu.enqueue_dma source(%dma_start3A_831 : memref<2x80xi32, #tpu.memory_space<hbm>>) target(%dma_start3A_829 : memref<2x80xi32, #tpu.memory_space<vmem>>) target_semaphore(%dma_start3A_825 : memref<!tpu.dma_semaphore, #tpu.memory_space<semaphore_mem>>)
      } else {
      }
      %add3A_506 = arith.constant 1 : i32
      %add3A_507 = arith.addi %add3A_494, %add3A_506 : i32
      %lt3A_508 = arith.constant 125 : i32
      %lt3A_509 = arith.cmpi slt, %add3A_507, %lt3A_508 : i32
      %convert_element_type3A_510 = arith.extui %lt3A_509 : i1 to i32
      %cond3A_511 = arith.constant 0 : i32
      %cond3A_512 = arith.cmpi ne, %convert_element_type3A_510, %cond3A_511 : i32
      scf.if %cond3A_512 {
        %add3A_809 = arith.constant 1 : i32
        %add3A_810 = arith.addi %add3A_494, %add3A_809 : i32
        %mul3A_811 = arith.constant 32 : i32
        %mul3A_812 = arith.muli %add3A_810, %mul3A_811 : i32
        %add3A_813 = arith.addi %mul3A_812, %add3A : i32
        %mul3A_814 = arith.constant 80 : i32
        %mul3A_815 = arith.muli %add3A_813, %mul3A_814 : i32
        %dma_wait3A_816 = arith.constant 1 : i32
        %dma_wait3A_817 = arith.constant 1 : i32
        %dma_wait3A_818 = arith.constant 0 : i32
        %dma_wait3A_819 = arith.constant 0 : i32
        %dma_wait3A_820 = tpu.memref_slice %arg11[%dma_wait3A_816, %dma_wait3A_818, %dma_wait3A_819] : memref<3x2x80xi32, #tpu.memory_space<vmem>> -> memref<1x2x80xi32, #tpu.memory_space<vmem>>
        %dma_wait3A_821 = tpu.memref_squeeze %dma_wait3A_820 : memref<1x2x80xi32, #tpu.memory_space<vmem>> -> memref<2x80xi32, #tpu.memory_space<vmem>>
        %dma_wait3A_822 = arith.constant 0 : i32
        %dma_wait3A_823 = tpu.memref_slice %arg6[%dma_wait3A_822, %mul3A_815] : memref<2x320000xi32, #tpu.memory_space<hbm>> -> memref<2x80xi32, #tpu.memory_space<hbm>>
        %dma_wait3A_824 = tpu.memref_slice %arg16[%dma_wait3A_817] : memref<3x!tpu.dma_semaphore, #tpu.memory_space<semaphore_mem>> -> memref<1x!tpu.dma_semaphore, #tpu.memory_space<semaphore_mem>>
        %dma_wait3A_825 = tpu.memref_squeeze %dma_wait3A_824 : memref<1x!tpu.dma_semaphore, #tpu.memory_space<semaphore_mem>> -> memref<!tpu.dma_semaphore, #tpu.memory_space<semaphore_mem>>
        %dma_wait3A_826 = arith.constant 0 : i32
        %dma_wait3A_827 = arith.constant 0 : i32
        %dma_wait3A_828 = tpu.memref_slice %arg11[%dma_wait3A_816, %dma_wait3A_826, %dma_wait3A_827] : memref<3x2x80xi32, #tpu.memory_space<vmem>> -> memref<1x2x80xi32, #tpu.memory_space<vmem>>
        %dma_wait3A_829 = tpu.memref_squeeze %dma_wait3A_828 : memref<1x2x80xi32, #tpu.memory_space<vmem>> -> memref<2x80xi32, #tpu.memory_space<vmem>>
        %dma_wait3A_830 = arith.constant 0 : i32
        %dma_wait3A_831 = tpu.memref_slice %arg6[%dma_wait3A_830, %mul3A_815] : memref<2x320000xi32, #tpu.memory_space<hbm>> -> memref<2x80xi32, #tpu.memory_space<hbm>>
        tpu.wait_dma2 semaphore(%dma_wait3A_825 : memref<!tpu.dma_semaphore, #tpu.memory_space<semaphore_mem>>) src(%dma_wait3A_831 : memref<2x80xi32, #tpu.memory_space<hbm>>) dst(%dma_wait3A_829 : memref<2x80xi32, #tpu.memory_space<vmem>>)
        %dma_start3A_832 = arith.constant 1 : i32
        %dma_start3A_833 = arith.constant 0 : i32
        %dma_start3A_834 = arith.constant 1 : i32
        %dma_start3A_835 = arith.constant 1 : i32
        %dma_start3A_836 = arith.constant 0 : i32
        %dma_start3A_837 = arith.constant 0 : i32
        %dma_start3A_838 = tpu.memref_slice %arg14[%dma_start3A_834, %dma_start3A_836, %dma_start3A_837] : memref<3x80x128xf32, #tpu.memory_space<vmem>> -> memref<1x80x128xf32, #tpu.memory_space<vmem>>
        %dma_start3A_839 = tpu.memref_squeeze %dma_start3A_838 : memref<1x80x128xf32, #tpu.memory_space<vmem>> -> memref<80x128xf32, #tpu.memory_space<vmem>>
        %dma_start3A_840 = arith.constant 0 : i32
        %dma_start3A_841 = tpu.memref_slice %arg11[%dma_start3A_832, %dma_start3A_833, %dma_start3A_840] : memref<3x2x80xi32, #tpu.memory_space<vmem>> -> memref<1x1x80xi32, #tpu.memory_space<vmem>>
        %dma_start3A_842 = tpu.memref_squeeze %dma_start3A_841 : memref<1x1x80xi32, #tpu.memory_space<vmem>> -> memref<80xi32, #tpu.memory_space<vmem>>
        %dma_start3A_843 = arith.constant 0 : i32
        %dma_start3A_844 = arith.constant 0 : i32
        %dma_start3A_845 = tpu.memref_slice %arg2[%dma_start3A_843, %dma_start3A_844] : memref<10000x128xf32, #tpu.memory_space<hbm>> -> memref<10000x128xf32, #tpu.memory_space<hbm>>
        %dma_start3A_846 = tpu.memref_slice %arg19[%dma_start3A_835] : memref<3x!tpu.dma_semaphore, #tpu.memory_space<semaphore_mem>> -> memref<1x!tpu.dma_semaphore, #tpu.memory_space<semaphore_mem>>
        %dma_start3A_847 = tpu.memref_squeeze %dma_start3A_846 : memref<1x!tpu.dma_semaphore, #tpu.memory_space<semaphore_mem>> -> memref<!tpu.dma_semaphore, #tpu.memory_space<semaphore_mem>>
        tpu.enqueue_indirect_dma source(%dma_start3A_845 : memref<10000x128xf32, #tpu.memory_space<hbm>>) target(%dma_start3A_839 : memref<80x128xf32, #tpu.memory_space<vmem>>) offsets(%dma_start3A_842 : memref<80xi32, #tpu.memory_space<vmem>>) semaphore(%dma_start3A_847 : memref<!tpu.dma_semaphore, #tpu.memory_space<semaphore_mem>>)
        %dma_start3A_848 = arith.constant 1 : i32
        %dma_start3A_849 = arith.constant 0 : i32
        %dma_start3A_850 = arith.constant 1 : i32
        %dma_start3A_851 = arith.constant 1 : i32
        %dma_start3A_852 = arith.constant 0 : i32
        %dma_start3A_853 = arith.constant 0 : i32
        %dma_start3A_854 = tpu.memref_slice %arg12[%dma_start3A_850, %dma_start3A_852, %dma_start3A_853] : memref<3x80x16xf32, #tpu.memory_space<vmem>> -> memref<1x80x16xf32, #tpu.memory_space<vmem>>
        %dma_start3A_855 = tpu.memref_squeeze %dma_start3A_854 : memref<1x80x16xf32, #tpu.memory_space<vmem>> -> memref<80x16xf32, #tpu.memory_space<vmem>>
        %dma_start3A_856 = arith.constant 0 : i32
        %dma_start3A_857 = tpu.memref_slice %arg11[%dma_start3A_848, %dma_start3A_849, %dma_start3A_856] : memref<3x2x80xi32, #tpu.memory_space<vmem>> -> memref<1x1x80xi32, #tpu.memory_space<vmem>>
        %dma_start3A_858 = tpu.memref_squeeze %dma_start3A_857 : memref<1x1x80xi32, #tpu.memory_space<vmem>> -> memref<80xi32, #tpu.memory_space<vmem>>
        %dma_start3A_859 = arith.constant 0 : i32
        %dma_start3A_860 = arith.constant 0 : i32
        %dma_start3A_861 = tpu.memref_slice %arg3[%dma_start3A_859, %dma_start3A_860] : memref<10000x16xf32, #tpu.memory_space<hbm>> -> memref<10000x16xf32, #tpu.memory_space<hbm>>
        %dma_start3A_862 = tpu.memref_slice %arg17[%dma_start3A_851] : memref<3x!tpu.dma_semaphore, #tpu.memory_space<semaphore_mem>> -> memref<1x!tpu.dma_semaphore, #tpu.memory_space<semaphore_mem>>
        %dma_start3A_863 = tpu.memref_squeeze %dma_start3A_862 : memref<1x!tpu.dma_semaphore, #tpu.memory_space<semaphore_mem>> -> memref<!tpu.dma_semaphore, #tpu.memory_space<semaphore_mem>>
        tpu.enqueue_indirect_dma source(%dma_start3A_861 : memref<10000x16xf32, #tpu.memory_space<hbm>>) target(%dma_start3A_855 : memref<80x16xf32, #tpu.memory_space<vmem>>) offsets(%dma_start3A_858 : memref<80xi32, #tpu.memory_space<vmem>>) semaphore(%dma_start3A_863 : memref<!tpu.dma_semaphore, #tpu.memory_space<semaphore_mem>>)
        %dma_start3A_864 = arith.constant 1 : i32
        %dma_start3A_865 = arith.constant 1 : i32
        %dma_start3A_866 = arith.constant 1 : i32
        %dma_start3A_867 = arith.constant 1 : i32
        %dma_start3A_868 = arith.constant 0 : i32
        %dma_start3A_869 = arith.constant 0 : i32
        %dma_start3A_870 = tpu.memref_slice %arg13[%dma_start3A_866, %dma_start3A_868, %dma_start3A_869] : memref<3x80x16xf32, #tpu.memory_space<vmem>> -> memref<1x80x16xf32, #tpu.memory_space<vmem>>
        %dma_start3A_871 = tpu.memref_squeeze %dma_start3A_870 : memref<1x80x16xf32, #tpu.memory_space<vmem>> -> memref<80x16xf32, #tpu.memory_space<vmem>>
        %dma_start3A_872 = arith.constant 0 : i32
        %dma_start3A_873 = tpu.memref_slice %arg11[%dma_start3A_864, %dma_start3A_865, %dma_start3A_872] : memref<3x2x80xi32, #tpu.memory_space<vmem>> -> memref<1x1x80xi32, #tpu.memory_space<vmem>>
        %dma_start3A_874 = tpu.memref_squeeze %dma_start3A_873 : memref<1x1x80xi32, #tpu.memory_space<vmem>> -> memref<80xi32, #tpu.memory_space<vmem>>
        %dma_start3A_875 = arith.constant 0 : i32
        %dma_start3A_876 = arith.constant 0 : i32
        %dma_start3A_877 = tpu.memref_slice %arg4[%dma_start3A_875, %dma_start3A_876] : memref<10000x16xf32, #tpu.memory_space<hbm>> -> memref<10000x16xf32, #tpu.memory_space<hbm>>
        %dma_start3A_878 = tpu.memref_slice %arg18[%dma_start3A_867] : memref<3x!tpu.dma_semaphore, #tpu.memory_space<semaphore_mem>> -> memref<1x!tpu.dma_semaphore, #tpu.memory_space<semaphore_mem>>
        %dma_start3A_879 = tpu.memref_squeeze %dma_start3A_878 : memref<1x!tpu.dma_semaphore, #tpu.memory_space<semaphore_mem>> -> memref<!tpu.dma_semaphore, #tpu.memory_space<semaphore_mem>>
        tpu.enqueue_indirect_dma source(%dma_start3A_877 : memref<10000x16xf32, #tpu.memory_space<hbm>>) target(%dma_start3A_871 : memref<80x16xf32, #tpu.memory_space<vmem>>) offsets(%dma_start3A_874 : memref<80xi32, #tpu.memory_space<vmem>>) semaphore(%dma_start3A_879 : memref<!tpu.dma_semaphore, #tpu.memory_space<semaphore_mem>>)
      } else {
      }
      %dma_wait3A_513 = arith.constant 0 : i32
      %dma_wait3A_514 = arith.constant 0 : i32
      %dma_wait3A_515 = arith.constant 0 : i32
      %dma_wait3A_516 = arith.constant 0 : i32
      %dma_wait3A_517 = arith.constant 0 : i32
      %dma_wait3A_518 = arith.constant 0 : i32
      %dma_wait3A_519 = tpu.memref_slice %arg14[%dma_wait3A_515, %dma_wait3A_517, %dma_wait3A_518] : memref<3x80x128xf32, #tpu.memory_space<vmem>> -> memref<1x80x128xf32, #tpu.memory_space<vmem>>
      %dma_wait3A_520 = tpu.memref_squeeze %dma_wait3A_519 : memref<1x80x128xf32, #tpu.memory_space<vmem>> -> memref<80x128xf32, #tpu.memory_space<vmem>>
      %dma_wait3A_521 = arith.constant 0 : i32
      %dma_wait3A_522 = tpu.memref_slice %arg11[%dma_wait3A_513, %dma_wait3A_514, %dma_wait3A_521] : memref<3x2x80xi32, #tpu.memory_space<vmem>> -> memref<1x1x80xi32, #tpu.memory_space<vmem>>
      %dma_wait3A_523 = tpu.memref_squeeze %dma_wait3A_522 : memref<1x1x80xi32, #tpu.memory_space<vmem>> -> memref<80xi32, #tpu.memory_space<vmem>>
      %dma_wait3A_524 = arith.constant 0 : i32
      %dma_wait3A_525 = arith.constant 0 : i32
      %dma_wait3A_526 = tpu.memref_slice %arg2[%dma_wait3A_524, %dma_wait3A_525] : memref<10000x128xf32, #tpu.memory_space<hbm>> -> memref<10000x128xf32, #tpu.memory_space<hbm>>
      %dma_wait3A_527 = tpu.memref_slice %arg19[%dma_wait3A_516] : memref<3x!tpu.dma_semaphore, #tpu.memory_space<semaphore_mem>> -> memref<1x!tpu.dma_semaphore, #tpu.memory_space<semaphore_mem>>
      %dma_wait3A_528 = tpu.memref_squeeze %dma_wait3A_527 : memref<1x!tpu.dma_semaphore, #tpu.memory_space<semaphore_mem>> -> memref<!tpu.dma_semaphore, #tpu.memory_space<semaphore_mem>>
      tpu.wait_indirect_dma semaphore(%dma_wait3A_528 : memref<!tpu.dma_semaphore, #tpu.memory_space<semaphore_mem>>) src(%dma_wait3A_526 : memref<10000x128xf32, #tpu.memory_space<hbm>>) dst(%dma_wait3A_520 : memref<80x128xf32, #tpu.memory_space<vmem>>)
      %dma_wait3A_529 = arith.constant 0 : i32
      %dma_wait3A_530 = arith.constant 0 : i32
      %dma_wait3A_531 = arith.constant 0 : i32
      %dma_wait3A_532 = arith.constant 0 : i32
      %dma_wait3A_533 = arith.constant 0 : i32
      %dma_wait3A_534 = arith.constant 0 : i32
      %dma_wait3A_535 = tpu.memref_slice %arg12[%dma_wait3A_531, %dma_wait3A_533, %dma_wait3A_534] : memref<3x80x16xf32, #tpu.memory_space<vmem>> -> memref<1x80x16xf32, #tpu.memory_space<vmem>>
      %dma_wait3A_536 = tpu.memref_squeeze %dma_wait3A_535 : memref<1x80x16xf32, #tpu.memory_space<vmem>> -> memref<80x16xf32, #tpu.memory_space<vmem>>
      %dma_wait3A_537 = arith.constant 0 : i32
      %dma_wait3A_538 = tpu.memref_slice %arg11[%dma_wait3A_529, %dma_wait3A_530, %dma_wait3A_537] : memref<3x2x80xi32, #tpu.memory_space<vmem>> -> memref<1x1x80xi32, #tpu.memory_space<vmem>>
      %dma_wait3A_539 = tpu.memref_squeeze %dma_wait3A_538 : memref<1x1x80xi32, #tpu.memory_space<vmem>> -> memref<80xi32, #tpu.memory_space<vmem>>
      %dma_wait3A_540 = arith.constant 0 : i32
      %dma_wait3A_541 = arith.constant 0 : i32
      %dma_wait3A_542 = tpu.memref_slice %arg3[%dma_wait3A_540, %dma_wait3A_541] : memref<10000x16xf32, #tpu.memory_space<hbm>> -> memref<10000x16xf32, #tpu.memory_space<hbm>>
      %dma_wait3A_543 = tpu.memref_slice %arg17[%dma_wait3A_532] : memref<3x!tpu.dma_semaphore, #tpu.memory_space<semaphore_mem>> -> memref<1x!tpu.dma_semaphore, #tpu.memory_space<semaphore_mem>>
      %dma_wait3A_544 = tpu.memref_squeeze %dma_wait3A_543 : memref<1x!tpu.dma_semaphore, #tpu.memory_space<semaphore_mem>> -> memref<!tpu.dma_semaphore, #tpu.memory_space<semaphore_mem>>
      tpu.wait_indirect_dma semaphore(%dma_wait3A_544 : memref<!tpu.dma_semaphore, #tpu.memory_space<semaphore_mem>>) src(%dma_wait3A_542 : memref<10000x16xf32, #tpu.memory_space<hbm>>) dst(%dma_wait3A_536 : memref<80x16xf32, #tpu.memory_space<vmem>>)
      %dma_wait3A_545 = arith.constant 0 : i32
      %dma_wait3A_546 = arith.constant 1 : i32
      %dma_wait3A_547 = arith.constant 0 : i32
      %dma_wait3A_548 = arith.constant 0 : i32
      %dma_wait3A_549 = arith.constant 0 : i32
      %dma_wait3A_550 = arith.constant 0 : i32
      %dma_wait3A_551 = tpu.memref_slice %arg13[%dma_wait3A_547, %dma_wait3A_549, %dma_wait3A_550] : memref<3x80x16xf32, #tpu.memory_space<vmem>> -> memref<1x80x16xf32, #tpu.memory_space<vmem>>
      %dma_wait3A_552 = tpu.memref_squeeze %dma_wait3A_551 : memref<1x80x16xf32, #tpu.memory_space<vmem>> -> memref<80x16xf32, #tpu.memory_space<vmem>>
      %dma_wait3A_553 = arith.constant 0 : i32
      %dma_wait3A_554 = tpu.memref_slice %arg11[%dma_wait3A_545, %dma_wait3A_546, %dma_wait3A_553] : memref<3x2x80xi32, #tpu.memory_space<vmem>> -> memref<1x1x80xi32, #tpu.memory_space<vmem>>
      %dma_wait3A_555 = tpu.memref_squeeze %dma_wait3A_554 : memref<1x1x80xi32, #tpu.memory_space<vmem>> -> memref<80xi32, #tpu.memory_space<vmem>>
      %dma_wait3A_556 = arith.constant 0 : i32
      %dma_wait3A_557 = arith.constant 0 : i32
      %dma_wait3A_558 = tpu.memref_slice %arg4[%dma_wait3A_556, %dma_wait3A_557] : memref<10000x16xf32, #tpu.memory_space<hbm>> -> memref<10000x16xf32, #tpu.memory_space<hbm>>
      %dma_wait3A_559 = tpu.memref_slice %arg18[%dma_wait3A_548] : memref<3x!tpu.dma_semaphore, #tpu.memory_space<semaphore_mem>> -> memref<1x!tpu.dma_semaphore, #tpu.memory_space<semaphore_mem>>
      %dma_wait3A_560 = tpu.memref_squeeze %dma_wait3A_559 : memref<1x!tpu.dma_semaphore, #tpu.memory_space<semaphore_mem>> -> memref<!tpu.dma_semaphore, #tpu.memory_space<semaphore_mem>>
      tpu.wait_indirect_dma semaphore(%dma_wait3A_560 : memref<!tpu.dma_semaphore, #tpu.memory_space<semaphore_mem>>) src(%dma_wait3A_558 : memref<10000x16xf32, #tpu.memory_space<hbm>>) dst(%dma_wait3A_552 : memref<80x16xf32, #tpu.memory_space<vmem>>)
      %parallel_loop3A_561 = arith.constant 0 : i32
      %parallel_loop3A_562 = arith.constant 80 : i32
      %parallel_loop3A_563 = arith.constant 1 : i32
      scf.for %parallel_loop3A_809 = %parallel_loop3A_561 to %parallel_loop3A_562 step %parallel_loop3A_563  : i32 {
        %parallel_loop3A_810 = arith.constant 0 : i32
        %parallel_loop3A_811 = arith.index_cast %parallel_loop3A_810 : i32 to index
        %parallel_loop3A_812 = arith.index_cast %parallel_loop3A_809 : i32 to index
        %parallel_loop3A_813 = arith.constant 0 : index
        %parallel_loop3A_814 = tpu.vector_load %arg12[%parallel_loop3A_811, %parallel_loop3A_812, %parallel_loop3A_813] {strides = array<i32>} : memref<3x80x16xf32, #tpu.memory_space<vmem>>, vector<1x1x16xf32>,
        %parallel_loop3A_815 = vector.shape_cast %parallel_loop3A_814 : vector<1x1x16xf32> to vector<16xf32>
        %parallel_loop3A_816 = arith.constant 0 : i32
        %parallel_loop3A_817 = arith.index_cast %parallel_loop3A_816 : i32 to index
        %parallel_loop3A_818 = arith.index_cast %parallel_loop3A_809 : i32 to index
        %parallel_loop3A_819 = arith.constant 0 : index
        %parallel_loop3A_820 = tpu.vector_load %arg13[%parallel_loop3A_817, %parallel_loop3A_818, %parallel_loop3A_819] {strides = array<i32>} : memref<3x80x16xf32, #tpu.memory_space<vmem>>, vector<1x1x16xf32>,
        %parallel_loop3A_821 = vector.shape_cast %parallel_loop3A_820 : vector<1x1x16xf32> to vector<16xf32>
        %parallel_loop3A_822 = arith.addf %parallel_loop3A_815, %parallel_loop3A_821 : vector<16xf32>
        %parallel_loop3A_823 = arith.constant 0.000000e+00 : f32
        %parallel_loop3A_824 = vector.broadcast %parallel_loop3A_823 : f32 to vector<16xf32>
        %parallel_loop3A_825 = arith.cmpf ogt, %parallel_loop3A_822, %parallel_loop3A_824 : vector<16xf32>
        %parallel_loop3A_826 = arith.constant 0.00999999977 : f32
        %parallel_loop3A_827 = vector.broadcast %parallel_loop3A_826 : f32 to vector<16xf32>
        %parallel_loop3A_828 = arith.mulf %parallel_loop3A_827, %parallel_loop3A_822 : vector<16xf32>
        %parallel_loop3A_829 = arith.select %parallel_loop3A_825, %parallel_loop3A_822, %parallel_loop3A_828 : vector<16xi1>, vector<16xf32>
        %parallel_loop3A_830 = arith.subf %parallel_loop3A_829, %get3A_38 : vector<16xf32>
        %parallel_loop3A_831 = math.exp %parallel_loop3A_830 : vector<16xf32>
        %parallel_loop3A_832 = arith.constant 0 : i32
        %parallel_loop3A_833 = arith.index_cast %parallel_loop3A_832 : i32 to index
        %parallel_loop3A_834 = arith.index_cast %parallel_loop3A_809 : i32 to index
        %parallel_loop3A_835 = arith.constant 0 : index
        %parallel_loop3A_836 = tpu.vector_load %arg12[%parallel_loop3A_833, %parallel_loop3A_834, %parallel_loop3A_835] {strides = array<i32>} : memref<3x80x16xf32, #tpu.memory_space<vmem>>, vector<1x1x16xf32>,
        %parallel_loop3A_837 = vector.shape_cast %parallel_loop3A_836 : vector<1x1x16xf32> to vector<16xf32>
        %parallel_loop3A_838 = vector.shape_cast %parallel_loop3A_831 : vector<16xf32> to vector<1x1x16xf32>
        tpu.vector_store %arg12[%parallel_loop3A_833, %parallel_loop3A_834, %parallel_loop3A_835], %parallel_loop3A_838 {strides = array<i32>} : memref<3x80x16xf32, #tpu.memory_space<vmem>>, vector<1x1x16xf32>,
        %parallel_loop3A_839 = arith.constant 0 : i32
        %parallel_loop3A_840 = arith.index_cast %parallel_loop3A_839 : i32 to index
        %parallel_loop3A_841 = arith.index_cast %parallel_loop3A_809 : i32 to index
        %parallel_loop3A_842 = arith.constant 0 : index
        %parallel_loop3A_843 = tpu.vector_load %arg14[%parallel_loop3A_840, %parallel_loop3A_841, %parallel_loop3A_842] {strides = array<i32>} : memref<3x80x128xf32, #tpu.memory_space<vmem>>, vector<1x1x16xf32>,
        %parallel_loop3A_844 = vector.shape_cast %parallel_loop3A_843 : vector<1x1x16xf32> to vector<16xf32>
        %parallel_loop3A_845 = arith.mulf %parallel_loop3A_844, %parallel_loop3A_831 : vector<16xf32>
        %parallel_loop3A_846 = arith.constant 0 : i32
        %parallel_loop3A_847 = arith.index_cast %parallel_loop3A_846 : i32 to index
        %parallel_loop3A_848 = arith.index_cast %parallel_loop3A_809 : i32 to index
        %parallel_loop3A_849 = arith.constant 0 : index
        %parallel_loop3A_850 = tpu.vector_load %arg14[%parallel_loop3A_847, %parallel_loop3A_848, %parallel_loop3A_849] {strides = array<i32>} : memref<3x80x128xf32, #tpu.memory_space<vmem>>, vector<1x1x16xf32>,
        %parallel_loop3A_851 = vector.shape_cast %parallel_loop3A_850 : vector<1x1x16xf32> to vector<16xf32>
        %parallel_loop3A_852 = vector.shape_cast %parallel_loop3A_845 : vector<16xf32> to vector<1x1x16xf32>
        tpu.vector_store %arg14[%parallel_loop3A_847, %parallel_loop3A_848, %parallel_loop3A_849], %parallel_loop3A_852 {strides = array<i32>} : memref<3x80x128xf32, #tpu.memory_space<vmem>>, vector<1x1x16xf32>,
        %parallel_loop3A_853 = arith.constant 0 : i32
        %parallel_loop3A_854 = arith.index_cast %parallel_loop3A_853 : i32 to index
        %parallel_loop3A_855 = arith.index_cast %parallel_loop3A_809 : i32 to index
        %parallel_loop3A_856 = arith.constant 16 : index
        %parallel_loop3A_857 = tpu.vector_load %arg14[%parallel_loop3A_854, %parallel_loop3A_855, %parallel_loop3A_856] {strides = array<i32>} : memref<3x80x128xf32, #tpu.memory_space<vmem>>, vector<1x1x16xf32>,
        %parallel_loop3A_858 = vector.shape_cast %parallel_loop3A_857 : vector<1x1x16xf32> to vector<16xf32>
        %parallel_loop3A_859 = arith.mulf %parallel_loop3A_858, %parallel_loop3A_831 : vector<16xf32>
        %parallel_loop3A_860 = arith.constant 0 : i32
        %parallel_loop3A_861 = arith.index_cast %parallel_loop3A_860 : i32 to index
        %parallel_loop3A_862 = arith.index_cast %parallel_loop3A_809 : i32 to index
        %parallel_loop3A_863 = arith.constant 16 : index
        %parallel_loop3A_864 = tpu.vector_load %arg14[%parallel_loop3A_861, %parallel_loop3A_862, %parallel_loop3A_863] {strides = array<i32>} : memref<3x80x128xf32, #tpu.memory_space<vmem>>, vector<1x1x16xf32>,
        %parallel_loop3A_865 = vector.shape_cast %parallel_loop3A_864 : vector<1x1x16xf32> to vector<16xf32>
        %parallel_loop3A_866 = vector.shape_cast %parallel_loop3A_859 : vector<16xf32> to vector<1x1x16xf32>
        tpu.vector_store %arg14[%parallel_loop3A_861, %parallel_loop3A_862, %parallel_loop3A_863], %parallel_loop3A_866 {strides = array<i32>} : memref<3x80x128xf32, #tpu.memory_space<vmem>>, vector<1x1x16xf32>,
        %parallel_loop3A_867 = arith.constant 0 : i32
        %parallel_loop3A_868 = arith.index_cast %parallel_loop3A_867 : i32 to index
        %parallel_loop3A_869 = arith.index_cast %parallel_loop3A_809 : i32 to index
        %parallel_loop3A_870 = arith.constant 32 : index
        %parallel_loop3A_871 = tpu.vector_load %arg14[%parallel_loop3A_868, %parallel_loop3A_869, %parallel_loop3A_870] {strides = array<i32>} : memref<3x80x128xf32, #tpu.memory_space<vmem>>, vector<1x1x16xf32>,
        %parallel_loop3A_872 = vector.shape_cast %parallel_loop3A_871 : vector<1x1x16xf32> to vector<16xf32>
        %parallel_loop3A_873 = arith.mulf %parallel_loop3A_872, %parallel_loop3A_831 : vector<16xf32>
        %parallel_loop3A_874 = arith.constant 0 : i32
        %parallel_loop3A_875 = arith.index_cast %parallel_loop3A_874 : i32 to index
        %parallel_loop3A_876 = arith.index_cast %parallel_loop3A_809 : i32 to index
        %parallel_loop3A_877 = arith.constant 32 : index
        %parallel_loop3A_878 = tpu.vector_load %arg14[%parallel_loop3A_875, %parallel_loop3A_876, %parallel_loop3A_877] {strides = array<i32>} : memref<3x80x128xf32, #tpu.memory_space<vmem>>, vector<1x1x16xf32>,
        %parallel_loop3A_879 = vector.shape_cast %parallel_loop3A_878 : vector<1x1x16xf32> to vector<16xf32>
        %parallel_loop3A_880 = vector.shape_cast %parallel_loop3A_873 : vector<16xf32> to vector<1x1x16xf32>
        tpu.vector_store %arg14[%parallel_loop3A_875, %parallel_loop3A_876, %parallel_loop3A_877], %parallel_loop3A_880 {strides = array<i32>} : memref<3x80x128xf32, #tpu.memory_space<vmem>>, vector<1x1x16xf32>,
        %parallel_loop3A_881 = arith.constant 0 : i32
        %parallel_loop3A_882 = arith.index_cast %parallel_loop3A_881 : i32 to index
        %parallel_loop3A_883 = arith.index_cast %parallel_loop3A_809 : i32 to index
        %parallel_loop3A_884 = arith.constant 48 : index
        %parallel_loop3A_885 = tpu.vector_load %arg14[%parallel_loop3A_882, %parallel_loop3A_883, %parallel_loop3A_884] {strides = array<i32>} : memref<3x80x128xf32, #tpu.memory_space<vmem>>, vector<1x1x16xf32>,
        %parallel_loop3A_886 = vector.shape_cast %parallel_loop3A_885 : vector<1x1x16xf32> to vector<16xf32>
        %parallel_loop3A_887 = arith.mulf %parallel_loop3A_886, %parallel_loop3A_831 : vector<16xf32>
        %parallel_loop3A_888 = arith.constant 0 : i32
        %parallel_loop3A_889 = arith.index_cast %parallel_loop3A_888 : i32 to index
        %parallel_loop3A_890 = arith.index_cast %parallel_loop3A_809 : i32 to index
        %parallel_loop3A_891 = arith.constant 48 : index
        %parallel_loop3A_892 = tpu.vector_load %arg14[%parallel_loop3A_889, %parallel_loop3A_890, %parallel_loop3A_891] {strides = array<i32>} : memref<3x80x128xf32, #tpu.memory_space<vmem>>, vector<1x1x16xf32>,
        %parallel_loop3A_893 = vector.shape_cast %parallel_loop3A_892 : vector<1x1x16xf32> to vector<16xf32>
        %parallel_loop3A_894 = vector.shape_cast %parallel_loop3A_887 : vector<16xf32> to vector<1x1x16xf32>
        tpu.vector_store %arg14[%parallel_loop3A_889, %parallel_loop3A_890, %parallel_loop3A_891], %parallel_loop3A_894 {strides = array<i32>} : memref<3x80x128xf32, #tpu.memory_space<vmem>>, vector<1x1x16xf32>,
        %parallel_loop3A_895 = arith.constant 0 : i32
        %parallel_loop3A_896 = arith.index_cast %parallel_loop3A_895 : i32 to index
        %parallel_loop3A_897 = arith.index_cast %parallel_loop3A_809 : i32 to index
        %parallel_loop3A_898 = arith.constant 64 : index
        %parallel_loop3A_899 = tpu.vector_load %arg14[%parallel_loop3A_896, %parallel_loop3A_897, %parallel_loop3A_898] {strides = array<i32>} : memref<3x80x128xf32, #tpu.memory_space<vmem>>, vector<1x1x16xf32>,
        %parallel_loop3A_900 = vector.shape_cast %parallel_loop3A_899 : vector<1x1x16xf32> to vector<16xf32>
        %parallel_loop3A_901 = arith.mulf %parallel_loop3A_900, %parallel_loop3A_831 : vector<16xf32>
        %parallel_loop3A_902 = arith.constant 0 : i32
        %parallel_loop3A_903 = arith.index_cast %parallel_loop3A_902 : i32 to index
        %parallel_loop3A_904 = arith.index_cast %parallel_loop3A_809 : i32 to index
        %parallel_loop3A_905 = arith.constant 64 : index
        %parallel_loop3A_906 = tpu.vector_load %arg14[%parallel_loop3A_903, %parallel_loop3A_904, %parallel_loop3A_905] {strides = array<i32>} : memref<3x80x128xf32, #tpu.memory_space<vmem>>, vector<1x1x16xf32>,
        %parallel_loop3A_907 = vector.shape_cast %parallel_loop3A_906 : vector<1x1x16xf32> to vector<16xf32>
        %parallel_loop3A_908 = vector.shape_cast %parallel_loop3A_901 : vector<16xf32> to vector<1x1x16xf32>
        tpu.vector_store %arg14[%parallel_loop3A_903, %parallel_loop3A_904, %parallel_loop3A_905], %parallel_loop3A_908 {strides = array<i32>} : memref<3x80x128xf32, #tpu.memory_space<vmem>>, vector<1x1x16xf32>,
        %parallel_loop3A_909 = arith.constant 0 : i32
        %parallel_loop3A_910 = arith.index_cast %parallel_loop3A_909 : i32 to index
        %parallel_loop3A_911 = arith.index_cast %parallel_loop3A_809 : i32 to index
        %parallel_loop3A_912 = arith.constant 80 : index
        %parallel_loop3A_913 = tpu.vector_load %arg14[%parallel_loop3A_910, %parallel_loop3A_911, %parallel_loop3A_912] {strides = array<i32>} : memref<3x80x128xf32, #tpu.memory_space<vmem>>, vector<1x1x16xf32>,
        %parallel_loop3A_914 = vector.shape_cast %parallel_loop3A_913 : vector<1x1x16xf32> to vector<16xf32>
        %parallel_loop3A_915 = arith.mulf %parallel_loop3A_914, %parallel_loop3A_831 : vector<16xf32>
        %parallel_loop3A_916 = arith.constant 0 : i32
        %parallel_loop3A_917 = arith.index_cast %parallel_loop3A_916 : i32 to index
        %parallel_loop3A_918 = arith.index_cast %parallel_loop3A_809 : i32 to index
        %parallel_loop3A_919 = arith.constant 80 : index
        %parallel_loop3A_920 = tpu.vector_load %arg14[%parallel_loop3A_917, %parallel_loop3A_918, %parallel_loop3A_919] {strides = array<i32>} : memref<3x80x128xf32, #tpu.memory_space<vmem>>, vector<1x1x16xf32>,
        %parallel_loop3A_921 = vector.shape_cast %parallel_loop3A_920 : vector<1x1x16xf32> to vector<16xf32>
        %parallel_loop3A_922 = vector.shape_cast %parallel_loop3A_915 : vector<16xf32> to vector<1x1x16xf32>
        tpu.vector_store %arg14[%parallel_loop3A_917, %parallel_loop3A_918, %parallel_loop3A_919], %parallel_loop3A_922 {strides = array<i32>} : memref<3x80x128xf32, #tpu.memory_space<vmem>>, vector<1x1x16xf32>,
        %parallel_loop3A_923 = arith.constant 0 : i32
        %parallel_loop3A_924 = arith.index_cast %parallel_loop3A_923 : i32 to index
        %parallel_loop3A_925 = arith.index_cast %parallel_loop3A_809 : i32 to index
        %parallel_loop3A_926 = arith.constant 96 : index
        %parallel_loop3A_927 = tpu.vector_load %arg14[%parallel_loop3A_924, %parallel_loop3A_925, %parallel_loop3A_926] {strides = array<i32>} : memref<3x80x128xf32, #tpu.memory_space<vmem>>, vector<1x1x16xf32>,
        %parallel_loop3A_928 = vector.shape_cast %parallel_loop3A_927 : vector<1x1x16xf32> to vector<16xf32>
        %parallel_loop3A_929 = arith.mulf %parallel_loop3A_928, %parallel_loop3A_831 : vector<16xf32>
        %parallel_loop3A_930 = arith.constant 0 : i32
        %parallel_loop3A_931 = arith.index_cast %parallel_loop3A_930 : i32 to index
        %parallel_loop3A_932 = arith.index_cast %parallel_loop3A_809 : i32 to index
        %parallel_loop3A_933 = arith.constant 96 : index
        %parallel_loop3A_934 = tpu.vector_load %arg14[%parallel_loop3A_931, %parallel_loop3A_932, %parallel_loop3A_933] {strides = array<i32>} : memref<3x80x128xf32, #tpu.memory_space<vmem>>, vector<1x1x16xf32>,
        %parallel_loop3A_935 = vector.shape_cast %parallel_loop3A_934 : vector<1x1x16xf32> to vector<16xf32>
        %parallel_loop3A_936 = vector.shape_cast %parallel_loop3A_929 : vector<16xf32> to vector<1x1x16xf32>
        tpu.vector_store %arg14[%parallel_loop3A_931, %parallel_loop3A_932, %parallel_loop3A_933], %parallel_loop3A_936 {strides = array<i32>} : memref<3x80x128xf32, #tpu.memory_space<vmem>>, vector<1x1x16xf32>,
        %parallel_loop3A_937 = arith.constant 0 : i32
        %parallel_loop3A_938 = arith.index_cast %parallel_loop3A_937 : i32 to index
        %parallel_loop3A_939 = arith.index_cast %parallel_loop3A_809 : i32 to index
        %parallel_loop3A_940 = arith.constant 112 : index
        %parallel_loop3A_941 = tpu.vector_load %arg14[%parallel_loop3A_938, %parallel_loop3A_939, %parallel_loop3A_940] {strides = array<i32>} : memref<3x80x128xf32, #tpu.memory_space<vmem>>, vector<1x1x16xf32>,
        %parallel_loop3A_942 = vector.shape_cast %parallel_loop3A_941 : vector<1x1x16xf32> to vector<16xf32>
        %parallel_loop3A_943 = arith.mulf %parallel_loop3A_942, %parallel_loop3A_831 : vector<16xf32>
        %parallel_loop3A_944 = arith.constant 0 : i32
        %parallel_loop3A_945 = arith.index_cast %parallel_loop3A_944 : i32 to index
        %parallel_loop3A_946 = arith.index_cast %parallel_loop3A_809 : i32 to index
        %parallel_loop3A_947 = arith.constant 112 : index
        %parallel_loop3A_948 = tpu.vector_load %arg14[%parallel_loop3A_945, %parallel_loop3A_946, %parallel_loop3A_947] {strides = array<i32>} : memref<3x80x128xf32, #tpu.memory_space<vmem>>, vector<1x1x16xf32>,
        %parallel_loop3A_949 = vector.shape_cast %parallel_loop3A_948 : vector<1x1x16xf32> to vector<16xf32>
        %parallel_loop3A_950 = vector.shape_cast %parallel_loop3A_943 : vector<16xf32> to vector<1x1x16xf32>
        tpu.vector_store %arg14[%parallel_loop3A_945, %parallel_loop3A_946, %parallel_loop3A_947], %parallel_loop3A_950 {strides = array<i32>} : memref<3x80x128xf32, #tpu.memory_space<vmem>>, vector<1x1x16xf32>,
      } {sc.loop_unroll_factor = 8 : i64, sc.parallel_access}
      %dma_start3A_564 = arith.constant 0 : i32
      %dma_start3A_565 = arith.constant 0 : i32
      %dma_start3A_566 = arith.constant 1 : i32
      %dma_start3A_567 = arith.constant 0 : i32
      %dma_start3A_568 = arith.constant 0 : i32
      %dma_start3A_569 = arith.constant 0 : i32
      %dma_start3A_570 = tpu.memref_slice %arg12[%dma_start3A_564, %dma_start3A_568, %dma_start3A_569] : memref<3x80x16xf32, #tpu.memory_space<vmem>> -> memref<1x80x16xf32, #tpu.memory_space<vmem>>
      %dma_start3A_571 = tpu.memref_squeeze %dma_start3A_570 : memref<1x80x16xf32, #tpu.memory_space<vmem>> -> memref<80x16xf32, #tpu.memory_space<vmem>>
      %dma_start3A_572 = arith.constant 0 : i32
      %dma_start3A_573 = tpu.memref_slice %arg11[%dma_start3A_565, %dma_start3A_566, %dma_start3A_572] : memref<3x2x80xi32, #tpu.memory_space<vmem>> -> memref<1x1x80xi32, #tpu.memory_space<vmem>>
      %dma_start3A_574 = tpu.memref_squeeze %dma_start3A_573 : memref<1x1x80xi32, #tpu.memory_space<vmem>> -> memref<80xi32, #tpu.memory_space<vmem>>
      %dma_start3A_575 = arith.constant 0 : i32
      %dma_start3A_576 = arith.constant 0 : i32
      %dma_start3A_577 = tpu.memref_slice %arg10[%dma_start3A_575, %dma_start3A_576] : memref<10000x16xf32, #tpu.memory_space<vmem_shared>> -> memref<10000x16xf32, #tpu.memory_space<vmem_shared>>
      %dma_start3A_578 = tpu.memref_slice %arg20[%dma_start3A_567] : memref<3x!tpu.dma_semaphore, #tpu.memory_space<semaphore_mem>> -> memref<1x!tpu.dma_semaphore, #tpu.memory_space<semaphore_mem>>
      %dma_start3A_579 = tpu.memref_squeeze %dma_start3A_578 : memref<1x!tpu.dma_semaphore, #tpu.memory_space<semaphore_mem>> -> memref<!tpu.dma_semaphore, #tpu.memory_space<semaphore_mem>>
      tpu.enqueue_indirect_dma source(%dma_start3A_571 : memref<80x16xf32, #tpu.memory_space<vmem>>) target(%dma_start3A_577 : memref<10000x16xf32, #tpu.memory_space<vmem_shared>>) offsets(%dma_start3A_574 : memref<80xi32, #tpu.memory_space<vmem>>) semaphore(%dma_start3A_579 : memref<!tpu.dma_semaphore, #tpu.memory_space<semaphore_mem>>) {add = true}
      %dma_start3A_580 = arith.constant 0 : i32
      %dma_start3A_581 = arith.constant 0 : i32
      %dma_start3A_582 = arith.constant 1 : i32
      %dma_start3A_583 = arith.constant 0 : i32
      %dma_start3A_584 = arith.constant 0 : i32
      %dma_start3A_585 = arith.constant 0 : i32
      %dma_start3A_586 = tpu.memref_slice %arg14[%dma_start3A_580, %dma_start3A_584, %dma_start3A_585] : memref<3x80x128xf32, #tpu.memory_space<vmem>> -> memref<1x80x128xf32, #tpu.memory_space<vmem>>
      %dma_start3A_587 = tpu.memref_squeeze %dma_start3A_586 : memref<1x80x128xf32, #tpu.memory_space<vmem>> -> memref<80x128xf32, #tpu.memory_space<vmem>>
      %dma_start3A_588 = arith.constant 0 : i32
      %dma_start3A_589 = tpu.memref_slice %arg11[%dma_start3A_581, %dma_start3A_582, %dma_start3A_588] : memref<3x2x80xi32, #tpu.memory_space<vmem>> -> memref<1x1x80xi32, #tpu.memory_space<vmem>>
      %dma_start3A_590 = tpu.memref_squeeze %dma_start3A_589 : memref<1x1x80xi32, #tpu.memory_space<vmem>> -> memref<80xi32, #tpu.memory_space<vmem>>
      %dma_start3A_591 = arith.constant 0 : i32
      %dma_start3A_592 = arith.constant 0 : i32
      %dma_start3A_593 = tpu.memref_slice %arg9[%dma_start3A_591, %dma_start3A_592] : memref<10000x128xf32, #tpu.memory_space<vmem_shared>> -> memref<10000x128xf32, #tpu.memory_space<vmem_shared>>
      %dma_start3A_594 = tpu.memref_slice %arg21[%dma_start3A_583] : memref<3x!tpu.dma_semaphore, #tpu.memory_space<semaphore_mem>> -> memref<1x!tpu.dma_semaphore, #tpu.memory_space<semaphore_mem>>
      %dma_start3A_595 = tpu.memref_squeeze %dma_start3A_594 : memref<1x!tpu.dma_semaphore, #tpu.memory_space<semaphore_mem>> -> memref<!tpu.dma_semaphore, #tpu.memory_space<semaphore_mem>>
      tpu.enqueue_indirect_dma source(%dma_start3A_587 : memref<80x128xf32, #tpu.memory_space<vmem>>) target(%dma_start3A_593 : memref<10000x128xf32, #tpu.memory_space<vmem_shared>>) offsets(%dma_start3A_590 : memref<80xi32, #tpu.memory_space<vmem>>) semaphore(%dma_start3A_595 : memref<!tpu.dma_semaphore, #tpu.memory_space<semaphore_mem>>) {add = true}
      %mul3A_596 = arith.constant 3 : i32
      %mul3A_597 = arith.muli %mul3A_596, %scan3A_489 : i32
      %add3A_598 = arith.constant 1 : i32
      %add3A_599 = arith.addi %mul3A_597, %add3A_598 : i32
      %gt3A_600 = arith.constant 0 : i32
      %gt3A_601 = arith.cmpi sgt, %add3A_599, %gt3A_600 : i32
      %convert_element_type3A_602 = arith.extui %gt3A_601 : i1 to i32
      %cond3A_603 = arith.constant 0 : i32
      %cond3A_604 = arith.cmpi ne, %convert_element_type3A_602, %cond3A_603 : i32
      scf.if %cond3A_604 {
        %dma_wait3A_809 = arith.constant 0 : i32
        %dma_wait3A_810 = arith.constant 0 : i32
        %dma_wait3A_811 = arith.constant 1 : i32
        %dma_wait3A_812 = arith.constant 0 : i32
        %dma_wait3A_813 = arith.constant 0 : i32
        %dma_wait3A_814 = arith.constant 0 : i32
        %dma_wait3A_815 = tpu.memref_slice %arg12[%dma_wait3A_809, %dma_wait3A_813, %dma_wait3A_814] : memref<3x80x16xf32, #tpu.memory_space<vmem>> -> memref<1x80x16xf32, #tpu.memory_space<vmem>>
        %dma_wait3A_816 = tpu.memref_squeeze %dma_wait3A_815 : memref<1x80x16xf32, #tpu.memory_space<vmem>> -> memref<80x16xf32, #tpu.memory_space<vmem>>
        %dma_wait3A_817 = arith.constant 0 : i32
        %dma_wait3A_818 = tpu.memref_slice %arg11[%dma_wait3A_810, %dma_wait3A_811, %dma_wait3A_817] : memref<3x2x80xi32, #tpu.memory_space<vmem>> -> memref<1x1x80xi32, #tpu.memory_space<vmem>>
        %dma_wait3A_819 = tpu.memref_squeeze %dma_wait3A_818 : memref<1x1x80xi32, #tpu.memory_space<vmem>> -> memref<80xi32, #tpu.memory_space<vmem>>
        %dma_wait3A_820 = arith.constant 0 : i32
        %dma_wait3A_821 = arith.constant 0 : i32
        %dma_wait3A_822 = tpu.memref_slice %arg10[%dma_wait3A_820, %dma_wait3A_821] : memref<10000x16xf32, #tpu.memory_space<vmem_shared>> -> memref<10000x16xf32, #tpu.memory_space<vmem_shared>>
        %dma_wait3A_823 = tpu.memref_slice %arg20[%dma_wait3A_812] : memref<3x!tpu.dma_semaphore, #tpu.memory_space<semaphore_mem>> -> memref<1x!tpu.dma_semaphore, #tpu.memory_space<semaphore_mem>>
        %dma_wait3A_824 = tpu.memref_squeeze %dma_wait3A_823 : memref<1x!tpu.dma_semaphore, #tpu.memory_space<semaphore_mem>> -> memref<!tpu.dma_semaphore, #tpu.memory_space<semaphore_mem>>
        tpu.wait_indirect_dma semaphore(%dma_wait3A_824 : memref<!tpu.dma_semaphore, #tpu.memory_space<semaphore_mem>>) src(%dma_wait3A_816 : memref<80x16xf32, #tpu.memory_space<vmem>>) dst(%dma_wait3A_822 : memref<10000x16xf32, #tpu.memory_space<vmem_shared>>)
        %dma_wait3A_825 = arith.constant 0 : i32
        %dma_wait3A_826 = arith.constant 0 : i32
        %dma_wait3A_827 = arith.constant 1 : i32
        %dma_wait3A_828 = arith.constant 0 : i32
        %dma_wait3A_829 = arith.constant 0 : i32
        %dma_wait3A_830 = arith.constant 0 : i32
        %dma_wait3A_831 = tpu.memref_slice %arg14[%dma_wait3A_825, %dma_wait3A_829, %dma_wait3A_830] : memref<3x80x128xf32, #tpu.memory_space<vmem>> -> memref<1x80x128xf32, #tpu.memory_space<vmem>>
        %dma_wait3A_832 = tpu.memref_squeeze %dma_wait3A_831 : memref<1x80x128xf32, #tpu.memory_space<vmem>> -> memref<80x128xf32, #tpu.memory_space<vmem>>
        %dma_wait3A_833 = arith.constant 0 : i32
        %dma_wait3A_834 = tpu.memref_slice %arg11[%dma_wait3A_826, %dma_wait3A_827, %dma_wait3A_833] : memref<3x2x80xi32, #tpu.memory_space<vmem>> -> memref<1x1x80xi32, #tpu.memory_space<vmem>>
        %dma_wait3A_835 = tpu.memref_squeeze %dma_wait3A_834 : memref<1x1x80xi32, #tpu.memory_space<vmem>> -> memref<80xi32, #tpu.memory_space<vmem>>
        %dma_wait3A_836 = arith.constant 0 : i32
        %dma_wait3A_837 = arith.constant 0 : i32
        %dma_wait3A_838 = tpu.memref_slice %arg9[%dma_wait3A_836, %dma_wait3A_837] : memref<10000x128xf32, #tpu.memory_space<vmem_shared>> -> memref<10000x128xf32, #tpu.memory_space<vmem_shared>>
        %dma_wait3A_839 = tpu.memref_slice %arg21[%dma_wait3A_828] : memref<3x!tpu.dma_semaphore, #tpu.memory_space<semaphore_mem>> -> memref<1x!tpu.dma_semaphore, #tpu.memory_space<semaphore_mem>>
        %dma_wait3A_840 = tpu.memref_squeeze %dma_wait3A_839 : memref<1x!tpu.dma_semaphore, #tpu.memory_space<semaphore_mem>> -> memref<!tpu.dma_semaphore, #tpu.memory_space<semaphore_mem>>
        tpu.wait_indirect_dma semaphore(%dma_wait3A_840 : memref<!tpu.dma_semaphore, #tpu.memory_space<semaphore_mem>>) src(%dma_wait3A_832 : memref<80x128xf32, #tpu.memory_space<vmem>>) dst(%dma_wait3A_838 : memref<10000x128xf32, #tpu.memory_space<vmem_shared>>)
      } else {
      }
      %add3A_605 = arith.constant 2 : i32
      %add3A_606 = arith.addi %add3A_599, %add3A_605 : i32
      %lt3A_607 = arith.constant 125 : i32
      %lt3A_608 = arith.cmpi slt, %add3A_606, %lt3A_607 : i32
      %convert_element_type3A_609 = arith.extui %lt3A_608 : i1 to i32
      %cond3A_610 = arith.constant 0 : i32
      %cond3A_611 = arith.cmpi ne, %convert_element_type3A_609, %cond3A_610 : i32
      scf.if %cond3A_611 {
        %add3A_809 = arith.constant 2 : i32
        %add3A_810 = arith.addi %add3A_599, %add3A_809 : i32
        %mul3A_811 = arith.constant 32 : i32
        %mul3A_812 = arith.muli %add3A_810, %mul3A_811 : i32
        %add3A_813 = arith.addi %mul3A_812, %add3A : i32
        %mul3A_814 = arith.constant 80 : i32
        %mul3A_815 = arith.muli %add3A_813, %mul3A_814 : i32
        %dma_start3A_816 = arith.constant 0 : i32
        %dma_start3A_817 = arith.constant 0 : i32
        %dma_start3A_818 = arith.constant 0 : i32
        %dma_start3A_819 = arith.constant 0 : i32
        %dma_start3A_820 = tpu.memref_slice %arg11[%dma_start3A_816, %dma_start3A_818, %dma_start3A_819] : memref<3x2x80xi32, #tpu.memory_space<vmem>> -> memref<1x2x80xi32, #tpu.memory_space<vmem>>
        %dma_start3A_821 = tpu.memref_squeeze %dma_start3A_820 : memref<1x2x80xi32, #tpu.memory_space<vmem>> -> memref<2x80xi32, #tpu.memory_space<vmem>>
        %dma_start3A_822 = arith.constant 0 : i32
        %dma_start3A_823 = tpu.memref_slice %arg6[%dma_start3A_822, %mul3A_815] : memref<2x320000xi32, #tpu.memory_space<hbm>> -> memref<2x80xi32, #tpu.memory_space<hbm>>
        %dma_start3A_824 = tpu.memref_slice %arg16[%dma_start3A_817] : memref<3x!tpu.dma_semaphore, #tpu.memory_space<semaphore_mem>> -> memref<1x!tpu.dma_semaphore, #tpu.memory_space<semaphore_mem>>
        %dma_start3A_825 = tpu.memref_squeeze %dma_start3A_824 : memref<1x!tpu.dma_semaphore, #tpu.memory_space<semaphore_mem>> -> memref<!tpu.dma_semaphore, #tpu.memory_space<semaphore_mem>>
        %dma_start3A_826 = arith.constant 0 : i32
        %dma_start3A_827 = arith.constant 0 : i32
        %dma_start3A_828 = tpu.memref_slice %arg11[%dma_start3A_816, %dma_start3A_826, %dma_start3A_827] : memref<3x2x80xi32, #tpu.memory_space<vmem>> -> memref<1x2x80xi32, #tpu.memory_space<vmem>>
        %dma_start3A_829 = tpu.memref_squeeze %dma_start3A_828 : memref<1x2x80xi32, #tpu.memory_space<vmem>> -> memref<2x80xi32, #tpu.memory_space<vmem>>
        %dma_start3A_830 = arith.constant 0 : i32
        %dma_start3A_831 = tpu.memref_slice %arg6[%dma_start3A_830, %mul3A_815] : memref<2x320000xi32, #tpu.memory_space<hbm>> -> memref<2x80xi32, #tpu.memory_space<hbm>>
        tpu.enqueue_dma source(%dma_start3A_831 : memref<2x80xi32, #tpu.memory_space<hbm>>) target(%dma_start3A_829 : memref<2x80xi32, #tpu.memory_space<vmem>>) target_semaphore(%dma_start3A_825 : memref<!tpu.dma_semaphore, #tpu.memory_space<semaphore_mem>>)
      } else {
      }
      %add3A_612 = arith.constant 1 : i32
      %add3A_613 = arith.addi %add3A_599, %add3A_612 : i32
      %lt3A_614 = arith.constant 125 : i32
      %lt3A_615 = arith.cmpi slt, %add3A_613, %lt3A_614 : i32
      %convert_element_type3A_616 = arith.extui %lt3A_615 : i1 to i32
      %cond3A_617 = arith.constant 0 : i32
      %cond3A_618 = arith.cmpi ne, %convert_element_type3A_616, %cond3A_617 : i32
      scf.if %cond3A_618 {
        %add3A_809 = arith.constant 1 : i32
        %add3A_810 = arith.addi %add3A_599, %add3A_809 : i32
        %mul3A_811 = arith.constant 32 : i32
        %mul3A_812 = arith.muli %add3A_810, %mul3A_811 : i32
        %add3A_813 = arith.addi %mul3A_812, %add3A : i32
        %mul3A_814 = arith.constant 80 : i32
        %mul3A_815 = arith.muli %add3A_813, %mul3A_814 : i32
        %dma_wait3A_816 = arith.constant 2 : i32
        %dma_wait3A_817 = arith.constant 2 : i32
        %dma_wait3A_818 = arith.constant 0 : i32
        %dma_wait3A_819 = arith.constant 0 : i32
        %dma_wait3A_820 = tpu.memref_slice %arg11[%dma_wait3A_816, %dma_wait3A_818, %dma_wait3A_819] : memref<3x2x80xi32, #tpu.memory_space<vmem>> -> memref<1x2x80xi32, #tpu.memory_space<vmem>>
        %dma_wait3A_821 = tpu.memref_squeeze %dma_wait3A_820 : memref<1x2x80xi32, #tpu.memory_space<vmem>> -> memref<2x80xi32, #tpu.memory_space<vmem>>
        %dma_wait3A_822 = arith.constant 0 : i32
        %dma_wait3A_823 = tpu.memref_slice %arg6[%dma_wait3A_822, %mul3A_815] : memref<2x320000xi32, #tpu.memory_space<hbm>> -> memref<2x80xi32, #tpu.memory_space<hbm>>
        %dma_wait3A_824 = tpu.memref_slice %arg16[%dma_wait3A_817] : memref<3x!tpu.dma_semaphore, #tpu.memory_space<semaphore_mem>> -> memref<1x!tpu.dma_semaphore, #tpu.memory_space<semaphore_mem>>
        %dma_wait3A_825 = tpu.memref_squeeze %dma_wait3A_824 : memref<1x!tpu.dma_semaphore, #tpu.memory_space<semaphore_mem>> -> memref<!tpu.dma_semaphore, #tpu.memory_space<semaphore_mem>>
        %dma_wait3A_826 = arith.constant 0 : i32
        %dma_wait3A_827 = arith.constant 0 : i32
        %dma_wait3A_828 = tpu.memref_slice %arg11[%dma_wait3A_816, %dma_wait3A_826, %dma_wait3A_827] : memref<3x2x80xi32, #tpu.memory_space<vmem>> -> memref<1x2x80xi32, #tpu.memory_space<vmem>>
        %dma_wait3A_829 = tpu.memref_squeeze %dma_wait3A_828 : memref<1x2x80xi32, #tpu.memory_space<vmem>> -> memref<2x80xi32, #tpu.memory_space<vmem>>
        %dma_wait3A_830 = arith.constant 0 : i32
        %dma_wait3A_831 = tpu.memref_slice %arg6[%dma_wait3A_830, %mul3A_815] : memref<2x320000xi32, #tpu.memory_space<hbm>> -> memref<2x80xi32, #tpu.memory_space<hbm>>
        tpu.wait_dma2 semaphore(%dma_wait3A_825 : memref<!tpu.dma_semaphore, #tpu.memory_space<semaphore_mem>>) src(%dma_wait3A_831 : memref<2x80xi32, #tpu.memory_space<hbm>>) dst(%dma_wait3A_829 : memref<2x80xi32, #tpu.memory_space<vmem>>)
        %dma_start3A_832 = arith.constant 2 : i32
        %dma_start3A_833 = arith.constant 0 : i32
        %dma_start3A_834 = arith.constant 2 : i32
        %dma_start3A_835 = arith.constant 2 : i32
        %dma_start3A_836 = arith.constant 0 : i32
        %dma_start3A_837 = arith.constant 0 : i32
        %dma_start3A_838 = tpu.memref_slice %arg14[%dma_start3A_834, %dma_start3A_836, %dma_start3A_837] : memref<3x80x128xf32, #tpu.memory_space<vmem>> -> memref<1x80x128xf32, #tpu.memory_space<vmem>>
        %dma_start3A_839 = tpu.memref_squeeze %dma_start3A_838 : memref<1x80x128xf32, #tpu.memory_space<vmem>> -> memref<80x128xf32, #tpu.memory_space<vmem>>
        %dma_start3A_840 = arith.constant 0 : i32
        %dma_start3A_841 = tpu.memref_slice %arg11[%dma_start3A_832, %dma_start3A_833, %dma_start3A_840] : memref<3x2x80xi32, #tpu.memory_space<vmem>> -> memref<1x1x80xi32, #tpu.memory_space<vmem>>
        %dma_start3A_842 = tpu.memref_squeeze %dma_start3A_841 : memref<1x1x80xi32, #tpu.memory_space<vmem>> -> memref<80xi32, #tpu.memory_space<vmem>>
        %dma_start3A_843 = arith.constant 0 : i32
        %dma_start3A_844 = arith.constant 0 : i32
        %dma_start3A_845 = tpu.memref_slice %arg2[%dma_start3A_843, %dma_start3A_844] : memref<10000x128xf32, #tpu.memory_space<hbm>> -> memref<10000x128xf32, #tpu.memory_space<hbm>>
        %dma_start3A_846 = tpu.memref_slice %arg19[%dma_start3A_835] : memref<3x!tpu.dma_semaphore, #tpu.memory_space<semaphore_mem>> -> memref<1x!tpu.dma_semaphore, #tpu.memory_space<semaphore_mem>>
        %dma_start3A_847 = tpu.memref_squeeze %dma_start3A_846 : memref<1x!tpu.dma_semaphore, #tpu.memory_space<semaphore_mem>> -> memref<!tpu.dma_semaphore, #tpu.memory_space<semaphore_mem>>
        tpu.enqueue_indirect_dma source(%dma_start3A_845 : memref<10000x128xf32, #tpu.memory_space<hbm>>) target(%dma_start3A_839 : memref<80x128xf32, #tpu.memory_space<vmem>>) offsets(%dma_start3A_842 : memref<80xi32, #tpu.memory_space<vmem>>) semaphore(%dma_start3A_847 : memref<!tpu.dma_semaphore, #tpu.memory_space<semaphore_mem>>)
        %dma_start3A_848 = arith.constant 2 : i32
        %dma_start3A_849 = arith.constant 0 : i32
        %dma_start3A_850 = arith.constant 2 : i32
        %dma_start3A_851 = arith.constant 2 : i32
        %dma_start3A_852 = arith.constant 0 : i32
        %dma_start3A_853 = arith.constant 0 : i32
        %dma_start3A_854 = tpu.memref_slice %arg12[%dma_start3A_850, %dma_start3A_852, %dma_start3A_853] : memref<3x80x16xf32, #tpu.memory_space<vmem>> -> memref<1x80x16xf32, #tpu.memory_space<vmem>>
        %dma_start3A_855 = tpu.memref_squeeze %dma_start3A_854 : memref<1x80x16xf32, #tpu.memory_space<vmem>> -> memref<80x16xf32, #tpu.memory_space<vmem>>
        %dma_start3A_856 = arith.constant 0 : i32
        %dma_start3A_857 = tpu.memref_slice %arg11[%dma_start3A_848, %dma_start3A_849, %dma_start3A_856] : memref<3x2x80xi32, #tpu.memory_space<vmem>> -> memref<1x1x80xi32, #tpu.memory_space<vmem>>
        %dma_start3A_858 = tpu.memref_squeeze %dma_start3A_857 : memref<1x1x80xi32, #tpu.memory_space<vmem>> -> memref<80xi32, #tpu.memory_space<vmem>>
        %dma_start3A_859 = arith.constant 0 : i32
        %dma_start3A_860 = arith.constant 0 : i32
        %dma_start3A_861 = tpu.memref_slice %arg3[%dma_start3A_859, %dma_start3A_860] : memref<10000x16xf32, #tpu.memory_space<hbm>> -> memref<10000x16xf32, #tpu.memory_space<hbm>>
        %dma_start3A_862 = tpu.memref_slice %arg17[%dma_start3A_851] : memref<3x!tpu.dma_semaphore, #tpu.memory_space<semaphore_mem>> -> memref<1x!tpu.dma_semaphore, #tpu.memory_space<semaphore_mem>>
        %dma_start3A_863 = tpu.memref_squeeze %dma_start3A_862 : memref<1x!tpu.dma_semaphore, #tpu.memory_space<semaphore_mem>> -> memref<!tpu.dma_semaphore, #tpu.memory_space<semaphore_mem>>
        tpu.enqueue_indirect_dma source(%dma_start3A_861 : memref<10000x16xf32, #tpu.memory_space<hbm>>) target(%dma_start3A_855 : memref<80x16xf32, #tpu.memory_space<vmem>>) offsets(%dma_start3A_858 : memref<80xi32, #tpu.memory_space<vmem>>) semaphore(%dma_start3A_863 : memref<!tpu.dma_semaphore, #tpu.memory_space<semaphore_mem>>)
        %dma_start3A_864 = arith.constant 2 : i32
        %dma_start3A_865 = arith.constant 1 : i32
        %dma_start3A_866 = arith.constant 2 : i32
        %dma_start3A_867 = arith.constant 2 : i32
        %dma_start3A_868 = arith.constant 0 : i32
        %dma_start3A_869 = arith.constant 0 : i32
        %dma_start3A_870 = tpu.memref_slice %arg13[%dma_start3A_866, %dma_start3A_868, %dma_start3A_869] : memref<3x80x16xf32, #tpu.memory_space<vmem>> -> memref<1x80x16xf32, #tpu.memory_space<vmem>>
        %dma_start3A_871 = tpu.memref_squeeze %dma_start3A_870 : memref<1x80x16xf32, #tpu.memory_space<vmem>> -> memref<80x16xf32, #tpu.memory_space<vmem>>
        %dma_start3A_872 = arith.constant 0 : i32
        %dma_start3A_873 = tpu.memref_slice %arg11[%dma_start3A_864, %dma_start3A_865, %dma_start3A_872] : memref<3x2x80xi32, #tpu.memory_space<vmem>> -> memref<1x1x80xi32, #tpu.memory_space<vmem>>
        %dma_start3A_874 = tpu.memref_squeeze %dma_start3A_873 : memref<1x1x80xi32, #tpu.memory_space<vmem>> -> memref<80xi32, #tpu.memory_space<vmem>>
        %dma_start3A_875 = arith.constant 0 : i32
        %dma_start3A_876 = arith.constant 0 : i32
        %dma_start3A_877 = tpu.memref_slice %arg4[%dma_start3A_875, %dma_start3A_876] : memref<10000x16xf32, #tpu.memory_space<hbm>> -> memref<10000x16xf32, #tpu.memory_space<hbm>>
        %dma_start3A_878 = tpu.memref_slice %arg18[%dma_start3A_867] : memref<3x!tpu.dma_semaphore, #tpu.memory_space<semaphore_mem>> -> memref<1x!tpu.dma_semaphore, #tpu.memory_space<semaphore_mem>>
        %dma_start3A_879 = tpu.memref_squeeze %dma_start3A_878 : memref<1x!tpu.dma_semaphore, #tpu.memory_space<semaphore_mem>> -> memref<!tpu.dma_semaphore, #tpu.memory_space<semaphore_mem>>
        tpu.enqueue_indirect_dma source(%dma_start3A_877 : memref<10000x16xf32, #tpu.memory_space<hbm>>) target(%dma_start3A_871 : memref<80x16xf32, #tpu.memory_space<vmem>>) offsets(%dma_start3A_874 : memref<80xi32, #tpu.memory_space<vmem>>) semaphore(%dma_start3A_879 : memref<!tpu.dma_semaphore, #tpu.memory_space<semaphore_mem>>)
      } else {
      }
      %dma_wait3A_619 = arith.constant 1 : i32
      %dma_wait3A_620 = arith.constant 0 : i32
      %dma_wait3A_621 = arith.constant 1 : i32
      %dma_wait3A_622 = arith.constant 1 : i32
      %dma_wait3A_623 = arith.constant 0 : i32
      %dma_wait3A_624 = arith.constant 0 : i32
      %dma_wait3A_625 = tpu.memref_slice %arg14[%dma_wait3A_621, %dma_wait3A_623, %dma_wait3A_624] : memref<3x80x128xf32, #tpu.memory_space<vmem>> -> memref<1x80x128xf32, #tpu.memory_space<vmem>>
      %dma_wait3A_626 = tpu.memref_squeeze %dma_wait3A_625 : memref<1x80x128xf32, #tpu.memory_space<vmem>> -> memref<80x128xf32, #tpu.memory_space<vmem>>
      %dma_wait3A_627 = arith.constant 0 : i32
      %dma_wait3A_628 = tpu.memref_slice %arg11[%dma_wait3A_619, %dma_wait3A_620, %dma_wait3A_627] : memref<3x2x80xi32, #tpu.memory_space<vmem>> -> memref<1x1x80xi32, #tpu.memory_space<vmem>>
      %dma_wait3A_629 = tpu.memref_squeeze %dma_wait3A_628 : memref<1x1x80xi32, #tpu.memory_space<vmem>> -> memref<80xi32, #tpu.memory_space<vmem>>
      %dma_wait3A_630 = arith.constant 0 : i32
      %dma_wait3A_631 = arith.constant 0 : i32
      %dma_wait3A_632 = tpu.memref_slice %arg2[%dma_wait3A_630, %dma_wait3A_631] : memref<10000x128xf32, #tpu.memory_space<hbm>> -> memref<10000x128xf32, #tpu.memory_space<hbm>>
      %dma_wait3A_633 = tpu.memref_slice %arg19[%dma_wait3A_622] : memref<3x!tpu.dma_semaphore, #tpu.memory_space<semaphore_mem>> -> memref<1x!tpu.dma_semaphore, #tpu.memory_space<semaphore_mem>>
      %dma_wait3A_634 = tpu.memref_squeeze %dma_wait3A_633 : memref<1x!tpu.dma_semaphore, #tpu.memory_space<semaphore_mem>> -> memref<!tpu.dma_semaphore, #tpu.memory_space<semaphore_mem>>
      tpu.wait_indirect_dma semaphore(%dma_wait3A_634 : memref<!tpu.dma_semaphore, #tpu.memory_space<semaphore_mem>>) src(%dma_wait3A_632 : memref<10000x128xf32, #tpu.memory_space<hbm>>) dst(%dma_wait3A_626 : memref<80x128xf32, #tpu.memory_space<vmem>>)
      %dma_wait3A_635 = arith.constant 1 : i32
      %dma_wait3A_636 = arith.constant 0 : i32
      %dma_wait3A_637 = arith.constant 1 : i32
      %dma_wait3A_638 = arith.constant 1 : i32
      %dma_wait3A_639 = arith.constant 0 : i32
      %dma_wait3A_640 = arith.constant 0 : i32
      %dma_wait3A_641 = tpu.memref_slice %arg12[%dma_wait3A_637, %dma_wait3A_639, %dma_wait3A_640] : memref<3x80x16xf32, #tpu.memory_space<vmem>> -> memref<1x80x16xf32, #tpu.memory_space<vmem>>
      %dma_wait3A_642 = tpu.memref_squeeze %dma_wait3A_641 : memref<1x80x16xf32, #tpu.memory_space<vmem>> -> memref<80x16xf32, #tpu.memory_space<vmem>>
      %dma_wait3A_643 = arith.constant 0 : i32
      %dma_wait3A_644 = tpu.memref_slice %arg11[%dma_wait3A_635, %dma_wait3A_636, %dma_wait3A_643] : memref<3x2x80xi32, #tpu.memory_space<vmem>> -> memref<1x1x80xi32, #tpu.memory_space<vmem>>
      %dma_wait3A_645 = tpu.memref_squeeze %dma_wait3A_644 : memref<1x1x80xi32, #tpu.memory_space<vmem>> -> memref<80xi32, #tpu.memory_space<vmem>>
      %dma_wait3A_646 = arith.constant 0 : i32
      %dma_wait3A_647 = arith.constant 0 : i32
      %dma_wait3A_648 = tpu.memref_slice %arg3[%dma_wait3A_646, %dma_wait3A_647] : memref<10000x16xf32, #tpu.memory_space<hbm>> -> memref<10000x16xf32, #tpu.memory_space<hbm>>
      %dma_wait3A_649 = tpu.memref_slice %arg17[%dma_wait3A_638] : memref<3x!tpu.dma_semaphore, #tpu.memory_space<semaphore_mem>> -> memref<1x!tpu.dma_semaphore, #tpu.memory_space<semaphore_mem>>
      %dma_wait3A_650 = tpu.memref_squeeze %dma_wait3A_649 : memref<1x!tpu.dma_semaphore, #tpu.memory_space<semaphore_mem>> -> memref<!tpu.dma_semaphore, #tpu.memory_space<semaphore_mem>>
      tpu.wait_indirect_dma semaphore(%dma_wait3A_650 : memref<!tpu.dma_semaphore, #tpu.memory_space<semaphore_mem>>) src(%dma_wait3A_648 : memref<10000x16xf32, #tpu.memory_space<hbm>>) dst(%dma_wait3A_642 : memref<80x16xf32, #tpu.memory_space<vmem>>)
      %dma_wait3A_651 = arith.constant 1 : i32
      %dma_wait3A_652 = arith.constant 1 : i32
      %dma_wait3A_653 = arith.constant 1 : i32
      %dma_wait3A_654 = arith.constant 1 : i32
      %dma_wait3A_655 = arith.constant 0 : i32
      %dma_wait3A_656 = arith.constant 0 : i32
      %dma_wait3A_657 = tpu.memref_slice %arg13[%dma_wait3A_653, %dma_wait3A_655, %dma_wait3A_656] : memref<3x80x16xf32, #tpu.memory_space<vmem>> -> memref<1x80x16xf32, #tpu.memory_space<vmem>>
      %dma_wait3A_658 = tpu.memref_squeeze %dma_wait3A_657 : memref<1x80x16xf32, #tpu.memory_space<vmem>> -> memref<80x16xf32, #tpu.memory_space<vmem>>
      %dma_wait3A_659 = arith.constant 0 : i32
      %dma_wait3A_660 = tpu.memref_slice %arg11[%dma_wait3A_651, %dma_wait3A_652, %dma_wait3A_659] : memref<3x2x80xi32, #tpu.memory_space<vmem>> -> memref<1x1x80xi32, #tpu.memory_space<vmem>>
      %dma_wait3A_661 = tpu.memref_squeeze %dma_wait3A_660 : memref<1x1x80xi32, #tpu.memory_space<vmem>> -> memref<80xi32, #tpu.memory_space<vmem>>
      %dma_wait3A_662 = arith.constant 0 : i32
      %dma_wait3A_663 = arith.constant 0 : i32
      %dma_wait3A_664 = tpu.memref_slice %arg4[%dma_wait3A_662, %dma_wait3A_663] : memref<10000x16xf32, #tpu.memory_space<hbm>> -> memref<10000x16xf32, #tpu.memory_space<hbm>>
      %dma_wait3A_665 = tpu.memref_slice %arg18[%dma_wait3A_654] : memref<3x!tpu.dma_semaphore, #tpu.memory_space<semaphore_mem>> -> memref<1x!tpu.dma_semaphore, #tpu.memory_space<semaphore_mem>>
      %dma_wait3A_666 = tpu.memref_squeeze %dma_wait3A_665 : memref<1x!tpu.dma_semaphore, #tpu.memory_space<semaphore_mem>> -> memref<!tpu.dma_semaphore, #tpu.memory_space<semaphore_mem>>
      tpu.wait_indirect_dma semaphore(%dma_wait3A_666 : memref<!tpu.dma_semaphore, #tpu.memory_space<semaphore_mem>>) src(%dma_wait3A_664 : memref<10000x16xf32, #tpu.memory_space<hbm>>) dst(%dma_wait3A_658 : memref<80x16xf32, #tpu.memory_space<vmem>>)
      %parallel_loop3A_667 = arith.constant 0 : i32
      %parallel_loop3A_668 = arith.constant 80 : i32
      %parallel_loop3A_669 = arith.constant 1 : i32
      scf.for %parallel_loop3A_809 = %parallel_loop3A_667 to %parallel_loop3A_668 step %parallel_loop3A_669  : i32 {
        %parallel_loop3A_810 = arith.constant 1 : i32
        %parallel_loop3A_811 = arith.index_cast %parallel_loop3A_810 : i32 to index
        %parallel_loop3A_812 = arith.index_cast %parallel_loop3A_809 : i32 to index
        %parallel_loop3A_813 = arith.constant 0 : index
        %parallel_loop3A_814 = tpu.vector_load %arg12[%parallel_loop3A_811, %parallel_loop3A_812, %parallel_loop3A_813] {strides = array<i32>} : memref<3x80x16xf32, #tpu.memory_space<vmem>>, vector<1x1x16xf32>,
        %parallel_loop3A_815 = vector.shape_cast %parallel_loop3A_814 : vector<1x1x16xf32> to vector<16xf32>
        %parallel_loop3A_816 = arith.constant 1 : i32
        %parallel_loop3A_817 = arith.index_cast %parallel_loop3A_816 : i32 to index
        %parallel_loop3A_818 = arith.index_cast %parallel_loop3A_809 : i32 to index
        %parallel_loop3A_819 = arith.constant 0 : index
        %parallel_loop3A_820 = tpu.vector_load %arg13[%parallel_loop3A_817, %parallel_loop3A_818, %parallel_loop3A_819] {strides = array<i32>} : memref<3x80x16xf32, #tpu.memory_space<vmem>>, vector<1x1x16xf32>,
        %parallel_loop3A_821 = vector.shape_cast %parallel_loop3A_820 : vector<1x1x16xf32> to vector<16xf32>
        %parallel_loop3A_822 = arith.addf %parallel_loop3A_815, %parallel_loop3A_821 : vector<16xf32>
        %parallel_loop3A_823 = arith.constant 0.000000e+00 : f32
        %parallel_loop3A_824 = vector.broadcast %parallel_loop3A_823 : f32 to vector<16xf32>
        %parallel_loop3A_825 = arith.cmpf ogt, %parallel_loop3A_822, %parallel_loop3A_824 : vector<16xf32>
        %parallel_loop3A_826 = arith.constant 0.00999999977 : f32
        %parallel_loop3A_827 = vector.broadcast %parallel_loop3A_826 : f32 to vector<16xf32>
        %parallel_loop3A_828 = arith.mulf %parallel_loop3A_827, %parallel_loop3A_822 : vector<16xf32>
        %parallel_loop3A_829 = arith.select %parallel_loop3A_825, %parallel_loop3A_822, %parallel_loop3A_828 : vector<16xi1>, vector<16xf32>
        %parallel_loop3A_830 = arith.subf %parallel_loop3A_829, %get3A_38 : vector<16xf32>
        %parallel_loop3A_831 = math.exp %parallel_loop3A_830 : vector<16xf32>
        %parallel_loop3A_832 = arith.constant 1 : i32
        %parallel_loop3A_833 = arith.index_cast %parallel_loop3A_832 : i32 to index
        %parallel_loop3A_834 = arith.index_cast %parallel_loop3A_809 : i32 to index
        %parallel_loop3A_835 = arith.constant 0 : index
        %parallel_loop3A_836 = tpu.vector_load %arg12[%parallel_loop3A_833, %parallel_loop3A_834, %parallel_loop3A_835] {strides = array<i32>} : memref<3x80x16xf32, #tpu.memory_space<vmem>>, vector<1x1x16xf32>,
        %parallel_loop3A_837 = vector.shape_cast %parallel_loop3A_836 : vector<1x1x16xf32> to vector<16xf32>
        %parallel_loop3A_838 = vector.shape_cast %parallel_loop3A_831 : vector<16xf32> to vector<1x1x16xf32>
        tpu.vector_store %arg12[%parallel_loop3A_833, %parallel_loop3A_834, %parallel_loop3A_835], %parallel_loop3A_838 {strides = array<i32>} : memref<3x80x16xf32, #tpu.memory_space<vmem>>, vector<1x1x16xf32>,
        %parallel_loop3A_839 = arith.constant 1 : i32
        %parallel_loop3A_840 = arith.index_cast %parallel_loop3A_839 : i32 to index
        %parallel_loop3A_841 = arith.index_cast %parallel_loop3A_809 : i32 to index
        %parallel_loop3A_842 = arith.constant 0 : index
        %parallel_loop3A_843 = tpu.vector_load %arg14[%parallel_loop3A_840, %parallel_loop3A_841, %parallel_loop3A_842] {strides = array<i32>} : memref<3x80x128xf32, #tpu.memory_space<vmem>>, vector<1x1x16xf32>,
        %parallel_loop3A_844 = vector.shape_cast %parallel_loop3A_843 : vector<1x1x16xf32> to vector<16xf32>
        %parallel_loop3A_845 = arith.mulf %parallel_loop3A_844, %parallel_loop3A_831 : vector<16xf32>
        %parallel_loop3A_846 = arith.constant 1 : i32
        %parallel_loop3A_847 = arith.index_cast %parallel_loop3A_846 : i32 to index
        %parallel_loop3A_848 = arith.index_cast %parallel_loop3A_809 : i32 to index
        %parallel_loop3A_849 = arith.constant 0 : index
        %parallel_loop3A_850 = tpu.vector_load %arg14[%parallel_loop3A_847, %parallel_loop3A_848, %parallel_loop3A_849] {strides = array<i32>} : memref<3x80x128xf32, #tpu.memory_space<vmem>>, vector<1x1x16xf32>,
        %parallel_loop3A_851 = vector.shape_cast %parallel_loop3A_850 : vector<1x1x16xf32> to vector<16xf32>
        %parallel_loop3A_852 = vector.shape_cast %parallel_loop3A_845 : vector<16xf32> to vector<1x1x16xf32>
        tpu.vector_store %arg14[%parallel_loop3A_847, %parallel_loop3A_848, %parallel_loop3A_849], %parallel_loop3A_852 {strides = array<i32>} : memref<3x80x128xf32, #tpu.memory_space<vmem>>, vector<1x1x16xf32>,
        %parallel_loop3A_853 = arith.constant 1 : i32
        %parallel_loop3A_854 = arith.index_cast %parallel_loop3A_853 : i32 to index
        %parallel_loop3A_855 = arith.index_cast %parallel_loop3A_809 : i32 to index
        %parallel_loop3A_856 = arith.constant 16 : index
        %parallel_loop3A_857 = tpu.vector_load %arg14[%parallel_loop3A_854, %parallel_loop3A_855, %parallel_loop3A_856] {strides = array<i32>} : memref<3x80x128xf32, #tpu.memory_space<vmem>>, vector<1x1x16xf32>,
        %parallel_loop3A_858 = vector.shape_cast %parallel_loop3A_857 : vector<1x1x16xf32> to vector<16xf32>
        %parallel_loop3A_859 = arith.mulf %parallel_loop3A_858, %parallel_loop3A_831 : vector<16xf32>
        %parallel_loop3A_860 = arith.constant 1 : i32
        %parallel_loop3A_861 = arith.index_cast %parallel_loop3A_860 : i32 to index
        %parallel_loop3A_862 = arith.index_cast %parallel_loop3A_809 : i32 to index
        %parallel_loop3A_863 = arith.constant 16 : index
        %parallel_loop3A_864 = tpu.vector_load %arg14[%parallel_loop3A_861, %parallel_loop3A_862, %parallel_loop3A_863] {strides = array<i32>} : memref<3x80x128xf32, #tpu.memory_space<vmem>>, vector<1x1x16xf32>,
        %parallel_loop3A_865 = vector.shape_cast %parallel_loop3A_864 : vector<1x1x16xf32> to vector<16xf32>
        %parallel_loop3A_866 = vector.shape_cast %parallel_loop3A_859 : vector<16xf32> to vector<1x1x16xf32>
        tpu.vector_store %arg14[%parallel_loop3A_861, %parallel_loop3A_862, %parallel_loop3A_863], %parallel_loop3A_866 {strides = array<i32>} : memref<3x80x128xf32, #tpu.memory_space<vmem>>, vector<1x1x16xf32>,
        %parallel_loop3A_867 = arith.constant 1 : i32
        %parallel_loop3A_868 = arith.index_cast %parallel_loop3A_867 : i32 to index
        %parallel_loop3A_869 = arith.index_cast %parallel_loop3A_809 : i32 to index
        %parallel_loop3A_870 = arith.constant 32 : index
        %parallel_loop3A_871 = tpu.vector_load %arg14[%parallel_loop3A_868, %parallel_loop3A_869, %parallel_loop3A_870] {strides = array<i32>} : memref<3x80x128xf32, #tpu.memory_space<vmem>>, vector<1x1x16xf32>,
        %parallel_loop3A_872 = vector.shape_cast %parallel_loop3A_871 : vector<1x1x16xf32> to vector<16xf32>
        %parallel_loop3A_873 = arith.mulf %parallel_loop3A_872, %parallel_loop3A_831 : vector<16xf32>
        %parallel_loop3A_874 = arith.constant 1 : i32
        %parallel_loop3A_875 = arith.index_cast %parallel_loop3A_874 : i32 to index
        %parallel_loop3A_876 = arith.index_cast %parallel_loop3A_809 : i32 to index
        %parallel_loop3A_877 = arith.constant 32 : index
        %parallel_loop3A_878 = tpu.vector_load %arg14[%parallel_loop3A_875, %parallel_loop3A_876, %parallel_loop3A_877] {strides = array<i32>} : memref<3x80x128xf32, #tpu.memory_space<vmem>>, vector<1x1x16xf32>,
        %parallel_loop3A_879 = vector.shape_cast %parallel_loop3A_878 : vector<1x1x16xf32> to vector<16xf32>
        %parallel_loop3A_880 = vector.shape_cast %parallel_loop3A_873 : vector<16xf32> to vector<1x1x16xf32>
        tpu.vector_store %arg14[%parallel_loop3A_875, %parallel_loop3A_876, %parallel_loop3A_877], %parallel_loop3A_880 {strides = array<i32>} : memref<3x80x128xf32, #tpu.memory_space<vmem>>, vector<1x1x16xf32>,
        %parallel_loop3A_881 = arith.constant 1 : i32
        %parallel_loop3A_882 = arith.index_cast %parallel_loop3A_881 : i32 to index
        %parallel_loop3A_883 = arith.index_cast %parallel_loop3A_809 : i32 to index
        %parallel_loop3A_884 = arith.constant 48 : index
        %parallel_loop3A_885 = tpu.vector_load %arg14[%parallel_loop3A_882, %parallel_loop3A_883, %parallel_loop3A_884] {strides = array<i32>} : memref<3x80x128xf32, #tpu.memory_space<vmem>>, vector<1x1x16xf32>,
        %parallel_loop3A_886 = vector.shape_cast %parallel_loop3A_885 : vector<1x1x16xf32> to vector<16xf32>
        %parallel_loop3A_887 = arith.mulf %parallel_loop3A_886, %parallel_loop3A_831 : vector<16xf32>
        %parallel_loop3A_888 = arith.constant 1 : i32
        %parallel_loop3A_889 = arith.index_cast %parallel_loop3A_888 : i32 to index
        %parallel_loop3A_890 = arith.index_cast %parallel_loop3A_809 : i32 to index
        %parallel_loop3A_891 = arith.constant 48 : index
        %parallel_loop3A_892 = tpu.vector_load %arg14[%parallel_loop3A_889, %parallel_loop3A_890, %parallel_loop3A_891] {strides = array<i32>} : memref<3x80x128xf32, #tpu.memory_space<vmem>>, vector<1x1x16xf32>,
        %parallel_loop3A_893 = vector.shape_cast %parallel_loop3A_892 : vector<1x1x16xf32> to vector<16xf32>
        %parallel_loop3A_894 = vector.shape_cast %parallel_loop3A_887 : vector<16xf32> to vector<1x1x16xf32>
        tpu.vector_store %arg14[%parallel_loop3A_889, %parallel_loop3A_890, %parallel_loop3A_891], %parallel_loop3A_894 {strides = array<i32>} : memref<3x80x128xf32, #tpu.memory_space<vmem>>, vector<1x1x16xf32>,
        %parallel_loop3A_895 = arith.constant 1 : i32
        %parallel_loop3A_896 = arith.index_cast %parallel_loop3A_895 : i32 to index
        %parallel_loop3A_897 = arith.index_cast %parallel_loop3A_809 : i32 to index
        %parallel_loop3A_898 = arith.constant 64 : index
        %parallel_loop3A_899 = tpu.vector_load %arg14[%parallel_loop3A_896, %parallel_loop3A_897, %parallel_loop3A_898] {strides = array<i32>} : memref<3x80x128xf32, #tpu.memory_space<vmem>>, vector<1x1x16xf32>,
        %parallel_loop3A_900 = vector.shape_cast %parallel_loop3A_899 : vector<1x1x16xf32> to vector<16xf32>
        %parallel_loop3A_901 = arith.mulf %parallel_loop3A_900, %parallel_loop3A_831 : vector<16xf32>
        %parallel_loop3A_902 = arith.constant 1 : i32
        %parallel_loop3A_903 = arith.index_cast %parallel_loop3A_902 : i32 to index
        %parallel_loop3A_904 = arith.index_cast %parallel_loop3A_809 : i32 to index
        %parallel_loop3A_905 = arith.constant 64 : index
        %parallel_loop3A_906 = tpu.vector_load %arg14[%parallel_loop3A_903, %parallel_loop3A_904, %parallel_loop3A_905] {strides = array<i32>} : memref<3x80x128xf32, #tpu.memory_space<vmem>>, vector<1x1x16xf32>,
        %parallel_loop3A_907 = vector.shape_cast %parallel_loop3A_906 : vector<1x1x16xf32> to vector<16xf32>
        %parallel_loop3A_908 = vector.shape_cast %parallel_loop3A_901 : vector<16xf32> to vector<1x1x16xf32>
        tpu.vector_store %arg14[%parallel_loop3A_903, %parallel_loop3A_904, %parallel_loop3A_905], %parallel_loop3A_908 {strides = array<i32>} : memref<3x80x128xf32, #tpu.memory_space<vmem>>, vector<1x1x16xf32>,
        %parallel_loop3A_909 = arith.constant 1 : i32
        %parallel_loop3A_910 = arith.index_cast %parallel_loop3A_909 : i32 to index
        %parallel_loop3A_911 = arith.index_cast %parallel_loop3A_809 : i32 to index
        %parallel_loop3A_912 = arith.constant 80 : index
        %parallel_loop3A_913 = tpu.vector_load %arg14[%parallel_loop3A_910, %parallel_loop3A_911, %parallel_loop3A_912] {strides = array<i32>} : memref<3x80x128xf32, #tpu.memory_space<vmem>>, vector<1x1x16xf32>,
        %parallel_loop3A_914 = vector.shape_cast %parallel_loop3A_913 : vector<1x1x16xf32> to vector<16xf32>
        %parallel_loop3A_915 = arith.mulf %parallel_loop3A_914, %parallel_loop3A_831 : vector<16xf32>
        %parallel_loop3A_916 = arith.constant 1 : i32
        %parallel_loop3A_917 = arith.index_cast %parallel_loop3A_916 : i32 to index
        %parallel_loop3A_918 = arith.index_cast %parallel_loop3A_809 : i32 to index
        %parallel_loop3A_919 = arith.constant 80 : index
        %parallel_loop3A_920 = tpu.vector_load %arg14[%parallel_loop3A_917, %parallel_loop3A_918, %parallel_loop3A_919] {strides = array<i32>} : memref<3x80x128xf32, #tpu.memory_space<vmem>>, vector<1x1x16xf32>,
        %parallel_loop3A_921 = vector.shape_cast %parallel_loop3A_920 : vector<1x1x16xf32> to vector<16xf32>
        %parallel_loop3A_922 = vector.shape_cast %parallel_loop3A_915 : vector<16xf32> to vector<1x1x16xf32>
        tpu.vector_store %arg14[%parallel_loop3A_917, %parallel_loop3A_918, %parallel_loop3A_919], %parallel_loop3A_922 {strides = array<i32>} : memref<3x80x128xf32, #tpu.memory_space<vmem>>, vector<1x1x16xf32>,
        %parallel_loop3A_923 = arith.constant 1 : i32
        %parallel_loop3A_924 = arith.index_cast %parallel_loop3A_923 : i32 to index
        %parallel_loop3A_925 = arith.index_cast %parallel_loop3A_809 : i32 to index
        %parallel_loop3A_926 = arith.constant 96 : index
        %parallel_loop3A_927 = tpu.vector_load %arg14[%parallel_loop3A_924, %parallel_loop3A_925, %parallel_loop3A_926] {strides = array<i32>} : memref<3x80x128xf32, #tpu.memory_space<vmem>>, vector<1x1x16xf32>,
        %parallel_loop3A_928 = vector.shape_cast %parallel_loop3A_927 : vector<1x1x16xf32> to vector<16xf32>
        %parallel_loop3A_929 = arith.mulf %parallel_loop3A_928, %parallel_loop3A_831 : vector<16xf32>
        %parallel_loop3A_930 = arith.constant 1 : i32
        %parallel_loop3A_931 = arith.index_cast %parallel_loop3A_930 : i32 to index
        %parallel_loop3A_932 = arith.index_cast %parallel_loop3A_809 : i32 to index
        %parallel_loop3A_933 = arith.constant 96 : index
        %parallel_loop3A_934 = tpu.vector_load %arg14[%parallel_loop3A_931, %parallel_loop3A_932, %parallel_loop3A_933] {strides = array<i32>} : memref<3x80x128xf32, #tpu.memory_space<vmem>>, vector<1x1x16xf32>,
        %parallel_loop3A_935 = vector.shape_cast %parallel_loop3A_934 : vector<1x1x16xf32> to vector<16xf32>
        %parallel_loop3A_936 = vector.shape_cast %parallel_loop3A_929 : vector<16xf32> to vector<1x1x16xf32>
        tpu.vector_store %arg14[%parallel_loop3A_931, %parallel_loop3A_932, %parallel_loop3A_933], %parallel_loop3A_936 {strides = array<i32>} : memref<3x80x128xf32, #tpu.memory_space<vmem>>, vector<1x1x16xf32>,
        %parallel_loop3A_937 = arith.constant 1 : i32
        %parallel_loop3A_938 = arith.index_cast %parallel_loop3A_937 : i32 to index
        %parallel_loop3A_939 = arith.index_cast %parallel_loop3A_809 : i32 to index
        %parallel_loop3A_940 = arith.constant 112 : index
        %parallel_loop3A_941 = tpu.vector_load %arg14[%parallel_loop3A_938, %parallel_loop3A_939, %parallel_loop3A_940] {strides = array<i32>} : memref<3x80x128xf32, #tpu.memory_space<vmem>>, vector<1x1x16xf32>,
        %parallel_loop3A_942 = vector.shape_cast %parallel_loop3A_941 : vector<1x1x16xf32> to vector<16xf32>
        %parallel_loop3A_943 = arith.mulf %parallel_loop3A_942, %parallel_loop3A_831 : vector<16xf32>
        %parallel_loop3A_944 = arith.constant 1 : i32
        %parallel_loop3A_945 = arith.index_cast %parallel_loop3A_944 : i32 to index
        %parallel_loop3A_946 = arith.index_cast %parallel_loop3A_809 : i32 to index
        %parallel_loop3A_947 = arith.constant 112 : index
        %parallel_loop3A_948 = tpu.vector_load %arg14[%parallel_loop3A_945, %parallel_loop3A_946, %parallel_loop3A_947] {strides = array<i32>} : memref<3x80x128xf32, #tpu.memory_space<vmem>>, vector<1x1x16xf32>,
        %parallel_loop3A_949 = vector.shape_cast %parallel_loop3A_948 : vector<1x1x16xf32> to vector<16xf32>
        %parallel_loop3A_950 = vector.shape_cast %parallel_loop3A_943 : vector<16xf32> to vector<1x1x16xf32>
        tpu.vector_store %arg14[%parallel_loop3A_945, %parallel_loop3A_946, %parallel_loop3A_947], %parallel_loop3A_950 {strides = array<i32>} : memref<3x80x128xf32, #tpu.memory_space<vmem>>, vector<1x1x16xf32>,
      } {sc.loop_unroll_factor = 8 : i64, sc.parallel_access}
      %dma_start3A_670 = arith.constant 1 : i32
      %dma_start3A_671 = arith.constant 1 : i32
      %dma_start3A_672 = arith.constant 1 : i32
      %dma_start3A_673 = arith.constant 1 : i32
      %dma_start3A_674 = arith.constant 0 : i32
      %dma_start3A_675 = arith.constant 0 : i32
      %dma_start3A_676 = tpu.memref_slice %arg12[%dma_start3A_670, %dma_start3A_674, %dma_start3A_675] : memref<3x80x16xf32, #tpu.memory_space<vmem>> -> memref<1x80x16xf32, #tpu.memory_space<vmem>>
      %dma_start3A_677 = tpu.memref_squeeze %dma_start3A_676 : memref<1x80x16xf32, #tpu.memory_space<vmem>> -> memref<80x16xf32, #tpu.memory_space<vmem>>
      %dma_start3A_678 = arith.constant 0 : i32
      %dma_start3A_679 = tpu.memref_slice %arg11[%dma_start3A_671, %dma_start3A_672, %dma_start3A_678] : memref<3x2x80xi32, #tpu.memory_space<vmem>> -> memref<1x1x80xi32, #tpu.memory_space<vmem>>
      %dma_start3A_680 = tpu.memref_squeeze %dma_start3A_679 : memref<1x1x80xi32, #tpu.memory_space<vmem>> -> memref<80xi32, #tpu.memory_space<vmem>>
      %dma_start3A_681 = arith.constant 0 : i32
      %dma_start3A_682 = arith.constant 0 : i32
      %dma_start3A_683 = tpu.memref_slice %arg10[%dma_start3A_681, %dma_start3A_682] : memref<10000x16xf32, #tpu.memory_space<vmem_shared>> -> memref<10000x16xf32, #tpu.memory_space<vmem_shared>>
      %dma_start3A_684 = tpu.memref_slice %arg20[%dma_start3A_673] : memref<3x!tpu.dma_semaphore, #tpu.memory_space<semaphore_mem>> -> memref<1x!tpu.dma_semaphore, #tpu.memory_space<semaphore_mem>>
      %dma_start3A_685 = tpu.memref_squeeze %dma_start3A_684 : memref<1x!tpu.dma_semaphore, #tpu.memory_space<semaphore_mem>> -> memref<!tpu.dma_semaphore, #tpu.memory_space<semaphore_mem>>
      tpu.enqueue_indirect_dma source(%dma_start3A_677 : memref<80x16xf32, #tpu.memory_space<vmem>>) target(%dma_start3A_683 : memref<10000x16xf32, #tpu.memory_space<vmem_shared>>) offsets(%dma_start3A_680 : memref<80xi32, #tpu.memory_space<vmem>>) semaphore(%dma_start3A_685 : memref<!tpu.dma_semaphore, #tpu.memory_space<semaphore_mem>>) {add = true}
      %dma_start3A_686 = arith.constant 1 : i32
      %dma_start3A_687 = arith.constant 1 : i32
      %dma_start3A_688 = arith.constant 1 : i32
      %dma_start3A_689 = arith.constant 1 : i32
      %dma_start3A_690 = arith.constant 0 : i32
      %dma_start3A_691 = arith.constant 0 : i32
      %dma_start3A_692 = tpu.memref_slice %arg14[%dma_start3A_686, %dma_start3A_690, %dma_start3A_691] : memref<3x80x128xf32, #tpu.memory_space<vmem>> -> memref<1x80x128xf32, #tpu.memory_space<vmem>>
      %dma_start3A_693 = tpu.memref_squeeze %dma_start3A_692 : memref<1x80x128xf32, #tpu.memory_space<vmem>> -> memref<80x128xf32, #tpu.memory_space<vmem>>
      %dma_start3A_694 = arith.constant 0 : i32
      %dma_start3A_695 = tpu.memref_slice %arg11[%dma_start3A_687, %dma_start3A_688, %dma_start3A_694] : memref<3x2x80xi32, #tpu.memory_space<vmem>> -> memref<1x1x80xi32, #tpu.memory_space<vmem>>
      %dma_start3A_696 = tpu.memref_squeeze %dma_start3A_695 : memref<1x1x80xi32, #tpu.memory_space<vmem>> -> memref<80xi32, #tpu.memory_space<vmem>>
      %dma_start3A_697 = arith.constant 0 : i32
      %dma_start3A_698 = arith.constant 0 : i32
      %dma_start3A_699 = tpu.memref_slice %arg9[%dma_start3A_697, %dma_start3A_698] : memref<10000x128xf32, #tpu.memory_space<vmem_shared>> -> memref<10000x128xf32, #tpu.memory_space<vmem_shared>>
      %dma_start3A_700 = tpu.memref_slice %arg21[%dma_start3A_689] : memref<3x!tpu.dma_semaphore, #tpu.memory_space<semaphore_mem>> -> memref<1x!tpu.dma_semaphore, #tpu.memory_space<semaphore_mem>>
      %dma_start3A_701 = tpu.memref_squeeze %dma_start3A_700 : memref<1x!tpu.dma_semaphore, #tpu.memory_space<semaphore_mem>> -> memref<!tpu.dma_semaphore, #tpu.memory_space<semaphore_mem>>
      tpu.enqueue_indirect_dma source(%dma_start3A_693 : memref<80x128xf32, #tpu.memory_space<vmem>>) target(%dma_start3A_699 : memref<10000x128xf32, #tpu.memory_space<vmem_shared>>) offsets(%dma_start3A_696 : memref<80xi32, #tpu.memory_space<vmem>>) semaphore(%dma_start3A_701 : memref<!tpu.dma_semaphore, #tpu.memory_space<semaphore_mem>>) {add = true}
      %mul3A_702 = arith.constant 3 : i32
      %mul3A_703 = arith.muli %mul3A_702, %scan3A_489 : i32
      %add3A_704 = arith.constant 2 : i32
      %add3A_705 = arith.addi %mul3A_703, %add3A_704 : i32
      %gt3A_706 = arith.constant 0 : i32
      %gt3A_707 = arith.cmpi sgt, %add3A_705, %gt3A_706 : i32
      %convert_element_type3A_708 = arith.extui %gt3A_707 : i1 to i32
      %cond3A_709 = arith.constant 0 : i32
      %cond3A_710 = arith.cmpi ne, %convert_element_type3A_708, %cond3A_709 : i32
      scf.if %cond3A_710 {
        %dma_wait3A_809 = arith.constant 1 : i32
        %dma_wait3A_810 = arith.constant 1 : i32
        %dma_wait3A_811 = arith.constant 1 : i32
        %dma_wait3A_812 = arith.constant 1 : i32
        %dma_wait3A_813 = arith.constant 0 : i32
        %dma_wait3A_814 = arith.constant 0 : i32
        %dma_wait3A_815 = tpu.memref_slice %arg12[%dma_wait3A_809, %dma_wait3A_813, %dma_wait3A_814] : memref<3x80x16xf32, #tpu.memory_space<vmem>> -> memref<1x80x16xf32, #tpu.memory_space<vmem>>
        %dma_wait3A_816 = tpu.memref_squeeze %dma_wait3A_815 : memref<1x80x16xf32, #tpu.memory_space<vmem>> -> memref<80x16xf32, #tpu.memory_space<vmem>>
        %dma_wait3A_817 = arith.constant 0 : i32
        %dma_wait3A_818 = tpu.memref_slice %arg11[%dma_wait3A_810, %dma_wait3A_811, %dma_wait3A_817] : memref<3x2x80xi32, #tpu.memory_space<vmem>> -> memref<1x1x80xi32, #tpu.memory_space<vmem>>
        %dma_wait3A_819 = tpu.memref_squeeze %dma_wait3A_818 : memref<1x1x80xi32, #tpu.memory_space<vmem>> -> memref<80xi32, #tpu.memory_space<vmem>>
        %dma_wait3A_820 = arith.constant 0 : i32
        %dma_wait3A_821 = arith.constant 0 : i32
        %dma_wait3A_822 = tpu.memref_slice %arg10[%dma_wait3A_820, %dma_wait3A_821] : memref<10000x16xf32, #tpu.memory_space<vmem_shared>> -> memref<10000x16xf32, #tpu.memory_space<vmem_shared>>
        %dma_wait3A_823 = tpu.memref_slice %arg20[%dma_wait3A_812] : memref<3x!tpu.dma_semaphore, #tpu.memory_space<semaphore_mem>> -> memref<1x!tpu.dma_semaphore, #tpu.memory_space<semaphore_mem>>
        %dma_wait3A_824 = tpu.memref_squeeze %dma_wait3A_823 : memref<1x!tpu.dma_semaphore, #tpu.memory_space<semaphore_mem>> -> memref<!tpu.dma_semaphore, #tpu.memory_space<semaphore_mem>>
        tpu.wait_indirect_dma semaphore(%dma_wait3A_824 : memref<!tpu.dma_semaphore, #tpu.memory_space<semaphore_mem>>) src(%dma_wait3A_816 : memref<80x16xf32, #tpu.memory_space<vmem>>) dst(%dma_wait3A_822 : memref<10000x16xf32, #tpu.memory_space<vmem_shared>>)
        %dma_wait3A_825 = arith.constant 1 : i32
        %dma_wait3A_826 = arith.constant 1 : i32
        %dma_wait3A_827 = arith.constant 1 : i32
        %dma_wait3A_828 = arith.constant 1 : i32
        %dma_wait3A_829 = arith.constant 0 : i32
        %dma_wait3A_830 = arith.constant 0 : i32
        %dma_wait3A_831 = tpu.memref_slice %arg14[%dma_wait3A_825, %dma_wait3A_829, %dma_wait3A_830] : memref<3x80x128xf32, #tpu.memory_space<vmem>> -> memref<1x80x128xf32, #tpu.memory_space<vmem>>
        %dma_wait3A_832 = tpu.memref_squeeze %dma_wait3A_831 : memref<1x80x128xf32, #tpu.memory_space<vmem>> -> memref<80x128xf32, #tpu.memory_space<vmem>>
        %dma_wait3A_833 = arith.constant 0 : i32
        %dma_wait3A_834 = tpu.memref_slice %arg11[%dma_wait3A_826, %dma_wait3A_827, %dma_wait3A_833] : memref<3x2x80xi32, #tpu.memory_space<vmem>> -> memref<1x1x80xi32, #tpu.memory_space<vmem>>
        %dma_wait3A_835 = tpu.memref_squeeze %dma_wait3A_834 : memref<1x1x80xi32, #tpu.memory_space<vmem>> -> memref<80xi32, #tpu.memory_space<vmem>>
        %dma_wait3A_836 = arith.constant 0 : i32
        %dma_wait3A_837 = arith.constant 0 : i32
        %dma_wait3A_838 = tpu.memref_slice %arg9[%dma_wait3A_836, %dma_wait3A_837] : memref<10000x128xf32, #tpu.memory_space<vmem_shared>> -> memref<10000x128xf32, #tpu.memory_space<vmem_shared>>
        %dma_wait3A_839 = tpu.memref_slice %arg21[%dma_wait3A_828] : memref<3x!tpu.dma_semaphore, #tpu.memory_space<semaphore_mem>> -> memref<1x!tpu.dma_semaphore, #tpu.memory_space<semaphore_mem>>
        %dma_wait3A_840 = tpu.memref_squeeze %dma_wait3A_839 : memref<1x!tpu.dma_semaphore, #tpu.memory_space<semaphore_mem>> -> memref<!tpu.dma_semaphore, #tpu.memory_space<semaphore_mem>>
        tpu.wait_indirect_dma semaphore(%dma_wait3A_840 : memref<!tpu.dma_semaphore, #tpu.memory_space<semaphore_mem>>) src(%dma_wait3A_832 : memref<80x128xf32, #tpu.memory_space<vmem>>) dst(%dma_wait3A_838 : memref<10000x128xf32, #tpu.memory_space<vmem_shared>>)
      } else {
      }
      %add3A_711 = arith.constant 2 : i32
      %add3A_712 = arith.addi %add3A_705, %add3A_711 : i32
      %lt3A_713 = arith.constant 125 : i32
      %lt3A_714 = arith.cmpi slt, %add3A_712, %lt3A_713 : i32
      %convert_element_type3A_715 = arith.extui %lt3A_714 : i1 to i32
      %cond3A_716 = arith.constant 0 : i32
      %cond3A_717 = arith.cmpi ne, %convert_element_type3A_715, %cond3A_716 : i32
      scf.if %cond3A_717 {
        %add3A_809 = arith.constant 2 : i32
        %add3A_810 = arith.addi %add3A_705, %add3A_809 : i32
        %mul3A_811 = arith.constant 32 : i32
        %mul3A_812 = arith.muli %add3A_810, %mul3A_811 : i32
        %add3A_813 = arith.addi %mul3A_812, %add3A : i32
        %mul3A_814 = arith.constant 80 : i32
        %mul3A_815 = arith.muli %add3A_813, %mul3A_814 : i32
        %dma_start3A_816 = arith.constant 1 : i32
        %dma_start3A_817 = arith.constant 1 : i32
        %dma_start3A_818 = arith.constant 0 : i32
        %dma_start3A_819 = arith.constant 0 : i32
        %dma_start3A_820 = tpu.memref_slice %arg11[%dma_start3A_816, %dma_start3A_818, %dma_start3A_819] : memref<3x2x80xi32, #tpu.memory_space<vmem>> -> memref<1x2x80xi32, #tpu.memory_space<vmem>>
        %dma_start3A_821 = tpu.memref_squeeze %dma_start3A_820 : memref<1x2x80xi32, #tpu.memory_space<vmem>> -> memref<2x80xi32, #tpu.memory_space<vmem>>
        %dma_start3A_822 = arith.constant 0 : i32
        %dma_start3A_823 = tpu.memref_slice %arg6[%dma_start3A_822, %mul3A_815] : memref<2x320000xi32, #tpu.memory_space<hbm>> -> memref<2x80xi32, #tpu.memory_space<hbm>>
        %dma_start3A_824 = tpu.memref_slice %arg16[%dma_start3A_817] : memref<3x!tpu.dma_semaphore, #tpu.memory_space<semaphore_mem>> -> memref<1x!tpu.dma_semaphore, #tpu.memory_space<semaphore_mem>>
        %dma_start3A_825 = tpu.memref_squeeze %dma_start3A_824 : memref<1x!tpu.dma_semaphore, #tpu.memory_space<semaphore_mem>> -> memref<!tpu.dma_semaphore, #tpu.memory_space<semaphore_mem>>
        %dma_start3A_826 = arith.constant 0 : i32
        %dma_start3A_827 = arith.constant 0 : i32
        %dma_start3A_828 = tpu.memref_slice %arg11[%dma_start3A_816, %dma_start3A_826, %dma_start3A_827] : memref<3x2x80xi32, #tpu.memory_space<vmem>> -> memref<1x2x80xi32, #tpu.memory_space<vmem>>
        %dma_start3A_829 = tpu.memref_squeeze %dma_start3A_828 : memref<1x2x80xi32, #tpu.memory_space<vmem>> -> memref<2x80xi32, #tpu.memory_space<vmem>>
        %dma_start3A_830 = arith.constant 0 : i32
        %dma_start3A_831 = tpu.memref_slice %arg6[%dma_start3A_830, %mul3A_815] : memref<2x320000xi32, #tpu.memory_space<hbm>> -> memref<2x80xi32, #tpu.memory_space<hbm>>
        tpu.enqueue_dma source(%dma_start3A_831 : memref<2x80xi32, #tpu.memory_space<hbm>>) target(%dma_start3A_829 : memref<2x80xi32, #tpu.memory_space<vmem>>) target_semaphore(%dma_start3A_825 : memref<!tpu.dma_semaphore, #tpu.memory_space<semaphore_mem>>)
      } else {
      }
      %add3A_718 = arith.constant 1 : i32
      %add3A_719 = arith.addi %add3A_705, %add3A_718 : i32
      %lt3A_720 = arith.constant 125 : i32
      %lt3A_721 = arith.cmpi slt, %add3A_719, %lt3A_720 : i32
      %convert_element_type3A_722 = arith.extui %lt3A_721 : i1 to i32
      %cond3A_723 = arith.constant 0 : i32
      %cond3A_724 = arith.cmpi ne, %convert_element_type3A_722, %cond3A_723 : i32
      scf.if %cond3A_724 {
        %add3A_809 = arith.constant 1 : i32
        %add3A_810 = arith.addi %add3A_705, %add3A_809 : i32
        %mul3A_811 = arith.constant 32 : i32
        %mul3A_812 = arith.muli %add3A_810, %mul3A_811 : i32
        %add3A_813 = arith.addi %mul3A_812, %add3A : i32
        %mul3A_814 = arith.constant 80 : i32
        %mul3A_815 = arith.muli %add3A_813, %mul3A_814 : i32
        %dma_wait3A_816 = arith.constant 0 : i32
        %dma_wait3A_817 = arith.constant 0 : i32
        %dma_wait3A_818 = arith.constant 0 : i32
        %dma_wait3A_819 = arith.constant 0 : i32
        %dma_wait3A_820 = tpu.memref_slice %arg11[%dma_wait3A_816, %dma_wait3A_818, %dma_wait3A_819] : memref<3x2x80xi32, #tpu.memory_space<vmem>> -> memref<1x2x80xi32, #tpu.memory_space<vmem>>
        %dma_wait3A_821 = tpu.memref_squeeze %dma_wait3A_820 : memref<1x2x80xi32, #tpu.memory_space<vmem>> -> memref<2x80xi32, #tpu.memory_space<vmem>>
        %dma_wait3A_822 = arith.constant 0 : i32
        %dma_wait3A_823 = tpu.memref_slice %arg6[%dma_wait3A_822, %mul3A_815] : memref<2x320000xi32, #tpu.memory_space<hbm>> -> memref<2x80xi32, #tpu.memory_space<hbm>>
        %dma_wait3A_824 = tpu.memref_slice %arg16[%dma_wait3A_817] : memref<3x!tpu.dma_semaphore, #tpu.memory_space<semaphore_mem>> -> memref<1x!tpu.dma_semaphore, #tpu.memory_space<semaphore_mem>>
        %dma_wait3A_825 = tpu.memref_squeeze %dma_wait3A_824 : memref<1x!tpu.dma_semaphore, #tpu.memory_space<semaphore_mem>> -> memref<!tpu.dma_semaphore, #tpu.memory_space<semaphore_mem>>
        %dma_wait3A_826 = arith.constant 0 : i32
        %dma_wait3A_827 = arith.constant 0 : i32
        %dma_wait3A_828 = tpu.memref_slice %arg11[%dma_wait3A_816, %dma_wait3A_826, %dma_wait3A_827] : memref<3x2x80xi32, #tpu.memory_space<vmem>> -> memref<1x2x80xi32, #tpu.memory_space<vmem>>
        %dma_wait3A_829 = tpu.memref_squeeze %dma_wait3A_828 : memref<1x2x80xi32, #tpu.memory_space<vmem>> -> memref<2x80xi32, #tpu.memory_space<vmem>>
        %dma_wait3A_830 = arith.constant 0 : i32
        %dma_wait3A_831 = tpu.memref_slice %arg6[%dma_wait3A_830, %mul3A_815] : memref<2x320000xi32, #tpu.memory_space<hbm>> -> memref<2x80xi32, #tpu.memory_space<hbm>>
        tpu.wait_dma2 semaphore(%dma_wait3A_825 : memref<!tpu.dma_semaphore, #tpu.memory_space<semaphore_mem>>) src(%dma_wait3A_831 : memref<2x80xi32, #tpu.memory_space<hbm>>) dst(%dma_wait3A_829 : memref<2x80xi32, #tpu.memory_space<vmem>>)
        %dma_start3A_832 = arith.constant 0 : i32
        %dma_start3A_833 = arith.constant 0 : i32
        %dma_start3A_834 = arith.constant 0 : i32
        %dma_start3A_835 = arith.constant 0 : i32
        %dma_start3A_836 = arith.constant 0 : i32
        %dma_start3A_837 = arith.constant 0 : i32
        %dma_start3A_838 = tpu.memref_slice %arg14[%dma_start3A_834, %dma_start3A_836, %dma_start3A_837] : memref<3x80x128xf32, #tpu.memory_space<vmem>> -> memref<1x80x128xf32, #tpu.memory_space<vmem>>
        %dma_start3A_839 = tpu.memref_squeeze %dma_start3A_838 : memref<1x80x128xf32, #tpu.memory_space<vmem>> -> memref<80x128xf32, #tpu.memory_space<vmem>>
        %dma_start3A_840 = arith.constant 0 : i32
        %dma_start3A_841 = tpu.memref_slice %arg11[%dma_start3A_832, %dma_start3A_833, %dma_start3A_840] : memref<3x2x80xi32, #tpu.memory_space<vmem>> -> memref<1x1x80xi32, #tpu.memory_space<vmem>>
        %dma_start3A_842 = tpu.memref_squeeze %dma_start3A_841 : memref<1x1x80xi32, #tpu.memory_space<vmem>> -> memref<80xi32, #tpu.memory_space<vmem>>
        %dma_start3A_843 = arith.constant 0 : i32
        %dma_start3A_844 = arith.constant 0 : i32
        %dma_start3A_845 = tpu.memref_slice %arg2[%dma_start3A_843, %dma_start3A_844] : memref<10000x128xf32, #tpu.memory_space<hbm>> -> memref<10000x128xf32, #tpu.memory_space<hbm>>
        %dma_start3A_846 = tpu.memref_slice %arg19[%dma_start3A_835] : memref<3x!tpu.dma_semaphore, #tpu.memory_space<semaphore_mem>> -> memref<1x!tpu.dma_semaphore, #tpu.memory_space<semaphore_mem>>
        %dma_start3A_847 = tpu.memref_squeeze %dma_start3A_846 : memref<1x!tpu.dma_semaphore, #tpu.memory_space<semaphore_mem>> -> memref<!tpu.dma_semaphore, #tpu.memory_space<semaphore_mem>>
        tpu.enqueue_indirect_dma source(%dma_start3A_845 : memref<10000x128xf32, #tpu.memory_space<hbm>>) target(%dma_start3A_839 : memref<80x128xf32, #tpu.memory_space<vmem>>) offsets(%dma_start3A_842 : memref<80xi32, #tpu.memory_space<vmem>>) semaphore(%dma_start3A_847 : memref<!tpu.dma_semaphore, #tpu.memory_space<semaphore_mem>>)
        %dma_start3A_848 = arith.constant 0 : i32
        %dma_start3A_849 = arith.constant 0 : i32
        %dma_start3A_850 = arith.constant 0 : i32
        %dma_start3A_851 = arith.constant 0 : i32
        %dma_start3A_852 = arith.constant 0 : i32
        %dma_start3A_853 = arith.constant 0 : i32
        %dma_start3A_854 = tpu.memref_slice %arg12[%dma_start3A_850, %dma_start3A_852, %dma_start3A_853] : memref<3x80x16xf32, #tpu.memory_space<vmem>> -> memref<1x80x16xf32, #tpu.memory_space<vmem>>
        %dma_start3A_855 = tpu.memref_squeeze %dma_start3A_854 : memref<1x80x16xf32, #tpu.memory_space<vmem>> -> memref<80x16xf32, #tpu.memory_space<vmem>>
        %dma_start3A_856 = arith.constant 0 : i32
        %dma_start3A_857 = tpu.memref_slice %arg11[%dma_start3A_848, %dma_start3A_849, %dma_start3A_856] : memref<3x2x80xi32, #tpu.memory_space<vmem>> -> memref<1x1x80xi32, #tpu.memory_space<vmem>>
        %dma_start3A_858 = tpu.memref_squeeze %dma_start3A_857 : memref<1x1x80xi32, #tpu.memory_space<vmem>> -> memref<80xi32, #tpu.memory_space<vmem>>
        %dma_start3A_859 = arith.constant 0 : i32
        %dma_start3A_860 = arith.constant 0 : i32
        %dma_start3A_861 = tpu.memref_slice %arg3[%dma_start3A_859, %dma_start3A_860] : memref<10000x16xf32, #tpu.memory_space<hbm>> -> memref<10000x16xf32, #tpu.memory_space<hbm>>
        %dma_start3A_862 = tpu.memref_slice %arg17[%dma_start3A_851] : memref<3x!tpu.dma_semaphore, #tpu.memory_space<semaphore_mem>> -> memref<1x!tpu.dma_semaphore, #tpu.memory_space<semaphore_mem>>
        %dma_start3A_863 = tpu.memref_squeeze %dma_start3A_862 : memref<1x!tpu.dma_semaphore, #tpu.memory_space<semaphore_mem>> -> memref<!tpu.dma_semaphore, #tpu.memory_space<semaphore_mem>>
        tpu.enqueue_indirect_dma source(%dma_start3A_861 : memref<10000x16xf32, #tpu.memory_space<hbm>>) target(%dma_start3A_855 : memref<80x16xf32, #tpu.memory_space<vmem>>) offsets(%dma_start3A_858 : memref<80xi32, #tpu.memory_space<vmem>>) semaphore(%dma_start3A_863 : memref<!tpu.dma_semaphore, #tpu.memory_space<semaphore_mem>>)
        %dma_start3A_864 = arith.constant 0 : i32
        %dma_start3A_865 = arith.constant 1 : i32
        %dma_start3A_866 = arith.constant 0 : i32
        %dma_start3A_867 = arith.constant 0 : i32
        %dma_start3A_868 = arith.constant 0 : i32
        %dma_start3A_869 = arith.constant 0 : i32
        %dma_start3A_870 = tpu.memref_slice %arg13[%dma_start3A_866, %dma_start3A_868, %dma_start3A_869] : memref<3x80x16xf32, #tpu.memory_space<vmem>> -> memref<1x80x16xf32, #tpu.memory_space<vmem>>
        %dma_start3A_871 = tpu.memref_squeeze %dma_start3A_870 : memref<1x80x16xf32, #tpu.memory_space<vmem>> -> memref<80x16xf32, #tpu.memory_space<vmem>>
        %dma_start3A_872 = arith.constant 0 : i32
        %dma_start3A_873 = tpu.memref_slice %arg11[%dma_start3A_864, %dma_start3A_865, %dma_start3A_872] : memref<3x2x80xi32, #tpu.memory_space<vmem>> -> memref<1x1x80xi32, #tpu.memory_space<vmem>>
        %dma_start3A_874 = tpu.memref_squeeze %dma_start3A_873 : memref<1x1x80xi32, #tpu.memory_space<vmem>> -> memref<80xi32, #tpu.memory_space<vmem>>
        %dma_start3A_875 = arith.constant 0 : i32
        %dma_start3A_876 = arith.constant 0 : i32
        %dma_start3A_877 = tpu.memref_slice %arg4[%dma_start3A_875, %dma_start3A_876] : memref<10000x16xf32, #tpu.memory_space<hbm>> -> memref<10000x16xf32, #tpu.memory_space<hbm>>
        %dma_start3A_878 = tpu.memref_slice %arg18[%dma_start3A_867] : memref<3x!tpu.dma_semaphore, #tpu.memory_space<semaphore_mem>> -> memref<1x!tpu.dma_semaphore, #tpu.memory_space<semaphore_mem>>
        %dma_start3A_879 = tpu.memref_squeeze %dma_start3A_878 : memref<1x!tpu.dma_semaphore, #tpu.memory_space<semaphore_mem>> -> memref<!tpu.dma_semaphore, #tpu.memory_space<semaphore_mem>>
        tpu.enqueue_indirect_dma source(%dma_start3A_877 : memref<10000x16xf32, #tpu.memory_space<hbm>>) target(%dma_start3A_871 : memref<80x16xf32, #tpu.memory_space<vmem>>) offsets(%dma_start3A_874 : memref<80xi32, #tpu.memory_space<vmem>>) semaphore(%dma_start3A_879 : memref<!tpu.dma_semaphore, #tpu.memory_space<semaphore_mem>>)
      } else {
      }
      %dma_wait3A_725 = arith.constant 2 : i32
      %dma_wait3A_726 = arith.constant 0 : i32
      %dma_wait3A_727 = arith.constant 2 : i32
      %dma_wait3A_728 = arith.constant 2 : i32
      %dma_wait3A_729 = arith.constant 0 : i32
      %dma_wait3A_730 = arith.constant 0 : i32
      %dma_wait3A_731 = tpu.memref_slice %arg14[%dma_wait3A_727, %dma_wait3A_729, %dma_wait3A_730] : memref<3x80x128xf32, #tpu.memory_space<vmem>> -> memref<1x80x128xf32, #tpu.memory_space<vmem>>
      %dma_wait3A_732 = tpu.memref_squeeze %dma_wait3A_731 : memref<1x80x128xf32, #tpu.memory_space<vmem>> -> memref<80x128xf32, #tpu.memory_space<vmem>>
      %dma_wait3A_733 = arith.constant 0 : i32
      %dma_wait3A_734 = tpu.memref_slice %arg11[%dma_wait3A_725, %dma_wait3A_726, %dma_wait3A_733] : memref<3x2x80xi32, #tpu.memory_space<vmem>> -> memref<1x1x80xi32, #tpu.memory_space<vmem>>
      %dma_wait3A_735 = tpu.memref_squeeze %dma_wait3A_734 : memref<1x1x80xi32, #tpu.memory_space<vmem>> -> memref<80xi32, #tpu.memory_space<vmem>>
      %dma_wait3A_736 = arith.constant 0 : i32
      %dma_wait3A_737 = arith.constant 0 : i32
      %dma_wait3A_738 = tpu.memref_slice %arg2[%dma_wait3A_736, %dma_wait3A_737] : memref<10000x128xf32, #tpu.memory_space<hbm>> -> memref<10000x128xf32, #tpu.memory_space<hbm>>
      %dma_wait3A_739 = tpu.memref_slice %arg19[%dma_wait3A_728] : memref<3x!tpu.dma_semaphore, #tpu.memory_space<semaphore_mem>> -> memref<1x!tpu.dma_semaphore, #tpu.memory_space<semaphore_mem>>
      %dma_wait3A_740 = tpu.memref_squeeze %dma_wait3A_739 : memref<1x!tpu.dma_semaphore, #tpu.memory_space<semaphore_mem>> -> memref<!tpu.dma_semaphore, #tpu.memory_space<semaphore_mem>>
      tpu.wait_indirect_dma semaphore(%dma_wait3A_740 : memref<!tpu.dma_semaphore, #tpu.memory_space<semaphore_mem>>) src(%dma_wait3A_738 : memref<10000x128xf32, #tpu.memory_space<hbm>>) dst(%dma_wait3A_732 : memref<80x128xf32, #tpu.memory_space<vmem>>)
      %dma_wait3A_741 = arith.constant 2 : i32
      %dma_wait3A_742 = arith.constant 0 : i32
      %dma_wait3A_743 = arith.constant 2 : i32
      %dma_wait3A_744 = arith.constant 2 : i32
      %dma_wait3A_745 = arith.constant 0 : i32
      %dma_wait3A_746 = arith.constant 0 : i32
      %dma_wait3A_747 = tpu.memref_slice %arg12[%dma_wait3A_743, %dma_wait3A_745, %dma_wait3A_746] : memref<3x80x16xf32, #tpu.memory_space<vmem>> -> memref<1x80x16xf32, #tpu.memory_space<vmem>>
      %dma_wait3A_748 = tpu.memref_squeeze %dma_wait3A_747 : memref<1x80x16xf32, #tpu.memory_space<vmem>> -> memref<80x16xf32, #tpu.memory_space<vmem>>
      %dma_wait3A_749 = arith.constant 0 : i32
      %dma_wait3A_750 = tpu.memref_slice %arg11[%dma_wait3A_741, %dma_wait3A_742, %dma_wait3A_749] : memref<3x2x80xi32, #tpu.memory_space<vmem>> -> memref<1x1x80xi32, #tpu.memory_space<vmem>>
      %dma_wait3A_751 = tpu.memref_squeeze %dma_wait3A_750 : memref<1x1x80xi32, #tpu.memory_space<vmem>> -> memref<80xi32, #tpu.memory_space<vmem>>
      %dma_wait3A_752 = arith.constant 0 : i32
      %dma_wait3A_753 = arith.constant 0 : i32
      %dma_wait3A_754 = tpu.memref_slice %arg3[%dma_wait3A_752, %dma_wait3A_753] : memref<10000x16xf32, #tpu.memory_space<hbm>> -> memref<10000x16xf32, #tpu.memory_space<hbm>>
      %dma_wait3A_755 = tpu.memref_slice %arg17[%dma_wait3A_744] : memref<3x!tpu.dma_semaphore, #tpu.memory_space<semaphore_mem>> -> memref<1x!tpu.dma_semaphore, #tpu.memory_space<semaphore_mem>>
      %dma_wait3A_756 = tpu.memref_squeeze %dma_wait3A_755 : memref<1x!tpu.dma_semaphore, #tpu.memory_space<semaphore_mem>> -> memref<!tpu.dma_semaphore, #tpu.memory_space<semaphore_mem>>
      tpu.wait_indirect_dma semaphore(%dma_wait3A_756 : memref<!tpu.dma_semaphore, #tpu.memory_space<semaphore_mem>>) src(%dma_wait3A_754 : memref<10000x16xf32, #tpu.memory_space<hbm>>) dst(%dma_wait3A_748 : memref<80x16xf32, #tpu.memory_space<vmem>>)
      %dma_wait3A_757 = arith.constant 2 : i32
      %dma_wait3A_758 = arith.constant 1 : i32
      %dma_wait3A_759 = arith.constant 2 : i32
      %dma_wait3A_760 = arith.constant 2 : i32
      %dma_wait3A_761 = arith.constant 0 : i32
      %dma_wait3A_762 = arith.constant 0 : i32
      %dma_wait3A_763 = tpu.memref_slice %arg13[%dma_wait3A_759, %dma_wait3A_761, %dma_wait3A_762] : memref<3x80x16xf32, #tpu.memory_space<vmem>> -> memref<1x80x16xf32, #tpu.memory_space<vmem>>
      %dma_wait3A_764 = tpu.memref_squeeze %dma_wait3A_763 : memref<1x80x16xf32, #tpu.memory_space<vmem>> -> memref<80x16xf32, #tpu.memory_space<vmem>>
      %dma_wait3A_765 = arith.constant 0 : i32
      %dma_wait3A_766 = tpu.memref_slice %arg11[%dma_wait3A_757, %dma_wait3A_758, %dma_wait3A_765] : memref<3x2x80xi32, #tpu.memory_space<vmem>> -> memref<1x1x80xi32, #tpu.memory_space<vmem>>
      %dma_wait3A_767 = tpu.memref_squeeze %dma_wait3A_766 : memref<1x1x80xi32, #tpu.memory_space<vmem>> -> memref<80xi32, #tpu.memory_space<vmem>>
      %dma_wait3A_768 = arith.constant 0 : i32
      %dma_wait3A_769 = arith.constant 0 : i32
      %dma_wait3A_770 = tpu.memref_slice %arg4[%dma_wait3A_768, %dma_wait3A_769] : memref<10000x16xf32, #tpu.memory_space<hbm>> -> memref<10000x16xf32, #tpu.memory_space<hbm>>
      %dma_wait3A_771 = tpu.memref_slice %arg18[%dma_wait3A_760] : memref<3x!tpu.dma_semaphore, #tpu.memory_space<semaphore_mem>> -> memref<1x!tpu.dma_semaphore, #tpu.memory_space<semaphore_mem>>
      %dma_wait3A_772 = tpu.memref_squeeze %dma_wait3A_771 : memref<1x!tpu.dma_semaphore, #tpu.memory_space<semaphore_mem>> -> memref<!tpu.dma_semaphore, #tpu.memory_space<semaphore_mem>>
      tpu.wait_indirect_dma semaphore(%dma_wait3A_772 : memref<!tpu.dma_semaphore, #tpu.memory_space<semaphore_mem>>) src(%dma_wait3A_770 : memref<10000x16xf32, #tpu.memory_space<hbm>>) dst(%dma_wait3A_764 : memref<80x16xf32, #tpu.memory_space<vmem>>)
      %parallel_loop3A_773 = arith.constant 0 : i32
      %parallel_loop3A_774 = arith.constant 80 : i32
      %parallel_loop3A_775 = arith.constant 1 : i32
      scf.for %parallel_loop3A_809 = %parallel_loop3A_773 to %parallel_loop3A_774 step %parallel_loop3A_775  : i32 {
        %parallel_loop3A_810 = arith.constant 2 : i32
        %parallel_loop3A_811 = arith.index_cast %parallel_loop3A_810 : i32 to index
        %parallel_loop3A_812 = arith.index_cast %parallel_loop3A_809 : i32 to index
        %parallel_loop3A_813 = arith.constant 0 : index
        %parallel_loop3A_814 = tpu.vector_load %arg12[%parallel_loop3A_811, %parallel_loop3A_812, %parallel_loop3A_813] {strides = array<i32>} : memref<3x80x16xf32, #tpu.memory_space<vmem>>, vector<1x1x16xf32>,
        %parallel_loop3A_815 = vector.shape_cast %parallel_loop3A_814 : vector<1x1x16xf32> to vector<16xf32>
        %parallel_loop3A_816 = arith.constant 2 : i32
        %parallel_loop3A_817 = arith.index_cast %parallel_loop3A_816 : i32 to index
        %parallel_loop3A_818 = arith.index_cast %parallel_loop3A_809 : i32 to index
        %parallel_loop3A_819 = arith.constant 0 : index
        %parallel_loop3A_820 = tpu.vector_load %arg13[%parallel_loop3A_817, %parallel_loop3A_818, %parallel_loop3A_819] {strides = array<i32>} : memref<3x80x16xf32, #tpu.memory_space<vmem>>, vector<1x1x16xf32>,
        %parallel_loop3A_821 = vector.shape_cast %parallel_loop3A_820 : vector<1x1x16xf32> to vector<16xf32>
        %parallel_loop3A_822 = arith.addf %parallel_loop3A_815, %parallel_loop3A_821 : vector<16xf32>
        %parallel_loop3A_823 = arith.constant 0.000000e+00 : f32
        %parallel_loop3A_824 = vector.broadcast %parallel_loop3A_823 : f32 to vector<16xf32>
        %parallel_loop3A_825 = arith.cmpf ogt, %parallel_loop3A_822, %parallel_loop3A_824 : vector<16xf32>
        %parallel_loop3A_826 = arith.constant 0.00999999977 : f32
        %parallel_loop3A_827 = vector.broadcast %parallel_loop3A_826 : f32 to vector<16xf32>
        %parallel_loop3A_828 = arith.mulf %parallel_loop3A_827, %parallel_loop3A_822 : vector<16xf32>
        %parallel_loop3A_829 = arith.select %parallel_loop3A_825, %parallel_loop3A_822, %parallel_loop3A_828 : vector<16xi1>, vector<16xf32>
        %parallel_loop3A_830 = arith.subf %parallel_loop3A_829, %get3A_38 : vector<16xf32>
        %parallel_loop3A_831 = math.exp %parallel_loop3A_830 : vector<16xf32>
        %parallel_loop3A_832 = arith.constant 2 : i32
        %parallel_loop3A_833 = arith.index_cast %parallel_loop3A_832 : i32 to index
        %parallel_loop3A_834 = arith.index_cast %parallel_loop3A_809 : i32 to index
        %parallel_loop3A_835 = arith.constant 0 : index
        %parallel_loop3A_836 = tpu.vector_load %arg12[%parallel_loop3A_833, %parallel_loop3A_834, %parallel_loop3A_835] {strides = array<i32>} : memref<3x80x16xf32, #tpu.memory_space<vmem>>, vector<1x1x16xf32>,
        %parallel_loop3A_837 = vector.shape_cast %parallel_loop3A_836 : vector<1x1x16xf32> to vector<16xf32>
        %parallel_loop3A_838 = vector.shape_cast %parallel_loop3A_831 : vector<16xf32> to vector<1x1x16xf32>
        tpu.vector_store %arg12[%parallel_loop3A_833, %parallel_loop3A_834, %parallel_loop3A_835], %parallel_loop3A_838 {strides = array<i32>} : memref<3x80x16xf32, #tpu.memory_space<vmem>>, vector<1x1x16xf32>,
        %parallel_loop3A_839 = arith.constant 2 : i32
        %parallel_loop3A_840 = arith.index_cast %parallel_loop3A_839 : i32 to index
        %parallel_loop3A_841 = arith.index_cast %parallel_loop3A_809 : i32 to index
        %parallel_loop3A_842 = arith.constant 0 : index
        %parallel_loop3A_843 = tpu.vector_load %arg14[%parallel_loop3A_840, %parallel_loop3A_841, %parallel_loop3A_842] {strides = array<i32>} : memref<3x80x128xf32, #tpu.memory_space<vmem>>, vector<1x1x16xf32>,
        %parallel_loop3A_844 = vector.shape_cast %parallel_loop3A_843 : vector<1x1x16xf32> to vector<16xf32>
        %parallel_loop3A_845 = arith.mulf %parallel_loop3A_844, %parallel_loop3A_831 : vector<16xf32>
        %parallel_loop3A_846 = arith.constant 2 : i32
        %parallel_loop3A_847 = arith.index_cast %parallel_loop3A_846 : i32 to index
        %parallel_loop3A_848 = arith.index_cast %parallel_loop3A_809 : i32 to index
        %parallel_loop3A_849 = arith.constant 0 : index
        %parallel_loop3A_850 = tpu.vector_load %arg14[%parallel_loop3A_847, %parallel_loop3A_848, %parallel_loop3A_849] {strides = array<i32>} : memref<3x80x128xf32, #tpu.memory_space<vmem>>, vector<1x1x16xf32>,
        %parallel_loop3A_851 = vector.shape_cast %parallel_loop3A_850 : vector<1x1x16xf32> to vector<16xf32>
        %parallel_loop3A_852 = vector.shape_cast %parallel_loop3A_845 : vector<16xf32> to vector<1x1x16xf32>
        tpu.vector_store %arg14[%parallel_loop3A_847, %parallel_loop3A_848, %parallel_loop3A_849], %parallel_loop3A_852 {strides = array<i32>} : memref<3x80x128xf32, #tpu.memory_space<vmem>>, vector<1x1x16xf32>,
        %parallel_loop3A_853 = arith.constant 2 : i32
        %parallel_loop3A_854 = arith.index_cast %parallel_loop3A_853 : i32 to index
        %parallel_loop3A_855 = arith.index_cast %parallel_loop3A_809 : i32 to index
        %parallel_loop3A_856 = arith.constant 16 : index
        %parallel_loop3A_857 = tpu.vector_load %arg14[%parallel_loop3A_854, %parallel_loop3A_855, %parallel_loop3A_856] {strides = array<i32>} : memref<3x80x128xf32, #tpu.memory_space<vmem>>, vector<1x1x16xf32>,
        %parallel_loop3A_858 = vector.shape_cast %parallel_loop3A_857 : vector<1x1x16xf32> to vector<16xf32>
        %parallel_loop3A_859 = arith.mulf %parallel_loop3A_858, %parallel_loop3A_831 : vector<16xf32>
        %parallel_loop3A_860 = arith.constant 2 : i32
        %parallel_loop3A_861 = arith.index_cast %parallel_loop3A_860 : i32 to index
        %parallel_loop3A_862 = arith.index_cast %parallel_loop3A_809 : i32 to index
        %parallel_loop3A_863 = arith.constant 16 : index
        %parallel_loop3A_864 = tpu.vector_load %arg14[%parallel_loop3A_861, %parallel_loop3A_862, %parallel_loop3A_863] {strides = array<i32>} : memref<3x80x128xf32, #tpu.memory_space<vmem>>, vector<1x1x16xf32>,
        %parallel_loop3A_865 = vector.shape_cast %parallel_loop3A_864 : vector<1x1x16xf32> to vector<16xf32>
        %parallel_loop3A_866 = vector.shape_cast %parallel_loop3A_859 : vector<16xf32> to vector<1x1x16xf32>
        tpu.vector_store %arg14[%parallel_loop3A_861, %parallel_loop3A_862, %parallel_loop3A_863], %parallel_loop3A_866 {strides = array<i32>} : memref<3x80x128xf32, #tpu.memory_space<vmem>>, vector<1x1x16xf32>,
        %parallel_loop3A_867 = arith.constant 2 : i32
        %parallel_loop3A_868 = arith.index_cast %parallel_loop3A_867 : i32 to index
        %parallel_loop3A_869 = arith.index_cast %parallel_loop3A_809 : i32 to index
        %parallel_loop3A_870 = arith.constant 32 : index
        %parallel_loop3A_871 = tpu.vector_load %arg14[%parallel_loop3A_868, %parallel_loop3A_869, %parallel_loop3A_870] {strides = array<i32>} : memref<3x80x128xf32, #tpu.memory_space<vmem>>, vector<1x1x16xf32>,
        %parallel_loop3A_872 = vector.shape_cast %parallel_loop3A_871 : vector<1x1x16xf32> to vector<16xf32>
        %parallel_loop3A_873 = arith.mulf %parallel_loop3A_872, %parallel_loop3A_831 : vector<16xf32>
        %parallel_loop3A_874 = arith.constant 2 : i32
        %parallel_loop3A_875 = arith.index_cast %parallel_loop3A_874 : i32 to index
        %parallel_loop3A_876 = arith.index_cast %parallel_loop3A_809 : i32 to index
        %parallel_loop3A_877 = arith.constant 32 : index
        %parallel_loop3A_878 = tpu.vector_load %arg14[%parallel_loop3A_875, %parallel_loop3A_876, %parallel_loop3A_877] {strides = array<i32>} : memref<3x80x128xf32, #tpu.memory_space<vmem>>, vector<1x1x16xf32>,
        %parallel_loop3A_879 = vector.shape_cast %parallel_loop3A_878 : vector<1x1x16xf32> to vector<16xf32>
        %parallel_loop3A_880 = vector.shape_cast %parallel_loop3A_873 : vector<16xf32> to vector<1x1x16xf32>
        tpu.vector_store %arg14[%parallel_loop3A_875, %parallel_loop3A_876, %parallel_loop3A_877], %parallel_loop3A_880 {strides = array<i32>} : memref<3x80x128xf32, #tpu.memory_space<vmem>>, vector<1x1x16xf32>,
        %parallel_loop3A_881 = arith.constant 2 : i32
        %parallel_loop3A_882 = arith.index_cast %parallel_loop3A_881 : i32 to index
        %parallel_loop3A_883 = arith.index_cast %parallel_loop3A_809 : i32 to index
        %parallel_loop3A_884 = arith.constant 48 : index
        %parallel_loop3A_885 = tpu.vector_load %arg14[%parallel_loop3A_882, %parallel_loop3A_883, %parallel_loop3A_884] {strides = array<i32>} : memref<3x80x128xf32, #tpu.memory_space<vmem>>, vector<1x1x16xf32>,
        %parallel_loop3A_886 = vector.shape_cast %parallel_loop3A_885 : vector<1x1x16xf32> to vector<16xf32>
        %parallel_loop3A_887 = arith.mulf %parallel_loop3A_886, %parallel_loop3A_831 : vector<16xf32>
        %parallel_loop3A_888 = arith.constant 2 : i32
        %parallel_loop3A_889 = arith.index_cast %parallel_loop3A_888 : i32 to index
        %parallel_loop3A_890 = arith.index_cast %parallel_loop3A_809 : i32 to index
        %parallel_loop3A_891 = arith.constant 48 : index
        %parallel_loop3A_892 = tpu.vector_load %arg14[%parallel_loop3A_889, %parallel_loop3A_890, %parallel_loop3A_891] {strides = array<i32>} : memref<3x80x128xf32, #tpu.memory_space<vmem>>, vector<1x1x16xf32>,
        %parallel_loop3A_893 = vector.shape_cast %parallel_loop3A_892 : vector<1x1x16xf32> to vector<16xf32>
        %parallel_loop3A_894 = vector.shape_cast %parallel_loop3A_887 : vector<16xf32> to vector<1x1x16xf32>
        tpu.vector_store %arg14[%parallel_loop3A_889, %parallel_loop3A_890, %parallel_loop3A_891], %parallel_loop3A_894 {strides = array<i32>} : memref<3x80x128xf32, #tpu.memory_space<vmem>>, vector<1x1x16xf32>,
        %parallel_loop3A_895 = arith.constant 2 : i32
        %parallel_loop3A_896 = arith.index_cast %parallel_loop3A_895 : i32 to index
        %parallel_loop3A_897 = arith.index_cast %parallel_loop3A_809 : i32 to index
        %parallel_loop3A_898 = arith.constant 64 : index
        %parallel_loop3A_899 = tpu.vector_load %arg14[%parallel_loop3A_896, %parallel_loop3A_897, %parallel_loop3A_898] {strides = array<i32>} : memref<3x80x128xf32, #tpu.memory_space<vmem>>, vector<1x1x16xf32>,
        %parallel_loop3A_900 = vector.shape_cast %parallel_loop3A_899 : vector<1x1x16xf32> to vector<16xf32>
        %parallel_loop3A_901 = arith.mulf %parallel_loop3A_900, %parallel_loop3A_831 : vector<16xf32>
        %parallel_loop3A_902 = arith.constant 2 : i32
        %parallel_loop3A_903 = arith.index_cast %parallel_loop3A_902 : i32 to index
        %parallel_loop3A_904 = arith.index_cast %parallel_loop3A_809 : i32 to index
        %parallel_loop3A_905 = arith.constant 64 : index
        %parallel_loop3A_906 = tpu.vector_load %arg14[%parallel_loop3A_903, %parallel_loop3A_904, %parallel_loop3A_905] {strides = array<i32>} : memref<3x80x128xf32, #tpu.memory_space<vmem>>, vector<1x1x16xf32>,
        %parallel_loop3A_907 = vector.shape_cast %parallel_loop3A_906 : vector<1x1x16xf32> to vector<16xf32>
        %parallel_loop3A_908 = vector.shape_cast %parallel_loop3A_901 : vector<16xf32> to vector<1x1x16xf32>
        tpu.vector_store %arg14[%parallel_loop3A_903, %parallel_loop3A_904, %parallel_loop3A_905], %parallel_loop3A_908 {strides = array<i32>} : memref<3x80x128xf32, #tpu.memory_space<vmem>>, vector<1x1x16xf32>,
        %parallel_loop3A_909 = arith.constant 2 : i32
        %parallel_loop3A_910 = arith.index_cast %parallel_loop3A_909 : i32 to index
        %parallel_loop3A_911 = arith.index_cast %parallel_loop3A_809 : i32 to index
        %parallel_loop3A_912 = arith.constant 80 : index
        %parallel_loop3A_913 = tpu.vector_load %arg14[%parallel_loop3A_910, %parallel_loop3A_911, %parallel_loop3A_912] {strides = array<i32>} : memref<3x80x128xf32, #tpu.memory_space<vmem>>, vector<1x1x16xf32>,
        %parallel_loop3A_914 = vector.shape_cast %parallel_loop3A_913 : vector<1x1x16xf32> to vector<16xf32>
        %parallel_loop3A_915 = arith.mulf %parallel_loop3A_914, %parallel_loop3A_831 : vector<16xf32>
        %parallel_loop3A_916 = arith.constant 2 : i32
        %parallel_loop3A_917 = arith.index_cast %parallel_loop3A_916 : i32 to index
        %parallel_loop3A_918 = arith.index_cast %parallel_loop3A_809 : i32 to index
        %parallel_loop3A_919 = arith.constant 80 : index
        %parallel_loop3A_920 = tpu.vector_load %arg14[%parallel_loop3A_917, %parallel_loop3A_918, %parallel_loop3A_919] {strides = array<i32>} : memref<3x80x128xf32, #tpu.memory_space<vmem>>, vector<1x1x16xf32>,
        %parallel_loop3A_921 = vector.shape_cast %parallel_loop3A_920 : vector<1x1x16xf32> to vector<16xf32>
        %parallel_loop3A_922 = vector.shape_cast %parallel_loop3A_915 : vector<16xf32> to vector<1x1x16xf32>
        tpu.vector_store %arg14[%parallel_loop3A_917, %parallel_loop3A_918, %parallel_loop3A_919], %parallel_loop3A_922 {strides = array<i32>} : memref<3x80x128xf32, #tpu.memory_space<vmem>>, vector<1x1x16xf32>,
        %parallel_loop3A_923 = arith.constant 2 : i32
        %parallel_loop3A_924 = arith.index_cast %parallel_loop3A_923 : i32 to index
        %parallel_loop3A_925 = arith.index_cast %parallel_loop3A_809 : i32 to index
        %parallel_loop3A_926 = arith.constant 96 : index
        %parallel_loop3A_927 = tpu.vector_load %arg14[%parallel_loop3A_924, %parallel_loop3A_925, %parallel_loop3A_926] {strides = array<i32>} : memref<3x80x128xf32, #tpu.memory_space<vmem>>, vector<1x1x16xf32>,
        %parallel_loop3A_928 = vector.shape_cast %parallel_loop3A_927 : vector<1x1x16xf32> to vector<16xf32>
        %parallel_loop3A_929 = arith.mulf %parallel_loop3A_928, %parallel_loop3A_831 : vector<16xf32>
        %parallel_loop3A_930 = arith.constant 2 : i32
        %parallel_loop3A_931 = arith.index_cast %parallel_loop3A_930 : i32 to index
        %parallel_loop3A_932 = arith.index_cast %parallel_loop3A_809 : i32 to index
        %parallel_loop3A_933 = arith.constant 96 : index
        %parallel_loop3A_934 = tpu.vector_load %arg14[%parallel_loop3A_931, %parallel_loop3A_932, %parallel_loop3A_933] {strides = array<i32>} : memref<3x80x128xf32, #tpu.memory_space<vmem>>, vector<1x1x16xf32>,
        %parallel_loop3A_935 = vector.shape_cast %parallel_loop3A_934 : vector<1x1x16xf32> to vector<16xf32>
        %parallel_loop3A_936 = vector.shape_cast %parallel_loop3A_929 : vector<16xf32> to vector<1x1x16xf32>
        tpu.vector_store %arg14[%parallel_loop3A_931, %parallel_loop3A_932, %parallel_loop3A_933], %parallel_loop3A_936 {strides = array<i32>} : memref<3x80x128xf32, #tpu.memory_space<vmem>>, vector<1x1x16xf32>,
        %parallel_loop3A_937 = arith.constant 2 : i32
        %parallel_loop3A_938 = arith.index_cast %parallel_loop3A_937 : i32 to index
        %parallel_loop3A_939 = arith.index_cast %parallel_loop3A_809 : i32 to index
        %parallel_loop3A_940 = arith.constant 112 : index
        %parallel_loop3A_941 = tpu.vector_load %arg14[%parallel_loop3A_938, %parallel_loop3A_939, %parallel_loop3A_940] {strides = array<i32>} : memref<3x80x128xf32, #tpu.memory_space<vmem>>, vector<1x1x16xf32>,
        %parallel_loop3A_942 = vector.shape_cast %parallel_loop3A_941 : vector<1x1x16xf32> to vector<16xf32>
        %parallel_loop3A_943 = arith.mulf %parallel_loop3A_942, %parallel_loop3A_831 : vector<16xf32>
        %parallel_loop3A_944 = arith.constant 2 : i32
        %parallel_loop3A_945 = arith.index_cast %parallel_loop3A_944 : i32 to index
        %parallel_loop3A_946 = arith.index_cast %parallel_loop3A_809 : i32 to index
        %parallel_loop3A_947 = arith.constant 112 : index
        %parallel_loop3A_948 = tpu.vector_load %arg14[%parallel_loop3A_945, %parallel_loop3A_946, %parallel_loop3A_947] {strides = array<i32>} : memref<3x80x128xf32, #tpu.memory_space<vmem>>, vector<1x1x16xf32>,
        %parallel_loop3A_949 = vector.shape_cast %parallel_loop3A_948 : vector<1x1x16xf32> to vector<16xf32>
        %parallel_loop3A_950 = vector.shape_cast %parallel_loop3A_943 : vector<16xf32> to vector<1x1x16xf32>
        tpu.vector_store %arg14[%parallel_loop3A_945, %parallel_loop3A_946, %parallel_loop3A_947], %parallel_loop3A_950 {strides = array<i32>} : memref<3x80x128xf32, #tpu.memory_space<vmem>>, vector<1x1x16xf32>,
      } {sc.loop_unroll_factor = 8 : i64, sc.parallel_access}
      %dma_start3A_776 = arith.constant 2 : i32
      %dma_start3A_777 = arith.constant 2 : i32
      %dma_start3A_778 = arith.constant 1 : i32
      %dma_start3A_779 = arith.constant 2 : i32
      %dma_start3A_780 = arith.constant 0 : i32
      %dma_start3A_781 = arith.constant 0 : i32
      %dma_start3A_782 = tpu.memref_slice %arg12[%dma_start3A_776, %dma_start3A_780, %dma_start3A_781] : memref<3x80x16xf32, #tpu.memory_space<vmem>> -> memref<1x80x16xf32, #tpu.memory_space<vmem>>
      %dma_start3A_783 = tpu.memref_squeeze %dma_start3A_782 : memref<1x80x16xf32, #tpu.memory_space<vmem>> -> memref<80x16xf32, #tpu.memory_space<vmem>>
      %dma_start3A_784 = arith.constant 0 : i32
      %dma_start3A_785 = tpu.memref_slice %arg11[%dma_start3A_777, %dma_start3A_778, %dma_start3A_784] : memref<3x2x80xi32, #tpu.memory_space<vmem>> -> memref<1x1x80xi32, #tpu.memory_space<vmem>>
      %dma_start3A_786 = tpu.memref_squeeze %dma_start3A_785 : memref<1x1x80xi32, #tpu.memory_space<vmem>> -> memref<80xi32, #tpu.memory_space<vmem>>
      %dma_start3A_787 = arith.constant 0 : i32
      %dma_start3A_788 = arith.constant 0 : i32
      %dma_start3A_789 = tpu.memref_slice %arg10[%dma_start3A_787, %dma_start3A_788] : memref<10000x16xf32, #tpu.memory_space<vmem_shared>> -> memref<10000x16xf32, #tpu.memory_space<vmem_shared>>
      %dma_start3A_790 = tpu.memref_slice %arg20[%dma_start3A_779] : memref<3x!tpu.dma_semaphore, #tpu.memory_space<semaphore_mem>> -> memref<1x!tpu.dma_semaphore, #tpu.memory_space<semaphore_mem>>
      %dma_start3A_791 = tpu.memref_squeeze %dma_start3A_790 : memref<1x!tpu.dma_semaphore, #tpu.memory_space<semaphore_mem>> -> memref<!tpu.dma_semaphore, #tpu.memory_space<semaphore_mem>>
      tpu.enqueue_indirect_dma source(%dma_start3A_783 : memref<80x16xf32, #tpu.memory_space<vmem>>) target(%dma_start3A_789 : memref<10000x16xf32, #tpu.memory_space<vmem_shared>>) offsets(%dma_start3A_786 : memref<80xi32, #tpu.memory_space<vmem>>) semaphore(%dma_start3A_791 : memref<!tpu.dma_semaphore, #tpu.memory_space<semaphore_mem>>) {add = true}
      %dma_start3A_792 = arith.constant 2 : i32
      %dma_start3A_793 = arith.constant 2 : i32
      %dma_start3A_794 = arith.constant 1 : i32
      %dma_start3A_795 = arith.constant 2 : i32
      %dma_start3A_796 = arith.constant 0 : i32
      %dma_start3A_797 = arith.constant 0 : i32
      %dma_start3A_798 = tpu.memref_slice %arg14[%dma_start3A_792, %dma_start3A_796, %dma_start3A_797] : memref<3x80x128xf32, #tpu.memory_space<vmem>> -> memref<1x80x128xf32, #tpu.memory_space<vmem>>
      %dma_start3A_799 = tpu.memref_squeeze %dma_start3A_798 : memref<1x80x128xf32, #tpu.memory_space<vmem>> -> memref<80x128xf32, #tpu.memory_space<vmem>>
      %dma_start3A_800 = arith.constant 0 : i32
      %dma_start3A_801 = tpu.memref_slice %arg11[%dma_start3A_793, %dma_start3A_794, %dma_start3A_800] : memref<3x2x80xi32, #tpu.memory_space<vmem>> -> memref<1x1x80xi32, #tpu.memory_space<vmem>>
      %dma_start3A_802 = tpu.memref_squeeze %dma_start3A_801 : memref<1x1x80xi32, #tpu.memory_space<vmem>> -> memref<80xi32, #tpu.memory_space<vmem>>
      %dma_start3A_803 = arith.constant 0 : i32
      %dma_start3A_804 = arith.constant 0 : i32
      %dma_start3A_805 = tpu.memref_slice %arg9[%dma_start3A_803, %dma_start3A_804] : memref<10000x128xf32, #tpu.memory_space<vmem_shared>> -> memref<10000x128xf32, #tpu.memory_space<vmem_shared>>
      %dma_start3A_806 = tpu.memref_slice %arg21[%dma_start3A_795] : memref<3x!tpu.dma_semaphore, #tpu.memory_space<semaphore_mem>> -> memref<1x!tpu.dma_semaphore, #tpu.memory_space<semaphore_mem>>
      %dma_start3A_807 = tpu.memref_squeeze %dma_start3A_806 : memref<1x!tpu.dma_semaphore, #tpu.memory_space<semaphore_mem>> -> memref<!tpu.dma_semaphore, #tpu.memory_space<semaphore_mem>>
      tpu.enqueue_indirect_dma source(%dma_start3A_799 : memref<80x128xf32, #tpu.memory_space<vmem>>) target(%dma_start3A_805 : memref<10000x128xf32, #tpu.memory_space<vmem_shared>>) offsets(%dma_start3A_802 : memref<80xi32, #tpu.memory_space<vmem>>) semaphore(%dma_start3A_807 : memref<!tpu.dma_semaphore, #tpu.memory_space<semaphore_mem>>) {add = true}
      %scan3A_808 = arith.constant 0 : i32
      scf.yield %scan3A_808 : i32
    }
    %scan3A_151 = arith.constant 41 : i32
    %dma_wait3A_152 = arith.constant 2 : i32
    %dma_wait3A_153 = arith.constant 2 : i32
    %dma_wait3A_154 = arith.constant 1 : i32
    %dma_wait3A_155 = arith.constant 2 : i32
    %dma_wait3A_156 = arith.constant 0 : i32
    %dma_wait3A_157 = arith.constant 0 : i32
    %dma_wait3A_158 = tpu.memref_slice %arg12[%dma_wait3A_152, %dma_wait3A_156, %dma_wait3A_157] : memref<3x80x16xf32, #tpu.memory_space<vmem>> -> memref<1x80x16xf32, #tpu.memory_space<vmem>>
    %dma_wait3A_159 = tpu.memref_squeeze %dma_wait3A_158 : memref<1x80x16xf32, #tpu.memory_space<vmem>> -> memref<80x16xf32, #tpu.memory_space<vmem>>
    %dma_wait3A_160 = arith.constant 0 : i32
    %dma_wait3A_161 = tpu.memref_slice %arg11[%dma_wait3A_153, %dma_wait3A_154, %dma_wait3A_160] : memref<3x2x80xi32, #tpu.memory_space<vmem>> -> memref<1x1x80xi32, #tpu.memory_space<vmem>>
    %dma_wait3A_162 = tpu.memref_squeeze %dma_wait3A_161 : memref<1x1x80xi32, #tpu.memory_space<vmem>> -> memref<80xi32, #tpu.memory_space<vmem>>
    %dma_wait3A_163 = arith.constant 0 : i32
    %dma_wait3A_164 = arith.constant 0 : i32
    %dma_wait3A_165 = tpu.memref_slice %arg10[%dma_wait3A_163, %dma_wait3A_164] : memref<10000x16xf32, #tpu.memory_space<vmem_shared>> -> memref<10000x16xf32, #tpu.memory_space<vmem_shared>>
    %dma_wait3A_166 = tpu.memref_slice %arg20[%dma_wait3A_155] : memref<3x!tpu.dma_semaphore, #tpu.memory_space<semaphore_mem>> -> memref<1x!tpu.dma_semaphore, #tpu.memory_space<semaphore_mem>>
    %dma_wait3A_167 = tpu.memref_squeeze %dma_wait3A_166 : memref<1x!tpu.dma_semaphore, #tpu.memory_space<semaphore_mem>> -> memref<!tpu.dma_semaphore, #tpu.memory_space<semaphore_mem>>
    tpu.wait_indirect_dma semaphore(%dma_wait3A_167 : memref<!tpu.dma_semaphore, #tpu.memory_space<semaphore_mem>>) src(%dma_wait3A_159 : memref<80x16xf32, #tpu.memory_space<vmem>>) dst(%dma_wait3A_165 : memref<10000x16xf32, #tpu.memory_space<vmem_shared>>)
    %dma_wait3A_168 = arith.constant 2 : i32
    %dma_wait3A_169 = arith.constant 2 : i32
    %dma_wait3A_170 = arith.constant 1 : i32
    %dma_wait3A_171 = arith.constant 2 : i32
    %dma_wait3A_172 = arith.constant 0 : i32
    %dma_wait3A_173 = arith.constant 0 : i32
    %dma_wait3A_174 = tpu.memref_slice %arg14[%dma_wait3A_168, %dma_wait3A_172, %dma_wait3A_173] : memref<3x80x128xf32, #tpu.memory_space<vmem>> -> memref<1x80x128xf32, #tpu.memory_space<vmem>>
    %dma_wait3A_175 = tpu.memref_squeeze %dma_wait3A_174 : memref<1x80x128xf32, #tpu.memory_space<vmem>> -> memref<80x128xf32, #tpu.memory_space<vmem>>
    %dma_wait3A_176 = arith.constant 0 : i32
    %dma_wait3A_177 = tpu.memref_slice %arg11[%dma_wait3A_169, %dma_wait3A_170, %dma_wait3A_176] : memref<3x2x80xi32, #tpu.memory_space<vmem>> -> memref<1x1x80xi32, #tpu.memory_space<vmem>>
    %dma_wait3A_178 = tpu.memref_squeeze %dma_wait3A_177 : memref<1x1x80xi32, #tpu.memory_space<vmem>> -> memref<80xi32, #tpu.memory_space<vmem>>
    %dma_wait3A_179 = arith.constant 0 : i32
    %dma_wait3A_180 = arith.constant 0 : i32
    %dma_wait3A_181 = tpu.memref_slice %arg9[%dma_wait3A_179, %dma_wait3A_180] : memref<10000x128xf32, #tpu.memory_space<vmem_shared>> -> memref<10000x128xf32, #tpu.memory_space<vmem_shared>>
    %dma_wait3A_182 = tpu.memref_slice %arg21[%dma_wait3A_171] : memref<3x!tpu.dma_semaphore, #tpu.memory_space<semaphore_mem>> -> memref<1x!tpu.dma_semaphore, #tpu.memory_space<semaphore_mem>>
    %dma_wait3A_183 = tpu.memref_squeeze %dma_wait3A_182 : memref<1x!tpu.dma_semaphore, #tpu.memory_space<semaphore_mem>> -> memref<!tpu.dma_semaphore, #tpu.memory_space<semaphore_mem>>
    tpu.wait_indirect_dma semaphore(%dma_wait3A_183 : memref<!tpu.dma_semaphore, #tpu.memory_space<semaphore_mem>>) src(%dma_wait3A_175 : memref<80x128xf32, #tpu.memory_space<vmem>>) dst(%dma_wait3A_181 : memref<10000x128xf32, #tpu.memory_space<vmem_shared>>)
    %add3A_184 = arith.constant 3968 : i32
    %add3A_185 = arith.addi %add3A_184, %add3A : i32
    %mul3A_186 = arith.constant 80 : i32
    %mul3A_187 = arith.muli %add3A_185, %mul3A_186 : i32
    %dma_wait3A_188 = arith.constant 1 : i32
    %dma_wait3A_189 = arith.constant 1 : i32
    %dma_wait3A_190 = arith.constant 0 : i32
    %dma_wait3A_191 = arith.constant 0 : i32
    %dma_wait3A_192 = tpu.memref_slice %arg11[%dma_wait3A_188, %dma_wait3A_190, %dma_wait3A_191] : memref<3x2x80xi32, #tpu.memory_space<vmem>> -> memref<1x2x80xi32, #tpu.memory_space<vmem>>
    %dma_wait3A_193 = tpu.memref_squeeze %dma_wait3A_192 : memref<1x2x80xi32, #tpu.memory_space<vmem>> -> memref<2x80xi32, #tpu.memory_space<vmem>>
    %dma_wait3A_194 = arith.constant 0 : i32
    %dma_wait3A_195 = tpu.memref_slice %arg6[%dma_wait3A_194, %mul3A_187] : memref<2x320000xi32, #tpu.memory_space<hbm>> -> memref<2x80xi32, #tpu.memory_space<hbm>>
    %dma_wait3A_196 = tpu.memref_slice %arg16[%dma_wait3A_189] : memref<3x!tpu.dma_semaphore, #tpu.memory_space<semaphore_mem>> -> memref<1x!tpu.dma_semaphore, #tpu.memory_space<semaphore_mem>>
    %dma_wait3A_197 = tpu.memref_squeeze %dma_wait3A_196 : memref<1x!tpu.dma_semaphore, #tpu.memory_space<semaphore_mem>> -> memref<!tpu.dma_semaphore, #tpu.memory_space<semaphore_mem>>
    %dma_wait3A_198 = arith.constant 0 : i32
    %dma_wait3A_199 = arith.constant 0 : i32
    %dma_wait3A_200 = tpu.memref_slice %arg11[%dma_wait3A_188, %dma_wait3A_198, %dma_wait3A_199] : memref<3x2x80xi32, #tpu.memory_space<vmem>> -> memref<1x2x80xi32, #tpu.memory_space<vmem>>
    %dma_wait3A_201 = tpu.memref_squeeze %dma_wait3A_200 : memref<1x2x80xi32, #tpu.memory_space<vmem>> -> memref<2x80xi32, #tpu.memory_space<vmem>>
    %dma_wait3A_202 = arith.constant 0 : i32
    %dma_wait3A_203 = tpu.memref_slice %arg6[%dma_wait3A_202, %mul3A_187] : memref<2x320000xi32, #tpu.memory_space<hbm>> -> memref<2x80xi32, #tpu.memory_space<hbm>>
    tpu.wait_dma2 semaphore(%dma_wait3A_197 : memref<!tpu.dma_semaphore, #tpu.memory_space<semaphore_mem>>) src(%dma_wait3A_203 : memref<2x80xi32, #tpu.memory_space<hbm>>) dst(%dma_wait3A_201 : memref<2x80xi32, #tpu.memory_space<vmem>>)
    %dma_start3A_204 = arith.constant 1 : i32
    %dma_start3A_205 = arith.constant 0 : i32
    %dma_start3A_206 = arith.constant 1 : i32
    %dma_start3A_207 = arith.constant 1 : i32
    %dma_start3A_208 = arith.constant 0 : i32
    %dma_start3A_209 = arith.constant 0 : i32
    %dma_start3A_210 = tpu.memref_slice %arg14[%dma_start3A_206, %dma_start3A_208, %dma_start3A_209] : memref<3x80x128xf32, #tpu.memory_space<vmem>> -> memref<1x80x128xf32, #tpu.memory_space<vmem>>
    %dma_start3A_211 = tpu.memref_squeeze %dma_start3A_210 : memref<1x80x128xf32, #tpu.memory_space<vmem>> -> memref<80x128xf32, #tpu.memory_space<vmem>>
    %dma_start3A_212 = arith.constant 0 : i32
    %dma_start3A_213 = tpu.memref_slice %arg11[%dma_start3A_204, %dma_start3A_205, %dma_start3A_212] : memref<3x2x80xi32, #tpu.memory_space<vmem>> -> memref<1x1x80xi32, #tpu.memory_space<vmem>>
    %dma_start3A_214 = tpu.memref_squeeze %dma_start3A_213 : memref<1x1x80xi32, #tpu.memory_space<vmem>> -> memref<80xi32, #tpu.memory_space<vmem>>
    %dma_start3A_215 = arith.constant 0 : i32
    %dma_start3A_216 = arith.constant 0 : i32
    %dma_start3A_217 = tpu.memref_slice %arg2[%dma_start3A_215, %dma_start3A_216] : memref<10000x128xf32, #tpu.memory_space<hbm>> -> memref<10000x128xf32, #tpu.memory_space<hbm>>
    %dma_start3A_218 = tpu.memref_slice %arg19[%dma_start3A_207] : memref<3x!tpu.dma_semaphore, #tpu.memory_space<semaphore_mem>> -> memref<1x!tpu.dma_semaphore, #tpu.memory_space<semaphore_mem>>
    %dma_start3A_219 = tpu.memref_squeeze %dma_start3A_218 : memref<1x!tpu.dma_semaphore, #tpu.memory_space<semaphore_mem>> -> memref<!tpu.dma_semaphore, #tpu.memory_space<semaphore_mem>>
    tpu.enqueue_indirect_dma source(%dma_start3A_217 : memref<10000x128xf32, #tpu.memory_space<hbm>>) target(%dma_start3A_211 : memref<80x128xf32, #tpu.memory_space<vmem>>) offsets(%dma_start3A_214 : memref<80xi32, #tpu.memory_space<vmem>>) semaphore(%dma_start3A_219 : memref<!tpu.dma_semaphore, #tpu.memory_space<semaphore_mem>>)
    %dma_start3A_220 = arith.constant 1 : i32
    %dma_start3A_221 = arith.constant 0 : i32
    %dma_start3A_222 = arith.constant 1 : i32
    %dma_start3A_223 = arith.constant 1 : i32
    %dma_start3A_224 = arith.constant 0 : i32
    %dma_start3A_225 = arith.constant 0 : i32
    %dma_start3A_226 = tpu.memref_slice %arg12[%dma_start3A_222, %dma_start3A_224, %dma_start3A_225] : memref<3x80x16xf32, #tpu.memory_space<vmem>> -> memref<1x80x16xf32, #tpu.memory_space<vmem>>
    %dma_start3A_227 = tpu.memref_squeeze %dma_start3A_226 : memref<1x80x16xf32, #tpu.memory_space<vmem>> -> memref<80x16xf32, #tpu.memory_space<vmem>>
    %dma_start3A_228 = arith.constant 0 : i32
    %dma_start3A_229 = tpu.memref_slice %arg11[%dma_start3A_220, %dma_start3A_221, %dma_start3A_228] : memref<3x2x80xi32, #tpu.memory_space<vmem>> -> memref<1x1x80xi32, #tpu.memory_space<vmem>>
    %dma_start3A_230 = tpu.memref_squeeze %dma_start3A_229 : memref<1x1x80xi32, #tpu.memory_space<vmem>> -> memref<80xi32, #tpu.memory_space<vmem>>
    %dma_start3A_231 = arith.constant 0 : i32
    %dma_start3A_232 = arith.constant 0 : i32
    %dma_start3A_233 = tpu.memref_slice %arg3[%dma_start3A_231, %dma_start3A_232] : memref<10000x16xf32, #tpu.memory_space<hbm>> -> memref<10000x16xf32, #tpu.memory_space<hbm>>
    %dma_start3A_234 = tpu.memref_slice %arg17[%dma_start3A_223] : memref<3x!tpu.dma_semaphore, #tpu.memory_space<semaphore_mem>> -> memref<1x!tpu.dma_semaphore, #tpu.memory_space<semaphore_mem>>
    %dma_start3A_235 = tpu.memref_squeeze %dma_start3A_234 : memref<1x!tpu.dma_semaphore, #tpu.memory_space<semaphore_mem>> -> memref<!tpu.dma_semaphore, #tpu.memory_space<semaphore_mem>>
    tpu.enqueue_indirect_dma source(%dma_start3A_233 : memref<10000x16xf32, #tpu.memory_space<hbm>>) target(%dma_start3A_227 : memref<80x16xf32, #tpu.memory_space<vmem>>) offsets(%dma_start3A_230 : memref<80xi32, #tpu.memory_space<vmem>>) semaphore(%dma_start3A_235 : memref<!tpu.dma_semaphore, #tpu.memory_space<semaphore_mem>>)
    %dma_start3A_236 = arith.constant 1 : i32
    %dma_start3A_237 = arith.constant 1 : i32
    %dma_start3A_238 = arith.constant 1 : i32
    %dma_start3A_239 = arith.constant 1 : i32
    %dma_start3A_240 = arith.constant 0 : i32
    %dma_start3A_241 = arith.constant 0 : i32
    %dma_start3A_242 = tpu.memref_slice %arg13[%dma_start3A_238, %dma_start3A_240, %dma_start3A_241] : memref<3x80x16xf32, #tpu.memory_space<vmem>> -> memref<1x80x16xf32, #tpu.memory_space<vmem>>
    %dma_start3A_243 = tpu.memref_squeeze %dma_start3A_242 : memref<1x80x16xf32, #tpu.memory_space<vmem>> -> memref<80x16xf32, #tpu.memory_space<vmem>>
    %dma_start3A_244 = arith.constant 0 : i32
    %dma_start3A_245 = tpu.memref_slice %arg11[%dma_start3A_236, %dma_start3A_237, %dma_start3A_244] : memref<3x2x80xi32, #tpu.memory_space<vmem>> -> memref<1x1x80xi32, #tpu.memory_space<vmem>>
    %dma_start3A_246 = tpu.memref_squeeze %dma_start3A_245 : memref<1x1x80xi32, #tpu.memory_space<vmem>> -> memref<80xi32, #tpu.memory_space<vmem>>
    %dma_start3A_247 = arith.constant 0 : i32
    %dma_start3A_248 = arith.constant 0 : i32
    %dma_start3A_249 = tpu.memref_slice %arg4[%dma_start3A_247, %dma_start3A_248] : memref<10000x16xf32, #tpu.memory_space<hbm>> -> memref<10000x16xf32, #tpu.memory_space<hbm>>
    %dma_start3A_250 = tpu.memref_slice %arg18[%dma_start3A_239] : memref<3x!tpu.dma_semaphore, #tpu.memory_space<semaphore_mem>> -> memref<1x!tpu.dma_semaphore, #tpu.memory_space<semaphore_mem>>
    %dma_start3A_251 = tpu.memref_squeeze %dma_start3A_250 : memref<1x!tpu.dma_semaphore, #tpu.memory_space<semaphore_mem>> -> memref<!tpu.dma_semaphore, #tpu.memory_space<semaphore_mem>>
    tpu.enqueue_indirect_dma source(%dma_start3A_249 : memref<10000x16xf32, #tpu.memory_space<hbm>>) target(%dma_start3A_243 : memref<80x16xf32, #tpu.memory_space<vmem>>) offsets(%dma_start3A_246 : memref<80xi32, #tpu.memory_space<vmem>>) semaphore(%dma_start3A_251 : memref<!tpu.dma_semaphore, #tpu.memory_space<semaphore_mem>>)
    %dma_wait3A_252 = arith.constant 0 : i32
    %dma_wait3A_253 = arith.constant 0 : i32
    %dma_wait3A_254 = arith.constant 0 : i32
    %dma_wait3A_255 = arith.constant 0 : i32
    %dma_wait3A_256 = arith.constant 0 : i32
    %dma_wait3A_257 = arith.constant 0 : i32
    %dma_wait3A_258 = tpu.memref_slice %arg14[%dma_wait3A_254, %dma_wait3A_256, %dma_wait3A_257] : memref<3x80x128xf32, #tpu.memory_space<vmem>> -> memref<1x80x128xf32, #tpu.memory_space<vmem>>
    %dma_wait3A_259 = tpu.memref_squeeze %dma_wait3A_258 : memref<1x80x128xf32, #tpu.memory_space<vmem>> -> memref<80x128xf32, #tpu.memory_space<vmem>>
    %dma_wait3A_260 = arith.constant 0 : i32
    %dma_wait3A_261 = tpu.memref_slice %arg11[%dma_wait3A_252, %dma_wait3A_253, %dma_wait3A_260] : memref<3x2x80xi32, #tpu.memory_space<vmem>> -> memref<1x1x80xi32, #tpu.memory_space<vmem>>
    %dma_wait3A_262 = tpu.memref_squeeze %dma_wait3A_261 : memref<1x1x80xi32, #tpu.memory_space<vmem>> -> memref<80xi32, #tpu.memory_space<vmem>>
    %dma_wait3A_263 = arith.constant 0 : i32
    %dma_wait3A_264 = arith.constant 0 : i32
    %dma_wait3A_265 = tpu.memref_slice %arg2[%dma_wait3A_263, %dma_wait3A_264] : memref<10000x128xf32, #tpu.memory_space<hbm>> -> memref<10000x128xf32, #tpu.memory_space<hbm>>
    %dma_wait3A_266 = tpu.memref_slice %arg19[%dma_wait3A_255] : memref<3x!tpu.dma_semaphore, #tpu.memory_space<semaphore_mem>> -> memref<1x!tpu.dma_semaphore, #tpu.memory_space<semaphore_mem>>
    %dma_wait3A_267 = tpu.memref_squeeze %dma_wait3A_266 : memref<1x!tpu.dma_semaphore, #tpu.memory_space<semaphore_mem>> -> memref<!tpu.dma_semaphore, #tpu.memory_space<semaphore_mem>>
    tpu.wait_indirect_dma semaphore(%dma_wait3A_267 : memref<!tpu.dma_semaphore, #tpu.memory_space<semaphore_mem>>) src(%dma_wait3A_265 : memref<10000x128xf32, #tpu.memory_space<hbm>>) dst(%dma_wait3A_259 : memref<80x128xf32, #tpu.memory_space<vmem>>)
    %dma_wait3A_268 = arith.constant 0 : i32
    %dma_wait3A_269 = arith.constant 0 : i32
    %dma_wait3A_270 = arith.constant 0 : i32
    %dma_wait3A_271 = arith.constant 0 : i32
    %dma_wait3A_272 = arith.constant 0 : i32
    %dma_wait3A_273 = arith.constant 0 : i32
    %dma_wait3A_274 = tpu.memref_slice %arg12[%dma_wait3A_270, %dma_wait3A_272, %dma_wait3A_273] : memref<3x80x16xf32, #tpu.memory_space<vmem>> -> memref<1x80x16xf32, #tpu.memory_space<vmem>>
    %dma_wait3A_275 = tpu.memref_squeeze %dma_wait3A_274 : memref<1x80x16xf32, #tpu.memory_space<vmem>> -> memref<80x16xf32, #tpu.memory_space<vmem>>
    %dma_wait3A_276 = arith.constant 0 : i32
    %dma_wait3A_277 = tpu.memref_slice %arg11[%dma_wait3A_268, %dma_wait3A_269, %dma_wait3A_276] : memref<3x2x80xi32, #tpu.memory_space<vmem>> -> memref<1x1x80xi32, #tpu.memory_space<vmem>>
    %dma_wait3A_278 = tpu.memref_squeeze %dma_wait3A_277 : memref<1x1x80xi32, #tpu.memory_space<vmem>> -> memref<80xi32, #tpu.memory_space<vmem>>
    %dma_wait3A_279 = arith.constant 0 : i32
    %dma_wait3A_280 = arith.constant 0 : i32
    %dma_wait3A_281 = tpu.memref_slice %arg3[%dma_wait3A_279, %dma_wait3A_280] : memref<10000x16xf32, #tpu.memory_space<hbm>> -> memref<10000x16xf32, #tpu.memory_space<hbm>>
    %dma_wait3A_282 = tpu.memref_slice %arg17[%dma_wait3A_271] : memref<3x!tpu.dma_semaphore, #tpu.memory_space<semaphore_mem>> -> memref<1x!tpu.dma_semaphore, #tpu.memory_space<semaphore_mem>>
    %dma_wait3A_283 = tpu.memref_squeeze %dma_wait3A_282 : memref<1x!tpu.dma_semaphore, #tpu.memory_space<semaphore_mem>> -> memref<!tpu.dma_semaphore, #tpu.memory_space<semaphore_mem>>
    tpu.wait_indirect_dma semaphore(%dma_wait3A_283 : memref<!tpu.dma_semaphore, #tpu.memory_space<semaphore_mem>>) src(%dma_wait3A_281 : memref<10000x16xf32, #tpu.memory_space<hbm>>) dst(%dma_wait3A_275 : memref<80x16xf32, #tpu.memory_space<vmem>>)
    %dma_wait3A_284 = arith.constant 0 : i32
    %dma_wait3A_285 = arith.constant 1 : i32
    %dma_wait3A_286 = arith.constant 0 : i32
    %dma_wait3A_287 = arith.constant 0 : i32
    %dma_wait3A_288 = arith.constant 0 : i32
    %dma_wait3A_289 = arith.constant 0 : i32
    %dma_wait3A_290 = tpu.memref_slice %arg13[%dma_wait3A_286, %dma_wait3A_288, %dma_wait3A_289] : memref<3x80x16xf32, #tpu.memory_space<vmem>> -> memref<1x80x16xf32, #tpu.memory_space<vmem>>
    %dma_wait3A_291 = tpu.memref_squeeze %dma_wait3A_290 : memref<1x80x16xf32, #tpu.memory_space<vmem>> -> memref<80x16xf32, #tpu.memory_space<vmem>>
    %dma_wait3A_292 = arith.constant 0 : i32
    %dma_wait3A_293 = tpu.memref_slice %arg11[%dma_wait3A_284, %dma_wait3A_285, %dma_wait3A_292] : memref<3x2x80xi32, #tpu.memory_space<vmem>> -> memref<1x1x80xi32, #tpu.memory_space<vmem>>
    %dma_wait3A_294 = tpu.memref_squeeze %dma_wait3A_293 : memref<1x1x80xi32, #tpu.memory_space<vmem>> -> memref<80xi32, #tpu.memory_space<vmem>>
    %dma_wait3A_295 = arith.constant 0 : i32
    %dma_wait3A_296 = arith.constant 0 : i32
    %dma_wait3A_297 = tpu.memref_slice %arg4[%dma_wait3A_295, %dma_wait3A_296] : memref<10000x16xf32, #tpu.memory_space<hbm>> -> memref<10000x16xf32, #tpu.memory_space<hbm>>
    %dma_wait3A_298 = tpu.memref_slice %arg18[%dma_wait3A_287] : memref<3x!tpu.dma_semaphore, #tpu.memory_space<semaphore_mem>> -> memref<1x!tpu.dma_semaphore, #tpu.memory_space<semaphore_mem>>
    %dma_wait3A_299 = tpu.memref_squeeze %dma_wait3A_298 : memref<1x!tpu.dma_semaphore, #tpu.memory_space<semaphore_mem>> -> memref<!tpu.dma_semaphore, #tpu.memory_space<semaphore_mem>>
    tpu.wait_indirect_dma semaphore(%dma_wait3A_299 : memref<!tpu.dma_semaphore, #tpu.memory_space<semaphore_mem>>) src(%dma_wait3A_297 : memref<10000x16xf32, #tpu.memory_space<hbm>>) dst(%dma_wait3A_291 : memref<80x16xf32, #tpu.memory_space<vmem>>)
    %parallel_loop3A = arith.constant 0 : i32
    %parallel_loop3A_300 = arith.constant 80 : i32
    %parallel_loop3A_301 = arith.constant 1 : i32
    scf.for %parallel_loop3A_489 = %parallel_loop3A to %parallel_loop3A_300 step %parallel_loop3A_301  : i32 {
      %parallel_loop3A_490 = arith.constant 0 : i32
      %parallel_loop3A_491 = arith.index_cast %parallel_loop3A_490 : i32 to index
      %parallel_loop3A_492 = arith.index_cast %parallel_loop3A_489 : i32 to index
      %parallel_loop3A_493 = arith.constant 0 : index
      %parallel_loop3A_494 = tpu.vector_load %arg12[%parallel_loop3A_491, %parallel_loop3A_492, %parallel_loop3A_493] {strides = array<i32>} : memref<3x80x16xf32, #tpu.memory_space<vmem>>, vector<1x1x16xf32>,
      %parallel_loop3A_495 = vector.shape_cast %parallel_loop3A_494 : vector<1x1x16xf32> to vector<16xf32>
      %parallel_loop3A_496 = arith.constant 0 : i32
      %parallel_loop3A_497 = arith.index_cast %parallel_loop3A_496 : i32 to index
      %parallel_loop3A_498 = arith.index_cast %parallel_loop3A_489 : i32 to index
      %parallel_loop3A_499 = arith.constant 0 : index
      %parallel_loop3A_500 = tpu.vector_load %arg13[%parallel_loop3A_497, %parallel_loop3A_498, %parallel_loop3A_499] {strides = array<i32>} : memref<3x80x16xf32, #tpu.memory_space<vmem>>, vector<1x1x16xf32>,
      %parallel_loop3A_501 = vector.shape_cast %parallel_loop3A_500 : vector<1x1x16xf32> to vector<16xf32>
      %parallel_loop3A_502 = arith.addf %parallel_loop3A_495, %parallel_loop3A_501 : vector<16xf32>
      %parallel_loop3A_503 = arith.constant 0.000000e+00 : f32
      %parallel_loop3A_504 = vector.broadcast %parallel_loop3A_503 : f32 to vector<16xf32>
      %parallel_loop3A_505 = arith.cmpf ogt, %parallel_loop3A_502, %parallel_loop3A_504 : vector<16xf32>
      %parallel_loop3A_506 = arith.constant 0.00999999977 : f32
      %parallel_loop3A_507 = vector.broadcast %parallel_loop3A_506 : f32 to vector<16xf32>
      %parallel_loop3A_508 = arith.mulf %parallel_loop3A_507, %parallel_loop3A_502 : vector<16xf32>
      %parallel_loop3A_509 = arith.select %parallel_loop3A_505, %parallel_loop3A_502, %parallel_loop3A_508 : vector<16xi1>, vector<16xf32>
      %parallel_loop3A_510 = arith.subf %parallel_loop3A_509, %get3A_38 : vector<16xf32>
      %parallel_loop3A_511 = math.exp %parallel_loop3A_510 : vector<16xf32>
      %parallel_loop3A_512 = arith.constant 0 : i32
      %parallel_loop3A_513 = arith.index_cast %parallel_loop3A_512 : i32 to index
      %parallel_loop3A_514 = arith.index_cast %parallel_loop3A_489 : i32 to index
      %parallel_loop3A_515 = arith.constant 0 : index
      %parallel_loop3A_516 = tpu.vector_load %arg12[%parallel_loop3A_513, %parallel_loop3A_514, %parallel_loop3A_515] {strides = array<i32>} : memref<3x80x16xf32, #tpu.memory_space<vmem>>, vector<1x1x16xf32>,
      %parallel_loop3A_517 = vector.shape_cast %parallel_loop3A_516 : vector<1x1x16xf32> to vector<16xf32>
      %parallel_loop3A_518 = vector.shape_cast %parallel_loop3A_511 : vector<16xf32> to vector<1x1x16xf32>
      tpu.vector_store %arg12[%parallel_loop3A_513, %parallel_loop3A_514, %parallel_loop3A_515], %parallel_loop3A_518 {strides = array<i32>} : memref<3x80x16xf32, #tpu.memory_space<vmem>>, vector<1x1x16xf32>,
      %parallel_loop3A_519 = arith.constant 0 : i32
      %parallel_loop3A_520 = arith.index_cast %parallel_loop3A_519 : i32 to index
      %parallel_loop3A_521 = arith.index_cast %parallel_loop3A_489 : i32 to index
      %parallel_loop3A_522 = arith.constant 0 : index
      %parallel_loop3A_523 = tpu.vector_load %arg14[%parallel_loop3A_520, %parallel_loop3A_521, %parallel_loop3A_522] {strides = array<i32>} : memref<3x80x128xf32, #tpu.memory_space<vmem>>, vector<1x1x16xf32>,
      %parallel_loop3A_524 = vector.shape_cast %parallel_loop3A_523 : vector<1x1x16xf32> to vector<16xf32>
      %parallel_loop3A_525 = arith.mulf %parallel_loop3A_524, %parallel_loop3A_511 : vector<16xf32>
      %parallel_loop3A_526 = arith.constant 0 : i32
      %parallel_loop3A_527 = arith.index_cast %parallel_loop3A_526 : i32 to index
      %parallel_loop3A_528 = arith.index_cast %parallel_loop3A_489 : i32 to index
      %parallel_loop3A_529 = arith.constant 0 : index
      %parallel_loop3A_530 = tpu.vector_load %arg14[%parallel_loop3A_527, %parallel_loop3A_528, %parallel_loop3A_529] {strides = array<i32>} : memref<3x80x128xf32, #tpu.memory_space<vmem>>, vector<1x1x16xf32>,
      %parallel_loop3A_531 = vector.shape_cast %parallel_loop3A_530 : vector<1x1x16xf32> to vector<16xf32>
      %parallel_loop3A_532 = vector.shape_cast %parallel_loop3A_525 : vector<16xf32> to vector<1x1x16xf32>
      tpu.vector_store %arg14[%parallel_loop3A_527, %parallel_loop3A_528, %parallel_loop3A_529], %parallel_loop3A_532 {strides = array<i32>} : memref<3x80x128xf32, #tpu.memory_space<vmem>>, vector<1x1x16xf32>,
      %parallel_loop3A_533 = arith.constant 0 : i32
      %parallel_loop3A_534 = arith.index_cast %parallel_loop3A_533 : i32 to index
      %parallel_loop3A_535 = arith.index_cast %parallel_loop3A_489 : i32 to index
      %parallel_loop3A_536 = arith.constant 16 : index
      %parallel_loop3A_537 = tpu.vector_load %arg14[%parallel_loop3A_534, %parallel_loop3A_535, %parallel_loop3A_536] {strides = array<i32>} : memref<3x80x128xf32, #tpu.memory_space<vmem>>, vector<1x1x16xf32>,
      %parallel_loop3A_538 = vector.shape_cast %parallel_loop3A_537 : vector<1x1x16xf32> to vector<16xf32>
      %parallel_loop3A_539 = arith.mulf %parallel_loop3A_538, %parallel_loop3A_511 : vector<16xf32>
      %parallel_loop3A_540 = arith.constant 0 : i32
      %parallel_loop3A_541 = arith.index_cast %parallel_loop3A_540 : i32 to index
      %parallel_loop3A_542 = arith.index_cast %parallel_loop3A_489 : i32 to index
      %parallel_loop3A_543 = arith.constant 16 : index
      %parallel_loop3A_544 = tpu.vector_load %arg14[%parallel_loop3A_541, %parallel_loop3A_542, %parallel_loop3A_543] {strides = array<i32>} : memref<3x80x128xf32, #tpu.memory_space<vmem>>, vector<1x1x16xf32>,
      %parallel_loop3A_545 = vector.shape_cast %parallel_loop3A_544 : vector<1x1x16xf32> to vector<16xf32>
      %parallel_loop3A_546 = vector.shape_cast %parallel_loop3A_539 : vector<16xf32> to vector<1x1x16xf32>
      tpu.vector_store %arg14[%parallel_loop3A_541, %parallel_loop3A_542, %parallel_loop3A_543], %parallel_loop3A_546 {strides = array<i32>} : memref<3x80x128xf32, #tpu.memory_space<vmem>>, vector<1x1x16xf32>,
      %parallel_loop3A_547 = arith.constant 0 : i32
      %parallel_loop3A_548 = arith.index_cast %parallel_loop3A_547 : i32 to index
      %parallel_loop3A_549 = arith.index_cast %parallel_loop3A_489 : i32 to index
      %parallel_loop3A_550 = arith.constant 32 : index
      %parallel_loop3A_551 = tpu.vector_load %arg14[%parallel_loop3A_548, %parallel_loop3A_549, %parallel_loop3A_550] {strides = array<i32>} : memref<3x80x128xf32, #tpu.memory_space<vmem>>, vector<1x1x16xf32>,
      %parallel_loop3A_552 = vector.shape_cast %parallel_loop3A_551 : vector<1x1x16xf32> to vector<16xf32>
      %parallel_loop3A_553 = arith.mulf %parallel_loop3A_552, %parallel_loop3A_511 : vector<16xf32>
      %parallel_loop3A_554 = arith.constant 0 : i32
      %parallel_loop3A_555 = arith.index_cast %parallel_loop3A_554 : i32 to index
      %parallel_loop3A_556 = arith.index_cast %parallel_loop3A_489 : i32 to index
      %parallel_loop3A_557 = arith.constant 32 : index
      %parallel_loop3A_558 = tpu.vector_load %arg14[%parallel_loop3A_555, %parallel_loop3A_556, %parallel_loop3A_557] {strides = array<i32>} : memref<3x80x128xf32, #tpu.memory_space<vmem>>, vector<1x1x16xf32>,
      %parallel_loop3A_559 = vector.shape_cast %parallel_loop3A_558 : vector<1x1x16xf32> to vector<16xf32>
      %parallel_loop3A_560 = vector.shape_cast %parallel_loop3A_553 : vector<16xf32> to vector<1x1x16xf32>
      tpu.vector_store %arg14[%parallel_loop3A_555, %parallel_loop3A_556, %parallel_loop3A_557], %parallel_loop3A_560 {strides = array<i32>} : memref<3x80x128xf32, #tpu.memory_space<vmem>>, vector<1x1x16xf32>,
      %parallel_loop3A_561 = arith.constant 0 : i32
      %parallel_loop3A_562 = arith.index_cast %parallel_loop3A_561 : i32 to index
      %parallel_loop3A_563 = arith.index_cast %parallel_loop3A_489 : i32 to index
      %parallel_loop3A_564 = arith.constant 48 : index
      %parallel_loop3A_565 = tpu.vector_load %arg14[%parallel_loop3A_562, %parallel_loop3A_563, %parallel_loop3A_564] {strides = array<i32>} : memref<3x80x128xf32, #tpu.memory_space<vmem>>, vector<1x1x16xf32>,
      %parallel_loop3A_566 = vector.shape_cast %parallel_loop3A_565 : vector<1x1x16xf32> to vector<16xf32>
      %parallel_loop3A_567 = arith.mulf %parallel_loop3A_566, %parallel_loop3A_511 : vector<16xf32>
      %parallel_loop3A_568 = arith.constant 0 : i32
      %parallel_loop3A_569 = arith.index_cast %parallel_loop3A_568 : i32 to index
      %parallel_loop3A_570 = arith.index_cast %parallel_loop3A_489 : i32 to index
      %parallel_loop3A_571 = arith.constant 48 : index
      %parallel_loop3A_572 = tpu.vector_load %arg14[%parallel_loop3A_569, %parallel_loop3A_570, %parallel_loop3A_571] {strides = array<i32>} : memref<3x80x128xf32, #tpu.memory_space<vmem>>, vector<1x1x16xf32>,
      %parallel_loop3A_573 = vector.shape_cast %parallel_loop3A_572 : vector<1x1x16xf32> to vector<16xf32>
      %parallel_loop3A_574 = vector.shape_cast %parallel_loop3A_567 : vector<16xf32> to vector<1x1x16xf32>
      tpu.vector_store %arg14[%parallel_loop3A_569, %parallel_loop3A_570, %parallel_loop3A_571], %parallel_loop3A_574 {strides = array<i32>} : memref<3x80x128xf32, #tpu.memory_space<vmem>>, vector<1x1x16xf32>,
      %parallel_loop3A_575 = arith.constant 0 : i32
      %parallel_loop3A_576 = arith.index_cast %parallel_loop3A_575 : i32 to index
      %parallel_loop3A_577 = arith.index_cast %parallel_loop3A_489 : i32 to index
      %parallel_loop3A_578 = arith.constant 64 : index
      %parallel_loop3A_579 = tpu.vector_load %arg14[%parallel_loop3A_576, %parallel_loop3A_577, %parallel_loop3A_578] {strides = array<i32>} : memref<3x80x128xf32, #tpu.memory_space<vmem>>, vector<1x1x16xf32>,
      %parallel_loop3A_580 = vector.shape_cast %parallel_loop3A_579 : vector<1x1x16xf32> to vector<16xf32>
      %parallel_loop3A_581 = arith.mulf %parallel_loop3A_580, %parallel_loop3A_511 : vector<16xf32>
      %parallel_loop3A_582 = arith.constant 0 : i32
      %parallel_loop3A_583 = arith.index_cast %parallel_loop3A_582 : i32 to index
      %parallel_loop3A_584 = arith.index_cast %parallel_loop3A_489 : i32 to index
      %parallel_loop3A_585 = arith.constant 64 : index
      %parallel_loop3A_586 = tpu.vector_load %arg14[%parallel_loop3A_583, %parallel_loop3A_584, %parallel_loop3A_585] {strides = array<i32>} : memref<3x80x128xf32, #tpu.memory_space<vmem>>, vector<1x1x16xf32>,
      %parallel_loop3A_587 = vector.shape_cast %parallel_loop3A_586 : vector<1x1x16xf32> to vector<16xf32>
      %parallel_loop3A_588 = vector.shape_cast %parallel_loop3A_581 : vector<16xf32> to vector<1x1x16xf32>
      tpu.vector_store %arg14[%parallel_loop3A_583, %parallel_loop3A_584, %parallel_loop3A_585], %parallel_loop3A_588 {strides = array<i32>} : memref<3x80x128xf32, #tpu.memory_space<vmem>>, vector<1x1x16xf32>,
      %parallel_loop3A_589 = arith.constant 0 : i32
      %parallel_loop3A_590 = arith.index_cast %parallel_loop3A_589 : i32 to index
      %parallel_loop3A_591 = arith.index_cast %parallel_loop3A_489 : i32 to index
      %parallel_loop3A_592 = arith.constant 80 : index
      %parallel_loop3A_593 = tpu.vector_load %arg14[%parallel_loop3A_590, %parallel_loop3A_591, %parallel_loop3A_592] {strides = array<i32>} : memref<3x80x128xf32, #tpu.memory_space<vmem>>, vector<1x1x16xf32>,
      %parallel_loop3A_594 = vector.shape_cast %parallel_loop3A_593 : vector<1x1x16xf32> to vector<16xf32>
      %parallel_loop3A_595 = arith.mulf %parallel_loop3A_594, %parallel_loop3A_511 : vector<16xf32>
      %parallel_loop3A_596 = arith.constant 0 : i32
      %parallel_loop3A_597 = arith.index_cast %parallel_loop3A_596 : i32 to index
      %parallel_loop3A_598 = arith.index_cast %parallel_loop3A_489 : i32 to index
      %parallel_loop3A_599 = arith.constant 80 : index
      %parallel_loop3A_600 = tpu.vector_load %arg14[%parallel_loop3A_597, %parallel_loop3A_598, %parallel_loop3A_599] {strides = array<i32>} : memref<3x80x128xf32, #tpu.memory_space<vmem>>, vector<1x1x16xf32>,
      %parallel_loop3A_601 = vector.shape_cast %parallel_loop3A_600 : vector<1x1x16xf32> to vector<16xf32>
      %parallel_loop3A_602 = vector.shape_cast %parallel_loop3A_595 : vector<16xf32> to vector<1x1x16xf32>
      tpu.vector_store %arg14[%parallel_loop3A_597, %parallel_loop3A_598, %parallel_loop3A_599], %parallel_loop3A_602 {strides = array<i32>} : memref<3x80x128xf32, #tpu.memory_space<vmem>>, vector<1x1x16xf32>,
      %parallel_loop3A_603 = arith.constant 0 : i32
      %parallel_loop3A_604 = arith.index_cast %parallel_loop3A_603 : i32 to index
      %parallel_loop3A_605 = arith.index_cast %parallel_loop3A_489 : i32 to index
      %parallel_loop3A_606 = arith.constant 96 : index
      %parallel_loop3A_607 = tpu.vector_load %arg14[%parallel_loop3A_604, %parallel_loop3A_605, %parallel_loop3A_606] {strides = array<i32>} : memref<3x80x128xf32, #tpu.memory_space<vmem>>, vector<1x1x16xf32>,
      %parallel_loop3A_608 = vector.shape_cast %parallel_loop3A_607 : vector<1x1x16xf32> to vector<16xf32>
      %parallel_loop3A_609 = arith.mulf %parallel_loop3A_608, %parallel_loop3A_511 : vector<16xf32>
      %parallel_loop3A_610 = arith.constant 0 : i32
      %parallel_loop3A_611 = arith.index_cast %parallel_loop3A_610 : i32 to index
      %parallel_loop3A_612 = arith.index_cast %parallel_loop3A_489 : i32 to index
      %parallel_loop3A_613 = arith.constant 96 : index
      %parallel_loop3A_614 = tpu.vector_load %arg14[%parallel_loop3A_611, %parallel_loop3A_612, %parallel_loop3A_613] {strides = array<i32>} : memref<3x80x128xf32, #tpu.memory_space<vmem>>, vector<1x1x16xf32>,
      %parallel_loop3A_615 = vector.shape_cast %parallel_loop3A_614 : vector<1x1x16xf32> to vector<16xf32>
      %parallel_loop3A_616 = vector.shape_cast %parallel_loop3A_609 : vector<16xf32> to vector<1x1x16xf32>
      tpu.vector_store %arg14[%parallel_loop3A_611, %parallel_loop3A_612, %parallel_loop3A_613], %parallel_loop3A_616 {strides = array<i32>} : memref<3x80x128xf32, #tpu.memory_space<vmem>>, vector<1x1x16xf32>,
      %parallel_loop3A_617 = arith.constant 0 : i32
      %parallel_loop3A_618 = arith.index_cast %parallel_loop3A_617 : i32 to index
      %parallel_loop3A_619 = arith.index_cast %parallel_loop3A_489 : i32 to index
      %parallel_loop3A_620 = arith.constant 112 : index
      %parallel_loop3A_621 = tpu.vector_load %arg14[%parallel_loop3A_618, %parallel_loop3A_619, %parallel_loop3A_620] {strides = array<i32>} : memref<3x80x128xf32, #tpu.memory_space<vmem>>, vector<1x1x16xf32>,
      %parallel_loop3A_622 = vector.shape_cast %parallel_loop3A_621 : vector<1x1x16xf32> to vector<16xf32>
      %parallel_loop3A_623 = arith.mulf %parallel_loop3A_622, %parallel_loop3A_511 : vector<16xf32>
      %parallel_loop3A_624 = arith.constant 0 : i32
      %parallel_loop3A_625 = arith.index_cast %parallel_loop3A_624 : i32 to index
      %parallel_loop3A_626 = arith.index_cast %parallel_loop3A_489 : i32 to index
      %parallel_loop3A_627 = arith.constant 112 : index
      %parallel_loop3A_628 = tpu.vector_load %arg14[%parallel_loop3A_625, %parallel_loop3A_626, %parallel_loop3A_627] {strides = array<i32>} : memref<3x80x128xf32, #tpu.memory_space<vmem>>, vector<1x1x16xf32>,
      %parallel_loop3A_629 = vector.shape_cast %parallel_loop3A_628 : vector<1x1x16xf32> to vector<16xf32>
      %parallel_loop3A_630 = vector.shape_cast %parallel_loop3A_623 : vector<16xf32> to vector<1x1x16xf32>
      tpu.vector_store %arg14[%parallel_loop3A_625, %parallel_loop3A_626, %parallel_loop3A_627], %parallel_loop3A_630 {strides = array<i32>} : memref<3x80x128xf32, #tpu.memory_space<vmem>>, vector<1x1x16xf32>,
    } {sc.loop_unroll_factor = 8 : i64, sc.parallel_access}
    %dma_start3A_302 = arith.constant 0 : i32
    %dma_start3A_303 = arith.constant 0 : i32
    %dma_start3A_304 = arith.constant 1 : i32
    %dma_start3A_305 = arith.constant 0 : i32
    %dma_start3A_306 = arith.constant 0 : i32
    %dma_start3A_307 = arith.constant 0 : i32
    %dma_start3A_308 = tpu.memref_slice %arg12[%dma_start3A_302, %dma_start3A_306, %dma_start3A_307] : memref<3x80x16xf32, #tpu.memory_space<vmem>> -> memref<1x80x16xf32, #tpu.memory_space<vmem>>
    %dma_start3A_309 = tpu.memref_squeeze %dma_start3A_308 : memref<1x80x16xf32, #tpu.memory_space<vmem>> -> memref<80x16xf32, #tpu.memory_space<vmem>>
    %dma_start3A_310 = arith.constant 0 : i32
    %dma_start3A_311 = tpu.memref_slice %arg11[%dma_start3A_303, %dma_start3A_304, %dma_start3A_310] : memref<3x2x80xi32, #tpu.memory_space<vmem>> -> memref<1x1x80xi32, #tpu.memory_space<vmem>>
    %dma_start3A_312 = tpu.memref_squeeze %dma_start3A_311 : memref<1x1x80xi32, #tpu.memory_space<vmem>> -> memref<80xi32, #tpu.memory_space<vmem>>
    %dma_start3A_313 = arith.constant 0 : i32
    %dma_start3A_314 = arith.constant 0 : i32
    %dma_start3A_315 = tpu.memref_slice %arg10[%dma_start3A_313, %dma_start3A_314] : memref<10000x16xf32, #tpu.memory_space<vmem_shared>> -> memref<10000x16xf32, #tpu.memory_space<vmem_shared>>
    %dma_start3A_316 = tpu.memref_slice %arg20[%dma_start3A_305] : memref<3x!tpu.dma_semaphore, #tpu.memory_space<semaphore_mem>> -> memref<1x!tpu.dma_semaphore, #tpu.memory_space<semaphore_mem>>
    %dma_start3A_317 = tpu.memref_squeeze %dma_start3A_316 : memref<1x!tpu.dma_semaphore, #tpu.memory_space<semaphore_mem>> -> memref<!tpu.dma_semaphore, #tpu.memory_space<semaphore_mem>>
    tpu.enqueue_indirect_dma source(%dma_start3A_309 : memref<80x16xf32, #tpu.memory_space<vmem>>) target(%dma_start3A_315 : memref<10000x16xf32, #tpu.memory_space<vmem_shared>>) offsets(%dma_start3A_312 : memref<80xi32, #tpu.memory_space<vmem>>) semaphore(%dma_start3A_317 : memref<!tpu.dma_semaphore, #tpu.memory_space<semaphore_mem>>) {add = true}
    %dma_start3A_318 = arith.constant 0 : i32
    %dma_start3A_319 = arith.constant 0 : i32
    %dma_start3A_320 = arith.constant 1 : i32
    %dma_start3A_321 = arith.constant 0 : i32
    %dma_start3A_322 = arith.constant 0 : i32
    %dma_start3A_323 = arith.constant 0 : i32
    %dma_start3A_324 = tpu.memref_slice %arg14[%dma_start3A_318, %dma_start3A_322, %dma_start3A_323] : memref<3x80x128xf32, #tpu.memory_space<vmem>> -> memref<1x80x128xf32, #tpu.memory_space<vmem>>
    %dma_start3A_325 = tpu.memref_squeeze %dma_start3A_324 : memref<1x80x128xf32, #tpu.memory_space<vmem>> -> memref<80x128xf32, #tpu.memory_space<vmem>>
    %dma_start3A_326 = arith.constant 0 : i32
    %dma_start3A_327 = tpu.memref_slice %arg11[%dma_start3A_319, %dma_start3A_320, %dma_start3A_326] : memref<3x2x80xi32, #tpu.memory_space<vmem>> -> memref<1x1x80xi32, #tpu.memory_space<vmem>>
    %dma_start3A_328 = tpu.memref_squeeze %dma_start3A_327 : memref<1x1x80xi32, #tpu.memory_space<vmem>> -> memref<80xi32, #tpu.memory_space<vmem>>
    %dma_start3A_329 = arith.constant 0 : i32
    %dma_start3A_330 = arith.constant 0 : i32
    %dma_start3A_331 = tpu.memref_slice %arg9[%dma_start3A_329, %dma_start3A_330] : memref<10000x128xf32, #tpu.memory_space<vmem_shared>> -> memref<10000x128xf32, #tpu.memory_space<vmem_shared>>
    %dma_start3A_332 = tpu.memref_slice %arg21[%dma_start3A_321] : memref<3x!tpu.dma_semaphore, #tpu.memory_space<semaphore_mem>> -> memref<1x!tpu.dma_semaphore, #tpu.memory_space<semaphore_mem>>
    %dma_start3A_333 = tpu.memref_squeeze %dma_start3A_332 : memref<1x!tpu.dma_semaphore, #tpu.memory_space<semaphore_mem>> -> memref<!tpu.dma_semaphore, #tpu.memory_space<semaphore_mem>>
    tpu.enqueue_indirect_dma source(%dma_start3A_325 : memref<80x128xf32, #tpu.memory_space<vmem>>) target(%dma_start3A_331 : memref<10000x128xf32, #tpu.memory_space<vmem_shared>>) offsets(%dma_start3A_328 : memref<80xi32, #tpu.memory_space<vmem>>) semaphore(%dma_start3A_333 : memref<!tpu.dma_semaphore, #tpu.memory_space<semaphore_mem>>) {add = true}
    %dma_wait3A_334 = arith.constant 0 : i32
    %dma_wait3A_335 = arith.constant 0 : i32
    %dma_wait3A_336 = arith.constant 1 : i32
    %dma_wait3A_337 = arith.constant 0 : i32
    %dma_wait3A_338 = arith.constant 0 : i32
    %dma_wait3A_339 = arith.constant 0 : i32
    %dma_wait3A_340 = tpu.memref_slice %arg12[%dma_wait3A_334, %dma_wait3A_338, %dma_wait3A_339] : memref<3x80x16xf32, #tpu.memory_space<vmem>> -> memref<1x80x16xf32, #tpu.memory_space<vmem>>
    %dma_wait3A_341 = tpu.memref_squeeze %dma_wait3A_340 : memref<1x80x16xf32, #tpu.memory_space<vmem>> -> memref<80x16xf32, #tpu.memory_space<vmem>>
    %dma_wait3A_342 = arith.constant 0 : i32
    %dma_wait3A_343 = tpu.memref_slice %arg11[%dma_wait3A_335, %dma_wait3A_336, %dma_wait3A_342] : memref<3x2x80xi32, #tpu.memory_space<vmem>> -> memref<1x1x80xi32, #tpu.memory_space<vmem>>
    %dma_wait3A_344 = tpu.memref_squeeze %dma_wait3A_343 : memref<1x1x80xi32, #tpu.memory_space<vmem>> -> memref<80xi32, #tpu.memory_space<vmem>>
    %dma_wait3A_345 = arith.constant 0 : i32
    %dma_wait3A_346 = arith.constant 0 : i32
    %dma_wait3A_347 = tpu.memref_slice %arg10[%dma_wait3A_345, %dma_wait3A_346] : memref<10000x16xf32, #tpu.memory_space<vmem_shared>> -> memref<10000x16xf32, #tpu.memory_space<vmem_shared>>
    %dma_wait3A_348 = tpu.memref_slice %arg20[%dma_wait3A_337] : memref<3x!tpu.dma_semaphore, #tpu.memory_space<semaphore_mem>> -> memref<1x!tpu.dma_semaphore, #tpu.memory_space<semaphore_mem>>
    %dma_wait3A_349 = tpu.memref_squeeze %dma_wait3A_348 : memref<1x!tpu.dma_semaphore, #tpu.memory_space<semaphore_mem>> -> memref<!tpu.dma_semaphore, #tpu.memory_space<semaphore_mem>>
    tpu.wait_indirect_dma semaphore(%dma_wait3A_349 : memref<!tpu.dma_semaphore, #tpu.memory_space<semaphore_mem>>) src(%dma_wait3A_341 : memref<80x16xf32, #tpu.memory_space<vmem>>) dst(%dma_wait3A_347 : memref<10000x16xf32, #tpu.memory_space<vmem_shared>>)
    %dma_wait3A_350 = arith.constant 0 : i32
    %dma_wait3A_351 = arith.constant 0 : i32
    %dma_wait3A_352 = arith.constant 1 : i32
    %dma_wait3A_353 = arith.constant 0 : i32
    %dma_wait3A_354 = arith.constant 0 : i32
    %dma_wait3A_355 = arith.constant 0 : i32
    %dma_wait3A_356 = tpu.memref_slice %arg14[%dma_wait3A_350, %dma_wait3A_354, %dma_wait3A_355] : memref<3x80x128xf32, #tpu.memory_space<vmem>> -> memref<1x80x128xf32, #tpu.memory_space<vmem>>
    %dma_wait3A_357 = tpu.memref_squeeze %dma_wait3A_356 : memref<1x80x128xf32, #tpu.memory_space<vmem>> -> memref<80x128xf32, #tpu.memory_space<vmem>>
    %dma_wait3A_358 = arith.constant 0 : i32
    %dma_wait3A_359 = tpu.memref_slice %arg11[%dma_wait3A_351, %dma_wait3A_352, %dma_wait3A_358] : memref<3x2x80xi32, #tpu.memory_space<vmem>> -> memref<1x1x80xi32, #tpu.memory_space<vmem>>
    %dma_wait3A_360 = tpu.memref_squeeze %dma_wait3A_359 : memref<1x1x80xi32, #tpu.memory_space<vmem>> -> memref<80xi32, #tpu.memory_space<vmem>>
    %dma_wait3A_361 = arith.constant 0 : i32
    %dma_wait3A_362 = arith.constant 0 : i32
    %dma_wait3A_363 = tpu.memref_slice %arg9[%dma_wait3A_361, %dma_wait3A_362] : memref<10000x128xf32, #tpu.memory_space<vmem_shared>> -> memref<10000x128xf32, #tpu.memory_space<vmem_shared>>
    %dma_wait3A_364 = tpu.memref_slice %arg21[%dma_wait3A_353] : memref<3x!tpu.dma_semaphore, #tpu.memory_space<semaphore_mem>> -> memref<1x!tpu.dma_semaphore, #tpu.memory_space<semaphore_mem>>
    %dma_wait3A_365 = tpu.memref_squeeze %dma_wait3A_364 : memref<1x!tpu.dma_semaphore, #tpu.memory_space<semaphore_mem>> -> memref<!tpu.dma_semaphore, #tpu.memory_space<semaphore_mem>>
    tpu.wait_indirect_dma semaphore(%dma_wait3A_365 : memref<!tpu.dma_semaphore, #tpu.memory_space<semaphore_mem>>) src(%dma_wait3A_357 : memref<80x128xf32, #tpu.memory_space<vmem>>) dst(%dma_wait3A_363 : memref<10000x128xf32, #tpu.memory_space<vmem_shared>>)
    %dma_wait3A_366 = arith.constant 1 : i32
    %dma_wait3A_367 = arith.constant 0 : i32
    %dma_wait3A_368 = arith.constant 1 : i32
    %dma_wait3A_369 = arith.constant 1 : i32
    %dma_wait3A_370 = arith.constant 0 : i32
    %dma_wait3A_371 = arith.constant 0 : i32
    %dma_wait3A_372 = tpu.memref_slice %arg14[%dma_wait3A_368, %dma_wait3A_370, %dma_wait3A_371] : memref<3x80x128xf32, #tpu.memory_space<vmem>> -> memref<1x80x128xf32, #tpu.memory_space<vmem>>
    %dma_wait3A_373 = tpu.memref_squeeze %dma_wait3A_372 : memref<1x80x128xf32, #tpu.memory_space<vmem>> -> memref<80x128xf32, #tpu.memory_space<vmem>>
    %dma_wait3A_374 = arith.constant 0 : i32
    %dma_wait3A_375 = tpu.memref_slice %arg11[%dma_wait3A_366, %dma_wait3A_367, %dma_wait3A_374] : memref<3x2x80xi32, #tpu.memory_space<vmem>> -> memref<1x1x80xi32, #tpu.memory_space<vmem>>
    %dma_wait3A_376 = tpu.memref_squeeze %dma_wait3A_375 : memref<1x1x80xi32, #tpu.memory_space<vmem>> -> memref<80xi32, #tpu.memory_space<vmem>>
    %dma_wait3A_377 = arith.constant 0 : i32
    %dma_wait3A_378 = arith.constant 0 : i32
    %dma_wait3A_379 = tpu.memref_slice %arg2[%dma_wait3A_377, %dma_wait3A_378] : memref<10000x128xf32, #tpu.memory_space<hbm>> -> memref<10000x128xf32, #tpu.memory_space<hbm>>
    %dma_wait3A_380 = tpu.memref_slice %arg19[%dma_wait3A_369] : memref<3x!tpu.dma_semaphore, #tpu.memory_space<semaphore_mem>> -> memref<1x!tpu.dma_semaphore, #tpu.memory_space<semaphore_mem>>
    %dma_wait3A_381 = tpu.memref_squeeze %dma_wait3A_380 : memref<1x!tpu.dma_semaphore, #tpu.memory_space<semaphore_mem>> -> memref<!tpu.dma_semaphore, #tpu.memory_space<semaphore_mem>>
    tpu.wait_indirect_dma semaphore(%dma_wait3A_381 : memref<!tpu.dma_semaphore, #tpu.memory_space<semaphore_mem>>) src(%dma_wait3A_379 : memref<10000x128xf32, #tpu.memory_space<hbm>>) dst(%dma_wait3A_373 : memref<80x128xf32, #tpu.memory_space<vmem>>)
    %dma_wait3A_382 = arith.constant 1 : i32
    %dma_wait3A_383 = arith.constant 0 : i32
    %dma_wait3A_384 = arith.constant 1 : i32
    %dma_wait3A_385 = arith.constant 1 : i32
    %dma_wait3A_386 = arith.constant 0 : i32
    %dma_wait3A_387 = arith.constant 0 : i32
    %dma_wait3A_388 = tpu.memref_slice %arg12[%dma_wait3A_384, %dma_wait3A_386, %dma_wait3A_387] : memref<3x80x16xf32, #tpu.memory_space<vmem>> -> memref<1x80x16xf32, #tpu.memory_space<vmem>>
    %dma_wait3A_389 = tpu.memref_squeeze %dma_wait3A_388 : memref<1x80x16xf32, #tpu.memory_space<vmem>> -> memref<80x16xf32, #tpu.memory_space<vmem>>
    %dma_wait3A_390 = arith.constant 0 : i32
    %dma_wait3A_391 = tpu.memref_slice %arg11[%dma_wait3A_382, %dma_wait3A_383, %dma_wait3A_390] : memref<3x2x80xi32, #tpu.memory_space<vmem>> -> memref<1x1x80xi32, #tpu.memory_space<vmem>>
    %dma_wait3A_392 = tpu.memref_squeeze %dma_wait3A_391 : memref<1x1x80xi32, #tpu.memory_space<vmem>> -> memref<80xi32, #tpu.memory_space<vmem>>
    %dma_wait3A_393 = arith.constant 0 : i32
    %dma_wait3A_394 = arith.constant 0 : i32
    %dma_wait3A_395 = tpu.memref_slice %arg3[%dma_wait3A_393, %dma_wait3A_394] : memref<10000x16xf32, #tpu.memory_space<hbm>> -> memref<10000x16xf32, #tpu.memory_space<hbm>>
    %dma_wait3A_396 = tpu.memref_slice %arg17[%dma_wait3A_385] : memref<3x!tpu.dma_semaphore, #tpu.memory_space<semaphore_mem>> -> memref<1x!tpu.dma_semaphore, #tpu.memory_space<semaphore_mem>>
    %dma_wait3A_397 = tpu.memref_squeeze %dma_wait3A_396 : memref<1x!tpu.dma_semaphore, #tpu.memory_space<semaphore_mem>> -> memref<!tpu.dma_semaphore, #tpu.memory_space<semaphore_mem>>
    tpu.wait_indirect_dma semaphore(%dma_wait3A_397 : memref<!tpu.dma_semaphore, #tpu.memory_space<semaphore_mem>>) src(%dma_wait3A_395 : memref<10000x16xf32, #tpu.memory_space<hbm>>) dst(%dma_wait3A_389 : memref<80x16xf32, #tpu.memory_space<vmem>>)
    %dma_wait3A_398 = arith.constant 1 : i32
    %dma_wait3A_399 = arith.constant 1 : i32
    %dma_wait3A_400 = arith.constant 1 : i32
    %dma_wait3A_401 = arith.constant 1 : i32
    %dma_wait3A_402 = arith.constant 0 : i32
    %dma_wait3A_403 = arith.constant 0 : i32
    %dma_wait3A_404 = tpu.memref_slice %arg13[%dma_wait3A_400, %dma_wait3A_402, %dma_wait3A_403] : memref<3x80x16xf32, #tpu.memory_space<vmem>> -> memref<1x80x16xf32, #tpu.memory_space<vmem>>
    %dma_wait3A_405 = tpu.memref_squeeze %dma_wait3A_404 : memref<1x80x16xf32, #tpu.memory_space<vmem>> -> memref<80x16xf32, #tpu.memory_space<vmem>>
    %dma_wait3A_406 = arith.constant 0 : i32
    %dma_wait3A_407 = tpu.memref_slice %arg11[%dma_wait3A_398, %dma_wait3A_399, %dma_wait3A_406] : memref<3x2x80xi32, #tpu.memory_space<vmem>> -> memref<1x1x80xi32, #tpu.memory_space<vmem>>
    %dma_wait3A_408 = tpu.memref_squeeze %dma_wait3A_407 : memref<1x1x80xi32, #tpu.memory_space<vmem>> -> memref<80xi32, #tpu.memory_space<vmem>>
    %dma_wait3A_409 = arith.constant 0 : i32
    %dma_wait3A_410 = arith.constant 0 : i32
    %dma_wait3A_411 = tpu.memref_slice %arg4[%dma_wait3A_409, %dma_wait3A_410] : memref<10000x16xf32, #tpu.memory_space<hbm>> -> memref<10000x16xf32, #tpu.memory_space<hbm>>
    %dma_wait3A_412 = tpu.memref_slice %arg18[%dma_wait3A_401] : memref<3x!tpu.dma_semaphore, #tpu.memory_space<semaphore_mem>> -> memref<1x!tpu.dma_semaphore, #tpu.memory_space<semaphore_mem>>
    %dma_wait3A_413 = tpu.memref_squeeze %dma_wait3A_412 : memref<1x!tpu.dma_semaphore, #tpu.memory_space<semaphore_mem>> -> memref<!tpu.dma_semaphore, #tpu.memory_space<semaphore_mem>>
    tpu.wait_indirect_dma semaphore(%dma_wait3A_413 : memref<!tpu.dma_semaphore, #tpu.memory_space<semaphore_mem>>) src(%dma_wait3A_411 : memref<10000x16xf32, #tpu.memory_space<hbm>>) dst(%dma_wait3A_405 : memref<80x16xf32, #tpu.memory_space<vmem>>)
    %parallel_loop3A_414 = arith.constant 0 : i32
    %parallel_loop3A_415 = arith.constant 80 : i32
    %parallel_loop3A_416 = arith.constant 1 : i32
    scf.for %parallel_loop3A_489 = %parallel_loop3A_414 to %parallel_loop3A_415 step %parallel_loop3A_416  : i32 {
      %parallel_loop3A_490 = arith.constant 1 : i32
      %parallel_loop3A_491 = arith.index_cast %parallel_loop3A_490 : i32 to index
      %parallel_loop3A_492 = arith.index_cast %parallel_loop3A_489 : i32 to index
      %parallel_loop3A_493 = arith.constant 0 : index
      %parallel_loop3A_494 = tpu.vector_load %arg12[%parallel_loop3A_491, %parallel_loop3A_492, %parallel_loop3A_493] {strides = array<i32>} : memref<3x80x16xf32, #tpu.memory_space<vmem>>, vector<1x1x16xf32>,
      %parallel_loop3A_495 = vector.shape_cast %parallel_loop3A_494 : vector<1x1x16xf32> to vector<16xf32>
      %parallel_loop3A_496 = arith.constant 1 : i32
      %parallel_loop3A_497 = arith.index_cast %parallel_loop3A_496 : i32 to index
      %parallel_loop3A_498 = arith.index_cast %parallel_loop3A_489 : i32 to index
      %parallel_loop3A_499 = arith.constant 0 : index
      %parallel_loop3A_500 = tpu.vector_load %arg13[%parallel_loop3A_497, %parallel_loop3A_498, %parallel_loop3A_499] {strides = array<i32>} : memref<3x80x16xf32, #tpu.memory_space<vmem>>, vector<1x1x16xf32>,
      %parallel_loop3A_501 = vector.shape_cast %parallel_loop3A_500 : vector<1x1x16xf32> to vector<16xf32>
      %parallel_loop3A_502 = arith.addf %parallel_loop3A_495, %parallel_loop3A_501 : vector<16xf32>
      %parallel_loop3A_503 = arith.constant 0.000000e+00 : f32
      %parallel_loop3A_504 = vector.broadcast %parallel_loop3A_503 : f32 to vector<16xf32>
      %parallel_loop3A_505 = arith.cmpf ogt, %parallel_loop3A_502, %parallel_loop3A_504 : vector<16xf32>
      %parallel_loop3A_506 = arith.constant 0.00999999977 : f32
      %parallel_loop3A_507 = vector.broadcast %parallel_loop3A_506 : f32 to vector<16xf32>
      %parallel_loop3A_508 = arith.mulf %parallel_loop3A_507, %parallel_loop3A_502 : vector<16xf32>
      %parallel_loop3A_509 = arith.select %parallel_loop3A_505, %parallel_loop3A_502, %parallel_loop3A_508 : vector<16xi1>, vector<16xf32>
      %parallel_loop3A_510 = arith.subf %parallel_loop3A_509, %get3A_38 : vector<16xf32>
      %parallel_loop3A_511 = math.exp %parallel_loop3A_510 : vector<16xf32>
      %parallel_loop3A_512 = arith.constant 1 : i32
      %parallel_loop3A_513 = arith.index_cast %parallel_loop3A_512 : i32 to index
      %parallel_loop3A_514 = arith.index_cast %parallel_loop3A_489 : i32 to index
      %parallel_loop3A_515 = arith.constant 0 : index
      %parallel_loop3A_516 = tpu.vector_load %arg12[%parallel_loop3A_513, %parallel_loop3A_514, %parallel_loop3A_515] {strides = array<i32>} : memref<3x80x16xf32, #tpu.memory_space<vmem>>, vector<1x1x16xf32>,
      %parallel_loop3A_517 = vector.shape_cast %parallel_loop3A_516 : vector<1x1x16xf32> to vector<16xf32>
      %parallel_loop3A_518 = vector.shape_cast %parallel_loop3A_511 : vector<16xf32> to vector<1x1x16xf32>
      tpu.vector_store %arg12[%parallel_loop3A_513, %parallel_loop3A_514, %parallel_loop3A_515], %parallel_loop3A_518 {strides = array<i32>} : memref<3x80x16xf32, #tpu.memory_space<vmem>>, vector<1x1x16xf32>,
      %parallel_loop3A_519 = arith.constant 1 : i32
      %parallel_loop3A_520 = arith.index_cast %parallel_loop3A_519 : i32 to index
      %parallel_loop3A_521 = arith.index_cast %parallel_loop3A_489 : i32 to index
      %parallel_loop3A_522 = arith.constant 0 : index
      %parallel_loop3A_523 = tpu.vector_load %arg14[%parallel_loop3A_520, %parallel_loop3A_521, %parallel_loop3A_522] {strides = array<i32>} : memref<3x80x128xf32, #tpu.memory_space<vmem>>, vector<1x1x16xf32>,
      %parallel_loop3A_524 = vector.shape_cast %parallel_loop3A_523 : vector<1x1x16xf32> to vector<16xf32>
      %parallel_loop3A_525 = arith.mulf %parallel_loop3A_524, %parallel_loop3A_511 : vector<16xf32>
      %parallel_loop3A_526 = arith.constant 1 : i32
      %parallel_loop3A_527 = arith.index_cast %parallel_loop3A_526 : i32 to index
      %parallel_loop3A_528 = arith.index_cast %parallel_loop3A_489 : i32 to index
      %parallel_loop3A_529 = arith.constant 0 : index
      %parallel_loop3A_530 = tpu.vector_load %arg14[%parallel_loop3A_527, %parallel_loop3A_528, %parallel_loop3A_529] {strides = array<i32>} : memref<3x80x128xf32, #tpu.memory_space<vmem>>, vector<1x1x16xf32>,
      %parallel_loop3A_531 = vector.shape_cast %parallel_loop3A_530 : vector<1x1x16xf32> to vector<16xf32>
      %parallel_loop3A_532 = vector.shape_cast %parallel_loop3A_525 : vector<16xf32> to vector<1x1x16xf32>
      tpu.vector_store %arg14[%parallel_loop3A_527, %parallel_loop3A_528, %parallel_loop3A_529], %parallel_loop3A_532 {strides = array<i32>} : memref<3x80x128xf32, #tpu.memory_space<vmem>>, vector<1x1x16xf32>,
      %parallel_loop3A_533 = arith.constant 1 : i32
      %parallel_loop3A_534 = arith.index_cast %parallel_loop3A_533 : i32 to index
      %parallel_loop3A_535 = arith.index_cast %parallel_loop3A_489 : i32 to index
      %parallel_loop3A_536 = arith.constant 16 : index
      %parallel_loop3A_537 = tpu.vector_load %arg14[%parallel_loop3A_534, %parallel_loop3A_535, %parallel_loop3A_536] {strides = array<i32>} : memref<3x80x128xf32, #tpu.memory_space<vmem>>, vector<1x1x16xf32>,
      %parallel_loop3A_538 = vector.shape_cast %parallel_loop3A_537 : vector<1x1x16xf32> to vector<16xf32>
      %parallel_loop3A_539 = arith.mulf %parallel_loop3A_538, %parallel_loop3A_511 : vector<16xf32>
      %parallel_loop3A_540 = arith.constant 1 : i32
      %parallel_loop3A_541 = arith.index_cast %parallel_loop3A_540 : i32 to index
      %parallel_loop3A_542 = arith.index_cast %parallel_loop3A_489 : i32 to index
      %parallel_loop3A_543 = arith.constant 16 : index
      %parallel_loop3A_544 = tpu.vector_load %arg14[%parallel_loop3A_541, %parallel_loop3A_542, %parallel_loop3A_543] {strides = array<i32>} : memref<3x80x128xf32, #tpu.memory_space<vmem>>, vector<1x1x16xf32>,
      %parallel_loop3A_545 = vector.shape_cast %parallel_loop3A_544 : vector<1x1x16xf32> to vector<16xf32>
      %parallel_loop3A_546 = vector.shape_cast %parallel_loop3A_539 : vector<16xf32> to vector<1x1x16xf32>
      tpu.vector_store %arg14[%parallel_loop3A_541, %parallel_loop3A_542, %parallel_loop3A_543], %parallel_loop3A_546 {strides = array<i32>} : memref<3x80x128xf32, #tpu.memory_space<vmem>>, vector<1x1x16xf32>,
      %parallel_loop3A_547 = arith.constant 1 : i32
      %parallel_loop3A_548 = arith.index_cast %parallel_loop3A_547 : i32 to index
      %parallel_loop3A_549 = arith.index_cast %parallel_loop3A_489 : i32 to index
      %parallel_loop3A_550 = arith.constant 32 : index
      %parallel_loop3A_551 = tpu.vector_load %arg14[%parallel_loop3A_548, %parallel_loop3A_549, %parallel_loop3A_550] {strides = array<i32>} : memref<3x80x128xf32, #tpu.memory_space<vmem>>, vector<1x1x16xf32>,
      %parallel_loop3A_552 = vector.shape_cast %parallel_loop3A_551 : vector<1x1x16xf32> to vector<16xf32>
      %parallel_loop3A_553 = arith.mulf %parallel_loop3A_552, %parallel_loop3A_511 : vector<16xf32>
      %parallel_loop3A_554 = arith.constant 1 : i32
      %parallel_loop3A_555 = arith.index_cast %parallel_loop3A_554 : i32 to index
      %parallel_loop3A_556 = arith.index_cast %parallel_loop3A_489 : i32 to index
      %parallel_loop3A_557 = arith.constant 32 : index
      %parallel_loop3A_558 = tpu.vector_load %arg14[%parallel_loop3A_555, %parallel_loop3A_556, %parallel_loop3A_557] {strides = array<i32>} : memref<3x80x128xf32, #tpu.memory_space<vmem>>, vector<1x1x16xf32>,
      %parallel_loop3A_559 = vector.shape_cast %parallel_loop3A_558 : vector<1x1x16xf32> to vector<16xf32>
      %parallel_loop3A_560 = vector.shape_cast %parallel_loop3A_553 : vector<16xf32> to vector<1x1x16xf32>
      tpu.vector_store %arg14[%parallel_loop3A_555, %parallel_loop3A_556, %parallel_loop3A_557], %parallel_loop3A_560 {strides = array<i32>} : memref<3x80x128xf32, #tpu.memory_space<vmem>>, vector<1x1x16xf32>,
      %parallel_loop3A_561 = arith.constant 1 : i32
      %parallel_loop3A_562 = arith.index_cast %parallel_loop3A_561 : i32 to index
      %parallel_loop3A_563 = arith.index_cast %parallel_loop3A_489 : i32 to index
      %parallel_loop3A_564 = arith.constant 48 : index
      %parallel_loop3A_565 = tpu.vector_load %arg14[%parallel_loop3A_562, %parallel_loop3A_563, %parallel_loop3A_564] {strides = array<i32>} : memref<3x80x128xf32, #tpu.memory_space<vmem>>, vector<1x1x16xf32>,
      %parallel_loop3A_566 = vector.shape_cast %parallel_loop3A_565 : vector<1x1x16xf32> to vector<16xf32>
      %parallel_loop3A_567 = arith.mulf %parallel_loop3A_566, %parallel_loop3A_511 : vector<16xf32>
      %parallel_loop3A_568 = arith.constant 1 : i32
      %parallel_loop3A_569 = arith.index_cast %parallel_loop3A_568 : i32 to index
      %parallel_loop3A_570 = arith.index_cast %parallel_loop3A_489 : i32 to index
      %parallel_loop3A_571 = arith.constant 48 : index
      %parallel_loop3A_572 = tpu.vector_load %arg14[%parallel_loop3A_569, %parallel_loop3A_570, %parallel_loop3A_571] {strides = array<i32>} : memref<3x80x128xf32, #tpu.memory_space<vmem>>, vector<1x1x16xf32>,
      %parallel_loop3A_573 = vector.shape_cast %parallel_loop3A_572 : vector<1x1x16xf32> to vector<16xf32>
      %parallel_loop3A_574 = vector.shape_cast %parallel_loop3A_567 : vector<16xf32> to vector<1x1x16xf32>
      tpu.vector_store %arg14[%parallel_loop3A_569, %parallel_loop3A_570, %parallel_loop3A_571], %parallel_loop3A_574 {strides = array<i32>} : memref<3x80x128xf32, #tpu.memory_space<vmem>>, vector<1x1x16xf32>,
      %parallel_loop3A_575 = arith.constant 1 : i32
      %parallel_loop3A_576 = arith.index_cast %parallel_loop3A_575 : i32 to index
      %parallel_loop3A_577 = arith.index_cast %parallel_loop3A_489 : i32 to index
      %parallel_loop3A_578 = arith.constant 64 : index
      %parallel_loop3A_579 = tpu.vector_load %arg14[%parallel_loop3A_576, %parallel_loop3A_577, %parallel_loop3A_578] {strides = array<i32>} : memref<3x80x128xf32, #tpu.memory_space<vmem>>, vector<1x1x16xf32>,
      %parallel_loop3A_580 = vector.shape_cast %parallel_loop3A_579 : vector<1x1x16xf32> to vector<16xf32>
      %parallel_loop3A_581 = arith.mulf %parallel_loop3A_580, %parallel_loop3A_511 : vector<16xf32>
      %parallel_loop3A_582 = arith.constant 1 : i32
      %parallel_loop3A_583 = arith.index_cast %parallel_loop3A_582 : i32 to index
      %parallel_loop3A_584 = arith.index_cast %parallel_loop3A_489 : i32 to index
      %parallel_loop3A_585 = arith.constant 64 : index
      %parallel_loop3A_586 = tpu.vector_load %arg14[%parallel_loop3A_583, %parallel_loop3A_584, %parallel_loop3A_585] {strides = array<i32>} : memref<3x80x128xf32, #tpu.memory_space<vmem>>, vector<1x1x16xf32>,
      %parallel_loop3A_587 = vector.shape_cast %parallel_loop3A_586 : vector<1x1x16xf32> to vector<16xf32>
      %parallel_loop3A_588 = vector.shape_cast %parallel_loop3A_581 : vector<16xf32> to vector<1x1x16xf32>
      tpu.vector_store %arg14[%parallel_loop3A_583, %parallel_loop3A_584, %parallel_loop3A_585], %parallel_loop3A_588 {strides = array<i32>} : memref<3x80x128xf32, #tpu.memory_space<vmem>>, vector<1x1x16xf32>,
      %parallel_loop3A_589 = arith.constant 1 : i32
      %parallel_loop3A_590 = arith.index_cast %parallel_loop3A_589 : i32 to index
      %parallel_loop3A_591 = arith.index_cast %parallel_loop3A_489 : i32 to index
      %parallel_loop3A_592 = arith.constant 80 : index
      %parallel_loop3A_593 = tpu.vector_load %arg14[%parallel_loop3A_590, %parallel_loop3A_591, %parallel_loop3A_592] {strides = array<i32>} : memref<3x80x128xf32, #tpu.memory_space<vmem>>, vector<1x1x16xf32>,
      %parallel_loop3A_594 = vector.shape_cast %parallel_loop3A_593 : vector<1x1x16xf32> to vector<16xf32>
      %parallel_loop3A_595 = arith.mulf %parallel_loop3A_594, %parallel_loop3A_511 : vector<16xf32>
      %parallel_loop3A_596 = arith.constant 1 : i32
      %parallel_loop3A_597 = arith.index_cast %parallel_loop3A_596 : i32 to index
      %parallel_loop3A_598 = arith.index_cast %parallel_loop3A_489 : i32 to index
      %parallel_loop3A_599 = arith.constant 80 : index
      %parallel_loop3A_600 = tpu.vector_load %arg14[%parallel_loop3A_597, %parallel_loop3A_598, %parallel_loop3A_599] {strides = array<i32>} : memref<3x80x128xf32, #tpu.memory_space<vmem>>, vector<1x1x16xf32>,
      %parallel_loop3A_601 = vector.shape_cast %parallel_loop3A_600 : vector<1x1x16xf32> to vector<16xf32>
      %parallel_loop3A_602 = vector.shape_cast %parallel_loop3A_595 : vector<16xf32> to vector<1x1x16xf32>
      tpu.vector_store %arg14[%parallel_loop3A_597, %parallel_loop3A_598, %parallel_loop3A_599], %parallel_loop3A_602 {strides = array<i32>} : memref<3x80x128xf32, #tpu.memory_space<vmem>>, vector<1x1x16xf32>,
      %parallel_loop3A_603 = arith.constant 1 : i32
      %parallel_loop3A_604 = arith.index_cast %parallel_loop3A_603 : i32 to index
      %parallel_loop3A_605 = arith.index_cast %parallel_loop3A_489 : i32 to index
      %parallel_loop3A_606 = arith.constant 96 : index
      %parallel_loop3A_607 = tpu.vector_load %arg14[%parallel_loop3A_604, %parallel_loop3A_605, %parallel_loop3A_606] {strides = array<i32>} : memref<3x80x128xf32, #tpu.memory_space<vmem>>, vector<1x1x16xf32>,
      %parallel_loop3A_608 = vector.shape_cast %parallel_loop3A_607 : vector<1x1x16xf32> to vector<16xf32>
      %parallel_loop3A_609 = arith.mulf %parallel_loop3A_608, %parallel_loop3A_511 : vector<16xf32>
      %parallel_loop3A_610 = arith.constant 1 : i32
      %parallel_loop3A_611 = arith.index_cast %parallel_loop3A_610 : i32 to index
      %parallel_loop3A_612 = arith.index_cast %parallel_loop3A_489 : i32 to index
      %parallel_loop3A_613 = arith.constant 96 : index
      %parallel_loop3A_614 = tpu.vector_load %arg14[%parallel_loop3A_611, %parallel_loop3A_612, %parallel_loop3A_613] {strides = array<i32>} : memref<3x80x128xf32, #tpu.memory_space<vmem>>, vector<1x1x16xf32>,
      %parallel_loop3A_615 = vector.shape_cast %parallel_loop3A_614 : vector<1x1x16xf32> to vector<16xf32>
      %parallel_loop3A_616 = vector.shape_cast %parallel_loop3A_609 : vector<16xf32> to vector<1x1x16xf32>
      tpu.vector_store %arg14[%parallel_loop3A_611, %parallel_loop3A_612, %parallel_loop3A_613], %parallel_loop3A_616 {strides = array<i32>} : memref<3x80x128xf32, #tpu.memory_space<vmem>>, vector<1x1x16xf32>,
      %parallel_loop3A_617 = arith.constant 1 : i32
      %parallel_loop3A_618 = arith.index_cast %parallel_loop3A_617 : i32 to index
      %parallel_loop3A_619 = arith.index_cast %parallel_loop3A_489 : i32 to index
      %parallel_loop3A_620 = arith.constant 112 : index
      %parallel_loop3A_621 = tpu.vector_load %arg14[%parallel_loop3A_618, %parallel_loop3A_619, %parallel_loop3A_620] {strides = array<i32>} : memref<3x80x128xf32, #tpu.memory_space<vmem>>, vector<1x1x16xf32>,
      %parallel_loop3A_622 = vector.shape_cast %parallel_loop3A_621 : vector<1x1x16xf32> to vector<16xf32>
      %parallel_loop3A_623 = arith.mulf %parallel_loop3A_622, %parallel_loop3A_511 : vector<16xf32>
      %parallel_loop3A_624 = arith.constant 1 : i32
      %parallel_loop3A_625 = arith.index_cast %parallel_loop3A_624 : i32 to index
      %parallel_loop3A_626 = arith.index_cast %parallel_loop3A_489 : i32 to index
      %parallel_loop3A_627 = arith.constant 112 : index
      %parallel_loop3A_628 = tpu.vector_load %arg14[%parallel_loop3A_625, %parallel_loop3A_626, %parallel_loop3A_627] {strides = array<i32>} : memref<3x80x128xf32, #tpu.memory_space<vmem>>, vector<1x1x16xf32>,
      %parallel_loop3A_629 = vector.shape_cast %parallel_loop3A_628 : vector<1x1x16xf32> to vector<16xf32>
      %parallel_loop3A_630 = vector.shape_cast %parallel_loop3A_623 : vector<16xf32> to vector<1x1x16xf32>
      tpu.vector_store %arg14[%parallel_loop3A_625, %parallel_loop3A_626, %parallel_loop3A_627], %parallel_loop3A_630 {strides = array<i32>} : memref<3x80x128xf32, #tpu.memory_space<vmem>>, vector<1x1x16xf32>,
    } {sc.loop_unroll_factor = 8 : i64, sc.parallel_access}
    %dma_start3A_417 = arith.constant 1 : i32
    %dma_start3A_418 = arith.constant 1 : i32
    %dma_start3A_419 = arith.constant 1 : i32
    %dma_start3A_420 = arith.constant 1 : i32
    %dma_start3A_421 = arith.constant 0 : i32
    %dma_start3A_422 = arith.constant 0 : i32
    %dma_start3A_423 = tpu.memref_slice %arg12[%dma_start3A_417, %dma_start3A_421, %dma_start3A_422] : memref<3x80x16xf32, #tpu.memory_space<vmem>> -> memref<1x80x16xf32, #tpu.memory_space<vmem>>
    %dma_start3A_424 = tpu.memref_squeeze %dma_start3A_423 : memref<1x80x16xf32, #tpu.memory_space<vmem>> -> memref<80x16xf32, #tpu.memory_space<vmem>>
    %dma_start3A_425 = arith.constant 0 : i32
    %dma_start3A_426 = tpu.memref_slice %arg11[%dma_start3A_418, %dma_start3A_419, %dma_start3A_425] : memref<3x2x80xi32, #tpu.memory_space<vmem>> -> memref<1x1x80xi32, #tpu.memory_space<vmem>>
    %dma_start3A_427 = tpu.memref_squeeze %dma_start3A_426 : memref<1x1x80xi32, #tpu.memory_space<vmem>> -> memref<80xi32, #tpu.memory_space<vmem>>
    %dma_start3A_428 = arith.constant 0 : i32
    %dma_start3A_429 = arith.constant 0 : i32
    %dma_start3A_430 = tpu.memref_slice %arg10[%dma_start3A_428, %dma_start3A_429] : memref<10000x16xf32, #tpu.memory_space<vmem_shared>> -> memref<10000x16xf32, #tpu.memory_space<vmem_shared>>
    %dma_start3A_431 = tpu.memref_slice %arg20[%dma_start3A_420] : memref<3x!tpu.dma_semaphore, #tpu.memory_space<semaphore_mem>> -> memref<1x!tpu.dma_semaphore, #tpu.memory_space<semaphore_mem>>
    %dma_start3A_432 = tpu.memref_squeeze %dma_start3A_431 : memref<1x!tpu.dma_semaphore, #tpu.memory_space<semaphore_mem>> -> memref<!tpu.dma_semaphore, #tpu.memory_space<semaphore_mem>>
    tpu.enqueue_indirect_dma source(%dma_start3A_424 : memref<80x16xf32, #tpu.memory_space<vmem>>) target(%dma_start3A_430 : memref<10000x16xf32, #tpu.memory_space<vmem_shared>>) offsets(%dma_start3A_427 : memref<80xi32, #tpu.memory_space<vmem>>) semaphore(%dma_start3A_432 : memref<!tpu.dma_semaphore, #tpu.memory_space<semaphore_mem>>) {add = true}
    %dma_start3A_433 = arith.constant 1 : i32
    %dma_start3A_434 = arith.constant 1 : i32
    %dma_start3A_435 = arith.constant 1 : i32
    %dma_start3A_436 = arith.constant 1 : i32
    %dma_start3A_437 = arith.constant 0 : i32
    %dma_start3A_438 = arith.constant 0 : i32
    %dma_start3A_439 = tpu.memref_slice %arg14[%dma_start3A_433, %dma_start3A_437, %dma_start3A_438] : memref<3x80x128xf32, #tpu.memory_space<vmem>> -> memref<1x80x128xf32, #tpu.memory_space<vmem>>
    %dma_start3A_440 = tpu.memref_squeeze %dma_start3A_439 : memref<1x80x128xf32, #tpu.memory_space<vmem>> -> memref<80x128xf32, #tpu.memory_space<vmem>>
    %dma_start3A_441 = arith.constant 0 : i32
    %dma_start3A_442 = tpu.memref_slice %arg11[%dma_start3A_434, %dma_start3A_435, %dma_start3A_441] : memref<3x2x80xi32, #tpu.memory_space<vmem>> -> memref<1x1x80xi32, #tpu.memory_space<vmem>>
    %dma_start3A_443 = tpu.memref_squeeze %dma_start3A_442 : memref<1x1x80xi32, #tpu.memory_space<vmem>> -> memref<80xi32, #tpu.memory_space<vmem>>
    %dma_start3A_444 = arith.constant 0 : i32
    %dma_start3A_445 = arith.constant 0 : i32
    %dma_start3A_446 = tpu.memref_slice %arg9[%dma_start3A_444, %dma_start3A_445] : memref<10000x128xf32, #tpu.memory_space<vmem_shared>> -> memref<10000x128xf32, #tpu.memory_space<vmem_shared>>
    %dma_start3A_447 = tpu.memref_slice %arg21[%dma_start3A_436] : memref<3x!tpu.dma_semaphore, #tpu.memory_space<semaphore_mem>> -> memref<1x!tpu.dma_semaphore, #tpu.memory_space<semaphore_mem>>
    %dma_start3A_448 = tpu.memref_squeeze %dma_start3A_447 : memref<1x!tpu.dma_semaphore, #tpu.memory_space<semaphore_mem>> -> memref<!tpu.dma_semaphore, #tpu.memory_space<semaphore_mem>>
    tpu.enqueue_indirect_dma source(%dma_start3A_440 : memref<80x128xf32, #tpu.memory_space<vmem>>) target(%dma_start3A_446 : memref<10000x128xf32, #tpu.memory_space<vmem_shared>>) offsets(%dma_start3A_443 : memref<80xi32, #tpu.memory_space<vmem>>) semaphore(%dma_start3A_448 : memref<!tpu.dma_semaphore, #tpu.memory_space<semaphore_mem>>) {add = true}
    %dma_wait3A_449 = arith.constant 1 : i32
    %dma_wait3A_450 = arith.constant 1 : i32
    %dma_wait3A_451 = arith.constant 1 : i32
    %dma_wait3A_452 = arith.constant 1 : i32
    %dma_wait3A_453 = arith.constant 0 : i32
    %dma_wait3A_454 = arith.constant 0 : i32
    %dma_wait3A_455 = tpu.memref_slice %arg12[%dma_wait3A_449, %dma_wait3A_453, %dma_wait3A_454] : memref<3x80x16xf32, #tpu.memory_space<vmem>> -> memref<1x80x16xf32, #tpu.memory_space<vmem>>
    %dma_wait3A_456 = tpu.memref_squeeze %dma_wait3A_455 : memref<1x80x16xf32, #tpu.memory_space<vmem>> -> memref<80x16xf32, #tpu.memory_space<vmem>>
    %dma_wait3A_457 = arith.constant 0 : i32
    %dma_wait3A_458 = tpu.memref_slice %arg11[%dma_wait3A_450, %dma_wait3A_451, %dma_wait3A_457] : memref<3x2x80xi32, #tpu.memory_space<vmem>> -> memref<1x1x80xi32, #tpu.memory_space<vmem>>
    %dma_wait3A_459 = tpu.memref_squeeze %dma_wait3A_458 : memref<1x1x80xi32, #tpu.memory_space<vmem>> -> memref<80xi32, #tpu.memory_space<vmem>>
    %dma_wait3A_460 = arith.constant 0 : i32
    %dma_wait3A_461 = arith.constant 0 : i32
    %dma_wait3A_462 = tpu.memref_slice %arg10[%dma_wait3A_460, %dma_wait3A_461] : memref<10000x16xf32, #tpu.memory_space<vmem_shared>> -> memref<10000x16xf32, #tpu.memory_space<vmem_shared>>
    %dma_wait3A_463 = tpu.memref_slice %arg20[%dma_wait3A_452] : memref<3x!tpu.dma_semaphore, #tpu.memory_space<semaphore_mem>> -> memref<1x!tpu.dma_semaphore, #tpu.memory_space<semaphore_mem>>
    %dma_wait3A_464 = tpu.memref_squeeze %dma_wait3A_463 : memref<1x!tpu.dma_semaphore, #tpu.memory_space<semaphore_mem>> -> memref<!tpu.dma_semaphore, #tpu.memory_space<semaphore_mem>>
    tpu.wait_indirect_dma semaphore(%dma_wait3A_464 : memref<!tpu.dma_semaphore, #tpu.memory_space<semaphore_mem>>) src(%dma_wait3A_456 : memref<80x16xf32, #tpu.memory_space<vmem>>) dst(%dma_wait3A_462 : memref<10000x16xf32, #tpu.memory_space<vmem_shared>>)
    %dma_wait3A_465 = arith.constant 1 : i32
    %dma_wait3A_466 = arith.constant 1 : i32
    %dma_wait3A_467 = arith.constant 1 : i32
    %dma_wait3A_468 = arith.constant 1 : i32
    %dma_wait3A_469 = arith.constant 0 : i32
    %dma_wait3A_470 = arith.constant 0 : i32
    %dma_wait3A_471 = tpu.memref_slice %arg14[%dma_wait3A_465, %dma_wait3A_469, %dma_wait3A_470] : memref<3x80x128xf32, #tpu.memory_space<vmem>> -> memref<1x80x128xf32, #tpu.memory_space<vmem>>
    %dma_wait3A_472 = tpu.memref_squeeze %dma_wait3A_471 : memref<1x80x128xf32, #tpu.memory_space<vmem>> -> memref<80x128xf32, #tpu.memory_space<vmem>>
    %dma_wait3A_473 = arith.constant 0 : i32
    %dma_wait3A_474 = tpu.memref_slice %arg11[%dma_wait3A_466, %dma_wait3A_467, %dma_wait3A_473] : memref<3x2x80xi32, #tpu.memory_space<vmem>> -> memref<1x1x80xi32, #tpu.memory_space<vmem>>
    %dma_wait3A_475 = tpu.memref_squeeze %dma_wait3A_474 : memref<1x1x80xi32, #tpu.memory_space<vmem>> -> memref<80xi32, #tpu.memory_space<vmem>>
    %dma_wait3A_476 = arith.constant 0 : i32
    %dma_wait3A_477 = arith.constant 0 : i32
    %dma_wait3A_478 = tpu.memref_slice %arg9[%dma_wait3A_476, %dma_wait3A_477] : memref<10000x128xf32, #tpu.memory_space<vmem_shared>> -> memref<10000x128xf32, #tpu.memory_space<vmem_shared>>
    %dma_wait3A_479 = tpu.memref_slice %arg21[%dma_wait3A_468] : memref<3x!tpu.dma_semaphore, #tpu.memory_space<semaphore_mem>> -> memref<1x!tpu.dma_semaphore, #tpu.memory_space<semaphore_mem>>
    %dma_wait3A_480 = tpu.memref_squeeze %dma_wait3A_479 : memref<1x!tpu.dma_semaphore, #tpu.memory_space<semaphore_mem>> -> memref<!tpu.dma_semaphore, #tpu.memory_space<semaphore_mem>>
    tpu.wait_indirect_dma semaphore(%dma_wait3A_480 : memref<!tpu.dma_semaphore, #tpu.memory_space<semaphore_mem>>) src(%dma_wait3A_472 : memref<80x128xf32, #tpu.memory_space<vmem>>) dst(%dma_wait3A_478 : memref<10000x128xf32, #tpu.memory_space<vmem_shared>>)
    %barrier3A_481 = arith.constant 0 : index
    tpu.barrier barrier_id(%barrier3A_481)
    %lt3A = arith.constant 15 : i32
    %lt3A_482 = arith.cmpi slt, %arg1, %lt3A : i32
    %convert_element_type3A = arith.extui %lt3A_482 : i1 to i32
    %cond3A = arith.constant 0 : i32
    %cond3A_483 = arith.cmpi ne, %convert_element_type3A, %cond3A : i32
    scf.if %cond3A_483 {
      %dma_start3A_489 = arith.constant 0 : i32
      %dma_start3A_490 = tpu.memref_slice %arg21[%dma_start3A_489] : memref<3x!tpu.dma_semaphore, #tpu.memory_space<semaphore_mem>> -> memref<1x!tpu.dma_semaphore, #tpu.memory_space<semaphore_mem>>
      %dma_start3A_491 = tpu.memref_squeeze %dma_start3A_490 : memref<1x!tpu.dma_semaphore, #tpu.memory_space<semaphore_mem>> -> memref<!tpu.dma_semaphore, #tpu.memory_space<semaphore_mem>>
      %dma_start3A_492 = arith.constant 0 : i32
      %dma_start3A_493 = tpu.memref_slice %arg7[%arg0, %mul3A_9, %dma_start3A_492] : memref<2x10000x128xf32, #tpu.memory_space<hbm>> -> memref<1x640x128xf32, #tpu.memory_space<hbm>>
      %dma_start3A_494 = tpu.memref_squeeze %dma_start3A_493 : memref<1x640x128xf32, #tpu.memory_space<hbm>> -> memref<640x128xf32, #tpu.memory_space<hbm>>
      %dma_start3A_495 = arith.constant 0 : i32
      %dma_start3A_496 = tpu.memref_slice %arg9[%mul3A_9, %dma_start3A_495] : memref<10000x128xf32, #tpu.memory_space<vmem_shared>> -> memref<640x128xf32, #tpu.memory_space<vmem_shared>>
      tpu.enqueue_dma source(%dma_start3A_496 : memref<640x128xf32, #tpu.memory_space<vmem_shared>>) target(%dma_start3A_494 : memref<640x128xf32, #tpu.memory_space<hbm>>) target_semaphore(%dma_start3A_491 : memref<!tpu.dma_semaphore, #tpu.memory_space<semaphore_mem>>)
      %dma_start3A_497 = arith.constant 0 : i32
      %dma_start3A_498 = tpu.memref_slice %arg20[%dma_start3A_497] : memref<3x!tpu.dma_semaphore, #tpu.memory_space<semaphore_mem>> -> memref<1x!tpu.dma_semaphore, #tpu.memory_space<semaphore_mem>>
      %dma_start3A_499 = tpu.memref_squeeze %dma_start3A_498 : memref<1x!tpu.dma_semaphore, #tpu.memory_space<semaphore_mem>> -> memref<!tpu.dma_semaphore, #tpu.memory_space<semaphore_mem>>
      %dma_start3A_500 = arith.constant 0 : i32
      %dma_start3A_501 = tpu.memref_slice %arg8[%arg0, %mul3A_9, %dma_start3A_500] : memref<2x10000x16xf32, #tpu.memory_space<hbm>> -> memref<1x640x16xf32, #tpu.memory_space<hbm>>
      %dma_start3A_502 = tpu.memref_squeeze %dma_start3A_501 : memref<1x640x16xf32, #tpu.memory_space<hbm>> -> memref<640x16xf32, #tpu.memory_space<hbm>>
      %dma_start3A_503 = arith.constant 0 : i32
      %dma_start3A_504 = tpu.memref_slice %arg10[%mul3A_9, %dma_start3A_503] : memref<10000x16xf32, #tpu.memory_space<vmem_shared>> -> memref<640x16xf32, #tpu.memory_space<vmem_shared>>
      tpu.enqueue_dma source(%dma_start3A_504 : memref<640x16xf32, #tpu.memory_space<vmem_shared>>) target(%dma_start3A_502 : memref<640x16xf32, #tpu.memory_space<hbm>>) target_semaphore(%dma_start3A_499 : memref<!tpu.dma_semaphore, #tpu.memory_space<semaphore_mem>>)
      %dma_wait3A_505 = arith.constant 0 : i32
      %dma_wait3A_506 = tpu.memref_slice %arg21[%dma_wait3A_505] : memref<3x!tpu.dma_semaphore, #tpu.memory_space<semaphore_mem>> -> memref<1x!tpu.dma_semaphore, #tpu.memory_space<semaphore_mem>>
      %dma_wait3A_507 = tpu.memref_squeeze %dma_wait3A_506 : memref<1x!tpu.dma_semaphore, #tpu.memory_space<semaphore_mem>> -> memref<!tpu.dma_semaphore, #tpu.memory_space<semaphore_mem>>
      %dma_wait3A_508 = arith.constant 0 : i32
      %dma_wait3A_509 = tpu.memref_slice %arg7[%arg0, %mul3A_9, %dma_wait3A_508] : memref<2x10000x128xf32, #tpu.memory_space<hbm>> -> memref<1x640x128xf32, #tpu.memory_space<hbm>>
      %dma_wait3A_510 = tpu.memref_squeeze %dma_wait3A_509 : memref<1x640x128xf32, #tpu.memory_space<hbm>> -> memref<640x128xf32, #tpu.memory_space<hbm>>
      %dma_wait3A_511 = arith.constant 0 : i32
      %dma_wait3A_512 = tpu.memref_slice %arg9[%mul3A_9, %dma_wait3A_511] : memref<10000x128xf32, #tpu.memory_space<vmem_shared>> -> memref<640x128xf32, #tpu.memory_space<vmem_shared>>
      tpu.wait_dma2 semaphore(%dma_wait3A_507 : memref<!tpu.dma_semaphore, #tpu.memory_space<semaphore_mem>>) src(%dma_wait3A_512 : memref<640x128xf32, #tpu.memory_space<vmem_shared>>) dst(%dma_wait3A_510 : memref<640x128xf32, #tpu.memory_space<hbm>>)
      %dma_wait3A_513 = arith.constant 0 : i32
      %dma_wait3A_514 = tpu.memref_slice %arg20[%dma_wait3A_513] : memref<3x!tpu.dma_semaphore, #tpu.memory_space<semaphore_mem>> -> memref<1x!tpu.dma_semaphore, #tpu.memory_space<semaphore_mem>>
      %dma_wait3A_515 = tpu.memref_squeeze %dma_wait3A_514 : memref<1x!tpu.dma_semaphore, #tpu.memory_space<semaphore_mem>> -> memref<!tpu.dma_semaphore, #tpu.memory_space<semaphore_mem>>
      %dma_wait3A_516 = arith.constant 0 : i32
      %dma_wait3A_517 = tpu.memref_slice %arg8[%arg0, %mul3A_9, %dma_wait3A_516] : memref<2x10000x16xf32, #tpu.memory_space<hbm>> -> memref<1x640x16xf32, #tpu.memory_space<hbm>>
      %dma_wait3A_518 = tpu.memref_squeeze %dma_wait3A_517 : memref<1x640x16xf32, #tpu.memory_space<hbm>> -> memref<640x16xf32, #tpu.memory_space<hbm>>
      %dma_wait3A_519 = arith.constant 0 : i32
      %dma_wait3A_520 = tpu.memref_slice %arg10[%mul3A_9, %dma_wait3A_519] : memref<10000x16xf32, #tpu.memory_space<vmem_shared>> -> memref<640x16xf32, #tpu.memory_space<vmem_shared>>
      tpu.wait_dma2 semaphore(%dma_wait3A_515 : memref<!tpu.dma_semaphore, #tpu.memory_space<semaphore_mem>>) src(%dma_wait3A_520 : memref<640x16xf32, #tpu.memory_space<vmem_shared>>) dst(%dma_wait3A_518 : memref<640x16xf32, #tpu.memory_space<hbm>>)
    } else {
    }
    %eq3A_484 = arith.constant 15 : i32
    %eq3A_485 = arith.cmpi eq, %arg1, %eq3A_484 : i32
    %convert_element_type3A_486 = arith.extui %eq3A_485 : i1 to i32
    %cond3A_487 = arith.constant 0 : i32
    %cond3A_488 = arith.cmpi ne, %convert_element_type3A_486, %cond3A_487 : i32
    scf.if %cond3A_488 {
      %dma_start3A_489 = arith.constant 0 : i32
      %dma_start3A_490 = tpu.memref_slice %arg21[%dma_start3A_489] : memref<3x!tpu.dma_semaphore, #tpu.memory_space<semaphore_mem>> -> memref<1x!tpu.dma_semaphore, #tpu.memory_space<semaphore_mem>>
      %dma_start3A_491 = tpu.memref_squeeze %dma_start3A_490 : memref<1x!tpu.dma_semaphore, #tpu.memory_space<semaphore_mem>> -> memref<!tpu.dma_semaphore, #tpu.memory_space<semaphore_mem>>
      %dma_start3A_492 = arith.constant 0 : i32
      %dma_start3A_493 = tpu.memref_slice %arg7[%arg0, %mul3A_9, %dma_start3A_492] : memref<2x10000x128xf32, #tpu.memory_space<hbm>> -> memref<1x400x128xf32, #tpu.memory_space<hbm>>
      %dma_start3A_494 = tpu.memref_squeeze %dma_start3A_493 : memref<1x400x128xf32, #tpu.memory_space<hbm>> -> memref<400x128xf32, #tpu.memory_space<hbm>>
      %dma_start3A_495 = arith.constant 0 : i32
      %dma_start3A_496 = tpu.memref_slice %arg9[%mul3A_9, %dma_start3A_495] : memref<10000x128xf32, #tpu.memory_space<vmem_shared>> -> memref<400x128xf32, #tpu.memory_space<vmem_shared>>
      tpu.enqueue_dma source(%dma_start3A_496 : memref<400x128xf32, #tpu.memory_space<vmem_shared>>) target(%dma_start3A_494 : memref<400x128xf32, #tpu.memory_space<hbm>>) target_semaphore(%dma_start3A_491 : memref<!tpu.dma_semaphore, #tpu.memory_space<semaphore_mem>>)
      %dma_start3A_497 = arith.constant 0 : i32
      %dma_start3A_498 = tpu.memref_slice %arg20[%dma_start3A_497] : memref<3x!tpu.dma_semaphore, #tpu.memory_space<semaphore_mem>> -> memref<1x!tpu.dma_semaphore, #tpu.memory_space<semaphore_mem>>
      %dma_start3A_499 = tpu.memref_squeeze %dma_start3A_498 : memref<1x!tpu.dma_semaphore, #tpu.memory_space<semaphore_mem>> -> memref<!tpu.dma_semaphore, #tpu.memory_space<semaphore_mem>>
      %dma_start3A_500 = arith.constant 0 : i32
      %dma_start3A_501 = tpu.memref_slice %arg8[%arg0, %mul3A_9, %dma_start3A_500] : memref<2x10000x16xf32, #tpu.memory_space<hbm>> -> memref<1x400x16xf32, #tpu.memory_space<hbm>>
      %dma_start3A_502 = tpu.memref_squeeze %dma_start3A_501 : memref<1x400x16xf32, #tpu.memory_space<hbm>> -> memref<400x16xf32, #tpu.memory_space<hbm>>
      %dma_start3A_503 = arith.constant 0 : i32
      %dma_start3A_504 = tpu.memref_slice %arg10[%mul3A_9, %dma_start3A_503] : memref<10000x16xf32, #tpu.memory_space<vmem_shared>> -> memref<400x16xf32, #tpu.memory_space<vmem_shared>>
      tpu.enqueue_dma source(%dma_start3A_504 : memref<400x16xf32, #tpu.memory_space<vmem_shared>>) target(%dma_start3A_502 : memref<400x16xf32, #tpu.memory_space<hbm>>) target_semaphore(%dma_start3A_499 : memref<!tpu.dma_semaphore, #tpu.memory_space<semaphore_mem>>)
      %dma_wait3A_505 = arith.constant 0 : i32
      %dma_wait3A_506 = tpu.memref_slice %arg21[%dma_wait3A_505] : memref<3x!tpu.dma_semaphore, #tpu.memory_space<semaphore_mem>> -> memref<1x!tpu.dma_semaphore, #tpu.memory_space<semaphore_mem>>
      %dma_wait3A_507 = tpu.memref_squeeze %dma_wait3A_506 : memref<1x!tpu.dma_semaphore, #tpu.memory_space<semaphore_mem>> -> memref<!tpu.dma_semaphore, #tpu.memory_space<semaphore_mem>>
      %dma_wait3A_508 = arith.constant 0 : i32
      %dma_wait3A_509 = tpu.memref_slice %arg7[%arg0, %mul3A_9, %dma_wait3A_508] : memref<2x10000x128xf32, #tpu.memory_space<hbm>> -> memref<1x400x128xf32, #tpu.memory_space<hbm>>
      %dma_wait3A_510 = tpu.memref_squeeze %dma_wait3A_509 : memref<1x400x128xf32, #tpu.memory_space<hbm>> -> memref<400x128xf32, #tpu.memory_space<hbm>>
      %dma_wait3A_511 = arith.constant 0 : i32
      %dma_wait3A_512 = tpu.memref_slice %arg9[%mul3A_9, %dma_wait3A_511] : memref<10000x128xf32, #tpu.memory_space<vmem_shared>> -> memref<400x128xf32, #tpu.memory_space<vmem_shared>>
      tpu.wait_dma2 semaphore(%dma_wait3A_507 : memref<!tpu.dma_semaphore, #tpu.memory_space<semaphore_mem>>) src(%dma_wait3A_512 : memref<400x128xf32, #tpu.memory_space<vmem_shared>>) dst(%dma_wait3A_510 : memref<400x128xf32, #tpu.memory_space<hbm>>)
      %dma_wait3A_513 = arith.constant 0 : i32
      %dma_wait3A_514 = tpu.memref_slice %arg20[%dma_wait3A_513] : memref<3x!tpu.dma_semaphore, #tpu.memory_space<semaphore_mem>> -> memref<1x!tpu.dma_semaphore, #tpu.memory_space<semaphore_mem>>
      %dma_wait3A_515 = tpu.memref_squeeze %dma_wait3A_514 : memref<1x!tpu.dma_semaphore, #tpu.memory_space<semaphore_mem>> -> memref<!tpu.dma_semaphore, #tpu.memory_space<semaphore_mem>>
      %dma_wait3A_516 = arith.constant 0 : i32
      %dma_wait3A_517 = tpu.memref_slice %arg8[%arg0, %mul3A_9, %dma_wait3A_516] : memref<2x10000x16xf32, #tpu.memory_space<hbm>> -> memref<1x400x16xf32, #tpu.memory_space<hbm>>
      %dma_wait3A_518 = tpu.memref_squeeze %dma_wait3A_517 : memref<1x400x16xf32, #tpu.memory_space<hbm>> -> memref<400x16xf32, #tpu.memory_space<hbm>>
      %dma_wait3A_519 = arith.constant 0 : i32
      %dma_wait3A_520 = tpu.memref_slice %arg10[%mul3A_9, %dma_wait3A_519] : memref<10000x16xf32, #tpu.memory_space<vmem_shared>> -> memref<400x16xf32, #tpu.memory_space<vmem_shared>>
      tpu.wait_dma2 semaphore(%dma_wait3A_515 : memref<!tpu.dma_semaphore, #tpu.memory_space<semaphore_mem>>) src(%dma_wait3A_520 : memref<400x16xf32, #tpu.memory_space<vmem_shared>>) dst(%dma_wait3A_518 : memref<400x16xf32, #tpu.memory_space<hbm>>)
    } else {
    }
    return
  }
}

module attributes {stable_mosaic.version = 14 : i64} {
  func.func @_tc_pre_body(%arg0: memref<10000x128xf32, #tpu.memory_space<vmem>>, %arg1: memref<4x128x32xf32, #tpu.memory_space<vmem>>, %arg2: memref<4x64x1xf32, #tpu.memory_space<vmem>>, %arg3: memref<10000x128xf32, #tpu.memory_space<vmem>>, %arg4: memref<10000x16xf32, #tpu.memory_space<vmem>>, %arg5: memref<10000x16xf32, #tpu.memory_space<vmem>>, %arg6: memref<8x16xf32, #tpu.memory_space<vmem>>) attributes {dimension_semantics = [], scalar_prefetch = 0 : i64, scratch_operands = 0 : i64, tpu.core_type = #tpu.core_type<tc>} {
    %iota3A = tpu.iota {dimensions = array<i32: 0>} : vector<32x128xi32>
    %iota3A_0 = tpu.iota {dimensions = array<i32: 1>} : vector<32x128xi32>
    %get3A = arith.constant 0 : index
    %get3A_1 = arith.constant 0 : index
    %get3A_2 = arith.constant 0 : index
    %get3A_3 = vector.load %arg1[%get3A, %get3A_1, %get3A_2] : memref<4x128x32xf32, #tpu.memory_space<vmem>>, vector<1x128x32xf32>
    %get3A_4 = vector.shape_cast %get3A_3 : vector<1x128x32xf32> to vector<128x32xf32>
    %mul3A = arith.constant 4 : i32
    %mul3A_5 = vector.broadcast %mul3A : i32 to vector<32x128xi32>
    %mul3A_6 = arith.muli %mul3A_5, %iota3A : vector<32x128xi32>
    %eq3A = arith.cmpi eq, %iota3A_0, %mul3A_6 : vector<32x128xi32>
    %convert_element_type3A = arith.extui %eq3A : vector<32x128xi1> to vector<32x128xi32>
    %convert_element_type3A_7 = arith.sitofp %convert_element_type3A : vector<32x128xi32> to vector<32x128xf32>
    %dot_general3A = arith.constant dense<0.000000e+00> : vector<128x128xf32>
    %dot_general3A_8 = tpu.matmul %get3A_4, %convert_element_type3A_7, %dot_general3A {dimension_numbers = #tpu.dot_dimension_numbers<[1], [0], [0], [1], [0, 0, 1, 1], [], []>, precision = #tpu.contract_precision<fp32>, transpose_lhs_hint = false} : vector<128x32xf32>, vector<32x128xf32>, vector<128x128xf32> -> vector<128x128xf32>
    %get3A_9 = arith.constant 1 : index
    %get3A_10 = arith.constant 0 : index
    %get3A_11 = arith.constant 0 : index
    %get3A_12 = vector.load %arg1[%get3A_9, %get3A_10, %get3A_11] : memref<4x128x32xf32, #tpu.memory_space<vmem>>, vector<1x128x32xf32>
    %get3A_13 = vector.shape_cast %get3A_12 : vector<1x128x32xf32> to vector<128x32xf32>
    %mul3A_14 = arith.constant 4 : i32
    %mul3A_15 = vector.broadcast %mul3A_14 : i32 to vector<32x128xi32>
    %mul3A_16 = arith.muli %mul3A_15, %iota3A : vector<32x128xi32>
    %add3A = arith.constant 1 : i32
    %add3A_17 = vector.broadcast %add3A : i32 to vector<32x128xi32>
    %add3A_18 = arith.addi %mul3A_16, %add3A_17 : vector<32x128xi32>
    %eq3A_19 = arith.cmpi eq, %iota3A_0, %add3A_18 : vector<32x128xi32>
    %convert_element_type3A_20 = arith.extui %eq3A_19 : vector<32x128xi1> to vector<32x128xi32>
    %convert_element_type3A_21 = arith.sitofp %convert_element_type3A_20 : vector<32x128xi32> to vector<32x128xf32>
    %dot_general3A_22 = arith.constant dense<0.000000e+00> : vector<128x128xf32>
    %dot_general3A_23 = tpu.matmul %get3A_13, %convert_element_type3A_21, %dot_general3A_22 {dimension_numbers = #tpu.dot_dimension_numbers<[1], [0], [0], [1], [0, 0, 1, 1], [], []>, precision = #tpu.contract_precision<fp32>, transpose_lhs_hint = false} : vector<128x32xf32>, vector<32x128xf32>, vector<128x128xf32> -> vector<128x128xf32>
    %add3A_24 = arith.addf %dot_general3A_8, %dot_general3A_23 : vector<128x128xf32>
    %get3A_25 = arith.constant 2 : index
    %get3A_26 = arith.constant 0 : index
    %get3A_27 = arith.constant 0 : index
    %get3A_28 = vector.load %arg1[%get3A_25, %get3A_26, %get3A_27] : memref<4x128x32xf32, #tpu.memory_space<vmem>>, vector<1x128x32xf32>
    %get3A_29 = vector.shape_cast %get3A_28 : vector<1x128x32xf32> to vector<128x32xf32>
    %mul3A_30 = arith.constant 4 : i32
    %mul3A_31 = vector.broadcast %mul3A_30 : i32 to vector<32x128xi32>
    %mul3A_32 = arith.muli %mul3A_31, %iota3A : vector<32x128xi32>
    %add3A_33 = arith.constant 2 : i32
    %add3A_34 = vector.broadcast %add3A_33 : i32 to vector<32x128xi32>
    %add3A_35 = arith.addi %mul3A_32, %add3A_34 : vector<32x128xi32>
    %eq3A_36 = arith.cmpi eq, %iota3A_0, %add3A_35 : vector<32x128xi32>
    %convert_element_type3A_37 = arith.extui %eq3A_36 : vector<32x128xi1> to vector<32x128xi32>
    %convert_element_type3A_38 = arith.sitofp %convert_element_type3A_37 : vector<32x128xi32> to vector<32x128xf32>
    %dot_general3A_39 = arith.constant dense<0.000000e+00> : vector<128x128xf32>
    %dot_general3A_40 = tpu.matmul %get3A_29, %convert_element_type3A_38, %dot_general3A_39 {dimension_numbers = #tpu.dot_dimension_numbers<[1], [0], [0], [1], [0, 0, 1, 1], [], []>, precision = #tpu.contract_precision<fp32>, transpose_lhs_hint = false} : vector<128x32xf32>, vector<32x128xf32>, vector<128x128xf32> -> vector<128x128xf32>
    %add3A_41 = arith.addf %add3A_24, %dot_general3A_40 : vector<128x128xf32>
    %get3A_42 = arith.constant 3 : index
    %get3A_43 = arith.constant 0 : index
    %get3A_44 = arith.constant 0 : index
    %get3A_45 = vector.load %arg1[%get3A_42, %get3A_43, %get3A_44] : memref<4x128x32xf32, #tpu.memory_space<vmem>>, vector<1x128x32xf32>
    %get3A_46 = vector.shape_cast %get3A_45 : vector<1x128x32xf32> to vector<128x32xf32>
    %mul3A_47 = arith.constant 4 : i32
    %mul3A_48 = vector.broadcast %mul3A_47 : i32 to vector<32x128xi32>
    %mul3A_49 = arith.muli %mul3A_48, %iota3A : vector<32x128xi32>
    %add3A_50 = arith.constant 3 : i32
    %add3A_51 = vector.broadcast %add3A_50 : i32 to vector<32x128xi32>
    %add3A_52 = arith.addi %mul3A_49, %add3A_51 : vector<32x128xi32>
    %eq3A_53 = arith.cmpi eq, %iota3A_0, %add3A_52 : vector<32x128xi32>
    %convert_element_type3A_54 = arith.extui %eq3A_53 : vector<32x128xi1> to vector<32x128xi32>
    %convert_element_type3A_55 = arith.sitofp %convert_element_type3A_54 : vector<32x128xi32> to vector<32x128xf32>
    %dot_general3A_56 = arith.constant dense<0.000000e+00> : vector<128x128xf32>
    %dot_general3A_57 = tpu.matmul %get3A_46, %convert_element_type3A_55, %dot_general3A_56 {dimension_numbers = #tpu.dot_dimension_numbers<[1], [0], [0], [1], [0, 0, 1, 1], [], []>, precision = #tpu.contract_precision<fp32>, transpose_lhs_hint = false} : vector<128x32xf32>, vector<32x128xf32>, vector<128x128xf32> -> vector<128x128xf32>
    %add3A_58 = arith.addf %add3A_41, %dot_general3A_57 : vector<128x128xf32>
    %get3A_59 = arith.constant 0 : index
    %get3A_60 = arith.constant 0 : index
    %get3A_61 = vector.load %arg0[%get3A_59, %get3A_60] : memref<10000x128xf32, #tpu.memory_space<vmem>>, vector<10000x128xf32>
    %dot_general3A_62 = arith.constant dense<0.000000e+00> : vector<10000x128xf32>
    %dot_general3A_63 = tpu.matmul %get3A_61, %add3A_58, %dot_general3A_62 {dimension_numbers = #tpu.dot_dimension_numbers<[1], [0], [0], [1], [0, 0, 1, 1], [], []>, transpose_lhs_hint = false} : vector<10000x128xf32>, vector<128x128xf32>, vector<10000x128xf32> -> vector<10000x128xf32>
    %swap3A = arith.constant 0 : index
    %swap3A_64 = arith.constant 0 : index
    %swap3A_65 = vector.load %arg3[%swap3A, %swap3A_64] : memref<10000x128xf32, #tpu.memory_space<vmem>>, vector<10000x128xf32>
    tpu.vector_store %arg3[%swap3A, %swap3A_64], %dot_general3A_63 {strides = array<i32>} : memref<10000x128xf32, #tpu.memory_space<vmem>>, vector<10000x128xf32>,
    %get3A_66 = arith.constant 0 : index
    %get3A_67 = arith.constant 0 : index
    %get3A_68 = arith.constant 0 : index
    %get3A_69 = vector.load %arg2[%get3A_66, %get3A_67, %get3A_68] : memref<4x64x1xf32, #tpu.memory_space<vmem>>, vector<4x64x1xf32>
    %reshape3A = vector.shape_cast %get3A_69 : vector<4x64x1xf32> to vector<4x64xf32>
    %iota3A_70 = tpu.iota {dimensions = array<i32: 0>} : vector<128x64xi32>
    %iota3A_71 = tpu.iota {dimensions = array<i32: 1>} : vector<128x64xi32>
    %jit3A = arith.constant 4 : i32
    %div3A = vector.broadcast %jit3A : i32 to vector<128x64xi32>
    %div3A_72 = arith.divsi %iota3A_70, %div3A : vector<128x64xi32>
    %sign3A = arith.constant 0 : i32
    %sign3A_73 = vector.broadcast %sign3A : i32 to vector<128x64xi32>
    %sign3A_74 = arith.cmpi sgt, %iota3A_70, %sign3A_73 : vector<128x64xi32>
    %sign3A_75 = arith.extui %sign3A_74 : vector<128x64xi1> to vector<128x64xi32>
    %sign3A_76 = arith.constant 0 : i32
    %sign3A_77 = vector.broadcast %sign3A_76 : i32 to vector<128x64xi32>
    %sign3A_78 = arith.cmpi slt, %iota3A_70, %sign3A_77 : vector<128x64xi32>
    %sign3A_79 = arith.extui %sign3A_78 : vector<128x64xi1> to vector<128x64xi32>
    %sign3A_80 = arith.subi %sign3A_75, %sign3A_79 : vector<128x64xi32>
    %sign3A_81 = arith.constant 0 : i32
    %sign3A_82 = arith.cmpi sgt, %jit3A, %sign3A_81 : i32
    %sign3A_83 = arith.extui %sign3A_82 : i1 to i32
    %sign3A_84 = arith.constant 0 : i32
    %sign3A_85 = arith.cmpi slt, %jit3A, %sign3A_84 : i32
    %sign3A_86 = arith.extui %sign3A_85 : i1 to i32
    %sign3A_87 = arith.subi %sign3A_83, %sign3A_86 : i32
    %ne3A = vector.broadcast %sign3A_87 : i32 to vector<128x64xi32>
    %ne3A_88 = arith.cmpi ne, %sign3A_80, %ne3A : vector<128x64xi32>
    %rem3A = vector.broadcast %jit3A : i32 to vector<128x64xi32>
    %rem3A_89 = arith.remsi %iota3A_70, %rem3A : vector<128x64xi32>
    %ne3A_90 = arith.constant 0 : i32
    %ne3A_91 = vector.broadcast %ne3A_90 : i32 to vector<128x64xi32>
    %ne3A_92 = arith.cmpi ne, %rem3A_89, %ne3A_91 : vector<128x64xi32>
    %and3A = arith.andi %ne3A_88, %ne3A_92 : vector<128x64xi1>
    %sub3A = arith.constant 1 : i32
    %sub3A_93 = vector.broadcast %sub3A : i32 to vector<128x64xi32>
    %sub3A_94 = arith.subi %div3A_72, %sub3A_93 : vector<128x64xi32>
    %select_n3A = arith.select %and3A, %sub3A_94, %div3A_72 : vector<128x64xi1>, vector<128x64xi32>
    %eq3A_95 = arith.cmpi eq, %iota3A_71, %select_n3A : vector<128x64xi32>
    %convert_element_type3A_96 = arith.extui %eq3A_95 : vector<128x64xi1> to vector<128x64xi32>
    %convert_element_type3A_97 = arith.sitofp %convert_element_type3A_96 : vector<128x64xi32> to vector<128x64xf32>
    %jit3A_98 = arith.constant 4 : i32
    %div3A_99 = vector.broadcast %jit3A_98 : i32 to vector<128x64xi32>
    %div3A_100 = arith.divsi %iota3A_70, %div3A_99 : vector<128x64xi32>
    %sign3A_101 = arith.constant 0 : i32
    %sign3A_102 = vector.broadcast %sign3A_101 : i32 to vector<128x64xi32>
    %sign3A_103 = arith.cmpi sgt, %iota3A_70, %sign3A_102 : vector<128x64xi32>
    %sign3A_104 = arith.extui %sign3A_103 : vector<128x64xi1> to vector<128x64xi32>
    %sign3A_105 = arith.constant 0 : i32
    %sign3A_106 = vector.broadcast %sign3A_105 : i32 to vector<128x64xi32>
    %sign3A_107 = arith.cmpi slt, %iota3A_70, %sign3A_106 : vector<128x64xi32>
    %sign3A_108 = arith.extui %sign3A_107 : vector<128x64xi1> to vector<128x64xi32>
    %sign3A_109 = arith.subi %sign3A_104, %sign3A_108 : vector<128x64xi32>
    %sign3A_110 = arith.constant 0 : i32
    %sign3A_111 = arith.cmpi sgt, %jit3A_98, %sign3A_110 : i32
    %sign3A_112 = arith.extui %sign3A_111 : i1 to i32
    %sign3A_113 = arith.constant 0 : i32
    %sign3A_114 = arith.cmpi slt, %jit3A_98, %sign3A_113 : i32
    %sign3A_115 = arith.extui %sign3A_114 : i1 to i32
    %sign3A_116 = arith.subi %sign3A_112, %sign3A_115 : i32
    %ne3A_117 = vector.broadcast %sign3A_116 : i32 to vector<128x64xi32>
    %ne3A_118 = arith.cmpi ne, %sign3A_109, %ne3A_117 : vector<128x64xi32>
    %rem3A_119 = vector.broadcast %jit3A_98 : i32 to vector<128x64xi32>
    %rem3A_120 = arith.remsi %iota3A_70, %rem3A_119 : vector<128x64xi32>
    %ne3A_121 = arith.constant 0 : i32
    %ne3A_122 = vector.broadcast %ne3A_121 : i32 to vector<128x64xi32>
    %ne3A_123 = arith.cmpi ne, %rem3A_120, %ne3A_122 : vector<128x64xi32>
    %and3A_124 = arith.andi %ne3A_118, %ne3A_123 : vector<128x64xi1>
    %sub3A_125 = arith.constant 1 : i32
    %sub3A_126 = vector.broadcast %sub3A_125 : i32 to vector<128x64xi32>
    %sub3A_127 = arith.subi %div3A_100, %sub3A_126 : vector<128x64xi32>
    %select_n3A_128 = arith.select %and3A_124, %sub3A_127, %div3A_100 : vector<128x64xi1>, vector<128x64xi32>
    %add3A_129 = arith.constant 32 : i32
    %add3A_130 = vector.broadcast %add3A_129 : i32 to vector<128x64xi32>
    %add3A_131 = arith.addi %add3A_130, %select_n3A_128 : vector<128x64xi32>
    %eq3A_132 = arith.cmpi eq, %iota3A_71, %add3A_131 : vector<128x64xi32>
    %convert_element_type3A_133 = arith.extui %eq3A_132 : vector<128x64xi1> to vector<128x64xi32>
    %convert_element_type3A_134 = arith.sitofp %convert_element_type3A_133 : vector<128x64xi32> to vector<128x64xf32>
    %dot_general3A_135 = arith.constant dense<0.000000e+00> : vector<128x4xf32>
    %dot_general3A_136 = tpu.matmul %convert_element_type3A_97, %reshape3A, %dot_general3A_135 {dimension_numbers = #tpu.dot_dimension_numbers<[1], [1], [0], [0], [0, 0, 1, 0], [], []>, precision = #tpu.contract_precision<fp32>, transpose_lhs_hint = false} : vector<128x64xf32>, vector<4x64xf32>, vector<128x4xf32> -> vector<128x4xf32>
    %dot_general3A_137 = arith.constant dense<0.000000e+00> : vector<128x4xf32>
    %dot_general3A_138 = tpu.matmul %convert_element_type3A_134, %reshape3A, %dot_general3A_137 {dimension_numbers = #tpu.dot_dimension_numbers<[1], [1], [0], [0], [0, 0, 1, 0], [], []>, precision = #tpu.contract_precision<fp32>, transpose_lhs_hint = false} : vector<128x64xf32>, vector<4x64xf32>, vector<128x4xf32> -> vector<128x4xf32>
    %iota3A_139 = tpu.iota {dimensions = array<i32: 0>} : vector<4x16xi32>
    %iota3A_140 = tpu.iota {dimensions = array<i32: 1>} : vector<4x16xi32>
    %jit3A_141 = arith.constant 4 : i32
    %eq3A_142 = arith.constant 0 : i32
    %eq3A_143 = arith.cmpi eq, %jit3A_141, %eq3A_142 : i32
    %jit3A_144 = arith.constant 1 : i32
    %select_n3A_145 = arith.select %eq3A_143, %jit3A_144, %jit3A_141 : i32
    %rem3A_146 = vector.broadcast %select_n3A_145 : i32 to vector<4x16xi32>
    %rem3A_147 = arith.remsi %iota3A_140, %rem3A_146 : vector<4x16xi32>
    %ne3A_148 = arith.constant 0 : i32
    %ne3A_149 = vector.broadcast %ne3A_148 : i32 to vector<4x16xi32>
    %ne3A_150 = arith.cmpi ne, %rem3A_147, %ne3A_149 : vector<4x16xi32>
    %lt3A = arith.constant 0 : i32
    %lt3A_151 = vector.broadcast %lt3A : i32 to vector<4x16xi32>
    %lt3A_152 = arith.cmpi slt, %rem3A_147, %lt3A_151 : vector<4x16xi32>
    %lt3A_153 = arith.constant 0 : i32
    %lt3A_154 = arith.cmpi slt, %select_n3A_145, %lt3A_153 : i32
    %ne3A_155 = vector.broadcast %lt3A_154 : i1 to vector<4x16xi1>
    %ne3A_156 = vector.broadcast %ne3A_155 : vector<4x16xi1> to vector<4x16xi1>
    %ne3A_157 = arith.xori %lt3A_152, %ne3A_156 : vector<4x16xi1>
    %and3A_158 = arith.andi %ne3A_157, %ne3A_150 : vector<4x16xi1>
    %add3A_159 = vector.broadcast %select_n3A_145 : i32 to vector<4x16xi32>
    %add3A_160 = arith.addi %rem3A_147, %add3A_159 : vector<4x16xi32>
    %select_n3A_161 = arith.select %and3A_158, %add3A_160, %rem3A_147 : vector<4x16xi1>, vector<4x16xi32>
    %eq3A_162 = arith.cmpi eq, %iota3A_139, %select_n3A_161 : vector<4x16xi32>
    %iota3A_163 = tpu.iota {dimensions = array<i32: 0>} : vector<128x16xi32>
    %jit3A_164 = arith.constant 4 : i32
    %eq3A_165 = arith.constant 0 : i32
    %eq3A_166 = arith.cmpi eq, %jit3A_164, %eq3A_165 : i32
    %jit3A_167 = arith.constant 1 : i32
    %select_n3A_168 = arith.select %eq3A_166, %jit3A_167, %jit3A_164 : i32
    %rem3A_169 = vector.broadcast %select_n3A_168 : i32 to vector<128x16xi32>
    %rem3A_170 = arith.remsi %iota3A_163, %rem3A_169 : vector<128x16xi32>
    %ne3A_171 = arith.constant 0 : i32
    %ne3A_172 = vector.broadcast %ne3A_171 : i32 to vector<128x16xi32>
    %ne3A_173 = arith.cmpi ne, %rem3A_170, %ne3A_172 : vector<128x16xi32>
    %lt3A_174 = arith.constant 0 : i32
    %lt3A_175 = vector.broadcast %lt3A_174 : i32 to vector<128x16xi32>
    %lt3A_176 = arith.cmpi slt, %rem3A_170, %lt3A_175 : vector<128x16xi32>
    %lt3A_177 = arith.constant 0 : i32
    %lt3A_178 = arith.cmpi slt, %select_n3A_168, %lt3A_177 : i32
    %ne3A_179 = vector.broadcast %lt3A_178 : i1 to vector<128x16xi1>
    %ne3A_180 = vector.broadcast %ne3A_179 : vector<128x16xi1> to vector<128x16xi1>
    %ne3A_181 = arith.xori %lt3A_176, %ne3A_180 : vector<128x16xi1>
    %and3A_182 = arith.andi %ne3A_181, %ne3A_173 : vector<128x16xi1>
    %add3A_183 = vector.broadcast %select_n3A_168 : i32 to vector<128x16xi32>
    %add3A_184 = arith.addi %rem3A_170, %add3A_183 : vector<128x16xi32>
    %select_n3A_185 = arith.select %and3A_182, %add3A_184, %rem3A_170 : vector<128x16xi1>, vector<128x16xi32>
    %iota3A_186 = tpu.iota {dimensions = array<i32: 1>} : vector<128x16xi32>
    %jit3A_187 = arith.constant 4 : i32
    %eq3A_188 = arith.constant 0 : i32
    %eq3A_189 = arith.cmpi eq, %jit3A_187, %eq3A_188 : i32
    %jit3A_190 = arith.constant 1 : i32
    %select_n3A_191 = arith.select %eq3A_189, %jit3A_190, %jit3A_187 : i32
    %rem3A_192 = vector.broadcast %select_n3A_191 : i32 to vector<128x16xi32>
    %rem3A_193 = arith.remsi %iota3A_186, %rem3A_192 : vector<128x16xi32>
    %ne3A_194 = arith.constant 0 : i32
    %ne3A_195 = vector.broadcast %ne3A_194 : i32 to vector<128x16xi32>
    %ne3A_196 = arith.cmpi ne, %rem3A_193, %ne3A_195 : vector<128x16xi32>
    %lt3A_197 = arith.constant 0 : i32
    %lt3A_198 = vector.broadcast %lt3A_197 : i32 to vector<128x16xi32>
    %lt3A_199 = arith.cmpi slt, %rem3A_193, %lt3A_198 : vector<128x16xi32>
    %lt3A_200 = arith.constant 0 : i32
    %lt3A_201 = arith.cmpi slt, %select_n3A_191, %lt3A_200 : i32
    %ne3A_202 = vector.broadcast %lt3A_201 : i1 to vector<128x16xi1>
    %ne3A_203 = vector.broadcast %ne3A_202 : vector<128x16xi1> to vector<128x16xi1>
    %ne3A_204 = arith.xori %lt3A_199, %ne3A_203 : vector<128x16xi1>
    %and3A_205 = arith.andi %ne3A_204, %ne3A_196 : vector<128x16xi1>
    %add3A_206 = vector.broadcast %select_n3A_191 : i32 to vector<128x16xi32>
    %add3A_207 = arith.addi %rem3A_193, %add3A_206 : vector<128x16xi32>
    %select_n3A_208 = arith.select %and3A_205, %add3A_207, %rem3A_193 : vector<128x16xi1>, vector<128x16xi32>
    %eq3A_209 = arith.cmpi eq, %select_n3A_185, %select_n3A_208 : vector<128x16xi32>
    %convert_element_type3A_210 = arith.extui %eq3A_209 : vector<128x16xi1> to vector<128x16xi32>
    %convert_element_type3A_211 = arith.sitofp %convert_element_type3A_210 : vector<128x16xi32> to vector<128x16xf32>
    %convert_element_type3A_212 = arith.extui %eq3A_162 : vector<4x16xi1> to vector<4x16xi32>
    %convert_element_type3A_213 = arith.sitofp %convert_element_type3A_212 : vector<4x16xi32> to vector<4x16xf32>
    %dot_general3A_214 = arith.constant dense<0.000000e+00> : vector<128x16xf32>
    %dot_general3A_215 = tpu.matmul %dot_general3A_136, %convert_element_type3A_213, %dot_general3A_214 {dimension_numbers = #tpu.dot_dimension_numbers<[1], [0], [0], [1], [0, 0, 1, 1], [], []>, precision = #tpu.contract_precision<fp32>, transpose_lhs_hint = false} : vector<128x4xf32>, vector<4x16xf32>, vector<128x16xf32> -> vector<128x16xf32>
    %mul3A_216 = arith.mulf %dot_general3A_215, %convert_element_type3A_211 : vector<128x16xf32>
    %convert_element_type3A_217 = arith.extui %eq3A_162 : vector<4x16xi1> to vector<4x16xi32>
    %convert_element_type3A_218 = arith.sitofp %convert_element_type3A_217 : vector<4x16xi32> to vector<4x16xf32>
    %dot_general3A_219 = arith.constant dense<0.000000e+00> : vector<128x16xf32>
    %dot_general3A_220 = tpu.matmul %dot_general3A_138, %convert_element_type3A_218, %dot_general3A_219 {dimension_numbers = #tpu.dot_dimension_numbers<[1], [0], [0], [1], [0, 0, 1, 1], [], []>, precision = #tpu.contract_precision<fp32>, transpose_lhs_hint = false} : vector<128x4xf32>, vector<4x16xf32>, vector<128x16xf32> -> vector<128x16xf32>
    %mul3A_221 = arith.mulf %dot_general3A_220, %convert_element_type3A_211 : vector<128x16xf32>
    %dot_general3A_222 = arith.constant dense<0.000000e+00> : vector<10000x16xf32>
    %dot_general3A_223 = tpu.matmul %dot_general3A_63, %mul3A_216, %dot_general3A_222 {dimension_numbers = #tpu.dot_dimension_numbers<[1], [0], [0], [1], [0, 0, 1, 1], [], []>, transpose_lhs_hint = false} : vector<10000x128xf32>, vector<128x16xf32>, vector<10000x16xf32> -> vector<10000x16xf32>
    %dot_general3A_224 = arith.constant dense<0.000000e+00> : vector<10000x16xf32>
    %dot_general3A_225 = tpu.matmul %dot_general3A_63, %mul3A_221, %dot_general3A_224 {dimension_numbers = #tpu.dot_dimension_numbers<[1], [0], [0], [1], [0, 0, 1, 1], [], []>, transpose_lhs_hint = false} : vector<10000x128xf32>, vector<128x16xf32>, vector<10000x16xf32> -> vector<10000x16xf32>
    %swap3A_226 = arith.constant 0 : index
    %swap3A_227 = arith.constant 0 : index
    %swap3A_228 = vector.load %arg4[%swap3A_226, %swap3A_227] : memref<10000x16xf32, #tpu.memory_space<vmem>>, vector<10000x16xf32>
    tpu.vector_store %arg4[%swap3A_226, %swap3A_227], %dot_general3A_223 {strides = array<i32>} : memref<10000x16xf32, #tpu.memory_space<vmem>>, vector<10000x16xf32>,
    %swap3A_229 = arith.constant 0 : index
    %swap3A_230 = arith.constant 0 : index
    %swap3A_231 = vector.load %arg5[%swap3A_229, %swap3A_230] : memref<10000x16xf32, #tpu.memory_space<vmem>>, vector<10000x16xf32>
    tpu.vector_store %arg5[%swap3A_229, %swap3A_230], %dot_general3A_225 {strides = array<i32>} : memref<10000x16xf32, #tpu.memory_space<vmem>>, vector<10000x16xf32>,
    %reduce_max3A = arith.constant dense<0xFF800000> : vector<16xf32>
    %reduce_max3A_232 = vector.multi_reduction <maximumf>, %dot_general3A_223, %reduce_max3A [0] : vector<10000x16xf32> to vector<16xf32>
    %reduce_max3A_233 = arith.constant dense<0xFF800000> : vector<16xf32>
    %reduce_max3A_234 = vector.multi_reduction <maximumf>, %dot_general3A_225, %reduce_max3A_233 [0] : vector<10000x16xf32> to vector<16xf32>
    %add3A_235 = arith.addf %reduce_max3A_232, %reduce_max3A_234 : vector<16xf32>
    %gt3A = arith.constant 0.000000e+00 : f32
    %gt3A_236 = vector.broadcast %gt3A : f32 to vector<16xf32>
    %gt3A_237 = arith.cmpf ogt, %add3A_235, %gt3A_236 : vector<16xf32>
    %mul3A_238 = arith.constant 0.00999999977 : f32
    %mul3A_239 = vector.broadcast %mul3A_238 : f32 to vector<16xf32>
    %mul3A_240 = arith.mulf %mul3A_239, %add3A_235 : vector<16xf32>
    %select_n3A_241 = arith.select %gt3A_237, %add3A_235, %mul3A_240 : vector<16xi1>, vector<16xf32>
    %broadcast_in_dim3A = vector.shape_cast %select_n3A_241 : vector<16xf32> to vector<1x16xf32>
    %broadcast_in_dim3A_242 = vector.shape_cast %broadcast_in_dim3A : vector<1x16xf32> to vector<1x16xf32>
    %broadcast_in_dim3A_243 = vector.broadcast %broadcast_in_dim3A_242 : vector<1x16xf32> to vector<8x16xf32>
    %swap3A_244 = arith.constant 0 : index
    %swap3A_245 = arith.constant 0 : index
    %swap3A_246 = vector.load %arg6[%swap3A_244, %swap3A_245] : memref<8x16xf32, #tpu.memory_space<vmem>>, vector<8x16xf32>
    tpu.vector_store %arg6[%swap3A_244, %swap3A_245], %broadcast_in_dim3A_243 {strides = array<i32>} : memref<8x16xf32, #tpu.memory_space<vmem>>, vector<8x16xf32>,
    return
  }
}

module attributes {stable_mosaic.version = 14 : i64} {
  func.func @_tc_post_body(%arg0: memref<2x1250x1024xf32, #tpu.memory_space<vmem>>, %arg1: memref<2x1250x128xf32, #tpu.memory_space<vmem>>, %arg2: memref<128x1024xf32, #tpu.memory_space<vmem>>, %arg3: memref<128x128xf32, #tpu.memory_space<vmem>>, %arg4: memref<10000x128xf32, #tpu.memory_space<vmem>>) attributes {dimension_semantics = [], scalar_prefetch = 0 : i64, scratch_operands = 0 : i64, tpu.core_type = #tpu.core_type<tc>} {
    %get3A = arith.constant 0 : index
    %get3A_0 = arith.constant 0 : index
    %get3A_1 = arith.constant 0 : index
    %get3A_2 = vector.load %arg0[%get3A, %get3A_0, %get3A_1] : memref<2x1250x1024xf32, #tpu.memory_space<vmem>>, vector<1x1250x1024xf32>
    %get3A_3 = vector.shape_cast %get3A_2 : vector<1x1250x1024xf32> to vector<1250x1024xf32>
    %get3A_4 = arith.constant 1 : index
    %get3A_5 = arith.constant 0 : index
    %get3A_6 = arith.constant 0 : index
    %get3A_7 = vector.load %arg0[%get3A_4, %get3A_5, %get3A_6] : memref<2x1250x1024xf32, #tpu.memory_space<vmem>>, vector<1x1250x1024xf32>
    %get3A_8 = vector.shape_cast %get3A_7 : vector<1x1250x1024xf32> to vector<1250x1024xf32>
    %add3A = arith.addf %get3A_3, %get3A_8 : vector<1250x1024xf32>
    %get3A_9 = arith.constant 0 : index
    %get3A_10 = arith.constant 0 : index
    %get3A_11 = arith.constant 0 : index
    %get3A_12 = vector.load %arg1[%get3A_9, %get3A_10, %get3A_11] : memref<2x1250x128xf32, #tpu.memory_space<vmem>>, vector<1x1250x128xf32>
    %get3A_13 = vector.shape_cast %get3A_12 : vector<1x1250x128xf32> to vector<1250x128xf32>
    %get3A_14 = arith.constant 1 : index
    %get3A_15 = arith.constant 0 : index
    %get3A_16 = arith.constant 0 : index
    %get3A_17 = vector.load %arg1[%get3A_14, %get3A_15, %get3A_16] : memref<2x1250x128xf32, #tpu.memory_space<vmem>>, vector<1x1250x128xf32>
    %get3A_18 = vector.shape_cast %get3A_17 : vector<1x1250x128xf32> to vector<1250x128xf32>
    %add3A_19 = arith.addf %get3A_13, %get3A_18 : vector<1250x128xf32>
    %add3A_20 = arith.constant 1.000000e-16 : f32
    %add3A_21 = vector.broadcast %add3A_20 : f32 to vector<1250x128xf32>
    %add3A_22 = arith.addf %add3A_19, %add3A_21 : vector<1250x128xf32>
    %div3A = arith.constant 1.000000e+00 : f32
    %div3A_23 = vector.broadcast %div3A : f32 to vector<1250x128xf32>
    %div3A_24 = arith.divf %div3A_23, %add3A_22 : vector<1250x128xf32>
    %get3A_25 = arith.constant 0 : index
    %get3A_26 = arith.constant 0 : index
    %get3A_27 = vector.load %arg2[%get3A_25, %get3A_26] : memref<128x1024xf32, #tpu.memory_space<vmem>>, vector<128x1024xf32>
    %dot_general3A = arith.constant dense<0.000000e+00> : vector<1250x1024xf32>
    %dot_general3A_28 = tpu.matmul %div3A_24, %get3A_27, %dot_general3A {dimension_numbers = #tpu.dot_dimension_numbers<[1], [0], [0], [1], [0, 0, 1, 1], [], []>, precision = #tpu.contract_precision<fp32>, transpose_lhs_hint = false} : vector<1250x128xf32>, vector<128x1024xf32>, vector<1250x1024xf32> -> vector<1250x1024xf32>
    %mul3A = arith.mulf %add3A, %dot_general3A_28 : vector<1250x1024xf32>
    %reshape3A = vector.shape_cast %mul3A : vector<1250x1024xf32> to vector<10000x128xf32>
    %get3A_29 = arith.constant 0 : index
    %get3A_30 = arith.constant 0 : index
    %get3A_31 = vector.load %arg3[%get3A_29, %get3A_30] : memref<128x128xf32, #tpu.memory_space<vmem>>, vector<128x128xf32>
    %dot_general3A_32 = arith.constant dense<0.000000e+00> : vector<10000x128xf32>
    %dot_general3A_33 = tpu.matmul %reshape3A, %get3A_31, %dot_general3A_32 {dimension_numbers = #tpu.dot_dimension_numbers<[1], [0], [0], [1], [0, 0, 1, 1], [], []>, precision = #tpu.contract_precision<fp32>, transpose_lhs_hint = false} : vector<10000x128xf32>, vector<128x128xf32>, vector<10000x128xf32> -> vector<10000x128xf32>
    %swap3A = arith.constant 0 : index
    %swap3A_34 = arith.constant 0 : index
    %swap3A_35 = vector.load %arg4[%swap3A, %swap3A_34] : memref<10000x128xf32, #tpu.memory_space<vmem>>, vector<10000x128xf32>
    tpu.vector_store %arg4[%swap3A, %swap3A_34], %dot_general3A_33 {strides = array<i32>} : memref<10000x128xf32, #tpu.memory_space<vmem>>, vector<10000x128xf32>,
    return
  }
}

</mosaic_0001>

<sc_bundles>
// kernel: kernel.5.cloned.1.call-start
scs
__scs_entry_jumppad:
0x0: {  	(pc) =	sbr.rel $0x88, $3  }
0x1: {  	(tag) =	ssettag $0x0;
	lr =	simm.s32 $0x1  }
0x2: {  	[smem:$0x3F9D] =	sst lr;
	_ =	strace $0xD0000000  }
0x3: {  	_ = 	snop  }
0x4: {  	_ = 	snop  }
0x5: {  	_ = 	snop  }
0x6: {  	_ = 	snop  }
0x7: {  	_ = 	snop  }
__scs_overlays_trampoline_lowered:
0x8: {  	[smem:$0x3FAC] =	sst s0  }
0x9: {  	[smem:$0x3FAD] =	sst s1  }
0xa: {  	[smem:$0x3FAE] =	sst s2  }
0xb: {  	[smem:$0x3FAF] =	sst s3  }
0xc: {  	[smem:$0x3FB0] =	sst s4  }
0xd: {  	[smem:$0x3FB1] =	sst s5  }
0xe: {  	[smem:$0x3FB2] =	sst s6  }
0xf: {  	[smem:$0x3FB3] =	sst s7  }
0x10: {  	[smem:$0x3FB4] =	sst s8  }
0x11: {  	[smem:$0x3FB5] =	sst s9;
	s0 =	simm.s32 @!p0 $0x0  }
0x12: {  	s1 =	sld [smem:$0x3F9B];
	s0 =	simm.s32 @p0 $0x1  }
0x13: {  	[smem:$0x3FB6] =	sst s0;
	s0 =	simm.s32 @!p1 $0x0  }
0x14: {  	s2 =	sld [smem:$0x3F9A];
	s0 =	simm.s32 @p1 $0x1  }
0x15: {  	[smem:$0x3FB7] =	sst s0;
	s0 =	simm.s32 @!p2 $0x0  }
0x16: {  	s3 =	sld [smem:$0x3FDB];
	s0 =	simm.s32 @p2 $0x1  }
0x17: {  	s4 =	simm.s32 $0x1BF5;
	[smem:$0x3FB9] =	sst s0  }
0x18: {  	s0 =	sld [smem:$0x3F9C];
	_ =	swait.ge [sflag:s4], $0x0  }
0x19: {  	s7 =	sld [smem:$0x3F9D]  }
0x1a: {  	s8 =	sadd.s32 $0xFFFFE003, lr  }
0x1b: {  	s9 =	sadd.s32 $0xFFFFFEF7, lr;
	s5 =	simm.s32 $0xFFFFFFFF;
	p2 =	slt.u32 s8, $0xFFFFF086  }
0x1c: {  	p1 =	slt.u32 s9, $0xF7A;
	s5 =	simm.s32 @!p2 $0x0  }
0x1d: {  	s5 =	simm.s32 @p1 $0x1;
	p0 =	seq.s32 s7, s2  }
0x1e: {  	s7 =	smul.u32 @!p0 $0xF7A, s2;
	p2 =	seq.s32 @!p0 s5, $0x0  }
0x1f: {  	s9 =	smul.u32 $0xF7A, s1;
	s8 =	simm.s32 @!p0 $0x1BF5;
	p2 =	por !p2, p0  }
0x20: {  	[sflag:s8] =	ssyncset.s32 @!p0 $0xFFFFF086;
	s6 =	sadd.s32 @!p0 s3, s7;
	s7 =	simm.s32 @!p0 $0x108  }
0x21: {  	s3 =	sadd.s32 s3, s9;
	s6 =	sadd.s32 @!p0 $0x88, s6;
	s7 =	simm.s32 @p2 $0x1082  }
0x22: {  	[simem:s7], [sflag:s8] =	dma.local @!p0 [hbm:s6], $0xF7A  }
0x23: {  	s9 =	sor.u32 $0xD0000000, s2;
	s6 =	simm.s32 $0x108;
	_ =	swait.ge @!p0 [sflag:s8], $0x0  }
0x24: {  	s3 =	sadd.s32 $0x88, s3;
	s6 =	simm.s32 @!p1 $0x1082;
	[sflag:s4] =	ssyncset.s32 $0xFFFFF086  }
0x25: {  	[simem:s6], [sflag:s4] =	dma.local [hbm:s3], $0xF7A  }
0x26: {  	[smem:$0x3F9D] =	sst s1;
	(tag) =	ssettag s2;
	_ =	strace s9  }
0x27: {  	s1 =	sld [smem:$0x3FAD]  }
0x28: {  	s2 =	sld [smem:$0x3FAE]  }
0x29: {  	s4 =	sld [smem:$0x3FB0]  }
0x2a: {  	p0 =	seq.s32 s5, $0x0;
	s5 =	sld [smem:$0x3FB1]  }
0x2b: {  	s6 =	sld [smem:$0x3FB2]  }
0x2c: {  	s7 =	sld [smem:$0x3FB3]  }
0x2d: {  	s3 =	simm.s32 $0x108;
	s8 =	sld [smem:$0x3FB4]  }
0x2e: {  	s3 =	simm.s32 @!p0 $0x1082;
	s9 =	sld [smem:$0x3FB5]  }
0x2f: {  	lr =	sadd.s32 s0, s3;
	s0 =	sld [smem:$0x3FAC]  }
0x30: {  	s3 =	sld [smem:$0x3FAF]  }
0x31: {  	[smem:$0x3FB8] =	sst s10  }
0x32: {  	s10 =	sld [smem:$0x3FB6];
	_ =	sdelay $0x3  }
0x33: {  	p0 =	seq.s32 s10, $0x1;
	s10 =	sld [smem:$0x3FB8];
	_ =	sdelay $0x3  }
0x34: {  	[smem:$0x3FB8] =	sst s10  }
0x35: {  	s10 =	sld [smem:$0x3FB7];
	_ =	sdelay $0x3  }
0x36: {  	p1 =	seq.s32 s10, $0x1;
	s10 =	sld [smem:$0x3FB8];
	_ =	sdelay $0x3  }
0x37: {  	[smem:$0x3FB8] =	sst s10  }
0x38: {  	s10 =	sld [smem:$0x3FB9]  }
0x39: {  	_ = 	snop;
	(pc) =	sbr.ind lr, $3  }
0x3a: {  	_ = 	snop  }
0x3b: {  	_ = 	snop  }
0x3c: {  	p2 =	seq.s32 s10, $0x1;
	s10 =	sld [smem:$0x3FB8]  }
0x3d: {  	_ =	shalt  }
0x3e: {  	_ =	shalt  }
0x3f: {  	_ =	shalt  }
0x40: {  	_ =	shalt  }
0x41: {  	_ =	shalt  }
0x42: {  	_ =	shalt  }
0x43: {  	_ =	shalt  }
0x44: {  	_ =	shalt  }
0x45: {  	_ =	shalt  }
0x46: {  	_ =	shalt  }
0x47: {  	_ =	shalt  }
0x48: {  	_ =	shalt  }
0x49: {  	_ =	shalt  }
0x4a: {  	_ =	shalt  }
0x4b: {  	_ =	shalt  }
0x4c: {  	_ =	shalt  }
0x4d: {  	_ =	shalt  }
0x4e: {  	_ =	shalt  }
0x4f: {  	_ =	shalt  }
0x50: {  	_ =	shalt  }
0x51: {  	_ =	shalt  }
0x52: {  	_ =	shalt  }
0x53: {  	_ =	shalt  }
0x54: {  	_ =	shalt  }
0x55: {  	_ =	shalt  }
0x56: {  	_ =	shalt  }
0x57: {  	_ =	shalt  }
0x58: {  	_ =	shalt  }
0x59: {  	_ =	shalt  }
0x5a: {  	_ =	shalt  }
0x5b: {  	_ =	shalt  }
0x5c: {  	_ =	shalt  }
0x5d: {  	_ =	shalt  }
0x5e: {  	_ =	shalt  }
0x5f: {  	_ =	shalt  }
0x60: {  	_ =	shalt  }
0x61: {  	_ =	shalt  }
0x62: {  	_ =	shalt  }
0x63: {  	_ =	shalt  }
0x64: {  	_ =	shalt  }
0x65: {  	_ =	shalt  }
0x66: {  	_ =	shalt  }
0x67: {  	_ =	shalt  }
0x68: {  	_ =	shalt  }
0x69: {  	_ =	shalt  }
0x6a: {  	_ =	shalt  }
0x6b: {  	_ =	shalt  }
0x6c: {  	_ =	shalt  }
0x6d: {  	_ =	shalt  }
0x6e: {  	_ =	shalt  }
0x6f: {  	_ =	shalt  }
0x70: {  	_ =	shalt  }
0x71: {  	_ =	shalt  }
0x72: {  	_ =	shalt  }
0x73: {  	_ =	shalt  }
0x74: {  	_ =	shalt  }
0x75: {  	_ =	shalt  }
0x76: {  	_ =	shalt  }
0x77: {  	_ =	shalt  }
0x78: {  	_ =	shalt  }
0x79: {  	_ =	shalt  }
0x7a: {  	_ =	shalt  }
0x7b: {  	_ =	shalt  }
0x7c: {  	_ =	shalt  }
0x7d: {  	_ =	shalt  }
0x7e: {  	_ =	shalt  }
0x7f: {  	_ =	shalt  }
0x80: {  	_ =	shalt  }
0x81: {  	_ =	shalt  }
0x82: {  	_ =	shalt  }
0x83: {  	_ =	shalt  }
0x84: {  	_ =	shalt  }
0x85: {  	_ =	shalt  }
0x86: {  	_ =	shalt  }
0x87: {  	_ =	shalt  }
.Lfunc_end0:
.L_simem_size_0:
called_computation_lowered:
.L_overlay_start_0:
0x88: {  	s2 =	sld [smem:$0x3FD9]  }
0x89: {  	s3 =	sld [smem:$0x3FFE];
	_ =	sdelay $0x1  }
0x8a: {  	s1 =	srdreg.scid  }
0x8b: {  	s0 =	sand.u32 $0x1, s1  }
0x8c: {  	s17 =	sshll.u32 s0, $0xA;
	s2 =	sadd.s32 s3, s2  }
0x8d: {  	s2 =	sadd.s32 s2, s17  }
0x8e: {  	[smem:$0x3FC4] =	sst s2  }
0x8f: {  	_ = 	snop  }
0x90: {  	s2 =	sld [smem:$0x3FD0];
	(tm) =	ssettm $0x1  }
0x91: {  	s18 =	sld [smem:$0x3FFB];
	_ =	sdelay $0x3  }
0x92: {  	_ =	strace s18  }
0x93: {  	s3 =	sld [smem:$0x3FFC];
	_ =	sdelay $0x3  }
0x94: {  	_ =	strace s3  }
0x95: {  	s3 =	sld [smem:$0x3FFD];
	_ =	sdelay $0x3  }
0x96: {  	_ =	strace s3  }
0x97: {  	_ =	strace $0x8FFFFFFF  }
0x98: {  	s19 =	sld [smem:$0x3FDB];
	_ =	sdelay $0x1  }
0x99: {  	s4 =	simm.s32 $_scs_section_size  }
0x9a: {  	s5 =	simm.s32 $_size__tile_overlayer_lowered;
	s6 =	simm.s32 $_tile_overlayer_lowered  }
0x9b: {  	s22 =	simm.s32 $0x1BFF;
	s21 =	sshll.u32 s6, $0x1;
	s3 =	sadd.s32 s4, s19  }
0x9c: {  	s7 =	simm.s32 $0x0;
	s20 =	sshll.u32 s5, $0x1;
	s5 =	sadd.s32 s21, s3  }
0x9d: {  	[timem:s7], [sflag:s22] =	dma.local [hbm:s5], s20  }
0x9e: {  	_ =	swait.ge [sflag:s22], s20  }
0x9f: {  	s4 =	ssub.s32 $0x0, s20;
	[sflag:s22] =	ssyncset.done $0x0  }
0xa0: {  	[sflag:s22] =	ssyncadd.s32 s4;
	_ =	sdelay $0x1  }
0xa1: {  	s23 =	simm.s32 $0x1B8B  }
0xa2: {  	_ =	swait.ge [sflag:s23], $0x1  }
0xa3: {  	[sflag:s23] =	ssyncset.done $0x0  }
0xa4: {  	s25 =	simm.s32 $0x1B8E;
	s24 =	sld [smem:$0x3FFE];
	[sflag:s23] =	ssyncadd.s32 $0xFFFFFFFF  }
0xa5: {  	s26 =	simm.s32 $execute0_lowered;
	[smem:$0x3FD2] =	sst s25  }
0xa6: {  	s5 =	sshll.u32 s26, $0x1;
	_ =	strace $0x80000046;
	[dreg:$0x1] =	wrdreg $0xFFFFFFFF  }
0xa7: {  	s28 =	simm.s32 $_size_execute0_lowered;
	s3 =	sadd.s32 s3, s5;
	[dreg:$0x0] =	wrdreg $0x0  }
0xa8: {  	s5 =	sshll.u32 s28, $0x1;
	[dreg:$0x2] =	wrdreg s3  }
0xa9: {  	[dreg:$0x3] =	wrdreg s5  }
0xaa: {  	[dreg:$0x4] =	wrdreg $0xC0  }
0xab: {  	_ =	task [dreg:s7], $0x5FFFF  }
0xac: {  	[dreg:$0x1] =	wrdreg $0xFFFFFFFF  }
0xad: {  	[dreg:$0x0] =	wrdreg $0x60  }
0xae: {  	[dreg:$0x2] =	wrdreg s2  }
0xaf: {  	[dreg:$0x3] =	wrdreg s24  }
0xb0: {  	[dreg:$0x4] =	wrdreg $0x0  }
0xb1: {  	[dreg:$0x5] =	wrdreg $0x138800  }
0xb2: {  	[dreg:$0x6] =	wrdreg $0x9  }
0xb3: {  	_ =	task.clear_ibuf [dreg:s7], $0x7FFFF;
	_ =	strace $0x90000046  }
0xb4: {  	s29 =	simm.s32 $0x9;
	_ =	strace $0x80000048  }
0xb5: {  	_ =	swait.ge [sflag:s29], $0x1  }
0xb6: {  	[sflag:s29] =	ssyncadd.s32 $0xFFFFFFFF  }
0xb7: {  	_ =	strace $0x90000048  }
0xb8: {  	_ =	sfence  }
0xb9: {  	s30 =	sld [smem:$0x0];
	_ =	sdelay $0x2  }
0xba: {  	s31 =	sshll.u32 s1, $0xD;
	s1 =	sshrl.u32 s1, $0x2  }
0xbb: {  	s3 =	sand.u32 $0x4000, s31;
	s1 =	sadd.s32 s1, s30  }
0xbc: {  	s0 =	sor.u32 s3, s0;
	s1 =	sshll.u32 s1, $0x11  }
0xbd: {  	s0 =	sor.u32 s1, s0  }
0xbe: {  	s0 =	sadd.s32 $0x8F2B, s0  }
0xbf: {  	[sflag:s0] =	ssyncadd.remote.s32 $0x1  }
0xc0: {  	_ =	sfence.sel $0xFFFF  }
0xc1: {  	[dreg:$0x0] =	wrdreg $0xFFFFFFFF;
	(pc) =	sbr.abs _section_cstart, $3  }
0xc2: {  	[dreg:$0x1] =	wrdreg $0xFFFFFFFF  }
0xc3: {  	_ =	task.clear_ibuf [dreg:s7], $0x2FFFF;
	_ =	strace $0x9FFFFFFF  }
0xc4: {  	(tm) =	ssettm $0x7FFFFFFF  }
0xc5: {  	_ =	shalt  }
tec
execute0_lowered:
.L_overlay_start_1:
0x0: {  	(tag) =	ssettag $0x1  }
0x1: {  	s0 =	rddreg [dreg:$0x1]  }
0x2: {  	s13 =	rddreg [dreg:$0x2]  }
0x3: {  	s3 =	rddreg [dreg:$0x3];
	s20 =	simm.s32 $0x0  }
0x4: {  	s1 =	srdreg.scid;
	s14 =	stileid.u32;
	s24 =	simm.s32 $0x5  }
0x5: {  	s29 =	simm.s32 $0x17F70;
	s30 =	simm.s32 $0x16170;
	s31 =	simm.s32 $0x10  }
0x6: {  	s28 =	simm.s32 $0x16120;
	[smem:$0x7FF] =	sst s20;
	s6 =	sadd.s32 $0x6200, s0  }
0x7: {  	s7 =	sadd.s32 $0x1200, s0;
	s2 =	sadd.s32 $0xB200, s0;
	s12 =	smul.u32 $0x14000, s14  }
0x8: {  	s1 =	sand.u32 $0x1, s1;
	s25 =	sshll.u32 s14, $0x1;
	s16 =	smul.u32 $0x2800, s14  }
0x9: {  	s9 =	sadd.s32 $0xB400, s0;
	s5 =	sadd.s32 $0x1EE00, s0;
	s21 =	smul.u32 $0xA000, s14  }
0xa: {  	s0 =	sadd.s32 $0x6D000, s0;
	p0 =	seq.s32 s14, $0xF;
	s22 =	smul.u32 $0x50000, s14  }
0xb: {  	s14 =	simm.s32 $0xB;
	_ =	strace $0x80000047;
	[dreg:$0x6] =	wrdreg s2  }
0xc: {  	s4 =	ssub.s32 $0x2, s1;
	s2 =	sor.u32 s1, s25;
	s11 =	smul.u32 $0x138800, s1  }
0xd: {  	s24 =	simm.s32 @!p0 $0x8;
	s1 =	smul.u32 $0x27100, s1;
	s8 =	sshrl.u32 s4, $0x1  }
0xe: {  	s10 =	smul.u32 $0xA, s2;
	s15 =	sor.u32 $0x40, s2;
	[dreg:$0x7] =	wrdreg s24  }
0xf: {  	s26 =	smul.u32 $0x50, s2;
	s17 =	sor.u32 $0x60, s2;
	[dreg:$0xa] =	wrdreg s15  }
0x10: {  	s2 =	sor.u32 $0x80, s2;
	s25 =	sshrl.u32 s21, $0x2;
	[dreg:$0xb] =	wrdreg s17  }
0x11: {  	s21 =	simm.s32 $0x4;
	s4 =	ssub.s32 s4, s8;
	[dreg:$0xc] =	wrdreg s2  }
0x12: {  	s19 =	sadd.s32 s16, s1;
	s1 =	sshrl.u32 s1, $0x3;
	s17 =	simm.s32 $0x1  }
0x13: {  	s15 =	simm.s32 $0x8;
	s8 =	sshrl.u32 s26, $0x3;
	s10 =	sadd.s32 s9, s10  }
0x14: {  	s2 =	sshrl.u32 s19, $0x3;
	s23 =	smax.u32 s4, $0x1;
	s26 =	sshrl.u32 s22, $0x2  }
0x15: {  	s22 =	simm.s32 $0xA;
	s19 =	simm.s32 $0xE;
	[dreg:$0x8] =	wrdreg s10  }
0x16: {  	s8 =	sadd.s32 s9, s8;
	s10 =	sadd.s32 s12, s11;
	s11 =	sshrl.u32 s11, $0x3  }
0x17: {  	s2 =	sadd.s32 s0, s2;
	s0 =	sadd.s32 s0, s1;
	[dreg:$0x11] =	wrdreg s23  }
0x18: {  	s1 =	sadd.s32 $0x25800, s3;
	s23 =	simm.s32 $0x2;
	s8 =	sadd.s32 $0x140, s8  }
0x19: {  	[dreg:$0xe] =	wrdreg s2;
	s2 =	sadd.s32 s16, s3;
	s0 =	sadd.s32 $0x4B00, s0  }
0x1a: {  	s16 =	simm.s32 $0x16030;
	[dreg:$0x9] =	wrdreg s8;
	s8 =	sshrl.u32 s10, $0x3  }
0x1b: {  	s10 =	sadd.s32 $0x12C000, s13;
	[dreg:$0x10] =	wrdreg s0;
	s0 =	sadd.s32 s25, s3  }
0x1c: {  	s3 =	simm.s32 $0x160D0;
	s25 =	simm.s32 $0x1A770;
	s18 =	sadd.s32 s5, s8  }
0x1d: {  	s8 =	sadd.s32 s12, s13;
	s5 =	sadd.s32 s5, s11;
	[dreg:$0x12] =	wrdreg s0  }
0x1e: {  	s0 =	sadd.s32 s26, s13;
	s12 =	simm.s32 $0x15F90;
	[dreg:$0xd] =	wrdreg s18  }
0x1f: {  	s26 =	simm.s32 $0x16080;
	s5 =	sadd.s32 $0x25800, s5;
	[dreg:$0x13] =	wrdreg s0  }
0x20: {  	s11 =	simm.s32 $0x4E200;
	s0 =	sshrl.u32 @p0 s10, $0x3;
	[dreg:$0xf] =	wrdreg s5  }
0x21: {  	s18 =	simm.s32 $0x15FE0;
	[dreg:$0x14] =	wrdreg s0;
	s0 =	sshrl.u32 @p0 s1, $0x3  }
0x22: {  	s10 =	simm.s32 $0x7;
	[dreg:$0x15] =	wrdreg s0;
	s0 =	sshrl.u32 @!p0 s8, $0x3  }
0x23: {  	s5 =	simm.s32 $0x11;
	[dreg:$0x16] =	wrdreg s0;
	s0 =	sshrl.u32 @!p0 s2, $0x3  }
0x24: {  	v0 =	vimm.f32 $0.0e+00;
	s8 =	simm.s32 $0x50;
	[dreg:$0x17] =	wrdreg s0;
	s0 =	simm.s32 $0xD  }
.LBB2_1:
0x25: {  	s1 =	simm.s32 $0x17FB0  }
0x26: {  	[tilespmem:s1+$0xFFFFFFD0] =	vst v0  }
0x27: {  	[tilespmem:s1+$0xFFFFFFE0] =	vst v0  }
0x28: {  	[tilespmem:s1+$0xFFFFFFF0] =	vst v0  }
0x29: {  	[tilespmem:s1+$0x0] =	vst v0  }
0x2a: {  	[tilespmem:s1+$0x10] =	vst v0  }
0x2b: {  	[tilespmem:s1+$0x20] =	vst v0  }
0x2c: {  	[tilespmem:s1+$0x30] =	vst v0  }
0x2d: {  	s4 =	simm.s32 $0x0;
	s2 =	simm.s32 $0x40;
	[tilespmem:s1+$0xFFFFFFC0] =	vst v0  }
.LBB2_2:
0x2e: {  	p1 =	sne.s32 s2, $0x13C0;
	[tilespmem:s4+$0x16170] =	vst v0;
	s1 =	sadd.s32 $0x80, s1  }
0x2f: {  	[tilespmem:s1+$0xFFFFFFD0] =	vst v0  }
0x30: {  	[tilespmem:s1+$0xFFFFFFE0] =	vst v0  }
0x31: {  	[tilespmem:s1+$0xFFFFFFF0] =	vst v0  }
.Ltmp0:
0x32: {  	[tilespmem:s1+$0x0] =	vst v0;
	(pc) =	sbr.rel @p1 .LBB2_2-.Ltmp0, $4  }
0x33: {  	[tilespmem:s1+$0x10] =	vst v0  }
0x34: {  	[tilespmem:s1+$0x20] =	vst v0  }
0x35: {  	[tilespmem:s1+$0x30] =	vst v0  }
0x36: {  	s4 =	sshra.s32 s2, $0x2;
	s2 =	sadd.s32 $0x40, s2;
	[tilespmem:s1+$0xFFFFFFC0] =	vst v0  }
0x37: {  	p1 =	sne.s32 s24, $0x1  }
.Ltmp1:
0x38: {  	_ = 	snop;
	(pc) =	sbr.rel @!p1 .LBB2_5-.Ltmp1, $4  }
0x39: {  	[tilespmem:s4+$0x16170] =	vst v0;
	s2 =	rddreg [dreg:$0x13]  }
0x3a: {  	[spmem:s2] =	stream.linear.scatter [tilespmem:s29], [sflag:$0x10], $0x2800, $0x38;
	[tilespmem:$0x1F7F0] =	vst v63  }
0x3b: {  	s4 =	rddreg [dreg:$0x12];
	s1 =	sadd.s32 $0xFFFFFFFF, s24;
	s2 =	sadd.s32 $0x2800, s2  }
0x3c: {  	[spmem:s4] =	stream.linear.scatter [tilespmem:s30], [sflag:$0xD], $0x500, $0x38;
	[tilespmem:$0x1F7F0] =	vst v63  }
.LBB2_4:
0x3d: {  	[spmem:s2] =	stream.linear.scatter [tilespmem:s29], [sflag:$0x10], $0x2800, $0x38;
	[tilespmem:$0x1F7F0] =	vst v63  }
0x3e: {  	p2 =	sne.s32 s1, $0x1  }
.Ltmp2:
0x3f: {  	s1 =	sadd.s32 $0xFFFFFFFF, s1;
	(pc) =	sbr.rel @p2 .LBB2_4-.Ltmp2, $4  }
0x40: {  	s4 =	sadd.s32 $0x500, s4  }
0x41: {  	[spmem:s4] =	stream.linear.scatter [tilespmem:s30], [sflag:$0xD], $0x500, $0x38;
	[tilespmem:$0x1F7F0] =	vst v63  }
0x42: {  	_ = 	snop  }
0x43: {  	s2 =	sadd.s32 $0x2800, s2  }
.LBB2_5:
0x44: {  	[dreg:$0x5] =	wrdreg s20  }
.Ltmp3:
0x45: {  	_ =	swait.ge [sflag:s31], $0x2800;
	(pc) =	sbr.rel @!p1 .LBB2_7-.Ltmp3, $4  }
0x46: {  	[sflag:s31] =	ssyncset.done $0x0  }
0x47: {  	[sflag:s31] =	ssyncadd.s32 $0xFFFFD800  }
0x48: {  	_ =	swait.ge [sflag:s0], $0x500  }
0x49: {  	s1 =	sadd.s32 $0xFFFFFFFF, s24;
	[sflag:s0] =	ssyncset.done $0x0  }
.LBB2_6:
0x4a: {  	p1 =	sne.s32 s1, $0x1;
	s1 =	sadd.s32 $0xFFFFFFFF, s1;
	[sflag:s0] =	ssyncadd.s32 $0xFFFFFB00  }
.Ltmp4:
0x4b: {  	_ =	swait.ge [sflag:s31], $0x2800;
	(pc) =	sbr.rel @p1 .LBB2_6-.Ltmp4, $4  }
0x4c: {  	[sflag:s31] =	ssyncset.done $0x0  }
0x4d: {  	[sflag:s31] =	ssyncadd.s32 $0xFFFFD800  }
0x4e: {  	_ =	swait.ge [sflag:s0], $0x500  }
0x4f: {  	[sflag:s0] =	ssyncset.done $0x0  }
.LBB2_7:
0x50: {  	[sflag:s0] =	ssyncadd.s32 $0xFFFFFB00;
	s4 =	simm.s32 $0x0  }
0x51: {  	s1 =	rddreg [dreg:$0x6];
	s2 =	simm.s32 $0x1F770;
	s13 =	simm.s32 $0x13  }
0x52: {  	[tilespmem:s2], [sflag:$0x13] =	stream.linear.gather [hbm4b:s1+s4], $0x80, $0x38;
	[tilespmem:$0x1F7F0] =	vst v63  }
0x53: {  	_ =	swait.ge [sflag:s13], $0x80  }
0x54: {  	[sflag:s13] =	ssyncset.done $0x0  }
0x55: {  	[sflag:s13] =	ssyncadd.s32 $0xFFFFFF80  }
0x56: {  	[bflag:$0x0] =	sbarrier.arrive $0xFFFF  }
0x57: {  	s24 =	simm.s32 $0x4E200;
	s20 =	rddreg [dreg:$0x8]  }
0x58: {  	v1 =	vld [tilespmem:$0x1F770];
	[tilespmem:s12], [sflag:$0x1] =	stream.strided.gather [hbm4b:s20+s8], $0xA0, s24, s8, $0x38  }
0x59: {  	s13 =	rddreg [dreg:$0x9]  }
0x5a: {  	[tilespmem:s16], [sflag:$0x2] =	stream.strided.gather [hbm4b:s13+s8], $0xA0, s24, s8, $0x38;
	[tilespmem:$0x1F7F0] =	vst v63  }
0x5b: {  	_ =	swait.ge [sflag:s17], $0xA0  }
0x5c: {  	[sflag:s17] =	ssyncset.done $0x0  }
0x5d: {  	[sflag:s17] =	ssyncadd.s32 $0xFFFFFF60  }
0x5e: {  	s20 =	rddreg [dreg:$0x0]  }
0x5f: {  	[tilespmem:s29], [sflag:$0xA] =	stream.indirect.gather [hbm4b:s20+s8], $0x80, s12, s8, $0xb8;
	[tilespmem:$0x1F7F0] =	vst v63  }
0x60: {  	_ = 	snop  }
0x61: {  	[tilespmem:s30], [sflag:$0x4] =	stream.indirect.gather [hbm4b:s6+s8], $0x10, s12, s8, $0xb8;
	[tilespmem:$0x1F7F0] =	vst v63  }
0x62: {  	s24 =	simm.s32 $0x17070  }
0x63: {  	[tilespmem:s24], [sflag:$0x7] =	stream.indirect.gather [hbm4b:s7+s8], $0x10, s18, s8, $0xb8;
	[tilespmem:$0x1F7F0] =	vst v63  }
.LBB2_8:
0x64: {  	p1 =	seq.s32 s4, $0x0  }
0x65: {  	s1 =	simm.s32 @!p1 $0xF  }
0x66: {  	s13 =	smul.u32 $0x60, s4;
	_ =	swait.ge @!p1 [sflag:s1], $0x500  }
0x67: {  	[sflag:s1] =	ssyncset.done @!p1 $0x0;
	s2 =	rddreg [dreg:$0xa]  }
0x68: {  	[sflag:s1] =	ssyncadd.s32 @!p1 $0xFFFFFB00;
	s1 =	simm.s32 @!p1 $0x12;
	s2 =	sadd.s32 s2, s13  }
0x69: {  	_ =	swait.ge @!p1 [sflag:s1], $0x2800;
	s2 =	smul.u32 $0xA, s2  }
0x6a: {  	[sflag:s1] =	ssyncset.done @!p1 $0x0  }
0x6b: {  	[sflag:s1] =	ssyncadd.s32 @!p1 $0xFFFFD800;
	s20 =	sadd.s32 s9, s2  }
0x6c: {  	[tilespmem:s3], [sflag:$0x3] =	stream.strided.gather [hbm4b:s20+s8], $0xA0, s11, s8, $0x38;
	[tilespmem:$0x1F7F0] =	vst v63  }
0x6d: {  	_ =	swait.ge [sflag:s23], $0xA0  }
0x6e: {  	[sflag:s23] =	ssyncset.done $0x0  }
0x6f: {  	[sflag:s23] =	ssyncadd.s32 $0xFFFFFF60  }
0x70: {  	s24 =	rddreg [dreg:$0x0]  }
0x71: {  	[tilespmem:s25], [sflag:$0xB] =	stream.indirect.gather [hbm4b:s24+s8], $0x80, s16, s8, $0xb8;
	[tilespmem:$0x1F7F0] =	vst v63  }
0x72: {  	s2 =	simm.s32 $0x16670  }
0x73: {  	[tilespmem:s2], [sflag:$0x5] =	stream.indirect.gather [hbm4b:s6+s8], $0x10, s16, s8, $0xb8;
	[tilespmem:$0x1F7F0] =	vst v63  }
0x74: {  	s3 =	simm.s32 $0x17570  }
0x75: {  	[tilespmem:s3], [sflag:$0x8] =	stream.indirect.gather [hbm4b:s7+s8], $0x10, s26, s8, $0xb8;
	[tilespmem:$0x1F7F0] =	vst v63  }
0x76: {  	_ =	swait.ge [sflag:s22], $0x2800  }
0x77: {  	[sflag:s22] =	ssyncset.done $0x0  }
0x78: {  	[sflag:s22] =	ssyncadd.s32 $0xFFFFD800  }
0x79: {  	_ =	swait.ge [sflag:s21], $0x500  }
0x7a: {  	[sflag:s21] =	ssyncset.done $0x0  }
0x7b: {  	[sflag:s21] =	ssyncadd.s32 $0xFFFFFB00  }
0x7c: {  	_ =	swait.ge [sflag:s10], $0x500  }
0x7d: {  	[sflag:s10] =	ssyncset.done $0x0  }
0x7e: {  	s20 =	simm.s32 $0x161B0;
	[sflag:s10] =	ssyncadd.s32 $0xFFFFFB00  }
0x7f: {  	s25 =	simm.s32 $0x170B0;
	v2 =	vld [tilespmem:s20+$0x30]  }
0x80: {  	v3 =	vld [tilespmem:s25+$0x30];
	_ =	sdelay $0x4  }
0x81: {  	v2 =	vadd.f32 v3, v2  }
0x82: {  	v4 =	vld [tilespmem:s20+$0xFFFFFFD0]  }
0x83: {  	v6 =	vld [tilespmem:s25+$0xFFFFFFD0];
	v5 =	vmul.f32 $9.999999770e-03, v2  }
0x84: {  	vm0 =	vgt.f32 v2, $0.0e+00  }
0x85: {  	v2 =	vsel vm0, v2, v5  }
0x86: {  	v2 =	vsub.f32 v2, v1  }
0x87: {  	v7 =	vld [tilespmem:s20+$0xFFFFFFE0]  }
0x88: {  	v8 =	vld [tilespmem:s20+$0xFFFFFFF0];
	v4 =	vadd.f32 v6, v4;
	v2 =	vmul.f32 $1.442695020e+00, v2  }
0x89: {  	v9 =	vld [tilespmem:s25+$0xFFFFFFF0]  }
0x8a: {  	v5 =	vld [tilespmem:s25+$0xFFFFFFE0];
	(erf) = vpow2.f32 v2;
	v2 =	vmul.f32 $9.999999770e-03, v4  }
0x8b: {  	v10 =	vld [tilespmem:s20+$0xFFFFFFC0];
	vm13 =	vgt.f32 v4, $0.0e+00  }
0x8c: {  	v3 =	vld [tilespmem:s25+$0xFFFFFFC0];
	v2 =	vsel vm13, v4, v2  }
0x8d: {  	v2 =	vsub.f32 v2, v1  }
0x8e: {  	v12 =	vld [tilespmem:s25+$0x0]  }
0x8f: {  	v13 =	vld [tilespmem:s20+$0x10];
	v6 =	vadd.f32 v9, v8;
	v5 =	vadd.f32 v5, v7;
	v8 =	vmul.f32 $1.442695020e+00, v2  }
0x90: {  	v14 =	vld [tilespmem:s25+$0x10]  }
0x91: {  	v15 =	vld [tilespmem:s20+$0x20];
	v3 =	vadd.f32 v3, v10;
	v7 =	vmul.f32 $9.999999770e-03, v5;
	(erf) = vpow2.f32 v8  }
0x92: {  	s3 =	simm.s32 $0x16230;
	v16 =	vld [tilespmem:s25+$0x20];
	vm14 =	vgt.f32 v5, $0.0e+00;
	v4 =	vmul.f32 $9.999999770e-03, v6  }
0x93: {  	v44 =	vld [tilespmem:s3+$0x30];
	vm15 =	vgt.f32 v6, $0.0e+00;
	s25 =	simm.s32 $0x17130;
	v5 =	vsel vm14, v5, v7;
	v7 =	vmul.f32 $9.999999770e-03, v3;
	v2 =	vpop (erf)  }
0x94: {  	s24 =	simm.s32 $0x18170;
	v47 =	vld [tilespmem:s25+$0x20];
	vm4 =	vgt.f32 v3, $0.0e+00;
	v4 =	vsel vm15, v6, v4;
	v5 =	vsub.f32 v5, v1;
	[tilespmem:s20+$0x30] =	vst v2  }
0x95: {  	v4 =	vsub.f32 v4, v1;
	v3 =	vsel vm4, v3, v7;
	v7 =	vld [tilespmem:s24+$0x1F0]  }
0x96: {  	v6 =	vld [tilespmem:s20+$0x0];
	v5 =	vmul.f32 $1.442695020e+00, v5;
	v3 =	vsub.f32 v3, v1  }
0x97: {  	v4 =	vmul.f32 $1.442695020e+00, v4;
	v11 =	vld [tilespmem:s24+$0x180]  }
0x98: {  	v3 =	vmul.f32 $1.442695020e+00, v3;
	(erf) = vpow2.f32 v5;
	v10 =	vld [tilespmem:s24+$0x190]  }
0x99: {  	(erf) = vpow2.f32 v4;
	v9 =	vld [tilespmem:s24+$0x1A0]  }
0x9a: {  	(erf) = vpow2.f32 v3;
	v4 =	vld [tilespmem:s24+$0x1C0];
	v3 =	vmul.f32 v7, v2;
	v17 =	vpop (erf)  }
0x9b: {  	v6 =	vadd.f32 v12, v6;
	v7 =	vld [tilespmem:s24+$0x1B0];
	[tilespmem:s20+$0xFFFFFFD0] =	vst v17  }
0x9c: {  	[tilespmem:s24+$0x1F0] =	vst v3;
	v3 =	vld [tilespmem:s24+$0x1D0]  }
0x9d: {  	v27 =	vmul.f32 $9.999999770e-03, v6;
	v5 =	vld [tilespmem:s24+$0xFFFFFE80]  }
0x9e: {  	vm5 =	vgt.f32 v6, $0.0e+00;
	v19 =	vld [tilespmem:s24+$0xFFFFFE90]  }
0x9f: {  	v6 =	vsel vm5, v6, v27;
	v21 =	vld [tilespmem:s24+$0xFFFFFEA0]  }
0xa0: {  	v13 =	vadd.f32 v14, v13;
	v6 =	vsub.f32 v6, v1;
	v14 =	vld [tilespmem:s24+$0xFFFFFEC0]  }
0xa1: {  	v27 =	vld [tilespmem:s24+$0xFFFFFED0]  }
0xa2: {  	v6 =	vmul.f32 $1.442695020e+00, v6;
	v18 =	vpop (erf);
	v29 =	vld [tilespmem:s24+$0xFFFFFEE0]  }
0xa3: {  	v28 =	vmul.f32 $9.999999770e-03, v13;
	v34 =	vld [tilespmem:s24+$0xFFFFFEF0];
	[tilespmem:s20+$0xFFFFFFE0] =	vst v18  }
0xa4: {  	vm6 =	vgt.f32 v13, $0.0e+00;
	(erf) = vpow2.f32 v6;
	v6 =	vld [tilespmem:s24+$0xFFFFFF00]  }
0xa5: {  	v13 =	vsel vm6, v13, v28;
	v63 =	vld [tilespmem:s24+$0xFFFFFF10]  }
0xa6: {  	v13 =	vsub.f32 v13, v1;
	v30 =	vld [tilespmem:s24+$0xFFFFFF20]  }
0xa7: {  	v31 =	vld [tilespmem:s24+$0xFFFFFF30]  }
0xa8: {  	v13 =	vmul.f32 $1.442695020e+00, v13;
	v32 =	vld [tilespmem:s24+$0xFFFFFF40]  }
0xa9: {  	v33 =	vld [tilespmem:s24+$0xFFFFFF50]  }
0xaa: {  	v8 =	vpop (erf);
	(erf) = vpow2.f32 v13;
	v13 =	vld [tilespmem:s24+$0xFFFFFF60]  }
0xab: {  	[tilespmem:s20+$0xFFFFFFF0] =	vst v8;
	v35 =	vld [tilespmem:s24+$0xFFFFFF70]  }
0xac: {  	v37 =	vld [tilespmem:s24+$0xFFFFFF90]  }
0xad: {  	v20 =	vpop (erf);
	v38 =	vld [tilespmem:s24+$0xFFFFFFC0];
	v5 =	vmul.f32 v17, v5  }
0xae: {  	[tilespmem:s20+$0xFFFFFFC0] =	vst v20;
	v40 =	vld [tilespmem:s24+$0xFFFFFFF0];
	v12 =	vmul.f32 v17, v19  }
0xaf: {  	v22 =	vld [tilespmem:s24+$0xFFFFFE00];
	v21 =	vmul.f32 v17, v21;
	[tilespmem:s24+$0xFFFFFE80] =	vst v5  }
0xb0: {  	v23 =	vld [tilespmem:s24+$0xFFFFFE10];
	v14 =	vmul.f32 v14, v17;
	[tilespmem:s24+$0xFFFFFE90] =	vst v12  }
0xb1: {  	v15 =	vadd.f32 v16, v15;
	v24 =	vld [tilespmem:s24+$0xFFFFFE20];
	v16 =	vmul.f32 v29, v17;
	[tilespmem:s24+$0xFFFFFEA0] =	vst v21  }
0xb2: {  	v25 =	vld [tilespmem:s24+$0xFFFFFE30];
	v6 =	vmul.f32 v18, v6;
	[tilespmem:s24+$0xFFFFFEC0] =	vst v14  }
0xb3: {  	v26 =	vld [tilespmem:s24+$0xFFFFFE50];
	[tilespmem:s24+$0xFFFFFEE0] =	vst v16;
	v16 =	vmul.f32 v18, v63  }
0xb4: {  	v19 =	vld [tilespmem:s24+$0xFFFFFE40];
	v13 =	vmul.f32 v13, v18;
	[tilespmem:s24+$0xFFFFFF00] =	vst v6  }
0xb5: {  	v12 =	vld [tilespmem:s24+$0xFFFFFE60];
	[tilespmem:s24+$0xFFFFFF10] =	vst v16  }
0xb6: {  	v5 =	vld [tilespmem:s24+$0x1E0];
	v22 =	vmul.f32 v20, v22;
	v36 =	vpop (erf);
	[tilespmem:s24+$0xFFFFFF60] =	vst v13  }
0xb7: {  	v21 =	vld [tilespmem:s24+$0xFFFFFE70];
	v6 =	vmul.f32 v20, v23;
	[tilespmem:s20+$0x0] =	vst v36  }
0xb8: {  	v23 =	vld [tilespmem:s24+$0xFFFFFF80];
	v24 =	vmul.f32 v20, v24;
	[tilespmem:s24+$0xFFFFFE00] =	vst v22  }
0xb9: {  	v26 =	vmul.f32 v26, v20;
	v13 =	vld [tilespmem:s3+$0xFFFFFFD0];
	[tilespmem:s24+$0xFFFFFE10] =	vst v6  }
0xba: {  	v19 =	vmul.f32 v19, v20;
	v22 =	vld [tilespmem:s24+$0xFFFFFEB0];
	[tilespmem:s24+$0xFFFFFE20] =	vst v24  }
0xbb: {  	v6 =	vmul.f32 v25, v20;
	v25 =	vld [tilespmem:s24+$0xFFFFFFA0];
	[tilespmem:s24+$0xFFFFFE50] =	vst v26  }
0xbc: {  	v24 =	vld [tilespmem:s24+$0xFFFFFFB0];
	[tilespmem:s24+$0xFFFFFE40] =	vst v19;
	v12 =	vmul.f32 v12, v20  }
0xbd: {  	v26 =	vld [tilespmem:s24+$0xFFFFFFE0];
	v20 =	vmul.f32 v21, v20;
	[tilespmem:s24+$0xFFFFFE30] =	vst v6  }
0xbe: {  	v21 =	vld [tilespmem:s24+$0x0];
	[tilespmem:s24+$0xFFFFFE60] =	vst v12  }
0xbf: {  	v41 =	vld [tilespmem:s24+$0x70];
	[tilespmem:s24+$0xFFFFFE70] =	vst v20;
	v6 =	vpop (erf);
	v12 =	vmul.f32 v22, v17  }
0xc0: {  	v19 =	vld [tilespmem:s24+$0xFFFFFFD0];
	v14 =	vmul.f32 v8, v23;
	[tilespmem:s20+$0x10] =	vst v6  }
0xc1: {  	v20 =	vld [tilespmem:s24+$0x20];
	[tilespmem:s24+$0xFFFFFEB0] =	vst v12;
	v12 =	vmul.f32 v27, v17  }
0xc2: {  	v45 =	vmul.f32 v2, v10;
	v23 =	vld [tilespmem:s24+$0x40];
	[tilespmem:s24+$0xFFFFFF80] =	vst v14;
	v10 =	vmul.f32 v24, v8  }
0xc3: {  	v22 =	vld [tilespmem:s24+$0x10];
	[tilespmem:s24+$0xFFFFFED0] =	vst v12;
	v12 =	vmul.f32 v36, v21  }
0xc4: {  	v46 =	vmul.f32 v7, v2;
	v14 =	vld [tilespmem:s24+$0x60];
	v17 =	vmul.f32 v34, v17;
	[tilespmem:s24+$0xFFFFFFB0] =	vst v10  }
0xc5: {  	v24 =	vld [tilespmem:s25+$0xFFFFFFE0];
	v7 =	vmul.f32 v19, v8;
	[tilespmem:s24+$0x0] =	vst v12;
	v12 =	vmul.f32 $9.999999770e-03, v15  }
0xc6: {  	vm7 =	vgt.f32 v15, $0.0e+00;
	v42 =	vld [tilespmem:s24+$0x80];
	[tilespmem:s24+$0xFFFFFEF0] =	vst v17;
	v17 =	vmul.f32 v18, v30  }
0xc7: {  	v16 =	vld [tilespmem:s24+$0x90];
	[tilespmem:s24+$0xFFFFFFD0] =	vst v7;
	v12 =	vsel vm7, v15, v12;
	v15 =	vmul.f32 v31, v18  }
0xc8: {  	v43 =	vld [tilespmem:s24+$0xA0];
	[tilespmem:s24+$0xFFFFFF20] =	vst v17;
	v17 =	vmul.f32 v32, v18;
	v12 =	vsub.f32 v12, v1  }
0xc9: {  	v19 =	vld [tilespmem:s25+$0xFFFFFFF0];
	[tilespmem:s24+$0xFFFFFF30] =	vst v15;
	v15 =	vmul.f32 v33, v18  }
0xca: {  	v7 =	vmul.f32 v40, v8;
	[tilespmem:s24+$0xFFFFFF40] =	vst v17;
	v17 =	vld [tilespmem:s25+$0x30];
	v12 =	vmul.f32 $1.442695020e+00, v12  }
0xcb: {  	v48 =	vld [tilespmem:s24+$0xB0];
	[tilespmem:s24+$0xFFFFFF50] =	vst v15;
	v15 =	vmul.f32 v35, v18  }
0xcc: {  	v49 =	vld [tilespmem:s24+$0xF0];
	[tilespmem:s24+$0xFFFFFFF0] =	vst v7;
	(erf) = vpow2.f32 v12;
	v12 =	vmul.f32 v8, v37  }
0xcd: {  	v21 =	vld [tilespmem:s24+$0x50];
	[tilespmem:s24+$0xFFFFFF70] =	vst v15;
	v15 =	vmul.f32 v8, v25  }
0xce: {  	v11 =	vmul.f32 v2, v11;
	v7 =	vmul.f32 v6, v42;
	v25 =	vld [tilespmem:s25+$0xFFFFFFD0];
	[tilespmem:s24+$0xFFFFFF90] =	vst v12  }
0xcf: {  	v9 =	vmul.f32 v2, v9;
	v17 =	vadd.f32 v17, v44;
	v12 =	vld [tilespmem:s3+$0xFFFFFFE0];
	[tilespmem:s24+$0xFFFFFFA0] =	vst v15;
	v15 =	vmul.f32 v38, v8  }
0xd0: {  	v4 =	vmul.f32 v4, v2;
	v27 =	vld [tilespmem:s24+$0x30];
	v16 =	vmul.f32 v6, v16;
	[tilespmem:s24+$0x80] =	vst v7  }
0xd1: {  	v10 =	vld [tilespmem:s3+$0xFFFFFFF0];
	[tilespmem:s24+$0xFFFFFFC0] =	vst v15;
	v15 =	vmul.f32 v26, v8;
	v26 =	vmul.f32 $9.999999770e-03, v17  }
0xd2: {  	v3 =	vmul.f32 v3, v2;
	[tilespmem:s24+$0x90] =	vst v16;
	v16 =	vld [tilespmem:s3+$0x20];
	vm8 =	vgt.f32 v17, $0.0e+00;
	v8 =	vmul.f32 v36, v22  }
0xd3: {  	v7 =	vmul.f32 v6, v43;
	v18 =	vld [tilespmem:s25+$0xFFFFFFC0];
	v13 =	vadd.f32 v25, v13;
	v17 =	vsel vm8, v17, v26;
	[tilespmem:s24+$0xFFFFFFE0] =	vst v15  }
0xd4: {  	v15 =	vmul.f32 v36, v20;
	[tilespmem:s24+$0x10] =	vst v8;
	v8 =	vmul.f32 v21, v36;
	v21 =	vld [tilespmem:s3+$0xFFFFFFC0];
	v12 =	vadd.f32 v24, v12  }
0xd5: {  	[tilespmem:s24+$0x180] =	vst v11;
	v14 =	vmul.f32 v14, v36;
	v22 =	vld [tilespmem:s3+$0x0];
	v17 =	vsub.f32 v17, v1;
	v24 =	vmul.f32 $9.999999770e-03, v13  }
0xd6: {  	v10 =	vadd.f32 v19, v10;
	v25 =	vld [tilespmem:s25+$0x10];
	vm9 =	vgt.f32 v13, $0.0e+00;
	[tilespmem:s24+$0x20] =	vst v15;
	v15 =	vmul.f32 $9.999999770e-03, v12  }
0xd7: {  	[tilespmem:s24+$0x190] =	vst v45;
	v26 =	vld [tilespmem:s25+$0x0];
	vm10 =	vgt.f32 v12, $0.0e+00;
	v17 =	vmul.f32 $1.442695020e+00, v17;
	v13 =	vsel vm9, v13, v24  }
0xd8: {  	[tilespmem:s24+$0xA0] =	vst v7;
	v20 =	vmul.f32 v27, v36;
	v27 =	vld [tilespmem:s3+$0x10];
	v7 =	vpop (erf);
	v13 =	vsub.f32 v13, v1;
	v12 =	vsel vm10, v12, v15  }
0xd9: {  	[tilespmem:s20+$0x20] =	vst v7;
	v24 =	vld [tilespmem:s24+$0xC0];
	(erf) = vpow2.f32 v17;
	v17 =	vadd.f32 v18, v21;
	v18 =	vmul.f32 $9.999999770e-03, v10  }
0xda: {  	v2 =	vmul.f32 v5, v2;
	[tilespmem:s24+$0x60] =	vst v14;
	vm11 =	vgt.f32 v10, $0.0e+00;
	v50 =	vld [tilespmem:s24+$0x100];
	v12 =	vsub.f32 v12, v1  }
0xdb: {  	[tilespmem:s24+$0x50] =	vst v8;
	v11 =	vld [tilespmem:s24+$0x130];
	v13 =	vmul.f32 $1.442695020e+00, v13;
	v15 =	vmul.f32 $9.999999770e-03, v17;
	v8 =	vsel vm11, v10, v18  }
0xdc: {  	[tilespmem:s24+$0x30] =	vst v20;
	v5 =	vld [tilespmem:s24+$0x170];
	v20 =	vadd.f32 v26, v22;
	vm12 =	vgt.f32 v17, $0.0e+00;
	v14 =	vsub.f32 v8, v1  }
0xdd: {  	[tilespmem:s24+$0x1A0] =	vst v9;
	v21 =	vld [tilespmem:s24+$0xD0];
	v12 =	vmul.f32 $1.442695020e+00, v12;
	(erf) = vpow2.f32 v13;
	v10 =	vsel vm12, v17, v15  }
0xde: {  	[tilespmem:s24+$0x1C0] =	vst v4;
	v28 =	vmul.f32 v41, v36;
	v26 =	vld [tilespmem:s24+$0xE0];
	v17 =	vsub.f32 v10, v1;
	v14 =	vmul.f32 $1.442695020e+00, v14  }
0xdf: {  	[tilespmem:s24+$0x1B0] =	vst v46;
	v8 =	vld [tilespmem:s24+$0x110];
	v15 =	vmul.f32 $9.999999770e-03, v20;
	(erf) = vpow2.f32 v12  }
0xe0: {  	[tilespmem:s24+$0x1D0] =	vst v3;
	vm13 =	vgt.f32 v20, $0.0e+00;
	v12 =	vld [tilespmem:s24+$0x140];
	v13 =	vmul.f32 $1.442695020e+00, v17;
	(erf) = vpow2.f32 v14  }
0xe1: {  	[tilespmem:s24+$0x1E0] =	vst v2;
	v9 =	vadd.f32 v25, v27;
	v10 =	vld [tilespmem:s24+$0x120];
	v14 =	vsel vm13, v20, v15  }
0xe2: {  	[tilespmem:s24+$0x70] =	vst v28;
	v23 =	vmul.f32 v23, v36;
	v15 =	vld [tilespmem:s24+$0x150];
	v19 =	vpop (erf);
	(erf) = vpow2.f32 v13;
	v13 =	vsub.f32 v14, v1  }
0xe3: {  	s20 =	simm.s32 $0x18570;
	v4 =	vmul.f32 $9.999999770e-03, v9;
	v2 =	vmul.f32 v24, v6;
	v17 =	vld [tilespmem:s24+$0x160];
	[tilespmem:s3+$0x30] =	vst v19  }
0xe4: {  	[tilespmem:s24+$0x40] =	vst v23;
	vm14 =	vgt.f32 v9, $0.0e+00;
	v22 =	vld [tilespmem:s20+$0x1F0];
	v3 =	vmul.f32 $1.442695020e+00, v13;
	v13 =	vmul.f32 v48, v6  }
0xe5: {  	v4 =	vsel vm14, v9, v4;
	[tilespmem:s24+$0xC0] =	vst v2;
	v18 =	vld [tilespmem:s20+$0x180]  }
0xe6: {  	v20 =	vld [tilespmem:s20+$0x190];
	v9 =	vpop (erf);
	(erf) = vpow2.f32 v3;
	[tilespmem:s24+$0xB0] =	vst v13;
	v3 =	vsub.f32 v4, v1;
	v4 =	vmul.f32 v21, v6  }
0xe7: {  	v53 =	vld [tilespmem:s20+$0x1C0];
	[tilespmem:s3+$0xFFFFFFD0] =	vst v9  }
0xe8: {  	v14 =	vld [tilespmem:s20+$0xFFFFFE80];
	v13 =	vpop (erf);
	v3 =	vmul.f32 $1.442695020e+00, v3;
	[tilespmem:s24+$0xD0] =	vst v4  }
0xe9: {  	v57 =	vld [tilespmem:s20+$0x1D0];
	v4 =	vmul.f32 v26, v6;
	v2 =	vmul.f32 v22, v19;
	v23 =	vpop (erf);
	[tilespmem:s3+$0xFFFFFFE0] =	vst v13  }
0xea: {  	(erf) = vpow2.f32 v3;
	v3 =	vmul.f32 v49, v6;
	v6 =	vld [tilespmem:s20+$0xFFFFFEA0];
	[tilespmem:s3+$0xFFFFFFF0] =	vst v23  }
0xeb: {  	[tilespmem:s20+$0x1F0] =	vst v2;
	v2 =	vld [tilespmem:s20+$0xFFFFFE90];
	v24 =	vpop (erf)  }
0xec: {  	v60 =	vld [tilespmem:s20+$0xFFFFFFE0];
	[tilespmem:s3+$0xFFFFFFC0] =	vst v24  }
0xed: {  	[tilespmem:s24+$0xE0] =	vst v4;
	v14 =	vmul.f32 v9, v14;
	v25 =	vld [tilespmem:s20+$0xFFFFFE00]  }
0xee: {  	v21 =	vld [tilespmem:s20+$0x1A0];
	[tilespmem:s24+$0xF0] =	vst v3  }
0xef: {  	v16 =	vadd.f32 v47, v16;
	v3 =	vld [tilespmem:s20+$0xFFFFFE10];
	[tilespmem:s20+$0xFFFFFE80] =	vst v14;
	v4 =	vpop (erf);
	v6 =	vmul.f32 v9, v6  }
0xf0: {  	v26 =	vld [tilespmem:s20+$0xFFFFFE20];
	[tilespmem:s3+$0x0] =	vst v4;
	v2 =	vmul.f32 v9, v2  }
0xf1: {  	v29 =	vmul.f32 $9.999999770e-03, v16;
	v27 =	vld [tilespmem:s20+$0xFFFFFE30];
	v61 =	vmul.f32 v60, v23;
	[tilespmem:s20+$0xFFFFFEA0] =	vst v6  }
0xf2: {  	vm15 =	vgt.f32 v16, $0.0e+00;
	v54 =	vld [tilespmem:s20+$0xFFFFFEB0];
	v14 =	vmul.f32 v24, v25;
	[tilespmem:s20+$0xFFFFFE90] =	vst v2  }
0xf3: {  	v25 =	vld [tilespmem:s20+$0xFFFFFE50];
	v2 =	vsel vm15, v16, v29;
	v16 =	vmul.f32 v7, v50;
	[tilespmem:s20+$0xFFFFFFE0] =	vst v61  }
0xf4: {  	v51 =	vld [tilespmem:s20+$0xFFFFFE40];
	v3 =	vmul.f32 v24, v3;
	[tilespmem:s20+$0xFFFFFE00] =	vst v14  }
0xf5: {  	v6 =	vld [tilespmem:s20+$0xFFFFFE70];
	v14 =	vsub.f32 v2, v1;
	[tilespmem:s24+$0x100] =	vst v16;
	v16 =	vmul.f32 v24, v26  }
0xf6: {  	v52 =	vld [tilespmem:s20+$0xFFFFFE60];
	[tilespmem:s20+$0xFFFFFE10] =	vst v3;
	v3 =	vmul.f32 v27, v24  }
0xf7: {  	v26 =	vld [tilespmem:s20+$0xFFFFFEC0];
	v14 =	vmul.f32 $1.442695020e+00, v14;
	[tilespmem:s20+$0xFFFFFE20] =	vst v16  }
0xf8: {  	v2 =	vpop (erf);
	v16 =	vld [tilespmem:s20+$0xFFFFFEE0];
	[tilespmem:s20+$0xFFFFFE30] =	vst v3;
	v3 =	vmul.f32 v25, v24  }
0xf9: {  	v55 =	vld [tilespmem:s20+$0xFFFFFF00];
	[tilespmem:s3+$0x10] =	vst v2;
	(erf) = vpow2.f32 v14;
	v14 =	vmul.f32 v51, v24  }
0xfa: {  	v56 =	vld [tilespmem:s20+$0xFFFFFF50];
	[tilespmem:s20+$0xFFFFFE50] =	vst v3;
	v3 =	vmul.f32 v6, v24  }
0xfb: {  	v27 =	vld [tilespmem:s20+$0xFFFFFED0];
	[tilespmem:s20+$0xFFFFFE40] =	vst v14;
	v14 =	vmul.f32 v52, v24  }
0xfc: {  	v6 =	vld [tilespmem:s20+$0xFFFFFF10];
	[tilespmem:s20+$0xFFFFFE70] =	vst v3;
	v3 =	vmul.f32 v26, v9  }
0xfd: {  	v25 =	vld [tilespmem:s20+$0xFFFFFEF0];
	v16 =	vmul.f32 v16, v9;
	[tilespmem:s20+$0xFFFFFE60] =	vst v14  }
0xfe: {  	v26 =	vld [tilespmem:s20+$0xFFFFFF30];
	v14 =	vmul.f32 v54, v9;
	[tilespmem:s20+$0xFFFFFEC0] =	vst v3  }
0xff: {  	v24 =	vld [tilespmem:s20+$0xFFFFFF20];
	v3 =	vmul.f32 v13, v55;
	[tilespmem:s20+$0xFFFFFEE0] =	vst v16  }
0x100: {  	v58 =	vld [tilespmem:s20+$0xFFFFFFC0];
	[tilespmem:s20+$0xFFFFFEB0] =	vst v14;
	v14 =	vmul.f32 v27, v9  }
0x101: {  	v16 =	vld [tilespmem:s20+$0xFFFFFF80];
	v6 =	vmul.f32 v13, v6;
	[tilespmem:s20+$0xFFFFFF00] =	vst v3  }
0x102: {  	v27 =	vld [tilespmem:s20+$0xFFFFFF40];
	v9 =	vmul.f32 v25, v9;
	[tilespmem:s20+$0xFFFFFED0] =	vst v14  }
0x103: {  	v25 =	vld [tilespmem:s20+$0xFFFFFF70];
	[tilespmem:s20+$0xFFFFFF10] =	vst v6;
	v6 =	vmul.f32 v26, v13  }
0x104: {  	v14 =	vld [tilespmem:s20+$0xFFFFFF60];
	[tilespmem:s20+$0xFFFFFEF0] =	vst v9;
	v9 =	vmul.f32 v13, v24  }
0x105: {  	v24 =	vld [tilespmem:s20+$0xFFFFFF90];
	[tilespmem:s20+$0xFFFFFF30] =	vst v6;
	v6 =	vmul.f32 v56, v13  }
0x106: {  	v22 =	vld [tilespmem:s20+$0x1B0];
	[tilespmem:s20+$0xFFFFFF20] =	vst v9;
	v16 =	vmul.f32 v23, v16  }
0x107: {  	v26 =	vld [tilespmem:s20+$0xFFFFFFA0];
	v9 =	vmul.f32 v27, v13;
	[tilespmem:s20+$0xFFFFFF50] =	vst v6  }
0x108: {  	v27 =	vld [tilespmem:s20+$0xFFFFFFB0];
	v6 =	vmul.f32 v25, v13;
	[tilespmem:s20+$0xFFFFFF80] =	vst v16;
	v16 =	vmul.f32 v15, v7  }
0x109: {  	v59 =	vld [tilespmem:s20+$0xFFFFFFD0];
	v15 =	vmul.f32 v58, v23;
	[tilespmem:s20+$0xFFFFFF40] =	vst v9;
	v14 =	vmul.f32 v14, v13  }
0x10a: {  	v9 =	vmul.f32 v7, v8;
	v8 =	vmul.f32 v23, v24;
	v24 =	vld [tilespmem:s20+$0xFFFFFFF0];
	[tilespmem:s20+$0xFFFFFF70] =	vst v6  }
0x10b: {  	v13 =	vmul.f32 v11, v7;
	v11 =	vld [tilespmem:s20+$0x0];
	[tilespmem:s20+$0xFFFFFFC0] =	vst v15  }
0x10c: {  	v10 =	vmul.f32 v7, v10;
	v6 =	vmul.f32 v23, v26;
	v26 =	vld [tilespmem:s20+$0x20];
	[tilespmem:s20+$0xFFFFFF60] =	vst v14  }
0x10d: {  	v14 =	vmul.f32 v12, v7;
	[tilespmem:s20+$0xFFFFFF90] =	vst v8;
	v12 =	vld [tilespmem:s20+$0x10];
	v8 =	vmul.f32 v27, v23  }
0x10e: {  	v17 =	vmul.f32 v17, v7;
	v25 =	vld [tilespmem:s20+$0x1E0];
	v15 =	vmul.f32 v19, v20;
	[tilespmem:s20+$0xFFFFFFA0] =	vst v6  }
0x10f: {  	v3 =	vpop (erf);
	v27 =	vld [tilespmem:s20+$0x30];
	v6 =	vmul.f32 v19, v18;
	[tilespmem:s20+$0xFFFFFFB0] =	vst v8;
	v8 =	vmul.f32 v59, v23  }
0x110: {  	v62 =	vld [tilespmem:s20+$0x40];
	[tilespmem:s3+$0x20] =	vst v3;
	v18 =	vmul.f32 v5, v7;
	v5 =	vmul.f32 v4, v11  }
0x111: {  	v63 =	vld [tilespmem:s20+$0x50];
	v7 =	vmul.f32 v24, v23;
	v11 =	vmul.f32 v19, v21;
	[tilespmem:s20+$0xFFFFFFD0] =	vst v8  }
0x112: {  	v20 =	vld [tilespmem:s20+$0x60];
	v23 =	vmul.f32 v4, v26;
	v8 =	vmul.f32 v4, v12;
	[tilespmem:s20+$0x0] =	vst v5  }
0x113: {  	v21 =	vld [tilespmem:s20+$0x70];
	v12 =	vmul.f32 v22, v19;
	[tilespmem:s20+$0xFFFFFFF0] =	vst v7;
	v7 =	vmul.f32 v53, v19  }
0x114: {  	v22 =	vld [tilespmem:s20+$0x80];
	v5 =	vmul.f32 v25, v19;
	v24 =	vmul.f32 v27, v4;
	[tilespmem:s20+$0x20] =	vst v23  }
0x115: {  	v25 =	vmul.f32 v62, v4;
	[tilespmem:s20+$0x10] =	vst v8;
	v8 =	vmul.f32 v57, v19;
	v19 =	vld [tilespmem:s20+$0x90]  }
0x116: {  	s1 =	simm.s32 $0x8;
	s2 =	simm.s32 $0x162B0;
	v23 =	vld [tilespmem:s20+$0xA0];
	[tilespmem:s20+$0x30] =	vst v24;
	v24 =	vmul.f32 v63, v4  }
.LBB2_9:
0x117: {  	v26 =	vld [tilespmem:s2+$0x30];
	[tilespmem:s20+$0x40] =	vst v25;
	v20 =	vmul.f32 v20, v4;
	s25 =	sadd.s32 $0x80, s25  }
0x118: {  	s1 =	sadd.s32 $0x8, s1;
	v25 =	vld [tilespmem:s25+$0x30];
	[tilespmem:s20+$0x50] =	vst v24;
	v4 =	vmul.f32 v21, v4  }
0x119: {  	p1 =	slt.u32 s1, $0x48;
	v21 =	vld [tilespmem:s25+$0xFFFFFFC0];
	[tilespmem:s20+$0x60] =	vst v20;
	v20 =	vmul.f32 v2, v22  }
0x11a: {  	v22 =	vld [tilespmem:s2+$0xFFFFFFD0];
	[tilespmem:s20+$0x70] =	vst v4;
	v4 =	vmul.f32 v2, v19  }
0x11b: {  	v19 =	vld [tilespmem:s25+$0xFFFFFFD0];
	[tilespmem:s20+$0x80] =	vst v20;
	v20 =	vmul.f32 v2, v23  }
0x11c: {  	v23 =	vld [tilespmem:s2+$0xFFFFFFE0];
	[tilespmem:s20+$0x90] =	vst v4  }
0x11d: {  	v4 =	vld [tilespmem:s25+$0xFFFFFFE0];
	v24 =	vadd.f32 v25, v26;
	[tilespmem:s20+$0xA0] =	vst v20  }
0x11e: {  	v20 =	vld [tilespmem:s2+$0xFFFFFFF0];
	[tilespmem:s24+$0x110] =	vst v9  }
0x11f: {  	v9 =	vld [tilespmem:s25+$0xFFFFFFF0];
	v25 =	vmul.f32 $9.999999770e-03, v24;
	[tilespmem:s24+$0x120] =	vst v10  }
0x120: {  	vm0 =	vgt.f32 v24, $0.0e+00;
	v10 =	vadd.f32 v19, v22;
	v19 =	vld [tilespmem:s2+$0x0];
	[tilespmem:s24+$0x130] =	vst v13  }
0x121: {  	v13 =	vld [tilespmem:s25+$0x0];
	v22 =	vsel vm0, v24, v25;
	[tilespmem:s24+$0x140] =	vst v14  }
0x122: {  	v14 =	vmul.f32 $9.999999770e-03, v10;
	v4 =	vadd.f32 v4, v23;
	v23 =	vld [tilespmem:s2+$0x10];
	v22 =	vsub.f32 v22, v1;
	[tilespmem:s24+$0x150] =	vst v16  }
0x123: {  	vm0 =	vgt.f32 v10, $0.0e+00;
	v16 =	vld [tilespmem:s25+$0x10];
	[tilespmem:s24+$0x160] =	vst v17  }
0x124: {  	v17 =	vmul.f32 $9.999999770e-03, v4;
	v9 =	vadd.f32 v9, v20;
	v20 =	vld [tilespmem:s2+$0x20];
	v22 =	vmul.f32 $1.442695020e+00, v22;
	[tilespmem:s24+$0x170] =	vst v18;
	s24 =	smov.u32 s20  }
0x125: {  	v10 =	vsel vm0, v10, v14;
	vm0 =	vgt.f32 v4, $0.0e+00;
	v14 =	vld [tilespmem:s25+$0x20];
	[tilespmem:s20+$0x180] =	vst v6  }
0x126: {  	v6 =	vld [tilespmem:s2+$0xFFFFFFC0];
	v18 =	vmul.f32 $9.999999770e-03, v9;
	v13 =	vadd.f32 v13, v19;
	(erf) = vpow2.f32 v22;
	[tilespmem:s20+$0x190] =	vst v15  }
0x127: {  	v10 =	vsub.f32 v10, v1;
	v4 =	vsel vm0, v4, v17;
	vm0 =	vgt.f32 v9, $0.0e+00;
	v15 =	vld [tilespmem:s20+$0xB0];
	[tilespmem:s20+$0x1A0] =	vst v11  }
0x128: {  	vm1 =	vgt.f32 v13, $0.0e+00;
	v11 =	vmul.f32 $9.999999770e-03, v13;
	v16 =	vadd.f32 v16, v23;
	v17 =	vld [tilespmem:s20+$0xC0];
	[tilespmem:s20+$0x1B0] =	vst v12  }
0x129: {  	v10 =	vmul.f32 $1.442695020e+00, v10;
	v4 =	vsub.f32 v4, v1;
	v9 =	vsel vm0, v9, v18;
	v12 =	vld [tilespmem:s20+$0xD0];
	[tilespmem:s20+$0x1C0] =	vst v7  }
0x12a: {  	vm0 =	vgt.f32 v16, $0.0e+00;
	v7 =	vmul.f32 $9.999999770e-03, v16;
	v14 =	vadd.f32 v14, v20;
	v18 =	vld [tilespmem:s20+$0xE0];
	[tilespmem:s20+$0x1D0] =	vst v8  }
0x12b: {  	v8 =	vsub.f32 v9, v1;
	v9 =	vsel vm1, v13, v11;
	v6 =	vadd.f32 v21, v6;
	v11 =	vld [tilespmem:s20+$0xF0];
	[tilespmem:s20+$0x1E0] =	vst v5  }
0x12c: {  	v5 =	vsel vm0, v16, v7;
	vm0 =	vgt.f32 v14, $0.0e+00;
	v7 =	vmul.f32 $9.999999770e-03, v14;
	v13 =	vld [tilespmem:s20+$0x100]  }
0x12d: {  	v9 =	vsub.f32 v9, v1;
	vm1 =	vgt.f32 v6, $0.0e+00;
	v16 =	vmul.f32 $9.999999770e-03, v6;
	v19 =	vld [tilespmem:s20+$0x110]  }
0x12e: {  	v4 =	vmul.f32 $1.442695020e+00, v4;
	v5 =	vsub.f32 v5, v1;
	v7 =	vsel vm0, v14, v7;
	v14 =	vld [tilespmem:s20+$0x120]  }
0x12f: {  	v8 =	vmul.f32 $1.442695020e+00, v8;
	v6 =	vsel vm1, v6, v16;
	v7 =	vsub.f32 v7, v1;
	v20 =	vpop (erf);
	v16 =	vld [tilespmem:s20+$0x130]  }
0x130: {  	v9 =	vmul.f32 $1.442695020e+00, v9;
	v5 =	vmul.f32 $1.442695020e+00, v5;
	s20 =	sadd.s32 $0x400, s20;
	v6 =	vsub.f32 v6, v1;
	[tilespmem:s2+$0x30] =	vst v20;
	v21 =	vld [tilespmem:s24+$0x140]  }
0x131: {  	v7 =	vmul.f32 $1.442695020e+00, v7;
	v22 =	vld [tilespmem:s20+$0x1F0];
	(erf) = vpow2.f32 v10  }
0x132: {  	v6 =	vmul.f32 $1.442695020e+00, v6;
	(erf) = vpow2.f32 v4;
	v4 =	vld [tilespmem:s24+$0x150]  }
0x133: {  	(erf) = vpow2.f32 v8;
	v8 =	vmul.f32 v15, v2;
	v15 =	vld [tilespmem:s24+$0x160]  }
0x134: {  	(erf) = vpow2.f32 v6;
	v6 =	vmul.f32 v17, v2;
	v23 =	vld [tilespmem:s24+$0x170]  }
0x135: {  	v24 =	vld [tilespmem:s20+$0x180];
	(erf) = vpow2.f32 v9;
	[tilespmem:s24+$0xB0] =	vst v8;
	v8 =	vmul.f32 v12, v2  }
0x136: {  	v12 =	vld [tilespmem:s20+$0x190];
	v9 =	vmul.f32 v22, v20;
	(erf) = vpow2.f32 v5;
	[tilespmem:s24+$0xC0] =	vst v6  }
0x137: {  	v6 =	vmul.f32 v18, v2;
	v5 =	vld [tilespmem:s20+$0x1A0];
	(erf) = vpow2.f32 v7;
	[tilespmem:s24+$0xD0] =	vst v8  }
0x138: {  	v2 =	vmul.f32 v11, v2;
	v22 =	vmul.f32 v3, v13;
	v7 =	vld [tilespmem:s20+$0x1B0];
	[tilespmem:s20+$0x1F0] =	vst v9  }
0x139: {  	v10 =	vmul.f32 v3, v14;
	v9 =	vmul.f32 v3, v19;
	v8 =	vld [tilespmem:s20+$0x1C0];
	[tilespmem:s24+$0xE0] =	vst v6  }
0x13a: {  	v14 =	vmul.f32 v21, v3;
	v13 =	vmul.f32 v16, v3;
	v25 =	vld [tilespmem:s20+$0x1D0];
	v26 =	vpop (erf);
	[tilespmem:s24+$0xF0] =	vst v2  }
0x13b: {  	v16 =	vmul.f32 v4, v3;
	v17 =	vmul.f32 v15, v3;
	[tilespmem:s2+$0xFFFFFFD0] =	vst v26;
	v21 =	vld [tilespmem:s20+$0x1E0];
	v27 =	vpop (erf)  }
0x13c: {  	v18 =	vmul.f32 v23, v3;
	v6 =	vmul.f32 v20, v24;
	v28 =	vld [tilespmem:s20+$0xFFFFFE80];
	[tilespmem:s2+$0xFFFFFFE0] =	vst v27;
	v19 =	vpop (erf)  }
0x13d: {  	v15 =	vmul.f32 v20, v12;
	v11 =	vmul.f32 v20, v5;
	v23 =	vld [tilespmem:s20+$0xFFFFFE90];
	[tilespmem:s2+$0xFFFFFFF0] =	vst v19;
	v24 =	vpop (erf)  }
0x13e: {  	v12 =	vmul.f32 v7, v20;
	[tilespmem:s2+$0xFFFFFFC0] =	vst v24;
	v29 =	vld [tilespmem:s20+$0xFFFFFEA0];
	v7 =	vmul.f32 v8, v20;
	v4 =	vpop (erf)  }
0x13f: {  	v30 =	vld [tilespmem:s20+$0xFFFFFE00];
	[tilespmem:s2+$0x0] =	vst v4;
	v8 =	vmul.f32 v25, v20;
	v2 =	vpop (erf)  }
0x140: {  	v25 =	vld [tilespmem:s20+$0xFFFFFE10];
	[tilespmem:s2+$0x10] =	vst v2;
	v5 =	vmul.f32 v21, v20;
	v3 =	vpop (erf)  }
0x141: {  	v20 =	vld [tilespmem:s20+$0xFFFFFE20];
	v21 =	vmul.f32 v26, v28;
	[tilespmem:s2+$0x20] =	vst v3  }
0x142: {  	v28 =	vld [tilespmem:s20+$0xFFFFFE30];
	v23 =	vmul.f32 v26, v23;
	[tilespmem:s24+$0x100] =	vst v22  }
0x143: {  	v22 =	vld [tilespmem:s20+$0xFFFFFE40];
	[tilespmem:s20+$0xFFFFFE80] =	vst v21;
	v21 =	vmul.f32 v26, v29  }
0x144: {  	v29 =	vmul.f32 v24, v30;
	v30 =	vld [tilespmem:s20+$0xFFFFFE50];
	[tilespmem:s20+$0xFFFFFE90] =	vst v23  }
0x145: {  	v23 =	vmul.f32 v24, v25;
	v25 =	vld [tilespmem:s20+$0xFFFFFE60];
	[tilespmem:s20+$0xFFFFFEA0] =	vst v21  }
0x146: {  	[tilespmem:s20+$0xFFFFFE00] =	vst v29;
	v20 =	vmul.f32 v24, v20;
	v21 =	vld [tilespmem:s20+$0xFFFFFE70]  }
0x147: {  	[tilespmem:s20+$0xFFFFFE10] =	vst v23;
	v23 =	vmul.f32 v28, v24;
	v28 =	vld [tilespmem:s20+$0xFFFFFEB0]  }
0x148: {  	[tilespmem:s20+$0xFFFFFE20] =	vst v20;
	v20 =	vmul.f32 v22, v24;
	v22 =	vld [tilespmem:s20+$0xFFFFFEC0]  }
0x149: {  	[tilespmem:s20+$0xFFFFFE30] =	vst v23;
	v23 =	vmul.f32 v30, v24;
	v29 =	vld [tilespmem:s20+$0xFFFFFED0]  }
0x14a: {  	[tilespmem:s20+$0xFFFFFE40] =	vst v20;
	v20 =	vmul.f32 v25, v24;
	v25 =	vld [tilespmem:s20+$0xFFFFFEE0]  }
0x14b: {  	[tilespmem:s20+$0xFFFFFE50] =	vst v23;
	v21 =	vmul.f32 v21, v24;
	v23 =	vld [tilespmem:s20+$0xFFFFFEF0]  }
0x14c: {  	[tilespmem:s20+$0xFFFFFE60] =	vst v20;
	v20 =	vmul.f32 v28, v26;
	v24 =	vld [tilespmem:s20+$0xFFFFFF00]  }
0x14d: {  	[tilespmem:s20+$0xFFFFFE70] =	vst v21;
	v21 =	vmul.f32 v22, v26;
	v22 =	vld [tilespmem:s20+$0xFFFFFF10]  }
0x14e: {  	[tilespmem:s20+$0xFFFFFEB0] =	vst v20;
	v20 =	vmul.f32 v29, v26;
	v28 =	vld [tilespmem:s20+$0xFFFFFF20]  }
0x14f: {  	[tilespmem:s20+$0xFFFFFEC0] =	vst v21;
	v21 =	vmul.f32 v25, v26;
	v25 =	vld [tilespmem:s20+$0xFFFFFF30]  }
0x150: {  	[tilespmem:s20+$0xFFFFFED0] =	vst v20;
	v20 =	vmul.f32 v23, v26;
	v23 =	vld [tilespmem:s20+$0xFFFFFF40]  }
0x151: {  	[tilespmem:s20+$0xFFFFFEE0] =	vst v21;
	v21 =	vmul.f32 v27, v24;
	v24 =	vld [tilespmem:s20+$0xFFFFFF50]  }
0x152: {  	[tilespmem:s20+$0xFFFFFEF0] =	vst v20;
	v20 =	vmul.f32 v27, v22;
	v22 =	vld [tilespmem:s20+$0xFFFFFF60]  }
0x153: {  	[tilespmem:s20+$0xFFFFFF00] =	vst v21;
	v21 =	vmul.f32 v27, v28;
	v26 =	vld [tilespmem:s20+$0xFFFFFF70]  }
0x154: {  	[tilespmem:s20+$0xFFFFFF10] =	vst v20;
	v20 =	vmul.f32 v25, v27;
	v25 =	vld [tilespmem:s20+$0xFFFFFF80]  }
0x155: {  	[tilespmem:s20+$0xFFFFFF20] =	vst v21;
	v21 =	vmul.f32 v23, v27;
	v23 =	vld [tilespmem:s20+$0xFFFFFF90]  }
0x156: {  	[tilespmem:s20+$0xFFFFFF30] =	vst v20;
	v20 =	vmul.f32 v24, v27;
	v24 =	vld [tilespmem:s20+$0xFFFFFFA0]  }
0x157: {  	[tilespmem:s20+$0xFFFFFF40] =	vst v21;
	v21 =	vmul.f32 v22, v27;
	v22 =	vld [tilespmem:s20+$0xFFFFFFB0]  }
0x158: {  	[tilespmem:s20+$0xFFFFFF50] =	vst v20;
	v20 =	vmul.f32 v26, v27;
	v26 =	vld [tilespmem:s20+$0xFFFFFFC0]  }
0x159: {  	[tilespmem:s20+$0xFFFFFF60] =	vst v21;
	v21 =	vmul.f32 v19, v25;
	v25 =	vld [tilespmem:s20+$0xFFFFFFD0]  }
0x15a: {  	[tilespmem:s20+$0xFFFFFF70] =	vst v20;
	v20 =	vmul.f32 v19, v23;
	v23 =	vld [tilespmem:s20+$0xFFFFFFE0]  }
0x15b: {  	[tilespmem:s20+$0xFFFFFF80] =	vst v21;
	v21 =	vmul.f32 v19, v24;
	v24 =	vld [tilespmem:s20+$0xFFFFFFF0]  }
0x15c: {  	[tilespmem:s20+$0xFFFFFF90] =	vst v20;
	v20 =	vmul.f32 v22, v19;
	v22 =	vld [tilespmem:s20+$0x0]  }
0x15d: {  	[tilespmem:s20+$0xFFFFFFA0] =	vst v21;
	v21 =	vmul.f32 v26, v19;
	v26 =	vld [tilespmem:s20+$0x10]  }
0x15e: {  	[tilespmem:s20+$0xFFFFFFB0] =	vst v20;
	v20 =	vmul.f32 v25, v19;
	v25 =	vld [tilespmem:s20+$0x20]  }
0x15f: {  	[tilespmem:s20+$0xFFFFFFC0] =	vst v21;
	v21 =	vmul.f32 v23, v19;
	v23 =	vld [tilespmem:s20+$0x30]  }
0x160: {  	[tilespmem:s20+$0xFFFFFFD0] =	vst v20;
	v19 =	vmul.f32 v24, v19;
	v24 =	vld [tilespmem:s20+$0x40]  }
0x161: {  	[tilespmem:s20+$0xFFFFFFE0] =	vst v21;
	v21 =	vmul.f32 v4, v22;
	v27 =	vld [tilespmem:s20+$0x50]  }
.Ltmp5:
0x162: {  	[tilespmem:s20+$0xFFFFFFF0] =	vst v19;
	v19 =	vmul.f32 v4, v26;
	v20 =	vld [tilespmem:s20+$0x60];
	(pc) =	sbr.rel @p1 .LBB2_9-.Ltmp5, $4  }
0x163: {  	[tilespmem:s20+$0x0] =	vst v21;
	v25 =	vmul.f32 v4, v25;
	v21 =	vld [tilespmem:s20+$0x70]  }
0x164: {  	[tilespmem:s20+$0x10] =	vst v19;
	v23 =	vmul.f32 v23, v4;
	v22 =	vld [tilespmem:s20+$0x80]  }
0x165: {  	[tilespmem:s20+$0x20] =	vst v25;
	v25 =	vmul.f32 v24, v4;
	v19 =	vld [tilespmem:s20+$0x90]  }
0x166: {  	s2 =	sadd.s32 $0x80, s2;
	[tilespmem:s20+$0x30] =	vst v23;
	v24 =	vmul.f32 v27, v4;
	v23 =	vld [tilespmem:s20+$0xA0]  }
0x167: {  	[tilespmem:s20+$0x40] =	vst v25  }
0x168: {  	[tilespmem:s24+$0x110] =	vst v9  }
0x169: {  	[tilespmem:s24+$0x120] =	vst v10  }
0x16a: {  	[tilespmem:s24+$0x130] =	vst v13  }
0x16b: {  	[tilespmem:s24+$0x140] =	vst v14  }
0x16c: {  	[tilespmem:s24+$0x150] =	vst v16  }
0x16d: {  	[tilespmem:s24+$0x160] =	vst v17  }
0x16e: {  	[tilespmem:s24+$0x170] =	vst v18  }
0x16f: {  	[tilespmem:s20+$0x180] =	vst v6  }
0x170: {  	[tilespmem:s20+$0x190] =	vst v15  }
0x171: {  	[tilespmem:s20+$0x1A0] =	vst v11  }
0x172: {  	[tilespmem:s20+$0x1B0] =	vst v12  }
0x173: {  	v20 =	vmul.f32 v20, v4;
	[tilespmem:s20+$0x1C0] =	vst v7;
	v4 =	vmul.f32 v21, v4  }
0x174: {  	[tilespmem:s20+$0x1D0] =	vst v8  }
0x175: {  	v6 =	vld [tilespmem:s20+$0xC0];
	[tilespmem:s20+$0x70] =	vst v4;
	v4 =	vmul.f32 v2, v19  }
0x176: {  	v7 =	vld [tilespmem:s20+$0x100];
	[tilespmem:s20+$0x1E0] =	vst v5  }
0x177: {  	[tilespmem:s20+$0x90] =	vst v4;
	v4 =	vld [tilespmem:s20+$0xB0]  }
0x178: {  	v10 =	vld [tilespmem:s20+$0xE0];
	[tilespmem:s20+$0x60] =	vst v20;
	v20 =	vmul.f32 v2, v22  }
0x179: {  	v9 =	vld [tilespmem:s20+$0xD0];
	[tilespmem:s20+$0x50] =	vst v24;
	v19 =	vmul.f32 v2, v23  }
0x17a: {  	v11 =	vld [tilespmem:s20+$0xF0];
	[tilespmem:s20+$0x80] =	vst v20;
	v6 =	vmul.f32 v6, v2  }
0x17b: {  	v8 =	vld [tilespmem:s20+$0x110];
	v7 =	vmul.f32 v3, v7;
	[tilespmem:s20+$0xA0] =	vst v19  }
0x17c: {  	v5 =	vld [tilespmem:s20+$0x120];
	[tilespmem:s20+$0xC0] =	vst v6;
	v4 =	vmul.f32 v4, v2  }
0x17d: {  	v12 =	vld [tilespmem:s20+$0x130];
	v6 =	vmul.f32 v10, v2;
	[tilespmem:s20+$0x100] =	vst v7  }
0x17e: {  	v10 =	vld [tilespmem:s20+$0x150];
	[tilespmem:s20+$0xB0] =	vst v4;
	v4 =	vmul.f32 v9, v2  }
0x17f: {  	[tilespmem:s20+$0xE0] =	vst v6;
	v9 =	vld [tilespmem:s20+$0x140];
	v2 =	vmul.f32 v11, v2  }
0x180: {  	v8 =	vmul.f32 v3, v8;
	[tilespmem:s20+$0xD0] =	vst v4;
	v4 =	vld [tilespmem:s20+$0x160]  }
0x181: {  	v6 =	vld [tilespmem:s20+$0x170];
	[tilespmem:s20+$0xF0] =	vst v2;
	v2 =	vmul.f32 v3, v5  }
0x182: {  	[tilespmem:s20+$0x110] =	vst v8;
	v5 =	vmul.f32 v12, v3  }
0x183: {  	[tilespmem:s20+$0x120] =	vst v2;
	v2 =	vmul.f32 v10, v3  }
0x184: {  	[tilespmem:s20+$0x130] =	vst v5;
	v7 =	vmul.f32 v9, v3  }
0x185: {  	[tilespmem:s20+$0x150] =	vst v2;
	v4 =	vmul.f32 v4, v3  }
0x186: {  	[tilespmem:s20+$0x140] =	vst v7;
	v3 =	vmul.f32 v6, v3  }
0x187: {  	[tilespmem:s20+$0x160] =	vst v4  }
0x188: {  	s1 =	rddreg [dreg:$0x3];
	[tilespmem:s20+$0x170] =	vst v3  }
0x189: {  	[spmem:s1] =	stream.indirect.scatter.add.f32 [tilespmem:s30], [sflag:$0xD], $0x10, s18, s8, $0xb8;
	[tilespmem:$0x1F7F0] =	vst v63  }
0x18a: {  	s2 =	rddreg [dreg:$0x2]  }
0x18b: {  	[spmem:s2] =	stream.indirect.scatter.add.f32 [tilespmem:s29], [sflag:$0x10], $0x80, s18, s8, $0xb8;
	[tilespmem:$0x1F7F0] =	vst v63  }
0x18c: {  	_ =	swait.ge [sflag:s0], $0x500  }
0x18d: {  	[sflag:s0] =	ssyncset.done $0x0;
	s3 =	rddreg [dreg:$0xb]  }
0x18e: {  	[sflag:s0] =	ssyncadd.s32 $0xFFFFFB00;
	s1 =	sadd.s32 s3, s13  }
0x18f: {  	_ =	swait.ge [sflag:s31], $0x2800;
	s1 =	smul.u32 $0xA, s1  }
0x190: {  	[sflag:s31] =	ssyncset.done $0x0  }
0x191: {  	s20 =	simm.s32 $0x3;
	[sflag:s31] =	ssyncadd.s32 $0xFFFFD800;
	s1 =	sadd.s32 s9, s1  }
0x192: {  	[tilespmem:s12], [sflag:$0x1] =	stream.strided.gather [hbm4b:s1+s8], $0xA0, s11, s8, $0x38;
	[tilespmem:$0x1F7F0] =	vst v63  }
0x193: {  	_ =	swait.ge [sflag:s20], $0xA0  }
0x194: {  	[sflag:s20] =	ssyncset.done $0x0  }
0x195: {  	[sflag:s20] =	ssyncadd.s32 $0xFFFFFF60  }
0x196: {  	s2 =	simm.s32 $0x160D0;
	s3 =	simm.s32 $0x1CF70;
	s1 =	rddreg [dreg:$0x0]  }
0x197: {  	[tilespmem:s3], [sflag:$0xC] =	stream.indirect.gather [hbm4b:s1+s8], $0x80, s2, s8, $0xb8;
	[tilespmem:$0x1F7F0] =	vst v63  }
0x198: {  	s24 =	simm.s32 $0x16B70  }
0x199: {  	[tilespmem:s24], [sflag:$0x6] =	stream.indirect.gather [hbm4b:s6+s8], $0x10, s2, s8, $0xb8;
	[tilespmem:$0x1F7F0] =	vst v63  }
0x19a: {  	s25 =	simm.s32 $0x17A70  }
0x19b: {  	[tilespmem:s25], [sflag:$0x9] =	stream.indirect.gather [hbm4b:s7+s8], $0x10, s28, s8, $0xb8;
	[tilespmem:$0x1F7F0] =	vst v63  }
0x19c: {  	_ =	swait.ge [sflag:s14], $0x2800  }
0x19d: {  	[sflag:s14] =	ssyncset.done $0x0  }
0x19e: {  	s2 =	simm.s32 $0x5;
	[sflag:s14] =	ssyncadd.s32 $0xFFFFD800  }
0x19f: {  	_ =	swait.ge [sflag:s2], $0x500  }
0x1a0: {  	[sflag:s2] =	ssyncset.done $0x0  }
0x1a1: {  	[sflag:s2] =	ssyncadd.s32 $0xFFFFFB00  }
0x1a2: {  	_ =	swait.ge [sflag:s15], $0x500  }
0x1a3: {  	[sflag:s15] =	ssyncset.done $0x0  }
0x1a4: {  	s20 =	simm.s32 $0x166E0;
	[sflag:s15] =	ssyncadd.s32 $0xFFFFFB00  }
0x1a5: {  	s25 =	simm.s32 $0x175E0;
	v2 =	vld [tilespmem:s20+$0x0]  }
0x1a6: {  	v3 =	vld [tilespmem:s25+$0x0];
	_ =	sdelay $0x4  }
0x1a7: {  	v2 =	vadd.f32 v3, v2  }
0x1a8: {  	v4 =	vld [tilespmem:s20+$0xFFFFFFA0]  }
0x1a9: {  	v6 =	vld [tilespmem:s25+$0xFFFFFFA0];
	v5 =	vmul.f32 $9.999999770e-03, v2  }
0x1aa: {  	vm0 =	vgt.f32 v2, $0.0e+00  }
0x1ab: {  	v2 =	vsel vm0, v2, v5  }
0x1ac: {  	v2 =	vsub.f32 v2, v1  }
0x1ad: {  	v7 =	vld [tilespmem:s20+$0xFFFFFFB0]  }
0x1ae: {  	v8 =	vld [tilespmem:s20+$0xFFFFFFC0];
	v4 =	vadd.f32 v6, v4;
	v2 =	vmul.f32 $1.442695020e+00, v2  }
0x1af: {  	v9 =	vld [tilespmem:s25+$0xFFFFFFC0]  }
0x1b0: {  	v5 =	vld [tilespmem:s25+$0xFFFFFFB0];
	(erf) = vpow2.f32 v2;
	v2 =	vmul.f32 $9.999999770e-03, v4  }
0x1b1: {  	v10 =	vld [tilespmem:s20+$0xFFFFFF90];
	vm13 =	vgt.f32 v4, $0.0e+00  }
0x1b2: {  	v3 =	vld [tilespmem:s25+$0xFFFFFF90];
	v2 =	vsel vm13, v4, v2  }
0x1b3: {  	v2 =	vsub.f32 v2, v1  }
0x1b4: {  	v12 =	vld [tilespmem:s25+$0xFFFFFFD0]  }
0x1b5: {  	v13 =	vld [tilespmem:s20+$0xFFFFFFE0];
	v6 =	vadd.f32 v9, v8;
	v5 =	vadd.f32 v5, v7;
	v8 =	vmul.f32 $1.442695020e+00, v2  }
0x1b6: {  	v14 =	vld [tilespmem:s25+$0xFFFFFFE0]  }
0x1b7: {  	v15 =	vld [tilespmem:s20+$0xFFFFFFF0];
	v3 =	vadd.f32 v3, v10;
	v7 =	vmul.f32 $9.999999770e-03, v5;
	(erf) = vpow2.f32 v8  }
0x1b8: {  	s28 =	simm.s32 $0x16760;
	v16 =	vld [tilespmem:s25+$0xFFFFFFF0];
	vm14 =	vgt.f32 v5, $0.0e+00;
	v4 =	vmul.f32 $9.999999770e-03, v6  }
0x1b9: {  	v44 =	vld [tilespmem:s28+$0x0];
	vm15 =	vgt.f32 v6, $0.0e+00;
	s25 =	simm.s32 $0x17660;
	v5 =	vsel vm14, v5, v7;
	v7 =	vmul.f32 $9.999999770e-03, v3;
	v2 =	vpop (erf)  }
0x1ba: {  	s24 =	simm.s32 $0x1AB60;
	v47 =	vld [tilespmem:s25+$0xFFFFFFF0];
	vm4 =	vgt.f32 v3, $0.0e+00;
	v4 =	vsel vm15, v6, v4;
	v5 =	vsub.f32 v5, v1;
	[tilespmem:s20+$0x0] =	vst v2  }
0x1bb: {  	v4 =	vsub.f32 v4, v1;
	v3 =	vsel vm4, v3, v7;
	v7 =	vld [tilespmem:s24+$0x0]  }
0x1bc: {  	v6 =	vld [tilespmem:s20+$0xFFFFFFD0];
	v5 =	vmul.f32 $1.442695020e+00, v5;
	v3 =	vsub.f32 v3, v1  }
0x1bd: {  	v4 =	vmul.f32 $1.442695020e+00, v4;
	v11 =	vld [tilespmem:s24+$0xFFFFFF90]  }
0x1be: {  	v3 =	vmul.f32 $1.442695020e+00, v3;
	(erf) = vpow2.f32 v5;
	v10 =	vld [tilespmem:s24+$0xFFFFFFA0]  }
0x1bf: {  	(erf) = vpow2.f32 v4;
	v9 =	vld [tilespmem:s24+$0xFFFFFFB0]  }
0x1c0: {  	(erf) = vpow2.f32 v3;
	v4 =	vld [tilespmem:s24+$0xFFFFFFD0];
	v3 =	vmul.f32 v7, v2;
	v17 =	vpop (erf)  }
0x1c1: {  	v6 =	vadd.f32 v12, v6;
	v7 =	vld [tilespmem:s24+$0xFFFFFFC0];
	[tilespmem:s20+$0xFFFFFFA0] =	vst v17  }
0x1c2: {  	[tilespmem:s24+$0x0] =	vst v3;
	v3 =	vld [tilespmem:s24+$0xFFFFFFE0]  }
0x1c3: {  	v27 =	vmul.f32 $9.999999770e-03, v6;
	v5 =	vld [tilespmem:s24+$0xFFFFFC90]  }
0x1c4: {  	vm5 =	vgt.f32 v6, $0.0e+00;
	v19 =	vld [tilespmem:s24+$0xFFFFFCA0]  }
0x1c5: {  	v6 =	vsel vm5, v6, v27;
	v21 =	vld [tilespmem:s24+$0xFFFFFCB0]  }
0x1c6: {  	v13 =	vadd.f32 v14, v13;
	v6 =	vsub.f32 v6, v1;
	v14 =	vld [tilespmem:s24+$0xFFFFFCD0]  }
0x1c7: {  	v27 =	vld [tilespmem:s24+$0xFFFFFCE0]  }
0x1c8: {  	v6 =	vmul.f32 $1.442695020e+00, v6;
	v18 =	vpop (erf);
	v29 =	vld [tilespmem:s24+$0xFFFFFCF0]  }
0x1c9: {  	v28 =	vmul.f32 $9.999999770e-03, v13;
	v34 =	vld [tilespmem:s24+$0xFFFFFD00];
	[tilespmem:s20+$0xFFFFFFB0] =	vst v18  }
0x1ca: {  	vm6 =	vgt.f32 v13, $0.0e+00;
	(erf) = vpow2.f32 v6;
	v6 =	vld [tilespmem:s24+$0xFFFFFD10]  }
0x1cb: {  	v13 =	vsel vm6, v13, v28;
	v63 =	vld [tilespmem:s24+$0xFFFFFD20]  }
0x1cc: {  	v13 =	vsub.f32 v13, v1;
	v30 =	vld [tilespmem:s24+$0xFFFFFD30]  }
0x1cd: {  	v31 =	vld [tilespmem:s24+$0xFFFFFD40]  }
0x1ce: {  	v13 =	vmul.f32 $1.442695020e+00, v13;
	v32 =	vld [tilespmem:s24+$0xFFFFFD50]  }
0x1cf: {  	v33 =	vld [tilespmem:s24+$0xFFFFFD60]  }
0x1d0: {  	v8 =	vpop (erf);
	(erf) = vpow2.f32 v13;
	v13 =	vld [tilespmem:s24+$0xFFFFFD70]  }
0x1d1: {  	[tilespmem:s20+$0xFFFFFFC0] =	vst v8;
	v35 =	vld [tilespmem:s24+$0xFFFFFD80]  }
0x1d2: {  	v37 =	vld [tilespmem:s24+$0xFFFFFDA0]  }
0x1d3: {  	v20 =	vpop (erf);
	v38 =	vld [tilespmem:s24+$0xFFFFFDD0];
	v5 =	vmul.f32 v17, v5  }
0x1d4: {  	[tilespmem:s20+$0xFFFFFF90] =	vst v20;
	v40 =	vld [tilespmem:s24+$0xFFFFFE00];
	v12 =	vmul.f32 v17, v19  }
0x1d5: {  	v22 =	vld [tilespmem:s24+$0xFFFFFC10];
	v21 =	vmul.f32 v17, v21;
	[tilespmem:s24+$0xFFFFFC90] =	vst v5  }
0x1d6: {  	v23 =	vld [tilespmem:s24+$0xFFFFFC20];
	v14 =	vmul.f32 v14, v17;
	[tilespmem:s24+$0xFFFFFCA0] =	vst v12  }
0x1d7: {  	v15 =	vadd.f32 v16, v15;
	v24 =	vld [tilespmem:s24+$0xFFFFFC30];
	v16 =	vmul.f32 v29, v17;
	[tilespmem:s24+$0xFFFFFCB0] =	vst v21  }
0x1d8: {  	v25 =	vld [tilespmem:s24+$0xFFFFFC40];
	v6 =	vmul.f32 v18, v6;
	[tilespmem:s24+$0xFFFFFCD0] =	vst v14  }
0x1d9: {  	v26 =	vld [tilespmem:s24+$0xFFFFFC60];
	[tilespmem:s24+$0xFFFFFCF0] =	vst v16;
	v16 =	vmul.f32 v18, v63  }
0x1da: {  	v19 =	vld [tilespmem:s24+$0xFFFFFC50];
	v13 =	vmul.f32 v13, v18;
	[tilespmem:s24+$0xFFFFFD10] =	vst v6  }
0x1db: {  	v12 =	vld [tilespmem:s24+$0xFFFFFC70];
	[tilespmem:s24+$0xFFFFFD20] =	vst v16  }
0x1dc: {  	v5 =	vld [tilespmem:s24+$0xFFFFFFF0];
	v22 =	vmul.f32 v20, v22;
	v36 =	vpop (erf);
	[tilespmem:s24+$0xFFFFFD70] =	vst v13  }
0x1dd: {  	v21 =	vld [tilespmem:s24+$0xFFFFFC80];
	v6 =	vmul.f32 v20, v23;
	[tilespmem:s20+$0xFFFFFFD0] =	vst v36  }
0x1de: {  	v23 =	vld [tilespmem:s24+$0xFFFFFD90];
	v24 =	vmul.f32 v20, v24;
	[tilespmem:s24+$0xFFFFFC10] =	vst v22  }
0x1df: {  	v26 =	vmul.f32 v26, v20;
	v13 =	vld [tilespmem:s28+$0xFFFFFFA0];
	[tilespmem:s24+$0xFFFFFC20] =	vst v6  }
0x1e0: {  	v19 =	vmul.f32 v19, v20;
	v22 =	vld [tilespmem:s24+$0xFFFFFCC0];
	[tilespmem:s24+$0xFFFFFC30] =	vst v24  }
0x1e1: {  	v6 =	vmul.f32 v25, v20;
	v25 =	vld [tilespmem:s24+$0xFFFFFDB0];
	[tilespmem:s24+$0xFFFFFC60] =	vst v26  }
0x1e2: {  	v24 =	vld [tilespmem:s24+$0xFFFFFDC0];
	[tilespmem:s24+$0xFFFFFC50] =	vst v19;
	v12 =	vmul.f32 v12, v20  }
0x1e3: {  	v26 =	vld [tilespmem:s24+$0xFFFFFDF0];
	v20 =	vmul.f32 v21, v20;
	[tilespmem:s24+$0xFFFFFC40] =	vst v6  }
0x1e4: {  	v21 =	vld [tilespmem:s24+$0xFFFFFE10];
	[tilespmem:s24+$0xFFFFFC70] =	vst v12  }
0x1e5: {  	v41 =	vld [tilespmem:s24+$0xFFFFFE80];
	[tilespmem:s24+$0xFFFFFC80] =	vst v20;
	v6 =	vpop (erf);
	v12 =	vmul.f32 v22, v17  }
0x1e6: {  	v19 =	vld [tilespmem:s24+$0xFFFFFDE0];
	v14 =	vmul.f32 v8, v23;
	[tilespmem:s20+$0xFFFFFFE0] =	vst v6  }
0x1e7: {  	v20 =	vld [tilespmem:s24+$0xFFFFFE30];
	[tilespmem:s24+$0xFFFFFCC0] =	vst v12;
	v12 =	vmul.f32 v27, v17  }
0x1e8: {  	v45 =	vmul.f32 v2, v10;
	v23 =	vld [tilespmem:s24+$0xFFFFFE50];
	[tilespmem:s24+$0xFFFFFD90] =	vst v14;
	v10 =	vmul.f32 v24, v8  }
0x1e9: {  	v22 =	vld [tilespmem:s24+$0xFFFFFE20];
	[tilespmem:s24+$0xFFFFFCE0] =	vst v12;
	v12 =	vmul.f32 v36, v21  }
0x1ea: {  	v46 =	vmul.f32 v7, v2;
	v14 =	vld [tilespmem:s24+$0xFFFFFE70];
	v17 =	vmul.f32 v34, v17;
	[tilespmem:s24+$0xFFFFFDC0] =	vst v10  }
0x1eb: {  	v24 =	vld [tilespmem:s25+$0xFFFFFFB0];
	v7 =	vmul.f32 v19, v8;
	[tilespmem:s24+$0xFFFFFE10] =	vst v12;
	v12 =	vmul.f32 $9.999999770e-03, v15  }
0x1ec: {  	vm7 =	vgt.f32 v15, $0.0e+00;
	v42 =	vld [tilespmem:s24+$0xFFFFFE90];
	[tilespmem:s24+$0xFFFFFD00] =	vst v17;
	v17 =	vmul.f32 v18, v30  }
0x1ed: {  	v16 =	vld [tilespmem:s24+$0xFFFFFEA0];
	[tilespmem:s24+$0xFFFFFDE0] =	vst v7;
	v12 =	vsel vm7, v15, v12;
	v15 =	vmul.f32 v31, v18  }
0x1ee: {  	v43 =	vld [tilespmem:s24+$0xFFFFFEB0];
	[tilespmem:s24+$0xFFFFFD30] =	vst v17;
	v17 =	vmul.f32 v32, v18;
	v12 =	vsub.f32 v12, v1  }
0x1ef: {  	v19 =	vld [tilespmem:s25+$0xFFFFFFC0];
	[tilespmem:s24+$0xFFFFFD40] =	vst v15;
	v15 =	vmul.f32 v33, v18  }
0x1f0: {  	v7 =	vmul.f32 v40, v8;
	[tilespmem:s24+$0xFFFFFD50] =	vst v17;
	v17 =	vld [tilespmem:s25+$0x0];
	v12 =	vmul.f32 $1.442695020e+00, v12  }
0x1f1: {  	v48 =	vld [tilespmem:s24+$0xFFFFFEC0];
	[tilespmem:s24+$0xFFFFFD60] =	vst v15;
	v15 =	vmul.f32 v35, v18  }
0x1f2: {  	v49 =	vld [tilespmem:s24+$0xFFFFFF00];
	[tilespmem:s24+$0xFFFFFE00] =	vst v7;
	(erf) = vpow2.f32 v12;
	v12 =	vmul.f32 v8, v37  }
0x1f3: {  	v21 =	vld [tilespmem:s24+$0xFFFFFE60];
	[tilespmem:s24+$0xFFFFFD80] =	vst v15;
	v15 =	vmul.f32 v8, v25  }
0x1f4: {  	v11 =	vmul.f32 v2, v11;
	v7 =	vmul.f32 v6, v42;
	v25 =	vld [tilespmem:s25+$0xFFFFFFA0];
	[tilespmem:s24+$0xFFFFFDA0] =	vst v12  }
0x1f5: {  	v9 =	vmul.f32 v2, v9;
	v17 =	vadd.f32 v17, v44;
	v12 =	vld [tilespmem:s28+$0xFFFFFFB0];
	[tilespmem:s24+$0xFFFFFDB0] =	vst v15;
	v15 =	vmul.f32 v38, v8  }
0x1f6: {  	v4 =	vmul.f32 v4, v2;
	v27 =	vld [tilespmem:s24+$0xFFFFFE40];
	v16 =	vmul.f32 v6, v16;
	[tilespmem:s24+$0xFFFFFE90] =	vst v7  }
0x1f7: {  	v10 =	vld [tilespmem:s28+$0xFFFFFFC0];
	[tilespmem:s24+$0xFFFFFDD0] =	vst v15;
	v15 =	vmul.f32 v26, v8;
	v26 =	vmul.f32 $9.999999770e-03, v17  }
0x1f8: {  	v3 =	vmul.f32 v3, v2;
	[tilespmem:s24+$0xFFFFFEA0] =	vst v16;
	v16 =	vld [tilespmem:s28+$0xFFFFFFF0];
	vm8 =	vgt.f32 v17, $0.0e+00;
	v8 =	vmul.f32 v36, v22  }
0x1f9: {  	v7 =	vmul.f32 v6, v43;
	v18 =	vld [tilespmem:s25+$0xFFFFFF90];
	v13 =	vadd.f32 v25, v13;
	v17 =	vsel vm8, v17, v26;
	[tilespmem:s24+$0xFFFFFDF0] =	vst v15  }
0x1fa: {  	v15 =	vmul.f32 v36, v20;
	[tilespmem:s24+$0xFFFFFE20] =	vst v8;
	v8 =	vmul.f32 v21, v36;
	v21 =	vld [tilespmem:s28+$0xFFFFFF90];
	v12 =	vadd.f32 v24, v12  }
0x1fb: {  	[tilespmem:s24+$0xFFFFFF90] =	vst v11;
	v14 =	vmul.f32 v14, v36;
	v22 =	vld [tilespmem:s28+$0xFFFFFFD0];
	v17 =	vsub.f32 v17, v1;
	v24 =	vmul.f32 $9.999999770e-03, v13  }
0x1fc: {  	v10 =	vadd.f32 v19, v10;
	v25 =	vld [tilespmem:s25+$0xFFFFFFE0];
	vm9 =	vgt.f32 v13, $0.0e+00;
	[tilespmem:s24+$0xFFFFFE30] =	vst v15;
	v15 =	vmul.f32 $9.999999770e-03, v12  }
0x1fd: {  	[tilespmem:s24+$0xFFFFFFA0] =	vst v45;
	v26 =	vld [tilespmem:s25+$0xFFFFFFD0];
	vm10 =	vgt.f32 v12, $0.0e+00;
	v17 =	vmul.f32 $1.442695020e+00, v17;
	v13 =	vsel vm9, v13, v24  }
0x1fe: {  	[tilespmem:s24+$0xFFFFFEB0] =	vst v7;
	v20 =	vmul.f32 v27, v36;
	v27 =	vld [tilespmem:s28+$0xFFFFFFE0];
	v7 =	vpop (erf);
	v13 =	vsub.f32 v13, v1;
	v12 =	vsel vm10, v12, v15  }
0x1ff: {  	[tilespmem:s20+$0xFFFFFFF0] =	vst v7;
	v24 =	vld [tilespmem:s24+$0xFFFFFED0];
	(erf) = vpow2.f32 v17;
	v17 =	vadd.f32 v18, v21;
	v18 =	vmul.f32 $9.999999770e-03, v10  }
0x200: {  	v2 =	vmul.f32 v5, v2;
	[tilespmem:s24+$0xFFFFFE70] =	vst v14;
	vm11 =	vgt.f32 v10, $0.0e+00;
	v50 =	vld [tilespmem:s24+$0xFFFFFF10];
	v12 =	vsub.f32 v12, v1  }
0x201: {  	[tilespmem:s24+$0xFFFFFE60] =	vst v8;
	v11 =	vld [tilespmem:s24+$0xFFFFFF40];
	v13 =	vmul.f32 $1.442695020e+00, v13;
	v15 =	vmul.f32 $9.999999770e-03, v17;
	v8 =	vsel vm11, v10, v18  }
0x202: {  	[tilespmem:s24+$0xFFFFFE40] =	vst v20;
	v5 =	vld [tilespmem:s24+$0xFFFFFF80];
	v20 =	vadd.f32 v26, v22;
	vm12 =	vgt.f32 v17, $0.0e+00;
	v14 =	vsub.f32 v8, v1  }
0x203: {  	[tilespmem:s24+$0xFFFFFFB0] =	vst v9;
	v21 =	vld [tilespmem:s24+$0xFFFFFEE0];
	v12 =	vmul.f32 $1.442695020e+00, v12;
	(erf) = vpow2.f32 v13;
	v10 =	vsel vm12, v17, v15  }
0x204: {  	[tilespmem:s24+$0xFFFFFFD0] =	vst v4;
	v28 =	vmul.f32 v41, v36;
	v26 =	vld [tilespmem:s24+$0xFFFFFEF0];
	v17 =	vsub.f32 v10, v1;
	v14 =	vmul.f32 $1.442695020e+00, v14  }
0x205: {  	[tilespmem:s24+$0xFFFFFFC0] =	vst v46;
	v8 =	vld [tilespmem:s24+$0xFFFFFF20];
	v15 =	vmul.f32 $9.999999770e-03, v20;
	(erf) = vpow2.f32 v12  }
0x206: {  	[tilespmem:s24+$0xFFFFFFE0] =	vst v3;
	vm13 =	vgt.f32 v20, $0.0e+00;
	v12 =	vld [tilespmem:s24+$0xFFFFFF50];
	v13 =	vmul.f32 $1.442695020e+00, v17;
	(erf) = vpow2.f32 v14  }
0x207: {  	[tilespmem:s24+$0xFFFFFFF0] =	vst v2;
	v9 =	vadd.f32 v25, v27;
	v10 =	vld [tilespmem:s24+$0xFFFFFF30];
	v14 =	vsel vm13, v20, v15  }
0x208: {  	[tilespmem:s24+$0xFFFFFE80] =	vst v28;
	v23 =	vmul.f32 v23, v36;
	v15 =	vld [tilespmem:s24+$0xFFFFFF60];
	v19 =	vpop (erf);
	(erf) = vpow2.f32 v13;
	v13 =	vsub.f32 v14, v1  }
0x209: {  	s20 =	simm.s32 $0x1AF60;
	v4 =	vmul.f32 $9.999999770e-03, v9;
	v2 =	vmul.f32 v24, v6;
	v17 =	vld [tilespmem:s24+$0xFFFFFF70];
	[tilespmem:s28+$0x0] =	vst v19  }
0x20a: {  	[tilespmem:s24+$0xFFFFFE50] =	vst v23;
	vm14 =	vgt.f32 v9, $0.0e+00;
	v22 =	vld [tilespmem:s20+$0x0];
	v3 =	vmul.f32 $1.442695020e+00, v13;
	v13 =	vmul.f32 v48, v6  }
0x20b: {  	v4 =	vsel vm14, v9, v4;
	[tilespmem:s24+$0xFFFFFED0] =	vst v2;
	v18 =	vld [tilespmem:s20+$0xFFFFFF90]  }
0x20c: {  	v20 =	vld [tilespmem:s20+$0xFFFFFFA0];
	v9 =	vpop (erf);
	(erf) = vpow2.f32 v3;
	[tilespmem:s24+$0xFFFFFEC0] =	vst v13;
	v3 =	vsub.f32 v4, v1;
	v4 =	vmul.f32 v21, v6  }
0x20d: {  	v53 =	vld [tilespmem:s20+$0xFFFFFFD0];
	[tilespmem:s28+$0xFFFFFFA0] =	vst v9  }
0x20e: {  	v14 =	vld [tilespmem:s20+$0xFFFFFC90];
	v13 =	vpop (erf);
	v3 =	vmul.f32 $1.442695020e+00, v3;
	[tilespmem:s24+$0xFFFFFEE0] =	vst v4  }
0x20f: {  	v57 =	vld [tilespmem:s20+$0xFFFFFFE0];
	v4 =	vmul.f32 v26, v6;
	v2 =	vmul.f32 v22, v19;
	v23 =	vpop (erf);
	[tilespmem:s28+$0xFFFFFFB0] =	vst v13  }
0x210: {  	(erf) = vpow2.f32 v3;
	v3 =	vmul.f32 v49, v6;
	v6 =	vld [tilespmem:s20+$0xFFFFFCB0];
	[tilespmem:s28+$0xFFFFFFC0] =	vst v23  }
0x211: {  	[tilespmem:s20+$0x0] =	vst v2;
	v2 =	vld [tilespmem:s20+$0xFFFFFCA0];
	v24 =	vpop (erf)  }
0x212: {  	v60 =	vld [tilespmem:s20+$0xFFFFFDF0];
	[tilespmem:s28+$0xFFFFFF90] =	vst v24  }
0x213: {  	[tilespmem:s24+$0xFFFFFEF0] =	vst v4;
	v14 =	vmul.f32 v9, v14;
	v25 =	vld [tilespmem:s20+$0xFFFFFC10]  }
0x214: {  	v21 =	vld [tilespmem:s20+$0xFFFFFFB0];
	[tilespmem:s24+$0xFFFFFF00] =	vst v3  }
0x215: {  	v16 =	vadd.f32 v47, v16;
	v3 =	vld [tilespmem:s20+$0xFFFFFC20];
	[tilespmem:s20+$0xFFFFFC90] =	vst v14;
	v4 =	vpop (erf);
	v6 =	vmul.f32 v9, v6  }
0x216: {  	v26 =	vld [tilespmem:s20+$0xFFFFFC30];
	[tilespmem:s28+$0xFFFFFFD0] =	vst v4;
	v2 =	vmul.f32 v9, v2  }
0x217: {  	v29 =	vmul.f32 $9.999999770e-03, v16;
	v27 =	vld [tilespmem:s20+$0xFFFFFC40];
	v61 =	vmul.f32 v60, v23;
	[tilespmem:s20+$0xFFFFFCB0] =	vst v6  }
0x218: {  	vm15 =	vgt.f32 v16, $0.0e+00;
	v54 =	vld [tilespmem:s20+$0xFFFFFCC0];
	v14 =	vmul.f32 v24, v25;
	[tilespmem:s20+$0xFFFFFCA0] =	vst v2  }
0x219: {  	v25 =	vld [tilespmem:s20+$0xFFFFFC60];
	v2 =	vsel vm15, v16, v29;
	v16 =	vmul.f32 v7, v50;
	[tilespmem:s20+$0xFFFFFDF0] =	vst v61  }
0x21a: {  	v51 =	vld [tilespmem:s20+$0xFFFFFC50];
	v3 =	vmul.f32 v24, v3;
	[tilespmem:s20+$0xFFFFFC10] =	vst v14  }
0x21b: {  	v6 =	vld [tilespmem:s20+$0xFFFFFC80];
	v14 =	vsub.f32 v2, v1;
	[tilespmem:s24+$0xFFFFFF10] =	vst v16;
	v16 =	vmul.f32 v24, v26  }
0x21c: {  	v52 =	vld [tilespmem:s20+$0xFFFFFC70];
	[tilespmem:s20+$0xFFFFFC20] =	vst v3;
	v3 =	vmul.f32 v27, v24  }
0x21d: {  	v26 =	vld [tilespmem:s20+$0xFFFFFCD0];
	v14 =	vmul.f32 $1.442695020e+00, v14;
	[tilespmem:s20+$0xFFFFFC30] =	vst v16  }
0x21e: {  	v2 =	vpop (erf);
	v16 =	vld [tilespmem:s20+$0xFFFFFCF0];
	[tilespmem:s20+$0xFFFFFC40] =	vst v3;
	v3 =	vmul.f32 v25, v24  }
0x21f: {  	v55 =	vld [tilespmem:s20+$0xFFFFFD10];
	[tilespmem:s28+$0xFFFFFFE0] =	vst v2;
	(erf) = vpow2.f32 v14;
	v14 =	vmul.f32 v51, v24  }
0x220: {  	v56 =	vld [tilespmem:s20+$0xFFFFFD60];
	[tilespmem:s20+$0xFFFFFC60] =	vst v3;
	v3 =	vmul.f32 v6, v24  }
0x221: {  	v27 =	vld [tilespmem:s20+$0xFFFFFCE0];
	[tilespmem:s20+$0xFFFFFC50] =	vst v14;
	v14 =	vmul.f32 v52, v24  }
0x222: {  	v6 =	vld [tilespmem:s20+$0xFFFFFD20];
	[tilespmem:s20+$0xFFFFFC80] =	vst v3;
	v3 =	vmul.f32 v26, v9  }
0x223: {  	v25 =	vld [tilespmem:s20+$0xFFFFFD00];
	v16 =	vmul.f32 v16, v9;
	[tilespmem:s20+$0xFFFFFC70] =	vst v14  }
0x224: {  	v26 =	vld [tilespmem:s20+$0xFFFFFD40];
	v14 =	vmul.f32 v54, v9;
	[tilespmem:s20+$0xFFFFFCD0] =	vst v3  }
0x225: {  	v24 =	vld [tilespmem:s20+$0xFFFFFD30];
	v3 =	vmul.f32 v13, v55;
	[tilespmem:s20+$0xFFFFFCF0] =	vst v16  }
0x226: {  	v58 =	vld [tilespmem:s20+$0xFFFFFDD0];
	[tilespmem:s20+$0xFFFFFCC0] =	vst v14;
	v14 =	vmul.f32 v27, v9  }
0x227: {  	v16 =	vld [tilespmem:s20+$0xFFFFFD90];
	v6 =	vmul.f32 v13, v6;
	[tilespmem:s20+$0xFFFFFD10] =	vst v3  }
0x228: {  	v27 =	vld [tilespmem:s20+$0xFFFFFD50];
	v9 =	vmul.f32 v25, v9;
	[tilespmem:s20+$0xFFFFFCE0] =	vst v14  }
0x229: {  	v25 =	vld [tilespmem:s20+$0xFFFFFD80];
	[tilespmem:s20+$0xFFFFFD20] =	vst v6;
	v6 =	vmul.f32 v26, v13  }
0x22a: {  	v14 =	vld [tilespmem:s20+$0xFFFFFD70];
	[tilespmem:s20+$0xFFFFFD00] =	vst v9;
	v9 =	vmul.f32 v13, v24  }
0x22b: {  	v24 =	vld [tilespmem:s20+$0xFFFFFDA0];
	[tilespmem:s20+$0xFFFFFD40] =	vst v6;
	v6 =	vmul.f32 v56, v13  }
0x22c: {  	v22 =	vld [tilespmem:s20+$0xFFFFFFC0];
	[tilespmem:s20+$0xFFFFFD30] =	vst v9;
	v16 =	vmul.f32 v23, v16  }
0x22d: {  	v26 =	vld [tilespmem:s20+$0xFFFFFDB0];
	v9 =	vmul.f32 v27, v13;
	[tilespmem:s20+$0xFFFFFD60] =	vst v6  }
0x22e: {  	v27 =	vld [tilespmem:s20+$0xFFFFFDC0];
	v6 =	vmul.f32 v25, v13;
	[tilespmem:s20+$0xFFFFFD90] =	vst v16;
	v16 =	vmul.f32 v15, v7  }
0x22f: {  	v59 =	vld [tilespmem:s20+$0xFFFFFDE0];
	v15 =	vmul.f32 v58, v23;
	[tilespmem:s20+$0xFFFFFD50] =	vst v9;
	v14 =	vmul.f32 v14, v13  }
0x230: {  	v9 =	vmul.f32 v7, v8;
	v8 =	vmul.f32 v23, v24;
	v24 =	vld [tilespmem:s20+$0xFFFFFE00];
	[tilespmem:s20+$0xFFFFFD80] =	vst v6  }
0x231: {  	v13 =	vmul.f32 v11, v7;
	v11 =	vld [tilespmem:s20+$0xFFFFFE10];
	[tilespmem:s20+$0xFFFFFDD0] =	vst v15  }
0x232: {  	v10 =	vmul.f32 v7, v10;
	v6 =	vmul.f32 v23, v26;
	v26 =	vld [tilespmem:s20+$0xFFFFFE30];
	[tilespmem:s20+$0xFFFFFD70] =	vst v14  }
0x233: {  	v14 =	vmul.f32 v12, v7;
	[tilespmem:s20+$0xFFFFFDA0] =	vst v8;
	v12 =	vld [tilespmem:s20+$0xFFFFFE20];
	v8 =	vmul.f32 v27, v23  }
0x234: {  	v17 =	vmul.f32 v17, v7;
	v25 =	vld [tilespmem:s20+$0xFFFFFFF0];
	v15 =	vmul.f32 v19, v20;
	[tilespmem:s20+$0xFFFFFDB0] =	vst v6  }
0x235: {  	v3 =	vpop (erf);
	v27 =	vld [tilespmem:s20+$0xFFFFFE40];
	v6 =	vmul.f32 v19, v18;
	[tilespmem:s20+$0xFFFFFDC0] =	vst v8;
	v8 =	vmul.f32 v59, v23  }
0x236: {  	v62 =	vld [tilespmem:s20+$0xFFFFFE50];
	[tilespmem:s28+$0xFFFFFFF0] =	vst v3;
	v18 =	vmul.f32 v5, v7;
	v5 =	vmul.f32 v4, v11  }
0x237: {  	v63 =	vld [tilespmem:s20+$0xFFFFFE60];
	v7 =	vmul.f32 v24, v23;
	v11 =	vmul.f32 v19, v21;
	[tilespmem:s20+$0xFFFFFDE0] =	vst v8  }
0x238: {  	v20 =	vld [tilespmem:s20+$0xFFFFFE70];
	v23 =	vmul.f32 v4, v26;
	v8 =	vmul.f32 v4, v12;
	[tilespmem:s20+$0xFFFFFE10] =	vst v5  }
0x239: {  	v21 =	vld [tilespmem:s20+$0xFFFFFE80];
	v12 =	vmul.f32 v22, v19;
	[tilespmem:s20+$0xFFFFFE00] =	vst v7;
	v7 =	vmul.f32 v53, v19  }
0x23a: {  	v22 =	vld [tilespmem:s20+$0xFFFFFE90];
	v5 =	vmul.f32 v25, v19;
	v24 =	vmul.f32 v27, v4;
	[tilespmem:s20+$0xFFFFFE30] =	vst v23  }
0x23b: {  	v25 =	vmul.f32 v62, v4;
	[tilespmem:s20+$0xFFFFFE20] =	vst v8;
	v8 =	vmul.f32 v57, v19;
	v19 =	vld [tilespmem:s20+$0xFFFFFEA0]  }
0x23c: {  	s3 =	simm.s32 $0x160D0;
	s1 =	simm.s32 $0x8;
	s2 =	simm.s32 $0x167E0;
	v23 =	vld [tilespmem:s20+$0xFFFFFEB0];
	[tilespmem:s20+$0xFFFFFE40] =	vst v24;
	v24 =	vmul.f32 v63, v4  }
.LBB2_11:
0x23d: {  	v26 =	vld [tilespmem:s2+$0x0];
	[tilespmem:s20+$0xFFFFFE50] =	vst v25;
	v20 =	vmul.f32 v20, v4;
	s25 =	sadd.s32 $0x80, s25  }
0x23e: {  	s1 =	sadd.s32 $0x8, s1;
	v25 =	vld [tilespmem:s25+$0x0];
	[tilespmem:s20+$0xFFFFFE60] =	vst v24;
	v4 =	vmul.f32 v21, v4  }
0x23f: {  	p1 =	slt.u32 s1, $0x48;
	v21 =	vld [tilespmem:s25+$0xFFFFFF90];
	[tilespmem:s20+$0xFFFFFE70] =	vst v20;
	v20 =	vmul.f32 v2, v22  }
0x240: {  	v22 =	vld [tilespmem:s2+$0xFFFFFFA0];
	[tilespmem:s20+$0xFFFFFE80] =	vst v4;
	v4 =	vmul.f32 v2, v19  }
0x241: {  	v19 =	vld [tilespmem:s25+$0xFFFFFFA0];
	[tilespmem:s20+$0xFFFFFE90] =	vst v20;
	v20 =	vmul.f32 v2, v23  }
0x242: {  	v23 =	vld [tilespmem:s2+$0xFFFFFFB0];
	[tilespmem:s20+$0xFFFFFEA0] =	vst v4  }
0x243: {  	v4 =	vld [tilespmem:s25+$0xFFFFFFB0];
	v24 =	vadd.f32 v25, v26;
	[tilespmem:s20+$0xFFFFFEB0] =	vst v20  }
0x244: {  	v20 =	vld [tilespmem:s2+$0xFFFFFFC0];
	[tilespmem:s24+$0xFFFFFF20] =	vst v9  }
0x245: {  	v9 =	vld [tilespmem:s25+$0xFFFFFFC0];
	v25 =	vmul.f32 $9.999999770e-03, v24;
	[tilespmem:s24+$0xFFFFFF30] =	vst v10  }
0x246: {  	vm0 =	vgt.f32 v24, $0.0e+00;
	v10 =	vadd.f32 v19, v22;
	v19 =	vld [tilespmem:s2+$0xFFFFFFD0];
	[tilespmem:s24+$0xFFFFFF40] =	vst v13  }
0x247: {  	v13 =	vld [tilespmem:s25+$0xFFFFFFD0];
	v22 =	vsel vm0, v24, v25;
	[tilespmem:s24+$0xFFFFFF50] =	vst v14  }
0x248: {  	v14 =	vmul.f32 $9.999999770e-03, v10;
	v4 =	vadd.f32 v4, v23;
	v23 =	vld [tilespmem:s2+$0xFFFFFFE0];
	v22 =	vsub.f32 v22, v1;
	[tilespmem:s24+$0xFFFFFF60] =	vst v16  }
0x249: {  	vm0 =	vgt.f32 v10, $0.0e+00;
	v16 =	vld [tilespmem:s25+$0xFFFFFFE0];
	[tilespmem:s24+$0xFFFFFF70] =	vst v17  }
0x24a: {  	v17 =	vmul.f32 $9.999999770e-03, v4;
	v9 =	vadd.f32 v9, v20;
	v20 =	vld [tilespmem:s2+$0xFFFFFFF0];
	v22 =	vmul.f32 $1.442695020e+00, v22;
	[tilespmem:s24+$0xFFFFFF80] =	vst v18;
	s24 =	smov.u32 s20  }
0x24b: {  	v10 =	vsel vm0, v10, v14;
	vm0 =	vgt.f32 v4, $0.0e+00;
	v14 =	vld [tilespmem:s25+$0xFFFFFFF0];
	[tilespmem:s20+$0xFFFFFF90] =	vst v6  }
0x24c: {  	v6 =	vld [tilespmem:s2+$0xFFFFFF90];
	v18 =	vmul.f32 $9.999999770e-03, v9;
	v13 =	vadd.f32 v13, v19;
	(erf) = vpow2.f32 v22;
	[tilespmem:s20+$0xFFFFFFA0] =	vst v15  }
0x24d: {  	v10 =	vsub.f32 v10, v1;
	v4 =	vsel vm0, v4, v17;
	vm0 =	vgt.f32 v9, $0.0e+00;
	v15 =	vld [tilespmem:s20+$0xFFFFFEC0];
	[tilespmem:s20+$0xFFFFFFB0] =	vst v11  }
0x24e: {  	vm1 =	vgt.f32 v13, $0.0e+00;
	v11 =	vmul.f32 $9.999999770e-03, v13;
	v16 =	vadd.f32 v16, v23;
	v17 =	vld [tilespmem:s20+$0xFFFFFED0];
	[tilespmem:s20+$0xFFFFFFC0] =	vst v12  }
0x24f: {  	v10 =	vmul.f32 $1.442695020e+00, v10;
	v4 =	vsub.f32 v4, v1;
	v9 =	vsel vm0, v9, v18;
	v12 =	vld [tilespmem:s20+$0xFFFFFEE0];
	[tilespmem:s20+$0xFFFFFFD0] =	vst v7  }
0x250: {  	vm0 =	vgt.f32 v16, $0.0e+00;
	v7 =	vmul.f32 $9.999999770e-03, v16;
	v14 =	vadd.f32 v14, v20;
	v18 =	vld [tilespmem:s20+$0xFFFFFEF0];
	[tilespmem:s20+$0xFFFFFFE0] =	vst v8  }
0x251: {  	v8 =	vsub.f32 v9, v1;
	v9 =	vsel vm1, v13, v11;
	v6 =	vadd.f32 v21, v6;
	v11 =	vld [tilespmem:s20+$0xFFFFFF00];
	[tilespmem:s20+$0xFFFFFFF0] =	vst v5  }
0x252: {  	v5 =	vsel vm0, v16, v7;
	vm0 =	vgt.f32 v14, $0.0e+00;
	v7 =	vmul.f32 $9.999999770e-03, v14;
	v13 =	vld [tilespmem:s20+$0xFFFFFF10]  }
0x253: {  	v9 =	vsub.f32 v9, v1;
	vm1 =	vgt.f32 v6, $0.0e+00;
	v16 =	vmul.f32 $9.999999770e-03, v6;
	v19 =	vld [tilespmem:s20+$0xFFFFFF20]  }
0x254: {  	v4 =	vmul.f32 $1.442695020e+00, v4;
	v5 =	vsub.f32 v5, v1;
	v7 =	vsel vm0, v14, v7;
	v14 =	vld [tilespmem:s20+$0xFFFFFF30]  }
0x255: {  	v8 =	vmul.f32 $1.442695020e+00, v8;
	v6 =	vsel vm1, v6, v16;
	v7 =	vsub.f32 v7, v1;
	v20 =	vpop (erf);
	v16 =	vld [tilespmem:s20+$0xFFFFFF40]  }
0x256: {  	v9 =	vmul.f32 $1.442695020e+00, v9;
	v5 =	vmul.f32 $1.442695020e+00, v5;
	s20 =	sadd.s32 $0x400, s20;
	v6 =	vsub.f32 v6, v1;
	[tilespmem:s2+$0x0] =	vst v20;
	v21 =	vld [tilespmem:s24+$0xFFFFFF50]  }
0x257: {  	v7 =	vmul.f32 $1.442695020e+00, v7;
	v22 =	vld [tilespmem:s20+$0x0];
	(erf) = vpow2.f32 v10  }
0x258: {  	v6 =	vmul.f32 $1.442695020e+00, v6;
	(erf) = vpow2.f32 v4;
	v4 =	vld [tilespmem:s24+$0xFFFFFF60]  }
0x259: {  	(erf) = vpow2.f32 v8;
	v8 =	vmul.f32 v15, v2;
	v15 =	vld [tilespmem:s24+$0xFFFFFF70]  }
0x25a: {  	(erf) = vpow2.f32 v6;
	v6 =	vmul.f32 v17, v2;
	v23 =	vld [tilespmem:s24+$0xFFFFFF80]  }
0x25b: {  	v24 =	vld [tilespmem:s20+$0xFFFFFF90];
	(erf) = vpow2.f32 v9;
	[tilespmem:s24+$0xFFFFFEC0] =	vst v8;
	v8 =	vmul.f32 v12, v2  }
0x25c: {  	v12 =	vld [tilespmem:s20+$0xFFFFFFA0];
	v9 =	vmul.f32 v22, v20;
	(erf) = vpow2.f32 v5;
	[tilespmem:s24+$0xFFFFFED0] =	vst v6  }
0x25d: {  	v6 =	vmul.f32 v18, v2;
	v5 =	vld [tilespmem:s20+$0xFFFFFFB0];
	(erf) = vpow2.f32 v7;
	[tilespmem:s24+$0xFFFFFEE0] =	vst v8  }
0x25e: {  	v2 =	vmul.f32 v11, v2;
	v22 =	vmul.f32 v3, v13;
	v7 =	vld [tilespmem:s20+$0xFFFFFFC0];
	[tilespmem:s20+$0x0] =	vst v9  }
0x25f: {  	v10 =	vmul.f32 v3, v14;
	v9 =	vmul.f32 v3, v19;
	v8 =	vld [tilespmem:s20+$0xFFFFFFD0];
	[tilespmem:s24+$0xFFFFFEF0] =	vst v6  }
0x260: {  	v14 =	vmul.f32 v21, v3;
	v13 =	vmul.f32 v16, v3;
	v25 =	vld [tilespmem:s20+$0xFFFFFFE0];
	v26 =	vpop (erf);
	[tilespmem:s24+$0xFFFFFF00] =	vst v2  }
0x261: {  	v16 =	vmul.f32 v4, v3;
	v17 =	vmul.f32 v15, v3;
	[tilespmem:s2+$0xFFFFFFA0] =	vst v26;
	v21 =	vld [tilespmem:s20+$0xFFFFFFF0];
	v27 =	vpop (erf)  }
0x262: {  	v18 =	vmul.f32 v23, v3;
	v6 =	vmul.f32 v20, v24;
	v28 =	vld [tilespmem:s20+$0xFFFFFC90];
	[tilespmem:s2+$0xFFFFFFB0] =	vst v27;
	v19 =	vpop (erf)  }
0x263: {  	v15 =	vmul.f32 v20, v12;
	v11 =	vmul.f32 v20, v5;
	v23 =	vld [tilespmem:s20+$0xFFFFFCA0];
	[tilespmem:s2+$0xFFFFFFC0] =	vst v19;
	v24 =	vpop (erf)  }
0x264: {  	v12 =	vmul.f32 v7, v20;
	[tilespmem:s2+$0xFFFFFF90] =	vst v24;
	v29 =	vld [tilespmem:s20+$0xFFFFFCB0];
	v7 =	vmul.f32 v8, v20;
	v4 =	vpop (erf)  }
0x265: {  	v30 =	vld [tilespmem:s20+$0xFFFFFC10];
	[tilespmem:s2+$0xFFFFFFD0] =	vst v4;
	v8 =	vmul.f32 v25, v20;
	v2 =	vpop (erf)  }
0x266: {  	v25 =	vld [tilespmem:s20+$0xFFFFFC20];
	[tilespmem:s2+$0xFFFFFFE0] =	vst v2;
	v5 =	vmul.f32 v21, v20;
	v3 =	vpop (erf)  }
0x267: {  	v20 =	vld [tilespmem:s20+$0xFFFFFC30];
	v21 =	vmul.f32 v26, v28;
	[tilespmem:s2+$0xFFFFFFF0] =	vst v3  }
0x268: {  	v28 =	vld [tilespmem:s20+$0xFFFFFC40];
	v23 =	vmul.f32 v26, v23;
	[tilespmem:s24+$0xFFFFFF10] =	vst v22  }
0x269: {  	v22 =	vld [tilespmem:s20+$0xFFFFFC50];
	[tilespmem:s20+$0xFFFFFC90] =	vst v21;
	v21 =	vmul.f32 v26, v29  }
0x26a: {  	v29 =	vmul.f32 v24, v30;
	v30 =	vld [tilespmem:s20+$0xFFFFFC60];
	[tilespmem:s20+$0xFFFFFCA0] =	vst v23  }
0x26b: {  	v23 =	vmul.f32 v24, v25;
	v25 =	vld [tilespmem:s20+$0xFFFFFC70];
	[tilespmem:s20+$0xFFFFFCB0] =	vst v21  }
0x26c: {  	[tilespmem:s20+$0xFFFFFC10] =	vst v29;
	v20 =	vmul.f32 v24, v20;
	v21 =	vld [tilespmem:s20+$0xFFFFFC80]  }
0x26d: {  	[tilespmem:s20+$0xFFFFFC20] =	vst v23;
	v23 =	vmul.f32 v28, v24;
	v28 =	vld [tilespmem:s20+$0xFFFFFCC0]  }
0x26e: {  	[tilespmem:s20+$0xFFFFFC30] =	vst v20;
	v20 =	vmul.f32 v22, v24;
	v22 =	vld [tilespmem:s20+$0xFFFFFCD0]  }
0x26f: {  	[tilespmem:s20+$0xFFFFFC40] =	vst v23;
	v23 =	vmul.f32 v30, v24;
	v29 =	vld [tilespmem:s20+$0xFFFFFCE0]  }
0x270: {  	[tilespmem:s20+$0xFFFFFC50] =	vst v20;
	v20 =	vmul.f32 v25, v24;
	v25 =	vld [tilespmem:s20+$0xFFFFFCF0]  }
0x271: {  	[tilespmem:s20+$0xFFFFFC60] =	vst v23;
	v21 =	vmul.f32 v21, v24;
	v23 =	vld [tilespmem:s20+$0xFFFFFD00]  }
0x272: {  	[tilespmem:s20+$0xFFFFFC70] =	vst v20;
	v20 =	vmul.f32 v28, v26;
	v24 =	vld [tilespmem:s20+$0xFFFFFD10]  }
0x273: {  	[tilespmem:s20+$0xFFFFFC80] =	vst v21;
	v21 =	vmul.f32 v22, v26;
	v22 =	vld [tilespmem:s20+$0xFFFFFD20]  }
0x274: {  	[tilespmem:s20+$0xFFFFFCC0] =	vst v20;
	v20 =	vmul.f32 v29, v26;
	v28 =	vld [tilespmem:s20+$0xFFFFFD30]  }
0x275: {  	[tilespmem:s20+$0xFFFFFCD0] =	vst v21;
	v21 =	vmul.f32 v25, v26;
	v25 =	vld [tilespmem:s20+$0xFFFFFD40]  }
0x276: {  	[tilespmem:s20+$0xFFFFFCE0] =	vst v20;
	v20 =	vmul.f32 v23, v26;
	v23 =	vld [tilespmem:s20+$0xFFFFFD50]  }
0x277: {  	[tilespmem:s20+$0xFFFFFCF0] =	vst v21;
	v21 =	vmul.f32 v27, v24;
	v24 =	vld [tilespmem:s20+$0xFFFFFD60]  }
0x278: {  	[tilespmem:s20+$0xFFFFFD00] =	vst v20;
	v20 =	vmul.f32 v27, v22;
	v22 =	vld [tilespmem:s20+$0xFFFFFD70]  }
0x279: {  	[tilespmem:s20+$0xFFFFFD10] =	vst v21;
	v21 =	vmul.f32 v27, v28;
	v26 =	vld [tilespmem:s20+$0xFFFFFD80]  }
0x27a: {  	[tilespmem:s20+$0xFFFFFD20] =	vst v20;
	v20 =	vmul.f32 v25, v27;
	v25 =	vld [tilespmem:s20+$0xFFFFFD90]  }
0x27b: {  	[tilespmem:s20+$0xFFFFFD30] =	vst v21;
	v21 =	vmul.f32 v23, v27;
	v23 =	vld [tilespmem:s20+$0xFFFFFDA0]  }
0x27c: {  	[tilespmem:s20+$0xFFFFFD40] =	vst v20;
	v20 =	vmul.f32 v24, v27;
	v24 =	vld [tilespmem:s20+$0xFFFFFDB0]  }
0x27d: {  	[tilespmem:s20+$0xFFFFFD50] =	vst v21;
	v21 =	vmul.f32 v22, v27;
	v22 =	vld [tilespmem:s20+$0xFFFFFDC0]  }
0x27e: {  	[tilespmem:s20+$0xFFFFFD60] =	vst v20;
	v20 =	vmul.f32 v26, v27;
	v26 =	vld [tilespmem:s20+$0xFFFFFDD0]  }
0x27f: {  	[tilespmem:s20+$0xFFFFFD70] =	vst v21;
	v21 =	vmul.f32 v19, v25;
	v25 =	vld [tilespmem:s20+$0xFFFFFDE0]  }
0x280: {  	[tilespmem:s20+$0xFFFFFD80] =	vst v20;
	v20 =	vmul.f32 v19, v23;
	v23 =	vld [tilespmem:s20+$0xFFFFFDF0]  }
0x281: {  	[tilespmem:s20+$0xFFFFFD90] =	vst v21;
	v21 =	vmul.f32 v19, v24;
	v24 =	vld [tilespmem:s20+$0xFFFFFE00]  }
0x282: {  	[tilespmem:s20+$0xFFFFFDA0] =	vst v20;
	v20 =	vmul.f32 v22, v19;
	v22 =	vld [tilespmem:s20+$0xFFFFFE10]  }
0x283: {  	[tilespmem:s20+$0xFFFFFDB0] =	vst v21;
	v21 =	vmul.f32 v26, v19;
	v26 =	vld [tilespmem:s20+$0xFFFFFE20]  }
0x284: {  	[tilespmem:s20+$0xFFFFFDC0] =	vst v20;
	v20 =	vmul.f32 v25, v19;
	v25 =	vld [tilespmem:s20+$0xFFFFFE30]  }
0x285: {  	[tilespmem:s20+$0xFFFFFDD0] =	vst v21;
	v21 =	vmul.f32 v23, v19;
	v23 =	vld [tilespmem:s20+$0xFFFFFE40]  }
0x286: {  	[tilespmem:s20+$0xFFFFFDE0] =	vst v20;
	v19 =	vmul.f32 v24, v19;
	v24 =	vld [tilespmem:s20+$0xFFFFFE50]  }
0x287: {  	[tilespmem:s20+$0xFFFFFDF0] =	vst v21;
	v21 =	vmul.f32 v4, v22;
	v27 =	vld [tilespmem:s20+$0xFFFFFE60]  }
.Ltmp6:
0x288: {  	[tilespmem:s20+$0xFFFFFE00] =	vst v19;
	v19 =	vmul.f32 v4, v26;
	v20 =	vld [tilespmem:s20+$0xFFFFFE70];
	(pc) =	sbr.rel @p1 .LBB2_11-.Ltmp6, $4  }
0x289: {  	[tilespmem:s20+$0xFFFFFE10] =	vst v21;
	v25 =	vmul.f32 v4, v25;
	v21 =	vld [tilespmem:s20+$0xFFFFFE80]  }
0x28a: {  	[tilespmem:s20+$0xFFFFFE20] =	vst v19;
	v23 =	vmul.f32 v23, v4;
	v22 =	vld [tilespmem:s20+$0xFFFFFE90]  }
0x28b: {  	[tilespmem:s20+$0xFFFFFE30] =	vst v25;
	v25 =	vmul.f32 v24, v4;
	v19 =	vld [tilespmem:s20+$0xFFFFFEA0]  }
0x28c: {  	s2 =	sadd.s32 $0x80, s2;
	[tilespmem:s20+$0xFFFFFE40] =	vst v23;
	v24 =	vmul.f32 v27, v4;
	v23 =	vld [tilespmem:s20+$0xFFFFFEB0]  }
0x28d: {  	[tilespmem:s20+$0xFFFFFE50] =	vst v25  }
0x28e: {  	[tilespmem:s24+$0xFFFFFF20] =	vst v9  }
0x28f: {  	[tilespmem:s24+$0xFFFFFF30] =	vst v10  }
0x290: {  	[tilespmem:s24+$0xFFFFFF40] =	vst v13  }
0x291: {  	[tilespmem:s24+$0xFFFFFF50] =	vst v14  }
0x292: {  	[tilespmem:s24+$0xFFFFFF60] =	vst v16  }
0x293: {  	[tilespmem:s24+$0xFFFFFF70] =	vst v17  }
0x294: {  	[tilespmem:s24+$0xFFFFFF80] =	vst v18  }
0x295: {  	[tilespmem:s20+$0xFFFFFF90] =	vst v6  }
0x296: {  	[tilespmem:s20+$0xFFFFFFA0] =	vst v15  }
0x297: {  	[tilespmem:s20+$0xFFFFFFB0] =	vst v11  }
0x298: {  	[tilespmem:s20+$0xFFFFFFC0] =	vst v12  }
0x299: {  	v20 =	vmul.f32 v20, v4;
	[tilespmem:s20+$0xFFFFFFD0] =	vst v7;
	v4 =	vmul.f32 v21, v4  }
0x29a: {  	[tilespmem:s20+$0xFFFFFFE0] =	vst v8  }
0x29b: {  	v6 =	vld [tilespmem:s20+$0xFFFFFED0];
	[tilespmem:s20+$0xFFFFFE80] =	vst v4;
	v4 =	vmul.f32 v2, v19  }
0x29c: {  	v7 =	vld [tilespmem:s20+$0xFFFFFF10];
	[tilespmem:s20+$0xFFFFFFF0] =	vst v5  }
0x29d: {  	[tilespmem:s20+$0xFFFFFEA0] =	vst v4;
	v4 =	vld [tilespmem:s20+$0xFFFFFEC0]  }
0x29e: {  	v10 =	vld [tilespmem:s20+$0xFFFFFEF0];
	[tilespmem:s20+$0xFFFFFE70] =	vst v20;
	v20 =	vmul.f32 v2, v22  }
0x29f: {  	v9 =	vld [tilespmem:s20+$0xFFFFFEE0];
	[tilespmem:s20+$0xFFFFFE60] =	vst v24;
	v19 =	vmul.f32 v2, v23  }
0x2a0: {  	v11 =	vld [tilespmem:s20+$0xFFFFFF00];
	[tilespmem:s20+$0xFFFFFE90] =	vst v20;
	v6 =	vmul.f32 v6, v2  }
0x2a1: {  	v8 =	vld [tilespmem:s20+$0xFFFFFF20];
	v7 =	vmul.f32 v3, v7;
	[tilespmem:s20+$0xFFFFFEB0] =	vst v19  }
0x2a2: {  	v5 =	vld [tilespmem:s20+$0xFFFFFF30];
	[tilespmem:s20+$0xFFFFFED0] =	vst v6;
	v4 =	vmul.f32 v4, v2  }
0x2a3: {  	v12 =	vld [tilespmem:s20+$0xFFFFFF40];
	v6 =	vmul.f32 v10, v2;
	[tilespmem:s20+$0xFFFFFF10] =	vst v7  }
0x2a4: {  	v10 =	vld [tilespmem:s20+$0xFFFFFF60];
	[tilespmem:s20+$0xFFFFFEC0] =	vst v4;
	v4 =	vmul.f32 v9, v2  }
0x2a5: {  	[tilespmem:s20+$0xFFFFFEF0] =	vst v6;
	v9 =	vld [tilespmem:s20+$0xFFFFFF50];
	v2 =	vmul.f32 v11, v2  }
0x2a6: {  	v8 =	vmul.f32 v3, v8;
	[tilespmem:s20+$0xFFFFFEE0] =	vst v4;
	v4 =	vld [tilespmem:s20+$0xFFFFFF70]  }
0x2a7: {  	v6 =	vld [tilespmem:s20+$0xFFFFFF80];
	[tilespmem:s20+$0xFFFFFF00] =	vst v2;
	v2 =	vmul.f32 v3, v5  }
0x2a8: {  	[tilespmem:s20+$0xFFFFFF20] =	vst v8;
	v5 =	vmul.f32 v12, v3  }
0x2a9: {  	[tilespmem:s20+$0xFFFFFF30] =	vst v2;
	v2 =	vmul.f32 v10, v3  }
0x2aa: {  	[tilespmem:s20+$0xFFFFFF40] =	vst v5;
	v7 =	vmul.f32 v9, v3  }
0x2ab: {  	[tilespmem:s20+$0xFFFFFF60] =	vst v2;
	v4 =	vmul.f32 v4, v3  }
0x2ac: {  	[tilespmem:s20+$0xFFFFFF50] =	vst v7;
	v3 =	vmul.f32 v6, v3  }
0x2ad: {  	[tilespmem:s20+$0xFFFFFF70] =	vst v4  }
0x2ae: {  	s1 =	rddreg [dreg:$0x3];
	s2 =	simm.s32 $0x16670;
	[tilespmem:s20+$0xFFFFFF80] =	vst v3  }
0x2af: {  	[spmem:s1] =	stream.indirect.scatter.add.f32 [tilespmem:s2], [sflag:$0xE], $0x10, s26, s8, $0xb8;
	[tilespmem:$0x1F7F0] =	vst v63  }
0x2b0: {  	s28 =	rddreg [dreg:$0x2];
	s25 =	simm.s32 $0x1A770  }
0x2b1: {  	[spmem:s28] =	stream.indirect.scatter.add.f32 [tilespmem:s25], [sflag:$0x11], $0x80, s26, s8, $0xb8;
	[tilespmem:$0x1F7F0] =	vst v63  }
0x2b2: {  	_ =	swait.ge [sflag:s19], $0x500  }
0x2b3: {  	[sflag:s19] =	ssyncset.done $0x0;
	s2 =	rddreg [dreg:$0xc]  }
0x2b4: {  	[sflag:s19] =	ssyncadd.s32 $0xFFFFFB00;
	s1 =	sadd.s32 s2, s13  }
0x2b5: {  	_ =	swait.ge [sflag:s5], $0x2800;
	s1 =	smul.u32 $0xA, s1  }
0x2b6: {  	[sflag:s5] =	ssyncset.done $0x0  }
0x2b7: {  	[sflag:s5] =	ssyncadd.s32 $0xFFFFD800;
	s1 =	sadd.s32 s9, s1  }
0x2b8: {  	[tilespmem:s16], [sflag:$0x2] =	stream.strided.gather [hbm4b:s1+s8], $0xA0, s11, s8, $0x38;
	[tilespmem:$0x1F7F0] =	vst v63  }
0x2b9: {  	_ =	swait.ge [sflag:s17], $0xA0  }
0x2ba: {  	[sflag:s17] =	ssyncset.done $0x0  }
0x2bb: {  	[sflag:s17] =	ssyncadd.s32 $0xFFFFFF60  }
0x2bc: {  	s20 =	rddreg [dreg:$0x0]  }
0x2bd: {  	[tilespmem:s29], [sflag:$0xA] =	stream.indirect.gather [hbm4b:s20+s8], $0x80, s12, s8, $0xb8;
	[tilespmem:$0x1F7F0] =	vst v63  }
0x2be: {  	_ = 	snop  }
0x2bf: {  	[tilespmem:s30], [sflag:$0x4] =	stream.indirect.gather [hbm4b:s6+s8], $0x10, s12, s8, $0xb8;
	[tilespmem:$0x1F7F0] =	vst v63  }
0x2c0: {  	s24 =	simm.s32 $0x17070;
	s28 =	simm.s32 $0xC  }
0x2c1: {  	[tilespmem:s24], [sflag:$0x7] =	stream.indirect.gather [hbm4b:s7+s8], $0x10, s18, s8, $0xb8;
	[tilespmem:$0x1F7F0] =	vst v63  }
0x2c2: {  	_ =	swait.ge [sflag:s28], $0x2800  }
0x2c3: {  	[sflag:s28] =	ssyncset.done $0x0  }
0x2c4: {  	s2 =	simm.s32 $0x6;
	[sflag:s28] =	ssyncadd.s32 $0xFFFFD800  }
0x2c5: {  	_ =	swait.ge [sflag:s2], $0x500  }
0x2c6: {  	[sflag:s2] =	ssyncset.done $0x0  }
0x2c7: {  	s13 =	simm.s32 $0x9;
	[sflag:s2] =	ssyncadd.s32 $0xFFFFFB00  }
0x2c8: {  	_ =	swait.ge [sflag:s13], $0x500  }
0x2c9: {  	[sflag:s13] =	ssyncset.done $0x0  }
0x2ca: {  	s20 =	simm.s32 $0x16BE0;
	[sflag:s13] =	ssyncadd.s32 $0xFFFFFB00  }
0x2cb: {  	s24 =	simm.s32 $0x17AE0;
	v2 =	vld [tilespmem:s20+$0x0]  }
0x2cc: {  	v3 =	vld [tilespmem:s24+$0x0];
	_ =	sdelay $0x4  }
0x2cd: {  	v2 =	vadd.f32 v3, v2  }
0x2ce: {  	v4 =	vld [tilespmem:s20+$0xFFFFFFA0]  }
0x2cf: {  	v6 =	vld [tilespmem:s24+$0xFFFFFFA0];
	v5 =	vmul.f32 $9.999999770e-03, v2  }
0x2d0: {  	vm0 =	vgt.f32 v2, $0.0e+00  }
0x2d1: {  	v2 =	vsel vm0, v2, v5  }
0x2d2: {  	v2 =	vsub.f32 v2, v1  }
0x2d3: {  	v7 =	vld [tilespmem:s20+$0xFFFFFFB0]  }
0x2d4: {  	v8 =	vld [tilespmem:s20+$0xFFFFFFC0];
	v4 =	vadd.f32 v6, v4;
	v2 =	vmul.f32 $1.442695020e+00, v2  }
0x2d5: {  	v9 =	vld [tilespmem:s24+$0xFFFFFFC0]  }
0x2d6: {  	v5 =	vld [tilespmem:s24+$0xFFFFFFB0];
	(erf) = vpow2.f32 v2;
	v2 =	vmul.f32 $9.999999770e-03, v4  }
0x2d7: {  	v10 =	vld [tilespmem:s20+$0xFFFFFF90];
	vm13 =	vgt.f32 v4, $0.0e+00  }
0x2d8: {  	v3 =	vld [tilespmem:s24+$0xFFFFFF90];
	v2 =	vsel vm13, v4, v2  }
0x2d9: {  	v2 =	vsub.f32 v2, v1  }
0x2da: {  	v12 =	vld [tilespmem:s24+$0xFFFFFFD0]  }
0x2db: {  	v13 =	vld [tilespmem:s20+$0xFFFFFFE0];
	v6 =	vadd.f32 v9, v8;
	v5 =	vadd.f32 v5, v7;
	v8 =	vmul.f32 $1.442695020e+00, v2  }
0x2dc: {  	v14 =	vld [tilespmem:s24+$0xFFFFFFE0]  }
0x2dd: {  	v15 =	vld [tilespmem:s20+$0xFFFFFFF0];
	v3 =	vadd.f32 v3, v10;
	v7 =	vmul.f32 $9.999999770e-03, v5;
	(erf) = vpow2.f32 v8  }
0x2de: {  	s28 =	simm.s32 $0x16C60;
	v16 =	vld [tilespmem:s24+$0xFFFFFFF0];
	vm14 =	vgt.f32 v5, $0.0e+00;
	v4 =	vmul.f32 $9.999999770e-03, v6  }
0x2df: {  	v44 =	vld [tilespmem:s28+$0x0];
	vm15 =	vgt.f32 v6, $0.0e+00;
	s24 =	simm.s32 $0x17B60;
	v5 =	vsel vm14, v5, v7;
	v7 =	vmul.f32 $9.999999770e-03, v3;
	v2 =	vpop (erf)  }
0x2e0: {  	s13 =	simm.s32 $0x1D360;
	v47 =	vld [tilespmem:s24+$0xFFFFFFF0];
	vm4 =	vgt.f32 v3, $0.0e+00;
	v4 =	vsel vm15, v6, v4;
	v5 =	vsub.f32 v5, v1;
	[tilespmem:s20+$0x0] =	vst v2  }
0x2e1: {  	v4 =	vsub.f32 v4, v1;
	v3 =	vsel vm4, v3, v7;
	v7 =	vld [tilespmem:s13+$0x0]  }
0x2e2: {  	v6 =	vld [tilespmem:s20+$0xFFFFFFD0];
	v5 =	vmul.f32 $1.442695020e+00, v5;
	v3 =	vsub.f32 v3, v1  }
0x2e3: {  	v4 =	vmul.f32 $1.442695020e+00, v4;
	v11 =	vld [tilespmem:s13+$0xFFFFFF90]  }
0x2e4: {  	v3 =	vmul.f32 $1.442695020e+00, v3;
	(erf) = vpow2.f32 v5;
	v10 =	vld [tilespmem:s13+$0xFFFFFFA0]  }
0x2e5: {  	(erf) = vpow2.f32 v4;
	v9 =	vld [tilespmem:s13+$0xFFFFFFB0]  }
0x2e6: {  	(erf) = vpow2.f32 v3;
	v4 =	vld [tilespmem:s13+$0xFFFFFFD0];
	v3 =	vmul.f32 v7, v2;
	v17 =	vpop (erf)  }
0x2e7: {  	v6 =	vadd.f32 v12, v6;
	v7 =	vld [tilespmem:s13+$0xFFFFFFC0];
	[tilespmem:s20+$0xFFFFFFA0] =	vst v17  }
0x2e8: {  	[tilespmem:s13+$0x0] =	vst v3;
	v3 =	vld [tilespmem:s13+$0xFFFFFFE0]  }
0x2e9: {  	v27 =	vmul.f32 $9.999999770e-03, v6;
	v5 =	vld [tilespmem:s13+$0xFFFFFC90]  }
0x2ea: {  	vm5 =	vgt.f32 v6, $0.0e+00;
	v19 =	vld [tilespmem:s13+$0xFFFFFCA0]  }
0x2eb: {  	v6 =	vsel vm5, v6, v27;
	v21 =	vld [tilespmem:s13+$0xFFFFFCB0]  }
0x2ec: {  	v13 =	vadd.f32 v14, v13;
	v6 =	vsub.f32 v6, v1;
	v14 =	vld [tilespmem:s13+$0xFFFFFCD0]  }
0x2ed: {  	v27 =	vld [tilespmem:s13+$0xFFFFFCE0]  }
0x2ee: {  	v6 =	vmul.f32 $1.442695020e+00, v6;
	v18 =	vpop (erf);
	v29 =	vld [tilespmem:s13+$0xFFFFFCF0]  }
0x2ef: {  	v28 =	vmul.f32 $9.999999770e-03, v13;
	v34 =	vld [tilespmem:s13+$0xFFFFFD00];
	[tilespmem:s20+$0xFFFFFFB0] =	vst v18  }
0x2f0: {  	vm6 =	vgt.f32 v13, $0.0e+00;
	(erf) = vpow2.f32 v6;
	v6 =	vld [tilespmem:s13+$0xFFFFFD10]  }
0x2f1: {  	v13 =	vsel vm6, v13, v28;
	v63 =	vld [tilespmem:s13+$0xFFFFFD20]  }
0x2f2: {  	v13 =	vsub.f32 v13, v1;
	v30 =	vld [tilespmem:s13+$0xFFFFFD30]  }
0x2f3: {  	v31 =	vld [tilespmem:s13+$0xFFFFFD40]  }
0x2f4: {  	v13 =	vmul.f32 $1.442695020e+00, v13;
	v32 =	vld [tilespmem:s13+$0xFFFFFD50]  }
0x2f5: {  	v33 =	vld [tilespmem:s13+$0xFFFFFD60]  }
0x2f6: {  	v8 =	vpop (erf);
	(erf) = vpow2.f32 v13;
	v13 =	vld [tilespmem:s13+$0xFFFFFD70]  }
0x2f7: {  	[tilespmem:s20+$0xFFFFFFC0] =	vst v8;
	v35 =	vld [tilespmem:s13+$0xFFFFFD80]  }
0x2f8: {  	v37 =	vld [tilespmem:s13+$0xFFFFFDA0]  }
0x2f9: {  	v20 =	vpop (erf);
	v38 =	vld [tilespmem:s13+$0xFFFFFDD0];
	v5 =	vmul.f32 v17, v5  }
0x2fa: {  	[tilespmem:s20+$0xFFFFFF90] =	vst v20;
	v40 =	vld [tilespmem:s13+$0xFFFFFE00];
	v12 =	vmul.f32 v17, v19  }
0x2fb: {  	v22 =	vld [tilespmem:s13+$0xFFFFFC10];
	v21 =	vmul.f32 v17, v21;
	[tilespmem:s13+$0xFFFFFC90] =	vst v5  }
0x2fc: {  	v23 =	vld [tilespmem:s13+$0xFFFFFC20];
	v14 =	vmul.f32 v14, v17;
	[tilespmem:s13+$0xFFFFFCA0] =	vst v12  }
0x2fd: {  	v15 =	vadd.f32 v16, v15;
	v24 =	vld [tilespmem:s13+$0xFFFFFC30];
	v16 =	vmul.f32 v29, v17;
	[tilespmem:s13+$0xFFFFFCB0] =	vst v21  }
0x2fe: {  	v25 =	vld [tilespmem:s13+$0xFFFFFC40];
	v6 =	vmul.f32 v18, v6;
	[tilespmem:s13+$0xFFFFFCD0] =	vst v14  }
0x2ff: {  	v26 =	vld [tilespmem:s13+$0xFFFFFC60];
	[tilespmem:s13+$0xFFFFFCF0] =	vst v16;
	v16 =	vmul.f32 v18, v63  }
0x300: {  	v19 =	vld [tilespmem:s13+$0xFFFFFC50];
	v13 =	vmul.f32 v13, v18;
	[tilespmem:s13+$0xFFFFFD10] =	vst v6  }
0x301: {  	v12 =	vld [tilespmem:s13+$0xFFFFFC70];
	[tilespmem:s13+$0xFFFFFD20] =	vst v16  }
0x302: {  	v5 =	vld [tilespmem:s13+$0xFFFFFFF0];
	v22 =	vmul.f32 v20, v22;
	v36 =	vpop (erf);
	[tilespmem:s13+$0xFFFFFD70] =	vst v13  }
0x303: {  	v21 =	vld [tilespmem:s13+$0xFFFFFC80];
	v6 =	vmul.f32 v20, v23;
	[tilespmem:s20+$0xFFFFFFD0] =	vst v36  }
0x304: {  	v23 =	vld [tilespmem:s13+$0xFFFFFD90];
	v24 =	vmul.f32 v20, v24;
	[tilespmem:s13+$0xFFFFFC10] =	vst v22  }
0x305: {  	v26 =	vmul.f32 v26, v20;
	v13 =	vld [tilespmem:s28+$0xFFFFFFA0];
	[tilespmem:s13+$0xFFFFFC20] =	vst v6  }
0x306: {  	v19 =	vmul.f32 v19, v20;
	v22 =	vld [tilespmem:s13+$0xFFFFFCC0];
	[tilespmem:s13+$0xFFFFFC30] =	vst v24  }
0x307: {  	v6 =	vmul.f32 v25, v20;
	v25 =	vld [tilespmem:s13+$0xFFFFFDB0];
	[tilespmem:s13+$0xFFFFFC60] =	vst v26  }
0x308: {  	v24 =	vld [tilespmem:s13+$0xFFFFFDC0];
	[tilespmem:s13+$0xFFFFFC50] =	vst v19;
	v12 =	vmul.f32 v12, v20  }
0x309: {  	v26 =	vld [tilespmem:s13+$0xFFFFFDF0];
	v20 =	vmul.f32 v21, v20;
	[tilespmem:s13+$0xFFFFFC40] =	vst v6  }
0x30a: {  	v21 =	vld [tilespmem:s13+$0xFFFFFE10];
	[tilespmem:s13+$0xFFFFFC70] =	vst v12  }
0x30b: {  	v41 =	vld [tilespmem:s13+$0xFFFFFE80];
	[tilespmem:s13+$0xFFFFFC80] =	vst v20;
	v6 =	vpop (erf);
	v12 =	vmul.f32 v22, v17  }
0x30c: {  	v19 =	vld [tilespmem:s13+$0xFFFFFDE0];
	v14 =	vmul.f32 v8, v23;
	[tilespmem:s20+$0xFFFFFFE0] =	vst v6  }
0x30d: {  	v20 =	vld [tilespmem:s13+$0xFFFFFE30];
	[tilespmem:s13+$0xFFFFFCC0] =	vst v12;
	v12 =	vmul.f32 v27, v17  }
0x30e: {  	v45 =	vmul.f32 v2, v10;
	v23 =	vld [tilespmem:s13+$0xFFFFFE50];
	[tilespmem:s13+$0xFFFFFD90] =	vst v14;
	v10 =	vmul.f32 v24, v8  }
0x30f: {  	v22 =	vld [tilespmem:s13+$0xFFFFFE20];
	[tilespmem:s13+$0xFFFFFCE0] =	vst v12;
	v12 =	vmul.f32 v36, v21  }
0x310: {  	v46 =	vmul.f32 v7, v2;
	v14 =	vld [tilespmem:s13+$0xFFFFFE70];
	v17 =	vmul.f32 v34, v17;
	[tilespmem:s13+$0xFFFFFDC0] =	vst v10  }
0x311: {  	v24 =	vld [tilespmem:s24+$0xFFFFFFB0];
	v7 =	vmul.f32 v19, v8;
	[tilespmem:s13+$0xFFFFFE10] =	vst v12;
	v12 =	vmul.f32 $9.999999770e-03, v15  }
0x312: {  	vm7 =	vgt.f32 v15, $0.0e+00;
	v42 =	vld [tilespmem:s13+$0xFFFFFE90];
	[tilespmem:s13+$0xFFFFFD00] =	vst v17;
	v17 =	vmul.f32 v18, v30  }
0x313: {  	v16 =	vld [tilespmem:s13+$0xFFFFFEA0];
	[tilespmem:s13+$0xFFFFFDE0] =	vst v7;
	v12 =	vsel vm7, v15, v12;
	v15 =	vmul.f32 v31, v18  }
0x314: {  	v43 =	vld [tilespmem:s13+$0xFFFFFEB0];
	[tilespmem:s13+$0xFFFFFD30] =	vst v17;
	v17 =	vmul.f32 v32, v18;
	v12 =	vsub.f32 v12, v1  }
0x315: {  	v19 =	vld [tilespmem:s24+$0xFFFFFFC0];
	[tilespmem:s13+$0xFFFFFD40] =	vst v15;
	v15 =	vmul.f32 v33, v18  }
0x316: {  	v7 =	vmul.f32 v40, v8;
	[tilespmem:s13+$0xFFFFFD50] =	vst v17;
	v17 =	vld [tilespmem:s24+$0x0];
	v12 =	vmul.f32 $1.442695020e+00, v12  }
0x317: {  	v48 =	vld [tilespmem:s13+$0xFFFFFEC0];
	[tilespmem:s13+$0xFFFFFD60] =	vst v15;
	v15 =	vmul.f32 v35, v18  }
0x318: {  	v49 =	vld [tilespmem:s13+$0xFFFFFF00];
	[tilespmem:s13+$0xFFFFFE00] =	vst v7;
	(erf) = vpow2.f32 v12;
	v12 =	vmul.f32 v8, v37  }
0x319: {  	v21 =	vld [tilespmem:s13+$0xFFFFFE60];
	[tilespmem:s13+$0xFFFFFD80] =	vst v15;
	v15 =	vmul.f32 v8, v25  }
0x31a: {  	v11 =	vmul.f32 v2, v11;
	v7 =	vmul.f32 v6, v42;
	v25 =	vld [tilespmem:s24+$0xFFFFFFA0];
	[tilespmem:s13+$0xFFFFFDA0] =	vst v12  }
0x31b: {  	v9 =	vmul.f32 v2, v9;
	v17 =	vadd.f32 v17, v44;
	v12 =	vld [tilespmem:s28+$0xFFFFFFB0];
	[tilespmem:s13+$0xFFFFFDB0] =	vst v15;
	v15 =	vmul.f32 v38, v8  }
0x31c: {  	v4 =	vmul.f32 v4, v2;
	v27 =	vld [tilespmem:s13+$0xFFFFFE40];
	v16 =	vmul.f32 v6, v16;
	[tilespmem:s13+$0xFFFFFE90] =	vst v7  }
0x31d: {  	v10 =	vld [tilespmem:s28+$0xFFFFFFC0];
	[tilespmem:s13+$0xFFFFFDD0] =	vst v15;
	v15 =	vmul.f32 v26, v8;
	v26 =	vmul.f32 $9.999999770e-03, v17  }
0x31e: {  	v3 =	vmul.f32 v3, v2;
	[tilespmem:s13+$0xFFFFFEA0] =	vst v16;
	v16 =	vld [tilespmem:s28+$0xFFFFFFF0];
	vm8 =	vgt.f32 v17, $0.0e+00;
	v8 =	vmul.f32 v36, v22  }
0x31f: {  	v7 =	vmul.f32 v6, v43;
	v18 =	vld [tilespmem:s24+$0xFFFFFF90];
	v13 =	vadd.f32 v25, v13;
	v17 =	vsel vm8, v17, v26;
	[tilespmem:s13+$0xFFFFFDF0] =	vst v15  }
0x320: {  	v15 =	vmul.f32 v36, v20;
	[tilespmem:s13+$0xFFFFFE20] =	vst v8;
	v8 =	vmul.f32 v21, v36;
	v21 =	vld [tilespmem:s28+$0xFFFFFF90];
	v12 =	vadd.f32 v24, v12  }
0x321: {  	[tilespmem:s13+$0xFFFFFF90] =	vst v11;
	v14 =	vmul.f32 v14, v36;
	v22 =	vld [tilespmem:s28+$0xFFFFFFD0];
	v17 =	vsub.f32 v17, v1;
	v24 =	vmul.f32 $9.999999770e-03, v13  }
0x322: {  	v10 =	vadd.f32 v19, v10;
	v25 =	vld [tilespmem:s24+$0xFFFFFFE0];
	vm9 =	vgt.f32 v13, $0.0e+00;
	[tilespmem:s13+$0xFFFFFE30] =	vst v15;
	v15 =	vmul.f32 $9.999999770e-03, v12  }
0x323: {  	[tilespmem:s13+$0xFFFFFFA0] =	vst v45;
	v26 =	vld [tilespmem:s24+$0xFFFFFFD0];
	vm10 =	vgt.f32 v12, $0.0e+00;
	v17 =	vmul.f32 $1.442695020e+00, v17;
	v13 =	vsel vm9, v13, v24  }
0x324: {  	[tilespmem:s13+$0xFFFFFEB0] =	vst v7;
	v20 =	vmul.f32 v27, v36;
	v27 =	vld [tilespmem:s28+$0xFFFFFFE0];
	v7 =	vpop (erf);
	v13 =	vsub.f32 v13, v1;
	v12 =	vsel vm10, v12, v15  }
0x325: {  	[tilespmem:s20+$0xFFFFFFF0] =	vst v7;
	v24 =	vld [tilespmem:s13+$0xFFFFFED0];
	(erf) = vpow2.f32 v17;
	v17 =	vadd.f32 v18, v21;
	v18 =	vmul.f32 $9.999999770e-03, v10  }
0x326: {  	v2 =	vmul.f32 v5, v2;
	[tilespmem:s13+$0xFFFFFE70] =	vst v14;
	vm11 =	vgt.f32 v10, $0.0e+00;
	v50 =	vld [tilespmem:s13+$0xFFFFFF10];
	v12 =	vsub.f32 v12, v1  }
0x327: {  	[tilespmem:s13+$0xFFFFFE60] =	vst v8;
	v11 =	vld [tilespmem:s13+$0xFFFFFF40];
	v13 =	vmul.f32 $1.442695020e+00, v13;
	v15 =	vmul.f32 $9.999999770e-03, v17;
	v8 =	vsel vm11, v10, v18  }
0x328: {  	[tilespmem:s13+$0xFFFFFE40] =	vst v20;
	v5 =	vld [tilespmem:s13+$0xFFFFFF80];
	v20 =	vadd.f32 v26, v22;
	vm12 =	vgt.f32 v17, $0.0e+00;
	v14 =	vsub.f32 v8, v1  }
0x329: {  	[tilespmem:s13+$0xFFFFFFB0] =	vst v9;
	v21 =	vld [tilespmem:s13+$0xFFFFFEE0];
	v12 =	vmul.f32 $1.442695020e+00, v12;
	(erf) = vpow2.f32 v13;
	v10 =	vsel vm12, v17, v15  }
0x32a: {  	[tilespmem:s13+$0xFFFFFFD0] =	vst v4;
	v28 =	vmul.f32 v41, v36;
	v26 =	vld [tilespmem:s13+$0xFFFFFEF0];
	v17 =	vsub.f32 v10, v1;
	v14 =	vmul.f32 $1.442695020e+00, v14  }
0x32b: {  	[tilespmem:s13+$0xFFFFFFC0] =	vst v46;
	v8 =	vld [tilespmem:s13+$0xFFFFFF20];
	v15 =	vmul.f32 $9.999999770e-03, v20;
	(erf) = vpow2.f32 v12  }
0x32c: {  	[tilespmem:s13+$0xFFFFFFE0] =	vst v3;
	vm13 =	vgt.f32 v20, $0.0e+00;
	v12 =	vld [tilespmem:s13+$0xFFFFFF50];
	v13 =	vmul.f32 $1.442695020e+00, v17;
	(erf) = vpow2.f32 v14  }
0x32d: {  	[tilespmem:s13+$0xFFFFFFF0] =	vst v2;
	v9 =	vadd.f32 v25, v27;
	v10 =	vld [tilespmem:s13+$0xFFFFFF30];
	v14 =	vsel vm13, v20, v15  }
0x32e: {  	[tilespmem:s13+$0xFFFFFE80] =	vst v28;
	v23 =	vmul.f32 v23, v36;
	v15 =	vld [tilespmem:s13+$0xFFFFFF60];
	v19 =	vpop (erf);
	(erf) = vpow2.f32 v13;
	v13 =	vsub.f32 v14, v1  }
0x32f: {  	s20 =	simm.s32 $0x1D760;
	v4 =	vmul.f32 $9.999999770e-03, v9;
	v2 =	vmul.f32 v24, v6;
	v17 =	vld [tilespmem:s13+$0xFFFFFF70];
	[tilespmem:s28+$0x0] =	vst v19  }
0x330: {  	[tilespmem:s13+$0xFFFFFE50] =	vst v23;
	vm14 =	vgt.f32 v9, $0.0e+00;
	v22 =	vld [tilespmem:s20+$0x0];
	v3 =	vmul.f32 $1.442695020e+00, v13;
	v13 =	vmul.f32 v48, v6  }
0x331: {  	v4 =	vsel vm14, v9, v4;
	[tilespmem:s13+$0xFFFFFED0] =	vst v2;
	v18 =	vld [tilespmem:s20+$0xFFFFFF90]  }
0x332: {  	v20 =	vld [tilespmem:s20+$0xFFFFFFA0];
	v9 =	vpop (erf);
	(erf) = vpow2.f32 v3;
	[tilespmem:s13+$0xFFFFFEC0] =	vst v13;
	v3 =	vsub.f32 v4, v1;
	v4 =	vmul.f32 v21, v6  }
0x333: {  	v53 =	vld [tilespmem:s20+$0xFFFFFFD0];
	[tilespmem:s28+$0xFFFFFFA0] =	vst v9  }
0x334: {  	v14 =	vld [tilespmem:s20+$0xFFFFFC90];
	v13 =	vpop (erf);
	v3 =	vmul.f32 $1.442695020e+00, v3;
	[tilespmem:s13+$0xFFFFFEE0] =	vst v4  }
0x335: {  	v57 =	vld [tilespmem:s20+$0xFFFFFFE0];
	v4 =	vmul.f32 v26, v6;
	v2 =	vmul.f32 v22, v19;
	v23 =	vpop (erf);
	[tilespmem:s28+$0xFFFFFFB0] =	vst v13  }
0x336: {  	(erf) = vpow2.f32 v3;
	v3 =	vmul.f32 v49, v6;
	v6 =	vld [tilespmem:s20+$0xFFFFFCB0];
	[tilespmem:s28+$0xFFFFFFC0] =	vst v23  }
0x337: {  	[tilespmem:s20+$0x0] =	vst v2;
	v2 =	vld [tilespmem:s20+$0xFFFFFCA0];
	v24 =	vpop (erf)  }
0x338: {  	v60 =	vld [tilespmem:s20+$0xFFFFFDF0];
	[tilespmem:s28+$0xFFFFFF90] =	vst v24  }
0x339: {  	[tilespmem:s13+$0xFFFFFEF0] =	vst v4;
	v14 =	vmul.f32 v9, v14;
	v25 =	vld [tilespmem:s20+$0xFFFFFC10]  }
0x33a: {  	v21 =	vld [tilespmem:s20+$0xFFFFFFB0];
	[tilespmem:s13+$0xFFFFFF00] =	vst v3  }
0x33b: {  	v16 =	vadd.f32 v47, v16;
	v3 =	vld [tilespmem:s20+$0xFFFFFC20];
	[tilespmem:s20+$0xFFFFFC90] =	vst v14;
	v4 =	vpop (erf);
	v6 =	vmul.f32 v9, v6  }
0x33c: {  	v26 =	vld [tilespmem:s20+$0xFFFFFC30];
	[tilespmem:s28+$0xFFFFFFD0] =	vst v4;
	v2 =	vmul.f32 v9, v2  }
0x33d: {  	v29 =	vmul.f32 $9.999999770e-03, v16;
	v27 =	vld [tilespmem:s20+$0xFFFFFC40];
	v61 =	vmul.f32 v60, v23;
	[tilespmem:s20+$0xFFFFFCB0] =	vst v6  }
0x33e: {  	vm15 =	vgt.f32 v16, $0.0e+00;
	v54 =	vld [tilespmem:s20+$0xFFFFFCC0];
	v14 =	vmul.f32 v24, v25;
	[tilespmem:s20+$0xFFFFFCA0] =	vst v2  }
0x33f: {  	v25 =	vld [tilespmem:s20+$0xFFFFFC60];
	v2 =	vsel vm15, v16, v29;
	v16 =	vmul.f32 v7, v50;
	[tilespmem:s20+$0xFFFFFDF0] =	vst v61  }
0x340: {  	v51 =	vld [tilespmem:s20+$0xFFFFFC50];
	v3 =	vmul.f32 v24, v3;
	[tilespmem:s20+$0xFFFFFC10] =	vst v14  }
0x341: {  	v6 =	vld [tilespmem:s20+$0xFFFFFC80];
	v14 =	vsub.f32 v2, v1;
	[tilespmem:s13+$0xFFFFFF10] =	vst v16;
	v16 =	vmul.f32 v24, v26  }
0x342: {  	v52 =	vld [tilespmem:s20+$0xFFFFFC70];
	[tilespmem:s20+$0xFFFFFC20] =	vst v3;
	v3 =	vmul.f32 v27, v24  }
0x343: {  	v26 =	vld [tilespmem:s20+$0xFFFFFCD0];
	v14 =	vmul.f32 $1.442695020e+00, v14;
	[tilespmem:s20+$0xFFFFFC30] =	vst v16  }
0x344: {  	v2 =	vpop (erf);
	v16 =	vld [tilespmem:s20+$0xFFFFFCF0];
	[tilespmem:s20+$0xFFFFFC40] =	vst v3;
	v3 =	vmul.f32 v25, v24  }
0x345: {  	v55 =	vld [tilespmem:s20+$0xFFFFFD10];
	[tilespmem:s28+$0xFFFFFFE0] =	vst v2;
	(erf) = vpow2.f32 v14;
	v14 =	vmul.f32 v51, v24  }
0x346: {  	v56 =	vld [tilespmem:s20+$0xFFFFFD60];
	[tilespmem:s20+$0xFFFFFC60] =	vst v3;
	v3 =	vmul.f32 v6, v24  }
0x347: {  	v27 =	vld [tilespmem:s20+$0xFFFFFCE0];
	[tilespmem:s20+$0xFFFFFC50] =	vst v14;
	v14 =	vmul.f32 v52, v24  }
0x348: {  	v6 =	vld [tilespmem:s20+$0xFFFFFD20];
	[tilespmem:s20+$0xFFFFFC80] =	vst v3;
	v3 =	vmul.f32 v26, v9  }
0x349: {  	v25 =	vld [tilespmem:s20+$0xFFFFFD00];
	v16 =	vmul.f32 v16, v9;
	[tilespmem:s20+$0xFFFFFC70] =	vst v14  }
0x34a: {  	v26 =	vld [tilespmem:s20+$0xFFFFFD40];
	v14 =	vmul.f32 v54, v9;
	[tilespmem:s20+$0xFFFFFCD0] =	vst v3  }
0x34b: {  	v24 =	vld [tilespmem:s20+$0xFFFFFD30];
	v3 =	vmul.f32 v13, v55;
	[tilespmem:s20+$0xFFFFFCF0] =	vst v16  }
0x34c: {  	v58 =	vld [tilespmem:s20+$0xFFFFFDD0];
	[tilespmem:s20+$0xFFFFFCC0] =	vst v14;
	v14 =	vmul.f32 v27, v9  }
0x34d: {  	v16 =	vld [tilespmem:s20+$0xFFFFFD90];
	v6 =	vmul.f32 v13, v6;
	[tilespmem:s20+$0xFFFFFD10] =	vst v3  }
0x34e: {  	v27 =	vld [tilespmem:s20+$0xFFFFFD50];
	v9 =	vmul.f32 v25, v9;
	[tilespmem:s20+$0xFFFFFCE0] =	vst v14  }
0x34f: {  	v25 =	vld [tilespmem:s20+$0xFFFFFD80];
	[tilespmem:s20+$0xFFFFFD20] =	vst v6;
	v6 =	vmul.f32 v26, v13  }
0x350: {  	v14 =	vld [tilespmem:s20+$0xFFFFFD70];
	[tilespmem:s20+$0xFFFFFD00] =	vst v9;
	v9 =	vmul.f32 v13, v24  }
0x351: {  	v24 =	vld [tilespmem:s20+$0xFFFFFDA0];
	[tilespmem:s20+$0xFFFFFD40] =	vst v6;
	v6 =	vmul.f32 v56, v13  }
0x352: {  	v22 =	vld [tilespmem:s20+$0xFFFFFFC0];
	[tilespmem:s20+$0xFFFFFD30] =	vst v9;
	v16 =	vmul.f32 v23, v16  }
0x353: {  	v26 =	vld [tilespmem:s20+$0xFFFFFDB0];
	v9 =	vmul.f32 v27, v13;
	[tilespmem:s20+$0xFFFFFD60] =	vst v6  }
0x354: {  	v27 =	vld [tilespmem:s20+$0xFFFFFDC0];
	v6 =	vmul.f32 v25, v13;
	[tilespmem:s20+$0xFFFFFD90] =	vst v16;
	v16 =	vmul.f32 v15, v7  }
0x355: {  	v59 =	vld [tilespmem:s20+$0xFFFFFDE0];
	v15 =	vmul.f32 v58, v23;
	[tilespmem:s20+$0xFFFFFD50] =	vst v9;
	v14 =	vmul.f32 v14, v13  }
0x356: {  	v9 =	vmul.f32 v7, v8;
	v8 =	vmul.f32 v23, v24;
	v24 =	vld [tilespmem:s20+$0xFFFFFE00];
	[tilespmem:s20+$0xFFFFFD80] =	vst v6  }
0x357: {  	v13 =	vmul.f32 v11, v7;
	v11 =	vld [tilespmem:s20+$0xFFFFFE10];
	[tilespmem:s20+$0xFFFFFDD0] =	vst v15  }
0x358: {  	v10 =	vmul.f32 v7, v10;
	v6 =	vmul.f32 v23, v26;
	v26 =	vld [tilespmem:s20+$0xFFFFFE30];
	[tilespmem:s20+$0xFFFFFD70] =	vst v14  }
0x359: {  	v14 =	vmul.f32 v12, v7;
	[tilespmem:s20+$0xFFFFFDA0] =	vst v8;
	v12 =	vld [tilespmem:s20+$0xFFFFFE20];
	v8 =	vmul.f32 v27, v23  }
0x35a: {  	v17 =	vmul.f32 v17, v7;
	v25 =	vld [tilespmem:s20+$0xFFFFFFF0];
	v15 =	vmul.f32 v19, v20;
	[tilespmem:s20+$0xFFFFFDB0] =	vst v6  }
0x35b: {  	v3 =	vpop (erf);
	v27 =	vld [tilespmem:s20+$0xFFFFFE40];
	v6 =	vmul.f32 v19, v18;
	[tilespmem:s20+$0xFFFFFDC0] =	vst v8;
	v8 =	vmul.f32 v59, v23  }
0x35c: {  	v62 =	vld [tilespmem:s20+$0xFFFFFE50];
	[tilespmem:s28+$0xFFFFFFF0] =	vst v3;
	v18 =	vmul.f32 v5, v7;
	v5 =	vmul.f32 v4, v11  }
0x35d: {  	v63 =	vld [tilespmem:s20+$0xFFFFFE60];
	v7 =	vmul.f32 v24, v23;
	v11 =	vmul.f32 v19, v21;
	[tilespmem:s20+$0xFFFFFDE0] =	vst v8  }
0x35e: {  	v20 =	vld [tilespmem:s20+$0xFFFFFE70];
	v23 =	vmul.f32 v4, v26;
	v8 =	vmul.f32 v4, v12;
	[tilespmem:s20+$0xFFFFFE10] =	vst v5  }
0x35f: {  	v21 =	vld [tilespmem:s20+$0xFFFFFE80];
	v12 =	vmul.f32 v22, v19;
	[tilespmem:s20+$0xFFFFFE00] =	vst v7;
	v7 =	vmul.f32 v53, v19  }
0x360: {  	v22 =	vld [tilespmem:s20+$0xFFFFFE90];
	v5 =	vmul.f32 v25, v19;
	v24 =	vmul.f32 v27, v4;
	[tilespmem:s20+$0xFFFFFE30] =	vst v23  }
0x361: {  	v25 =	vmul.f32 v62, v4;
	[tilespmem:s20+$0xFFFFFE20] =	vst v8;
	v8 =	vmul.f32 v57, v19;
	v19 =	vld [tilespmem:s20+$0xFFFFFEA0]  }
0x362: {  	s1 =	simm.s32 $0x8;
	s2 =	simm.s32 $0x16CE0;
	v23 =	vld [tilespmem:s20+$0xFFFFFEB0];
	[tilespmem:s20+$0xFFFFFE40] =	vst v24;
	v24 =	vmul.f32 v63, v4  }
.LBB2_13:
0x363: {  	v26 =	vld [tilespmem:s2+$0x0];
	[tilespmem:s20+$0xFFFFFE50] =	vst v25;
	v20 =	vmul.f32 v20, v4;
	s24 =	sadd.s32 $0x80, s24  }
0x364: {  	s1 =	sadd.s32 $0x8, s1;
	v25 =	vld [tilespmem:s24+$0x0];
	[tilespmem:s20+$0xFFFFFE60] =	vst v24;
	v4 =	vmul.f32 v21, v4  }
0x365: {  	p1 =	slt.u32 s1, $0x48;
	v21 =	vld [tilespmem:s24+$0xFFFFFF90];
	[tilespmem:s20+$0xFFFFFE70] =	vst v20;
	v20 =	vmul.f32 v2, v22  }
0x366: {  	v22 =	vld [tilespmem:s2+$0xFFFFFFA0];
	[tilespmem:s20+$0xFFFFFE80] =	vst v4;
	v4 =	vmul.f32 v2, v19  }
0x367: {  	v19 =	vld [tilespmem:s24+$0xFFFFFFA0];
	[tilespmem:s20+$0xFFFFFE90] =	vst v20;
	v20 =	vmul.f32 v2, v23  }
0x368: {  	v23 =	vld [tilespmem:s2+$0xFFFFFFB0];
	[tilespmem:s20+$0xFFFFFEA0] =	vst v4  }
0x369: {  	v4 =	vld [tilespmem:s24+$0xFFFFFFB0];
	v24 =	vadd.f32 v25, v26;
	[tilespmem:s20+$0xFFFFFEB0] =	vst v20  }
0x36a: {  	v20 =	vld [tilespmem:s2+$0xFFFFFFC0];
	[tilespmem:s13+$0xFFFFFF20] =	vst v9  }
0x36b: {  	v9 =	vld [tilespmem:s24+$0xFFFFFFC0];
	v25 =	vmul.f32 $9.999999770e-03, v24;
	[tilespmem:s13+$0xFFFFFF30] =	vst v10  }
0x36c: {  	vm0 =	vgt.f32 v24, $0.0e+00;
	v10 =	vadd.f32 v19, v22;
	v19 =	vld [tilespmem:s2+$0xFFFFFFD0];
	[tilespmem:s13+$0xFFFFFF40] =	vst v13  }
0x36d: {  	v13 =	vld [tilespmem:s24+$0xFFFFFFD0];
	v22 =	vsel vm0, v24, v25;
	[tilespmem:s13+$0xFFFFFF50] =	vst v14  }
0x36e: {  	v14 =	vmul.f32 $9.999999770e-03, v10;
	v4 =	vadd.f32 v4, v23;
	v23 =	vld [tilespmem:s2+$0xFFFFFFE0];
	v22 =	vsub.f32 v22, v1;
	[tilespmem:s13+$0xFFFFFF60] =	vst v16  }
0x36f: {  	vm0 =	vgt.f32 v10, $0.0e+00;
	v16 =	vld [tilespmem:s24+$0xFFFFFFE0];
	[tilespmem:s13+$0xFFFFFF70] =	vst v17  }
0x370: {  	v17 =	vmul.f32 $9.999999770e-03, v4;
	v9 =	vadd.f32 v9, v20;
	v20 =	vld [tilespmem:s2+$0xFFFFFFF0];
	v22 =	vmul.f32 $1.442695020e+00, v22;
	[tilespmem:s13+$0xFFFFFF80] =	vst v18;
	s13 =	smov.u32 s20  }
0x371: {  	v10 =	vsel vm0, v10, v14;
	vm0 =	vgt.f32 v4, $0.0e+00;
	v14 =	vld [tilespmem:s24+$0xFFFFFFF0];
	[tilespmem:s20+$0xFFFFFF90] =	vst v6  }
0x372: {  	v6 =	vld [tilespmem:s2+$0xFFFFFF90];
	v18 =	vmul.f32 $9.999999770e-03, v9;
	v13 =	vadd.f32 v13, v19;
	(erf) = vpow2.f32 v22;
	[tilespmem:s20+$0xFFFFFFA0] =	vst v15  }
0x373: {  	v10 =	vsub.f32 v10, v1;
	v4 =	vsel vm0, v4, v17;
	vm0 =	vgt.f32 v9, $0.0e+00;
	v15 =	vld [tilespmem:s20+$0xFFFFFEC0];
	[tilespmem:s20+$0xFFFFFFB0] =	vst v11  }
0x374: {  	vm1 =	vgt.f32 v13, $0.0e+00;
	v11 =	vmul.f32 $9.999999770e-03, v13;
	v16 =	vadd.f32 v16, v23;
	v17 =	vld [tilespmem:s20+$0xFFFFFED0];
	[tilespmem:s20+$0xFFFFFFC0] =	vst v12  }
0x375: {  	v10 =	vmul.f32 $1.442695020e+00, v10;
	v4 =	vsub.f32 v4, v1;
	v9 =	vsel vm0, v9, v18;
	v12 =	vld [tilespmem:s20+$0xFFFFFEE0];
	[tilespmem:s20+$0xFFFFFFD0] =	vst v7  }
0x376: {  	vm0 =	vgt.f32 v16, $0.0e+00;
	v7 =	vmul.f32 $9.999999770e-03, v16;
	v14 =	vadd.f32 v14, v20;
	v18 =	vld [tilespmem:s20+$0xFFFFFEF0];
	[tilespmem:s20+$0xFFFFFFE0] =	vst v8  }
0x377: {  	v8 =	vsub.f32 v9, v1;
	v9 =	vsel vm1, v13, v11;
	v6 =	vadd.f32 v21, v6;
	v11 =	vld [tilespmem:s20+$0xFFFFFF00];
	[tilespmem:s20+$0xFFFFFFF0] =	vst v5  }
0x378: {  	v5 =	vsel vm0, v16, v7;
	vm0 =	vgt.f32 v14, $0.0e+00;
	v7 =	vmul.f32 $9.999999770e-03, v14;
	v13 =	vld [tilespmem:s20+$0xFFFFFF10]  }
0x379: {  	v9 =	vsub.f32 v9, v1;
	vm1 =	vgt.f32 v6, $0.0e+00;
	v16 =	vmul.f32 $9.999999770e-03, v6;
	v19 =	vld [tilespmem:s20+$0xFFFFFF20]  }
0x37a: {  	v4 =	vmul.f32 $1.442695020e+00, v4;
	v5 =	vsub.f32 v5, v1;
	v7 =	vsel vm0, v14, v7;
	v14 =	vld [tilespmem:s20+$0xFFFFFF30]  }
0x37b: {  	v8 =	vmul.f32 $1.442695020e+00, v8;
	v6 =	vsel vm1, v6, v16;
	v7 =	vsub.f32 v7, v1;
	v20 =	vpop (erf);
	v16 =	vld [tilespmem:s20+$0xFFFFFF40]  }
0x37c: {  	v9 =	vmul.f32 $1.442695020e+00, v9;
	v5 =	vmul.f32 $1.442695020e+00, v5;
	s20 =	sadd.s32 $0x400, s20;
	v6 =	vsub.f32 v6, v1;
	[tilespmem:s2+$0x0] =	vst v20;
	v21 =	vld [tilespmem:s13+$0xFFFFFF50]  }
0x37d: {  	v7 =	vmul.f32 $1.442695020e+00, v7;
	v22 =	vld [tilespmem:s20+$0x0];
	(erf) = vpow2.f32 v10  }
0x37e: {  	v6 =	vmul.f32 $1.442695020e+00, v6;
	(erf) = vpow2.f32 v4;
	v4 =	vld [tilespmem:s13+$0xFFFFFF60]  }
0x37f: {  	(erf) = vpow2.f32 v8;
	v8 =	vmul.f32 v15, v2;
	v15 =	vld [tilespmem:s13+$0xFFFFFF70]  }
0x380: {  	(erf) = vpow2.f32 v6;
	v6 =	vmul.f32 v17, v2;
	v23 =	vld [tilespmem:s13+$0xFFFFFF80]  }
0x381: {  	v24 =	vld [tilespmem:s20+$0xFFFFFF90];
	(erf) = vpow2.f32 v9;
	[tilespmem:s13+$0xFFFFFEC0] =	vst v8;
	v8 =	vmul.f32 v12, v2  }
0x382: {  	v12 =	vld [tilespmem:s20+$0xFFFFFFA0];
	v9 =	vmul.f32 v22, v20;
	(erf) = vpow2.f32 v5;
	[tilespmem:s13+$0xFFFFFED0] =	vst v6  }
0x383: {  	v6 =	vmul.f32 v18, v2;
	v5 =	vld [tilespmem:s20+$0xFFFFFFB0];
	(erf) = vpow2.f32 v7;
	[tilespmem:s13+$0xFFFFFEE0] =	vst v8  }
0x384: {  	v2 =	vmul.f32 v11, v2;
	v22 =	vmul.f32 v3, v13;
	v7 =	vld [tilespmem:s20+$0xFFFFFFC0];
	[tilespmem:s20+$0x0] =	vst v9  }
0x385: {  	v10 =	vmul.f32 v3, v14;
	v9 =	vmul.f32 v3, v19;
	v8 =	vld [tilespmem:s20+$0xFFFFFFD0];
	[tilespmem:s13+$0xFFFFFEF0] =	vst v6  }
0x386: {  	v14 =	vmul.f32 v21, v3;
	v13 =	vmul.f32 v16, v3;
	v25 =	vld [tilespmem:s20+$0xFFFFFFE0];
	v26 =	vpop (erf);
	[tilespmem:s13+$0xFFFFFF00] =	vst v2  }
0x387: {  	v16 =	vmul.f32 v4, v3;
	v17 =	vmul.f32 v15, v3;
	[tilespmem:s2+$0xFFFFFFA0] =	vst v26;
	v21 =	vld [tilespmem:s20+$0xFFFFFFF0];
	v27 =	vpop (erf)  }
0x388: {  	v18 =	vmul.f32 v23, v3;
	v6 =	vmul.f32 v20, v24;
	v28 =	vld [tilespmem:s20+$0xFFFFFC90];
	[tilespmem:s2+$0xFFFFFFB0] =	vst v27;
	v19 =	vpop (erf)  }
0x389: {  	v15 =	vmul.f32 v20, v12;
	v11 =	vmul.f32 v20, v5;
	v23 =	vld [tilespmem:s20+$0xFFFFFCA0];
	[tilespmem:s2+$0xFFFFFFC0] =	vst v19;
	v24 =	vpop (erf)  }
0x38a: {  	v12 =	vmul.f32 v7, v20;
	[tilespmem:s2+$0xFFFFFF90] =	vst v24;
	v29 =	vld [tilespmem:s20+$0xFFFFFCB0];
	v7 =	vmul.f32 v8, v20;
	v4 =	vpop (erf)  }
0x38b: {  	v30 =	vld [tilespmem:s20+$0xFFFFFC10];
	[tilespmem:s2+$0xFFFFFFD0] =	vst v4;
	v8 =	vmul.f32 v25, v20;
	v2 =	vpop (erf)  }
0x38c: {  	v25 =	vld [tilespmem:s20+$0xFFFFFC20];
	[tilespmem:s2+$0xFFFFFFE0] =	vst v2;
	v5 =	vmul.f32 v21, v20;
	v3 =	vpop (erf)  }
0x38d: {  	v20 =	vld [tilespmem:s20+$0xFFFFFC30];
	v21 =	vmul.f32 v26, v28;
	[tilespmem:s2+$0xFFFFFFF0] =	vst v3  }
0x38e: {  	v28 =	vld [tilespmem:s20+$0xFFFFFC40];
	v23 =	vmul.f32 v26, v23;
	[tilespmem:s13+$0xFFFFFF10] =	vst v22  }
0x38f: {  	v22 =	vld [tilespmem:s20+$0xFFFFFC50];
	[tilespmem:s20+$0xFFFFFC90] =	vst v21;
	v21 =	vmul.f32 v26, v29  }
0x390: {  	v29 =	vmul.f32 v24, v30;
	v30 =	vld [tilespmem:s20+$0xFFFFFC60];
	[tilespmem:s20+$0xFFFFFCA0] =	vst v23  }
0x391: {  	v23 =	vmul.f32 v24, v25;
	v25 =	vld [tilespmem:s20+$0xFFFFFC70];
	[tilespmem:s20+$0xFFFFFCB0] =	vst v21  }
0x392: {  	[tilespmem:s20+$0xFFFFFC10] =	vst v29;
	v20 =	vmul.f32 v24, v20;
	v21 =	vld [tilespmem:s20+$0xFFFFFC80]  }
0x393: {  	[tilespmem:s20+$0xFFFFFC20] =	vst v23;
	v23 =	vmul.f32 v28, v24;
	v28 =	vld [tilespmem:s20+$0xFFFFFCC0]  }
0x394: {  	[tilespmem:s20+$0xFFFFFC30] =	vst v20;
	v20 =	vmul.f32 v22, v24;
	v22 =	vld [tilespmem:s20+$0xFFFFFCD0]  }
0x395: {  	[tilespmem:s20+$0xFFFFFC40] =	vst v23;
	v23 =	vmul.f32 v30, v24;
	v29 =	vld [tilespmem:s20+$0xFFFFFCE0]  }
0x396: {  	[tilespmem:s20+$0xFFFFFC50] =	vst v20;
	v20 =	vmul.f32 v25, v24;
	v25 =	vld [tilespmem:s20+$0xFFFFFCF0]  }
0x397: {  	[tilespmem:s20+$0xFFFFFC60] =	vst v23;
	v21 =	vmul.f32 v21, v24;
	v23 =	vld [tilespmem:s20+$0xFFFFFD00]  }
0x398: {  	[tilespmem:s20+$0xFFFFFC70] =	vst v20;
	v20 =	vmul.f32 v28, v26;
	v24 =	vld [tilespmem:s20+$0xFFFFFD10]  }
0x399: {  	[tilespmem:s20+$0xFFFFFC80] =	vst v21;
	v21 =	vmul.f32 v22, v26;
	v22 =	vld [tilespmem:s20+$0xFFFFFD20]  }
0x39a: {  	[tilespmem:s20+$0xFFFFFCC0] =	vst v20;
	v20 =	vmul.f32 v29, v26;
	v28 =	vld [tilespmem:s20+$0xFFFFFD30]  }
0x39b: {  	[tilespmem:s20+$0xFFFFFCD0] =	vst v21;
	v21 =	vmul.f32 v25, v26;
	v25 =	vld [tilespmem:s20+$0xFFFFFD40]  }
0x39c: {  	[tilespmem:s20+$0xFFFFFCE0] =	vst v20;
	v20 =	vmul.f32 v23, v26;
	v23 =	vld [tilespmem:s20+$0xFFFFFD50]  }
0x39d: {  	[tilespmem:s20+$0xFFFFFCF0] =	vst v21;
	v21 =	vmul.f32 v27, v24;
	v24 =	vld [tilespmem:s20+$0xFFFFFD60]  }
0x39e: {  	[tilespmem:s20+$0xFFFFFD00] =	vst v20;
	v20 =	vmul.f32 v27, v22;
	v22 =	vld [tilespmem:s20+$0xFFFFFD70]  }
0x39f: {  	[tilespmem:s20+$0xFFFFFD10] =	vst v21;
	v21 =	vmul.f32 v27, v28;
	v26 =	vld [tilespmem:s20+$0xFFFFFD80]  }
0x3a0: {  	[tilespmem:s20+$0xFFFFFD20] =	vst v20;
	v20 =	vmul.f32 v25, v27;
	v25 =	vld [tilespmem:s20+$0xFFFFFD90]  }
0x3a1: {  	[tilespmem:s20+$0xFFFFFD30] =	vst v21;
	v21 =	vmul.f32 v23, v27;
	v23 =	vld [tilespmem:s20+$0xFFFFFDA0]  }
0x3a2: {  	[tilespmem:s20+$0xFFFFFD40] =	vst v20;
	v20 =	vmul.f32 v24, v27;
	v24 =	vld [tilespmem:s20+$0xFFFFFDB0]  }
0x3a3: {  	[tilespmem:s20+$0xFFFFFD50] =	vst v21;
	v21 =	vmul.f32 v22, v27;
	v22 =	vld [tilespmem:s20+$0xFFFFFDC0]  }
0x3a4: {  	[tilespmem:s20+$0xFFFFFD60] =	vst v20;
	v20 =	vmul.f32 v26, v27;
	v26 =	vld [tilespmem:s20+$0xFFFFFDD0]  }
0x3a5: {  	[tilespmem:s20+$0xFFFFFD70] =	vst v21;
	v21 =	vmul.f32 v19, v25;
	v25 =	vld [tilespmem:s20+$0xFFFFFDE0]  }
0x3a6: {  	[tilespmem:s20+$0xFFFFFD80] =	vst v20;
	v20 =	vmul.f32 v19, v23;
	v23 =	vld [tilespmem:s20+$0xFFFFFDF0]  }
0x3a7: {  	[tilespmem:s20+$0xFFFFFD90] =	vst v21;
	v21 =	vmul.f32 v19, v24;
	v24 =	vld [tilespmem:s20+$0xFFFFFE00]  }
0x3a8: {  	[tilespmem:s20+$0xFFFFFDA0] =	vst v20;
	v20 =	vmul.f32 v22, v19;
	v22 =	vld [tilespmem:s20+$0xFFFFFE10]  }
0x3a9: {  	[tilespmem:s20+$0xFFFFFDB0] =	vst v21;
	v21 =	vmul.f32 v26, v19;
	v26 =	vld [tilespmem:s20+$0xFFFFFE20]  }
0x3aa: {  	[tilespmem:s20+$0xFFFFFDC0] =	vst v20;
	v20 =	vmul.f32 v25, v19;
	v25 =	vld [tilespmem:s20+$0xFFFFFE30]  }
0x3ab: {  	[tilespmem:s20+$0xFFFFFDD0] =	vst v21;
	v21 =	vmul.f32 v23, v19;
	v23 =	vld [tilespmem:s20+$0xFFFFFE40]  }
0x3ac: {  	[tilespmem:s20+$0xFFFFFDE0] =	vst v20;
	v19 =	vmul.f32 v24, v19;
	v24 =	vld [tilespmem:s20+$0xFFFFFE50]  }
0x3ad: {  	[tilespmem:s20+$0xFFFFFDF0] =	vst v21;
	v21 =	vmul.f32 v4, v22;
	v27 =	vld [tilespmem:s20+$0xFFFFFE60]  }
.Ltmp7:
0x3ae: {  	[tilespmem:s20+$0xFFFFFE00] =	vst v19;
	v19 =	vmul.f32 v4, v26;
	v20 =	vld [tilespmem:s20+$0xFFFFFE70];
	(pc) =	sbr.rel @p1 .LBB2_13-.Ltmp7, $4  }
0x3af: {  	[tilespmem:s20+$0xFFFFFE10] =	vst v21;
	v25 =	vmul.f32 v4, v25;
	v21 =	vld [tilespmem:s20+$0xFFFFFE80]  }
0x3b0: {  	[tilespmem:s20+$0xFFFFFE20] =	vst v19;
	v23 =	vmul.f32 v23, v4;
	v22 =	vld [tilespmem:s20+$0xFFFFFE90]  }
0x3b1: {  	[tilespmem:s20+$0xFFFFFE30] =	vst v25;
	v25 =	vmul.f32 v24, v4;
	v19 =	vld [tilespmem:s20+$0xFFFFFEA0]  }
0x3b2: {  	s2 =	sadd.s32 $0x80, s2;
	[tilespmem:s20+$0xFFFFFE40] =	vst v23;
	v24 =	vmul.f32 v27, v4;
	v23 =	vld [tilespmem:s20+$0xFFFFFEB0]  }
0x3b3: {  	[tilespmem:s20+$0xFFFFFE50] =	vst v25  }
0x3b4: {  	[tilespmem:s13+$0xFFFFFF20] =	vst v9  }
0x3b5: {  	[tilespmem:s13+$0xFFFFFF30] =	vst v10  }
0x3b6: {  	[tilespmem:s13+$0xFFFFFF40] =	vst v13  }
0x3b7: {  	[tilespmem:s13+$0xFFFFFF50] =	vst v14  }
0x3b8: {  	[tilespmem:s13+$0xFFFFFF60] =	vst v16  }
0x3b9: {  	[tilespmem:s13+$0xFFFFFF70] =	vst v17  }
0x3ba: {  	[tilespmem:s13+$0xFFFFFF80] =	vst v18  }
0x3bb: {  	[tilespmem:s20+$0xFFFFFF90] =	vst v6  }
0x3bc: {  	[tilespmem:s20+$0xFFFFFFA0] =	vst v15  }
0x3bd: {  	[tilespmem:s20+$0xFFFFFFB0] =	vst v11  }
0x3be: {  	[tilespmem:s20+$0xFFFFFFC0] =	vst v12  }
0x3bf: {  	[tilespmem:s20+$0xFFFFFFD0] =	vst v7  }
0x3c0: {  	[tilespmem:s20+$0xFFFFFFE0] =	vst v8  }
0x3c1: {  	v20 =	vmul.f32 v20, v4;
	v47 =	vld [tilespmem:s20+$0xFFFFFEC0];
	[tilespmem:s20+$0xFFFFFFF0] =	vst v5  }
0x3c2: {  	v48 =	vld [tilespmem:s20+$0xFFFFFED0];
	[tilespmem:s20+$0xFFFFFE60] =	vst v24;
	v43 =	vmul.f32 v21, v4  }
0x3c3: {  	v49 =	vld [tilespmem:s20+$0xFFFFFEE0];
	[tilespmem:s20+$0xFFFFFE70] =	vst v20;
	v44 =	vmul.f32 v2, v22  }
0x3c4: {  	v50 =	vld [tilespmem:s20+$0xFFFFFEF0];
	[tilespmem:s20+$0xFFFFFE80] =	vst v43;
	v45 =	vmul.f32 v2, v19  }
0x3c5: {  	v51 =	vld [tilespmem:s20+$0xFFFFFF00];
	[tilespmem:s20+$0xFFFFFE90] =	vst v44;
	v46 =	vmul.f32 v2, v23  }
0x3c6: {  	v52 =	vld [tilespmem:s20+$0xFFFFFF10];
	[tilespmem:s20+$0xFFFFFEA0] =	vst v45;
	v4 =	vmul.f32 v47, v2  }
0x3c7: {  	v53 =	vld [tilespmem:s20+$0xFFFFFF20];
	v6 =	vmul.f32 v48, v2;
	[tilespmem:s20+$0xFFFFFEB0] =	vst v46  }
0x3c8: {  	v55 =	vld [tilespmem:s20+$0xFFFFFF40];
	v56 =	vmul.f32 v49, v2;
	[tilespmem:s20+$0xFFFFFEC0] =	vst v4  }
0x3c9: {  	v57 =	vld [tilespmem:s20+$0xFFFFFF50];
	v58 =	vmul.f32 v50, v2;
	[tilespmem:s20+$0xFFFFFED0] =	vst v6  }
0x3ca: {  	v54 =	vld [tilespmem:s20+$0xFFFFFF30];
	v2 =	vmul.f32 v51, v2;
	[tilespmem:s20+$0xFFFFFEE0] =	vst v56  }
0x3cb: {  	v60 =	vld [tilespmem:s20+$0xFFFFFF70];
	v7 =	vmul.f32 v3, v52;
	[tilespmem:s20+$0xFFFFFEF0] =	vst v58  }
0x3cc: {  	v59 =	vld [tilespmem:s20+$0xFFFFFF60];
	v8 =	vmul.f32 v3, v53;
	[tilespmem:s20+$0xFFFFFF00] =	vst v2  }
0x3cd: {  	v61 =	vld [tilespmem:s20+$0xFFFFFF80];
	v62 =	vmul.f32 v55, v3;
	[tilespmem:s20+$0xFFFFFF10] =	vst v7  }
0x3ce: {  	v63 =	vmul.f32 v57, v3;
	[tilespmem:s20+$0xFFFFFF20] =	vst v8  }
0x3cf: {  	v2 =	vmul.f32 v3, v54;
	[tilespmem:s20+$0xFFFFFF40] =	vst v62  }
0x3d0: {  	v4 =	vmul.f32 v60, v3;
	[tilespmem:s20+$0xFFFFFF50] =	vst v63  }
0x3d1: {  	s4 =	sadd.s32 $0x1, s4;
	[tilespmem:s20+$0xFFFFFF30] =	vst v2;
	v2 =	vmul.f32 v59, v3  }
0x3d2: {  	p1 =	sne.s32 s4, $0x29;
	v3 =	vmul.f32 v61, v3;
	[tilespmem:s20+$0xFFFFFF70] =	vst v4  }
.Ltmp8:
0x3d3: {  	[tilespmem:s20+$0xFFFFFF60] =	vst v2;
	(pc) =	sbr.rel @p1 .LBB2_8-.Ltmp8, $4  }
0x3d4: {  	s1 =	rddreg [dreg:$0x3];
	s2 =	simm.s32 $0x16B70;
	s13 =	simm.s32 $0x16120;
	[tilespmem:s20+$0xFFFFFF80] =	vst v3  }
0x3d5: {  	[spmem:s1] =	stream.indirect.scatter.add.f32 [tilespmem:s2], [sflag:$0xF], $0x10, s13, s8, $0xb8;
	[tilespmem:$0x1F7F0] =	vst v63  }
0x3d6: {  	s24 =	simm.s32 $0x1CF70;
	s28 =	simm.s32 $0x16120;
	s20 =	rddreg [dreg:$0x2]  }
0x3d7: {  	[spmem:s20] =	stream.indirect.scatter.add.f32 [tilespmem:s24], [sflag:$0x12], $0x80, s13, s8, $0xb8;
	[tilespmem:$0x1F7F0] =	vst v63  }
0x3d8: {  	s1 =	simm.s32 $0xF  }
0x3d9: {  	_ =	swait.ge [sflag:s1], $0x500  }
0x3da: {  	[sflag:s1] =	ssyncset.done $0x0  }
0x3db: {  	s24 =	simm.s32 $0x12;
	[sflag:s1] =	ssyncadd.s32 $0xFFFFFB00  }
0x3dc: {  	_ =	swait.ge [sflag:s24], $0x2800  }
0x3dd: {  	[sflag:s24] =	ssyncset.done $0x0  }
0x3de: {  	[sflag:s24] =	ssyncadd.s32 $0xFFFFD800  }
0x3df: {  	_ =	swait.ge [sflag:s23], $0xA0  }
0x3e0: {  	[sflag:s23] =	ssyncset.done $0x0  }
0x3e1: {  	[sflag:s23] =	ssyncadd.s32 $0xFFFFFF60  }
0x3e2: {  	s2 =	rddreg [dreg:$0x0]  }
0x3e3: {  	[tilespmem:s25], [sflag:$0xB] =	stream.indirect.gather [hbm4b:s2+s8], $0x80, s16, s8, $0xb8;
	[tilespmem:$0x1F7F0] =	vst v63  }
0x3e4: {  	s4 =	simm.s32 $0x16670  }
0x3e5: {  	[tilespmem:s4], [sflag:$0x5] =	stream.indirect.gather [hbm4b:s6+s8], $0x10, s16, s8, $0xb8;
	[tilespmem:$0x1F7F0] =	vst v63  }
0x3e6: {  	s13 =	simm.s32 $0x17570  }
0x3e7: {  	[tilespmem:s13], [sflag:$0x8] =	stream.indirect.gather [hbm4b:s7+s8], $0x10, s26, s8, $0xb8;
	[tilespmem:$0x1F7F0] =	vst v63  }
0x3e8: {  	_ =	swait.ge [sflag:s22], $0x2800  }
0x3e9: {  	[sflag:s22] =	ssyncset.done $0x0  }
0x3ea: {  	[sflag:s22] =	ssyncadd.s32 $0xFFFFD800  }
0x3eb: {  	_ =	swait.ge [sflag:s21], $0x500  }
0x3ec: {  	[sflag:s21] =	ssyncset.done $0x0  }
0x3ed: {  	[sflag:s21] =	ssyncadd.s32 $0xFFFFFB00  }
0x3ee: {  	_ =	swait.ge [sflag:s10], $0x500  }
0x3ef: {  	[sflag:s10] =	ssyncset.done $0x0  }
0x3f0: {  	s20 =	simm.s32 $0x161B0;
	[sflag:s10] =	ssyncadd.s32 $0xFFFFFB00  }
0x3f1: {  	s2 =	simm.s32 $0x170B0;
	v2 =	vld [tilespmem:s20+$0x30]  }
0x3f2: {  	v3 =	vld [tilespmem:s2+$0x30];
	_ =	sdelay $0x4  }
0x3f3: {  	v2 =	vadd.f32 v3, v2  }
0x3f4: {  	v4 =	vld [tilespmem:s20+$0xFFFFFFD0]  }
0x3f5: {  	v6 =	vld [tilespmem:s2+$0xFFFFFFD0];
	v5 =	vmul.f32 $9.999999770e-03, v2  }
0x3f6: {  	vm0 =	vgt.f32 v2, $0.0e+00  }
0x3f7: {  	v2 =	vsel vm0, v2, v5  }
0x3f8: {  	v2 =	vsub.f32 v2, v1  }
0x3f9: {  	v7 =	vld [tilespmem:s20+$0xFFFFFFE0]  }
0x3fa: {  	v8 =	vld [tilespmem:s20+$0xFFFFFFF0];
	v4 =	vadd.f32 v6, v4;
	v2 =	vmul.f32 $1.442695020e+00, v2  }
0x3fb: {  	v9 =	vld [tilespmem:s2+$0xFFFFFFF0]  }
0x3fc: {  	v5 =	vld [tilespmem:s2+$0xFFFFFFE0];
	(erf) = vpow2.f32 v2;
	v2 =	vmul.f32 $9.999999770e-03, v4  }
0x3fd: {  	v10 =	vld [tilespmem:s20+$0xFFFFFFC0];
	vm13 =	vgt.f32 v4, $0.0e+00  }
0x3fe: {  	v3 =	vld [tilespmem:s2+$0xFFFFFFC0];
	v2 =	vsel vm13, v4, v2  }
0x3ff: {  	v2 =	vsub.f32 v2, v1  }
0x400: {  	v12 =	vld [tilespmem:s2+$0x0]  }
0x401: {  	v13 =	vld [tilespmem:s20+$0x10];
	v6 =	vadd.f32 v9, v8;
	v5 =	vadd.f32 v5, v7;
	v8 =	vmul.f32 $1.442695020e+00, v2  }
0x402: {  	v14 =	vld [tilespmem:s2+$0x10]  }
0x403: {  	v15 =	vld [tilespmem:s20+$0x20];
	v3 =	vadd.f32 v3, v10;
	v7 =	vmul.f32 $9.999999770e-03, v5;
	(erf) = vpow2.f32 v8  }
0x404: {  	s24 =	simm.s32 $0x16230;
	v16 =	vld [tilespmem:s2+$0x20];
	vm14 =	vgt.f32 v5, $0.0e+00;
	v4 =	vmul.f32 $9.999999770e-03, v6  }
0x405: {  	s13 =	simm.s32 $0x17130;
	v44 =	vld [tilespmem:s24+$0x30];
	vm15 =	vgt.f32 v6, $0.0e+00;
	v5 =	vsel vm14, v5, v7;
	v7 =	vmul.f32 $9.999999770e-03, v3;
	v2 =	vpop (erf)  }
0x406: {  	s4 =	simm.s32 $0x18170;
	v47 =	vld [tilespmem:s13+$0x20];
	vm4 =	vgt.f32 v3, $0.0e+00;
	v4 =	vsel vm15, v6, v4;
	v5 =	vsub.f32 v5, v1;
	[tilespmem:s20+$0x30] =	vst v2  }
0x407: {  	v4 =	vsub.f32 v4, v1;
	v3 =	vsel vm4, v3, v7;
	v7 =	vld [tilespmem:s4+$0x1F0]  }
0x408: {  	v6 =	vld [tilespmem:s20+$0x0];
	v5 =	vmul.f32 $1.442695020e+00, v5;
	v3 =	vsub.f32 v3, v1  }
0x409: {  	v4 =	vmul.f32 $1.442695020e+00, v4;
	v11 =	vld [tilespmem:s4+$0x180]  }
0x40a: {  	v3 =	vmul.f32 $1.442695020e+00, v3;
	(erf) = vpow2.f32 v5;
	v10 =	vld [tilespmem:s4+$0x190]  }
0x40b: {  	(erf) = vpow2.f32 v4;
	v9 =	vld [tilespmem:s4+$0x1A0]  }
0x40c: {  	(erf) = vpow2.f32 v3;
	v4 =	vld [tilespmem:s4+$0x1C0];
	v3 =	vmul.f32 v7, v2;
	v17 =	vpop (erf)  }
0x40d: {  	v6 =	vadd.f32 v12, v6;
	v7 =	vld [tilespmem:s4+$0x1B0];
	[tilespmem:s20+$0xFFFFFFD0] =	vst v17  }
0x40e: {  	[tilespmem:s4+$0x1F0] =	vst v3;
	v3 =	vld [tilespmem:s4+$0x1D0]  }
0x40f: {  	v27 =	vmul.f32 $9.999999770e-03, v6;
	v5 =	vld [tilespmem:s4+$0xFFFFFE80]  }
0x410: {  	vm5 =	vgt.f32 v6, $0.0e+00;
	v19 =	vld [tilespmem:s4+$0xFFFFFE90]  }
0x411: {  	v6 =	vsel vm5, v6, v27;
	v21 =	vld [tilespmem:s4+$0xFFFFFEA0]  }
0x412: {  	v13 =	vadd.f32 v14, v13;
	v6 =	vsub.f32 v6, v1;
	v14 =	vld [tilespmem:s4+$0xFFFFFEC0]  }
0x413: {  	v27 =	vld [tilespmem:s4+$0xFFFFFED0]  }
0x414: {  	v6 =	vmul.f32 $1.442695020e+00, v6;
	v18 =	vpop (erf);
	v29 =	vld [tilespmem:s4+$0xFFFFFEE0]  }
0x415: {  	v28 =	vmul.f32 $9.999999770e-03, v13;
	v34 =	vld [tilespmem:s4+$0xFFFFFEF0];
	[tilespmem:s20+$0xFFFFFFE0] =	vst v18  }
0x416: {  	vm6 =	vgt.f32 v13, $0.0e+00;
	(erf) = vpow2.f32 v6;
	v6 =	vld [tilespmem:s4+$0xFFFFFF00]  }
0x417: {  	v13 =	vsel vm6, v13, v28;
	v63 =	vld [tilespmem:s4+$0xFFFFFF10]  }
0x418: {  	v13 =	vsub.f32 v13, v1;
	v30 =	vld [tilespmem:s4+$0xFFFFFF20]  }
0x419: {  	v31 =	vld [tilespmem:s4+$0xFFFFFF30]  }
0x41a: {  	v13 =	vmul.f32 $1.442695020e+00, v13;
	v32 =	vld [tilespmem:s4+$0xFFFFFF40]  }
0x41b: {  	v33 =	vld [tilespmem:s4+$0xFFFFFF50]  }
0x41c: {  	v8 =	vpop (erf);
	(erf) = vpow2.f32 v13;
	v13 =	vld [tilespmem:s4+$0xFFFFFF60]  }
0x41d: {  	[tilespmem:s20+$0xFFFFFFF0] =	vst v8;
	v35 =	vld [tilespmem:s4+$0xFFFFFF70]  }
0x41e: {  	v37 =	vld [tilespmem:s4+$0xFFFFFF90]  }
0x41f: {  	v20 =	vpop (erf);
	v38 =	vld [tilespmem:s4+$0xFFFFFFC0];
	v5 =	vmul.f32 v17, v5  }
0x420: {  	[tilespmem:s20+$0xFFFFFFC0] =	vst v20;
	v40 =	vld [tilespmem:s4+$0xFFFFFFF0];
	v12 =	vmul.f32 v17, v19  }
0x421: {  	v22 =	vld [tilespmem:s4+$0xFFFFFE00];
	v21 =	vmul.f32 v17, v21;
	[tilespmem:s4+$0xFFFFFE80] =	vst v5  }
0x422: {  	v23 =	vld [tilespmem:s4+$0xFFFFFE10];
	v14 =	vmul.f32 v14, v17;
	[tilespmem:s4+$0xFFFFFE90] =	vst v12  }
0x423: {  	v15 =	vadd.f32 v16, v15;
	v24 =	vld [tilespmem:s4+$0xFFFFFE20];
	v16 =	vmul.f32 v29, v17;
	[tilespmem:s4+$0xFFFFFEA0] =	vst v21  }
0x424: {  	v25 =	vld [tilespmem:s4+$0xFFFFFE30];
	v6 =	vmul.f32 v18, v6;
	[tilespmem:s4+$0xFFFFFEC0] =	vst v14  }
0x425: {  	v26 =	vld [tilespmem:s4+$0xFFFFFE50];
	[tilespmem:s4+$0xFFFFFEE0] =	vst v16;
	v16 =	vmul.f32 v18, v63  }
0x426: {  	v19 =	vld [tilespmem:s4+$0xFFFFFE40];
	v13 =	vmul.f32 v13, v18;
	[tilespmem:s4+$0xFFFFFF00] =	vst v6  }
0x427: {  	v12 =	vld [tilespmem:s4+$0xFFFFFE60];
	[tilespmem:s4+$0xFFFFFF10] =	vst v16  }
0x428: {  	v5 =	vld [tilespmem:s4+$0x1E0];
	v22 =	vmul.f32 v20, v22;
	v36 =	vpop (erf);
	[tilespmem:s4+$0xFFFFFF60] =	vst v13  }
0x429: {  	v21 =	vld [tilespmem:s4+$0xFFFFFE70];
	v6 =	vmul.f32 v20, v23;
	[tilespmem:s20+$0x0] =	vst v36  }
0x42a: {  	v23 =	vld [tilespmem:s4+$0xFFFFFF80];
	v24 =	vmul.f32 v20, v24;
	[tilespmem:s4+$0xFFFFFE00] =	vst v22  }
0x42b: {  	v26 =	vmul.f32 v26, v20;
	v13 =	vld [tilespmem:s24+$0xFFFFFFD0];
	[tilespmem:s4+$0xFFFFFE10] =	vst v6  }
0x42c: {  	v19 =	vmul.f32 v19, v20;
	v22 =	vld [tilespmem:s4+$0xFFFFFEB0];
	[tilespmem:s4+$0xFFFFFE20] =	vst v24  }
0x42d: {  	v6 =	vmul.f32 v25, v20;
	v25 =	vld [tilespmem:s4+$0xFFFFFFA0];
	[tilespmem:s4+$0xFFFFFE50] =	vst v26  }
0x42e: {  	v24 =	vld [tilespmem:s4+$0xFFFFFFB0];
	[tilespmem:s4+$0xFFFFFE40] =	vst v19;
	v12 =	vmul.f32 v12, v20  }
0x42f: {  	v26 =	vld [tilespmem:s4+$0xFFFFFFE0];
	v20 =	vmul.f32 v21, v20;
	[tilespmem:s4+$0xFFFFFE30] =	vst v6  }
0x430: {  	v21 =	vld [tilespmem:s4+$0x0];
	[tilespmem:s4+$0xFFFFFE60] =	vst v12  }
0x431: {  	v41 =	vld [tilespmem:s4+$0x70];
	[tilespmem:s4+$0xFFFFFE70] =	vst v20;
	v6 =	vpop (erf);
	v12 =	vmul.f32 v22, v17  }
0x432: {  	v19 =	vld [tilespmem:s4+$0xFFFFFFD0];
	v14 =	vmul.f32 v8, v23;
	[tilespmem:s20+$0x10] =	vst v6  }
0x433: {  	v20 =	vld [tilespmem:s4+$0x20];
	[tilespmem:s4+$0xFFFFFEB0] =	vst v12;
	v12 =	vmul.f32 v27, v17  }
0x434: {  	v45 =	vmul.f32 v2, v10;
	v23 =	vld [tilespmem:s4+$0x40];
	[tilespmem:s4+$0xFFFFFF80] =	vst v14;
	v10 =	vmul.f32 v24, v8  }
0x435: {  	v22 =	vld [tilespmem:s4+$0x10];
	[tilespmem:s4+$0xFFFFFED0] =	vst v12;
	v12 =	vmul.f32 v36, v21  }
0x436: {  	v46 =	vmul.f32 v7, v2;
	v14 =	vld [tilespmem:s4+$0x60];
	v17 =	vmul.f32 v34, v17;
	[tilespmem:s4+$0xFFFFFFB0] =	vst v10  }
0x437: {  	v24 =	vld [tilespmem:s13+$0xFFFFFFE0];
	v7 =	vmul.f32 v19, v8;
	[tilespmem:s4+$0x0] =	vst v12;
	v12 =	vmul.f32 $9.999999770e-03, v15  }
0x438: {  	vm7 =	vgt.f32 v15, $0.0e+00;
	v42 =	vld [tilespmem:s4+$0x80];
	[tilespmem:s4+$0xFFFFFEF0] =	vst v17;
	v17 =	vmul.f32 v18, v30  }
0x439: {  	v16 =	vld [tilespmem:s4+$0x90];
	[tilespmem:s4+$0xFFFFFFD0] =	vst v7;
	v12 =	vsel vm7, v15, v12;
	v15 =	vmul.f32 v31, v18  }
0x43a: {  	v43 =	vld [tilespmem:s4+$0xA0];
	[tilespmem:s4+$0xFFFFFF20] =	vst v17;
	v17 =	vmul.f32 v32, v18;
	v12 =	vsub.f32 v12, v1  }
0x43b: {  	v19 =	vld [tilespmem:s13+$0xFFFFFFF0];
	[tilespmem:s4+$0xFFFFFF30] =	vst v15;
	v15 =	vmul.f32 v33, v18  }
0x43c: {  	v7 =	vmul.f32 v40, v8;
	[tilespmem:s4+$0xFFFFFF40] =	vst v17;
	v17 =	vld [tilespmem:s13+$0x30];
	v12 =	vmul.f32 $1.442695020e+00, v12  }
0x43d: {  	v48 =	vld [tilespmem:s4+$0xB0];
	[tilespmem:s4+$0xFFFFFF50] =	vst v15;
	v15 =	vmul.f32 v35, v18  }
0x43e: {  	v49 =	vld [tilespmem:s4+$0xF0];
	[tilespmem:s4+$0xFFFFFFF0] =	vst v7;
	(erf) = vpow2.f32 v12;
	v12 =	vmul.f32 v8, v37  }
0x43f: {  	v21 =	vld [tilespmem:s4+$0x50];
	[tilespmem:s4+$0xFFFFFF70] =	vst v15;
	v15 =	vmul.f32 v8, v25  }
0x440: {  	v11 =	vmul.f32 v2, v11;
	v7 =	vmul.f32 v6, v42;
	v25 =	vld [tilespmem:s13+$0xFFFFFFD0];
	[tilespmem:s4+$0xFFFFFF90] =	vst v12  }
0x441: {  	v9 =	vmul.f32 v2, v9;
	v17 =	vadd.f32 v17, v44;
	v12 =	vld [tilespmem:s24+$0xFFFFFFE0];
	[tilespmem:s4+$0xFFFFFFA0] =	vst v15;
	v15 =	vmul.f32 v38, v8  }
0x442: {  	v4 =	vmul.f32 v4, v2;
	v27 =	vld [tilespmem:s4+$0x30];
	v16 =	vmul.f32 v6, v16;
	[tilespmem:s4+$0x80] =	vst v7  }
0x443: {  	v10 =	vld [tilespmem:s24+$0xFFFFFFF0];
	[tilespmem:s4+$0xFFFFFFC0] =	vst v15;
	v15 =	vmul.f32 v26, v8;
	v26 =	vmul.f32 $9.999999770e-03, v17  }
0x444: {  	v3 =	vmul.f32 v3, v2;
	[tilespmem:s4+$0x90] =	vst v16;
	v16 =	vld [tilespmem:s24+$0x20];
	vm8 =	vgt.f32 v17, $0.0e+00;
	v8 =	vmul.f32 v36, v22  }
0x445: {  	v7 =	vmul.f32 v6, v43;
	v18 =	vld [tilespmem:s13+$0xFFFFFFC0];
	v13 =	vadd.f32 v25, v13;
	v17 =	vsel vm8, v17, v26;
	[tilespmem:s4+$0xFFFFFFE0] =	vst v15  }
0x446: {  	v15 =	vmul.f32 v36, v20;
	[tilespmem:s4+$0x10] =	vst v8;
	v8 =	vmul.f32 v21, v36;
	v21 =	vld [tilespmem:s24+$0xFFFFFFC0];
	v12 =	vadd.f32 v24, v12  }
0x447: {  	[tilespmem:s4+$0x180] =	vst v11;
	v14 =	vmul.f32 v14, v36;
	v22 =	vld [tilespmem:s24+$0x0];
	v17 =	vsub.f32 v17, v1;
	v24 =	vmul.f32 $9.999999770e-03, v13  }
0x448: {  	v10 =	vadd.f32 v19, v10;
	v25 =	vld [tilespmem:s13+$0x10];
	vm9 =	vgt.f32 v13, $0.0e+00;
	[tilespmem:s4+$0x20] =	vst v15;
	v15 =	vmul.f32 $9.999999770e-03, v12  }
0x449: {  	[tilespmem:s4+$0x190] =	vst v45;
	v26 =	vld [tilespmem:s13+$0x0];
	vm10 =	vgt.f32 v12, $0.0e+00;
	v17 =	vmul.f32 $1.442695020e+00, v17;
	v13 =	vsel vm9, v13, v24  }
0x44a: {  	[tilespmem:s4+$0xA0] =	vst v7;
	v20 =	vmul.f32 v27, v36;
	v27 =	vld [tilespmem:s24+$0x10];
	v7 =	vpop (erf);
	v13 =	vsub.f32 v13, v1;
	v12 =	vsel vm10, v12, v15  }
0x44b: {  	[tilespmem:s20+$0x20] =	vst v7;
	v24 =	vld [tilespmem:s4+$0xC0];
	(erf) = vpow2.f32 v17;
	v17 =	vadd.f32 v18, v21;
	v18 =	vmul.f32 $9.999999770e-03, v10  }
0x44c: {  	v2 =	vmul.f32 v5, v2;
	[tilespmem:s4+$0x60] =	vst v14;
	vm11 =	vgt.f32 v10, $0.0e+00;
	v50 =	vld [tilespmem:s4+$0x100];
	v12 =	vsub.f32 v12, v1  }
0x44d: {  	[tilespmem:s4+$0x50] =	vst v8;
	v11 =	vld [tilespmem:s4+$0x130];
	v13 =	vmul.f32 $1.442695020e+00, v13;
	v15 =	vmul.f32 $9.999999770e-03, v17;
	v8 =	vsel vm11, v10, v18  }
0x44e: {  	[tilespmem:s4+$0x30] =	vst v20;
	v5 =	vld [tilespmem:s4+$0x170];
	v20 =	vadd.f32 v26, v22;
	vm12 =	vgt.f32 v17, $0.0e+00;
	v14 =	vsub.f32 v8, v1  }
0x44f: {  	[tilespmem:s4+$0x1A0] =	vst v9;
	v21 =	vld [tilespmem:s4+$0xD0];
	v12 =	vmul.f32 $1.442695020e+00, v12;
	(erf) = vpow2.f32 v13;
	v10 =	vsel vm12, v17, v15  }
0x450: {  	[tilespmem:s4+$0x1C0] =	vst v4;
	v28 =	vmul.f32 v41, v36;
	v26 =	vld [tilespmem:s4+$0xE0];
	v17 =	vsub.f32 v10, v1;
	v14 =	vmul.f32 $1.442695020e+00, v14  }
0x451: {  	[tilespmem:s4+$0x1B0] =	vst v46;
	v8 =	vld [tilespmem:s4+$0x110];
	v15 =	vmul.f32 $9.999999770e-03, v20;
	(erf) = vpow2.f32 v12  }
0x452: {  	[tilespmem:s4+$0x1D0] =	vst v3;
	vm13 =	vgt.f32 v20, $0.0e+00;
	v12 =	vld [tilespmem:s4+$0x140];
	v13 =	vmul.f32 $1.442695020e+00, v17;
	(erf) = vpow2.f32 v14  }
0x453: {  	[tilespmem:s4+$0x1E0] =	vst v2;
	v9 =	vadd.f32 v25, v27;
	v10 =	vld [tilespmem:s4+$0x120];
	v14 =	vsel vm13, v20, v15  }
0x454: {  	[tilespmem:s4+$0x70] =	vst v28;
	v23 =	vmul.f32 v23, v36;
	v15 =	vld [tilespmem:s4+$0x150];
	v19 =	vpop (erf);
	(erf) = vpow2.f32 v13;
	v13 =	vsub.f32 v14, v1  }
0x455: {  	s20 =	simm.s32 $0x18570;
	v4 =	vmul.f32 $9.999999770e-03, v9;
	v2 =	vmul.f32 v24, v6;
	v17 =	vld [tilespmem:s4+$0x160];
	[tilespmem:s24+$0x30] =	vst v19  }
0x456: {  	[tilespmem:s4+$0x40] =	vst v23;
	vm14 =	vgt.f32 v9, $0.0e+00;
	v22 =	vld [tilespmem:s20+$0x1F0];
	v3 =	vmul.f32 $1.442695020e+00, v13;
	v13 =	vmul.f32 v48, v6  }
0x457: {  	v4 =	vsel vm14, v9, v4;
	[tilespmem:s4+$0xC0] =	vst v2;
	v18 =	vld [tilespmem:s20+$0x180]  }
0x458: {  	v20 =	vld [tilespmem:s20+$0x190];
	v9 =	vpop (erf);
	(erf) = vpow2.f32 v3;
	[tilespmem:s4+$0xB0] =	vst v13;
	v3 =	vsub.f32 v4, v1;
	v4 =	vmul.f32 v21, v6  }
0x459: {  	v53 =	vld [tilespmem:s20+$0x1C0];
	[tilespmem:s24+$0xFFFFFFD0] =	vst v9  }
0x45a: {  	v14 =	vld [tilespmem:s20+$0xFFFFFE80];
	v13 =	vpop (erf);
	v3 =	vmul.f32 $1.442695020e+00, v3;
	[tilespmem:s4+$0xD0] =	vst v4  }
0x45b: {  	v57 =	vld [tilespmem:s20+$0x1D0];
	v4 =	vmul.f32 v26, v6;
	v2 =	vmul.f32 v22, v19;
	v23 =	vpop (erf);
	[tilespmem:s24+$0xFFFFFFE0] =	vst v13  }
0x45c: {  	(erf) = vpow2.f32 v3;
	v3 =	vmul.f32 v49, v6;
	v6 =	vld [tilespmem:s20+$0xFFFFFEA0];
	[tilespmem:s24+$0xFFFFFFF0] =	vst v23  }
0x45d: {  	[tilespmem:s20+$0x1F0] =	vst v2;
	v2 =	vld [tilespmem:s20+$0xFFFFFE90];
	v24 =	vpop (erf)  }
0x45e: {  	v60 =	vld [tilespmem:s20+$0xFFFFFFE0];
	[tilespmem:s24+$0xFFFFFFC0] =	vst v24  }
0x45f: {  	[tilespmem:s4+$0xE0] =	vst v4;
	v14 =	vmul.f32 v9, v14;
	v25 =	vld [tilespmem:s20+$0xFFFFFE00]  }
0x460: {  	v21 =	vld [tilespmem:s20+$0x1A0];
	[tilespmem:s4+$0xF0] =	vst v3  }
0x461: {  	v16 =	vadd.f32 v47, v16;
	v3 =	vld [tilespmem:s20+$0xFFFFFE10];
	[tilespmem:s20+$0xFFFFFE80] =	vst v14;
	v4 =	vpop (erf);
	v6 =	vmul.f32 v9, v6  }
0x462: {  	v26 =	vld [tilespmem:s20+$0xFFFFFE20];
	[tilespmem:s24+$0x0] =	vst v4;
	v2 =	vmul.f32 v9, v2  }
0x463: {  	v29 =	vmul.f32 $9.999999770e-03, v16;
	v27 =	vld [tilespmem:s20+$0xFFFFFE30];
	v61 =	vmul.f32 v60, v23;
	[tilespmem:s20+$0xFFFFFEA0] =	vst v6  }
0x464: {  	vm15 =	vgt.f32 v16, $0.0e+00;
	v54 =	vld [tilespmem:s20+$0xFFFFFEB0];
	v14 =	vmul.f32 v24, v25;
	[tilespmem:s20+$0xFFFFFE90] =	vst v2  }
0x465: {  	v25 =	vld [tilespmem:s20+$0xFFFFFE50];
	v2 =	vsel vm15, v16, v29;
	v16 =	vmul.f32 v7, v50;
	[tilespmem:s20+$0xFFFFFFE0] =	vst v61  }
0x466: {  	v51 =	vld [tilespmem:s20+$0xFFFFFE40];
	v3 =	vmul.f32 v24, v3;
	[tilespmem:s20+$0xFFFFFE00] =	vst v14  }
0x467: {  	v6 =	vld [tilespmem:s20+$0xFFFFFE70];
	v14 =	vsub.f32 v2, v1;
	[tilespmem:s4+$0x100] =	vst v16;
	v16 =	vmul.f32 v24, v26  }
0x468: {  	v52 =	vld [tilespmem:s20+$0xFFFFFE60];
	[tilespmem:s20+$0xFFFFFE10] =	vst v3;
	v3 =	vmul.f32 v27, v24  }
0x469: {  	v26 =	vld [tilespmem:s20+$0xFFFFFEC0];
	v14 =	vmul.f32 $1.442695020e+00, v14;
	[tilespmem:s20+$0xFFFFFE20] =	vst v16  }
0x46a: {  	v2 =	vpop (erf);
	v16 =	vld [tilespmem:s20+$0xFFFFFEE0];
	[tilespmem:s20+$0xFFFFFE30] =	vst v3;
	v3 =	vmul.f32 v25, v24  }
0x46b: {  	v55 =	vld [tilespmem:s20+$0xFFFFFF00];
	[tilespmem:s24+$0x10] =	vst v2;
	(erf) = vpow2.f32 v14;
	v14 =	vmul.f32 v51, v24  }
0x46c: {  	v56 =	vld [tilespmem:s20+$0xFFFFFF50];
	[tilespmem:s20+$0xFFFFFE50] =	vst v3;
	v3 =	vmul.f32 v6, v24  }
0x46d: {  	v27 =	vld [tilespmem:s20+$0xFFFFFED0];
	[tilespmem:s20+$0xFFFFFE40] =	vst v14;
	v14 =	vmul.f32 v52, v24  }
0x46e: {  	v6 =	vld [tilespmem:s20+$0xFFFFFF10];
	[tilespmem:s20+$0xFFFFFE70] =	vst v3;
	v3 =	vmul.f32 v26, v9  }
0x46f: {  	v25 =	vld [tilespmem:s20+$0xFFFFFEF0];
	v16 =	vmul.f32 v16, v9;
	[tilespmem:s20+$0xFFFFFE60] =	vst v14  }
0x470: {  	v26 =	vld [tilespmem:s20+$0xFFFFFF30];
	v14 =	vmul.f32 v54, v9;
	[tilespmem:s20+$0xFFFFFEC0] =	vst v3  }
0x471: {  	v24 =	vld [tilespmem:s20+$0xFFFFFF20];
	v3 =	vmul.f32 v13, v55;
	[tilespmem:s20+$0xFFFFFEE0] =	vst v16  }
0x472: {  	v58 =	vld [tilespmem:s20+$0xFFFFFFC0];
	[tilespmem:s20+$0xFFFFFEB0] =	vst v14;
	v14 =	vmul.f32 v27, v9  }
0x473: {  	v16 =	vld [tilespmem:s20+$0xFFFFFF80];
	v6 =	vmul.f32 v13, v6;
	[tilespmem:s20+$0xFFFFFF00] =	vst v3  }
0x474: {  	v27 =	vld [tilespmem:s20+$0xFFFFFF40];
	v9 =	vmul.f32 v25, v9;
	[tilespmem:s20+$0xFFFFFED0] =	vst v14  }
0x475: {  	v25 =	vld [tilespmem:s20+$0xFFFFFF70];
	[tilespmem:s20+$0xFFFFFF10] =	vst v6;
	v6 =	vmul.f32 v26, v13  }
0x476: {  	v14 =	vld [tilespmem:s20+$0xFFFFFF60];
	[tilespmem:s20+$0xFFFFFEF0] =	vst v9;
	v9 =	vmul.f32 v13, v24  }
0x477: {  	v24 =	vld [tilespmem:s20+$0xFFFFFF90];
	[tilespmem:s20+$0xFFFFFF30] =	vst v6;
	v6 =	vmul.f32 v56, v13  }
0x478: {  	v22 =	vld [tilespmem:s20+$0x1B0];
	[tilespmem:s20+$0xFFFFFF20] =	vst v9;
	v16 =	vmul.f32 v23, v16  }
0x479: {  	v26 =	vld [tilespmem:s20+$0xFFFFFFA0];
	v9 =	vmul.f32 v27, v13;
	[tilespmem:s20+$0xFFFFFF50] =	vst v6  }
0x47a: {  	v27 =	vld [tilespmem:s20+$0xFFFFFFB0];
	v6 =	vmul.f32 v25, v13;
	[tilespmem:s20+$0xFFFFFF80] =	vst v16;
	v16 =	vmul.f32 v15, v7  }
0x47b: {  	v59 =	vld [tilespmem:s20+$0xFFFFFFD0];
	v15 =	vmul.f32 v58, v23;
	[tilespmem:s20+$0xFFFFFF40] =	vst v9;
	v14 =	vmul.f32 v14, v13  }
0x47c: {  	v9 =	vmul.f32 v7, v8;
	v8 =	vmul.f32 v23, v24;
	v24 =	vld [tilespmem:s20+$0xFFFFFFF0];
	[tilespmem:s20+$0xFFFFFF70] =	vst v6  }
0x47d: {  	v13 =	vmul.f32 v11, v7;
	v11 =	vld [tilespmem:s20+$0x0];
	[tilespmem:s20+$0xFFFFFFC0] =	vst v15  }
0x47e: {  	v10 =	vmul.f32 v7, v10;
	v6 =	vmul.f32 v23, v26;
	v26 =	vld [tilespmem:s20+$0x20];
	[tilespmem:s20+$0xFFFFFF60] =	vst v14  }
0x47f: {  	v14 =	vmul.f32 v12, v7;
	[tilespmem:s20+$0xFFFFFF90] =	vst v8;
	v12 =	vld [tilespmem:s20+$0x10];
	v8 =	vmul.f32 v27, v23  }
0x480: {  	v17 =	vmul.f32 v17, v7;
	v25 =	vld [tilespmem:s20+$0x1E0];
	v15 =	vmul.f32 v19, v20;
	[tilespmem:s20+$0xFFFFFFA0] =	vst v6  }
0x481: {  	v3 =	vpop (erf);
	v27 =	vld [tilespmem:s20+$0x30];
	v6 =	vmul.f32 v19, v18;
	[tilespmem:s20+$0xFFFFFFB0] =	vst v8;
	v8 =	vmul.f32 v59, v23  }
0x482: {  	v62 =	vld [tilespmem:s20+$0x40];
	[tilespmem:s24+$0x20] =	vst v3;
	v18 =	vmul.f32 v5, v7;
	v5 =	vmul.f32 v4, v11  }
0x483: {  	v63 =	vld [tilespmem:s20+$0x50];
	v7 =	vmul.f32 v24, v23;
	v11 =	vmul.f32 v19, v21;
	[tilespmem:s20+$0xFFFFFFD0] =	vst v8  }
0x484: {  	v20 =	vld [tilespmem:s20+$0x60];
	v23 =	vmul.f32 v4, v26;
	v8 =	vmul.f32 v4, v12;
	[tilespmem:s20+$0x0] =	vst v5  }
0x485: {  	v21 =	vld [tilespmem:s20+$0x70];
	v12 =	vmul.f32 v22, v19;
	[tilespmem:s20+$0xFFFFFFF0] =	vst v7;
	v7 =	vmul.f32 v53, v19  }
0x486: {  	v22 =	vld [tilespmem:s20+$0x80];
	v5 =	vmul.f32 v25, v19;
	v24 =	vmul.f32 v27, v4;
	[tilespmem:s20+$0x20] =	vst v23  }
0x487: {  	v25 =	vmul.f32 v62, v4;
	[tilespmem:s20+$0x10] =	vst v8;
	v8 =	vmul.f32 v57, v19;
	v19 =	vld [tilespmem:s20+$0x90]  }
0x488: {  	s1 =	simm.s32 $0x8;
	s2 =	simm.s32 $0x162B0;
	v23 =	vld [tilespmem:s20+$0xA0];
	[tilespmem:s20+$0x30] =	vst v24;
	v24 =	vmul.f32 v63, v4  }
.LBB2_16:
0x489: {  	v26 =	vld [tilespmem:s2+$0x30];
	[tilespmem:s20+$0x40] =	vst v25;
	v20 =	vmul.f32 v20, v4;
	s13 =	sadd.s32 $0x80, s13  }
0x48a: {  	s1 =	sadd.s32 $0x8, s1;
	v25 =	vld [tilespmem:s13+$0x30];
	[tilespmem:s20+$0x50] =	vst v24;
	v4 =	vmul.f32 v21, v4  }
0x48b: {  	p1 =	slt.u32 s1, $0x48;
	v21 =	vld [tilespmem:s13+$0xFFFFFFC0];
	[tilespmem:s20+$0x60] =	vst v20;
	v20 =	vmul.f32 v2, v22  }
0x48c: {  	v22 =	vld [tilespmem:s2+$0xFFFFFFD0];
	[tilespmem:s20+$0x70] =	vst v4;
	v4 =	vmul.f32 v2, v19  }
0x48d: {  	v19 =	vld [tilespmem:s13+$0xFFFFFFD0];
	[tilespmem:s20+$0x80] =	vst v20;
	v20 =	vmul.f32 v2, v23  }
0x48e: {  	v23 =	vld [tilespmem:s2+$0xFFFFFFE0];
	[tilespmem:s20+$0x90] =	vst v4  }
0x48f: {  	v4 =	vld [tilespmem:s13+$0xFFFFFFE0];
	v24 =	vadd.f32 v25, v26;
	[tilespmem:s20+$0xA0] =	vst v20  }
0x490: {  	v20 =	vld [tilespmem:s2+$0xFFFFFFF0];
	[tilespmem:s4+$0x110] =	vst v9  }
0x491: {  	v9 =	vld [tilespmem:s13+$0xFFFFFFF0];
	v25 =	vmul.f32 $9.999999770e-03, v24;
	[tilespmem:s4+$0x120] =	vst v10  }
0x492: {  	vm0 =	vgt.f32 v24, $0.0e+00;
	v10 =	vadd.f32 v19, v22;
	v19 =	vld [tilespmem:s2+$0x0];
	[tilespmem:s4+$0x130] =	vst v13  }
0x493: {  	v13 =	vld [tilespmem:s13+$0x0];
	v22 =	vsel vm0, v24, v25;
	[tilespmem:s4+$0x140] =	vst v14  }
0x494: {  	v14 =	vmul.f32 $9.999999770e-03, v10;
	v4 =	vadd.f32 v4, v23;
	v23 =	vld [tilespmem:s2+$0x10];
	v22 =	vsub.f32 v22, v1;
	[tilespmem:s4+$0x150] =	vst v16  }
0x495: {  	vm0 =	vgt.f32 v10, $0.0e+00;
	v16 =	vld [tilespmem:s13+$0x10];
	[tilespmem:s4+$0x160] =	vst v17  }
0x496: {  	v17 =	vmul.f32 $9.999999770e-03, v4;
	v9 =	vadd.f32 v9, v20;
	v20 =	vld [tilespmem:s2+$0x20];
	v22 =	vmul.f32 $1.442695020e+00, v22;
	[tilespmem:s4+$0x170] =	vst v18;
	s4 =	smov.u32 s20  }
0x497: {  	v10 =	vsel vm0, v10, v14;
	vm0 =	vgt.f32 v4, $0.0e+00;
	v14 =	vld [tilespmem:s13+$0x20];
	[tilespmem:s20+$0x180] =	vst v6  }
0x498: {  	v6 =	vld [tilespmem:s2+$0xFFFFFFC0];
	v18 =	vmul.f32 $9.999999770e-03, v9;
	v13 =	vadd.f32 v13, v19;
	(erf) = vpow2.f32 v22;
	[tilespmem:s20+$0x190] =	vst v15  }
0x499: {  	v10 =	vsub.f32 v10, v1;
	v4 =	vsel vm0, v4, v17;
	vm0 =	vgt.f32 v9, $0.0e+00;
	v15 =	vld [tilespmem:s20+$0xB0];
	[tilespmem:s20+$0x1A0] =	vst v11  }
0x49a: {  	vm1 =	vgt.f32 v13, $0.0e+00;
	v11 =	vmul.f32 $9.999999770e-03, v13;
	v16 =	vadd.f32 v16, v23;
	v17 =	vld [tilespmem:s20+$0xC0];
	[tilespmem:s20+$0x1B0] =	vst v12  }
0x49b: {  	v10 =	vmul.f32 $1.442695020e+00, v10;
	v4 =	vsub.f32 v4, v1;
	v9 =	vsel vm0, v9, v18;
	v12 =	vld [tilespmem:s20+$0xD0];
	[tilespmem:s20+$0x1C0] =	vst v7  }
0x49c: {  	vm0 =	vgt.f32 v16, $0.0e+00;
	v7 =	vmul.f32 $9.999999770e-03, v16;
	v14 =	vadd.f32 v14, v20;
	v18 =	vld [tilespmem:s20+$0xE0];
	[tilespmem:s20+$0x1D0] =	vst v8  }
0x49d: {  	v8 =	vsub.f32 v9, v1;
	v9 =	vsel vm1, v13, v11;
	v6 =	vadd.f32 v21, v6;
	v11 =	vld [tilespmem:s20+$0xF0];
	[tilespmem:s20+$0x1E0] =	vst v5  }
0x49e: {  	v5 =	vsel vm0, v16, v7;
	vm0 =	vgt.f32 v14, $0.0e+00;
	v7 =	vmul.f32 $9.999999770e-03, v14;
	v13 =	vld [tilespmem:s20+$0x100]  }
0x49f: {  	v9 =	vsub.f32 v9, v1;
	vm1 =	vgt.f32 v6, $0.0e+00;
	v16 =	vmul.f32 $9.999999770e-03, v6;
	v19 =	vld [tilespmem:s20+$0x110]  }
0x4a0: {  	v4 =	vmul.f32 $1.442695020e+00, v4;
	v5 =	vsub.f32 v5, v1;
	v7 =	vsel vm0, v14, v7;
	v14 =	vld [tilespmem:s20+$0x120]  }
0x4a1: {  	v8 =	vmul.f32 $1.442695020e+00, v8;
	v6 =	vsel vm1, v6, v16;
	v7 =	vsub.f32 v7, v1;
	v20 =	vpop (erf);
	v16 =	vld [tilespmem:s20+$0x130]  }
0x4a2: {  	v9 =	vmul.f32 $1.442695020e+00, v9;
	v5 =	vmul.f32 $1.442695020e+00, v5;
	s20 =	sadd.s32 $0x400, s20;
	v6 =	vsub.f32 v6, v1;
	[tilespmem:s2+$0x30] =	vst v20;
	v21 =	vld [tilespmem:s4+$0x140]  }
0x4a3: {  	v7 =	vmul.f32 $1.442695020e+00, v7;
	v22 =	vld [tilespmem:s20+$0x1F0];
	(erf) = vpow2.f32 v10  }
0x4a4: {  	v6 =	vmul.f32 $1.442695020e+00, v6;
	(erf) = vpow2.f32 v4;
	v4 =	vld [tilespmem:s4+$0x150]  }
0x4a5: {  	(erf) = vpow2.f32 v8;
	v8 =	vmul.f32 v15, v2;
	v15 =	vld [tilespmem:s4+$0x160]  }
0x4a6: {  	(erf) = vpow2.f32 v6;
	v6 =	vmul.f32 v17, v2;
	v23 =	vld [tilespmem:s4+$0x170]  }
0x4a7: {  	v24 =	vld [tilespmem:s20+$0x180];
	(erf) = vpow2.f32 v9;
	[tilespmem:s4+$0xB0] =	vst v8;
	v8 =	vmul.f32 v12, v2  }
0x4a8: {  	v12 =	vld [tilespmem:s20+$0x190];
	v9 =	vmul.f32 v22, v20;
	(erf) = vpow2.f32 v5;
	[tilespmem:s4+$0xC0] =	vst v6  }
0x4a9: {  	v6 =	vmul.f32 v18, v2;
	v5 =	vld [tilespmem:s20+$0x1A0];
	(erf) = vpow2.f32 v7;
	[tilespmem:s4+$0xD0] =	vst v8  }
0x4aa: {  	v2 =	vmul.f32 v11, v2;
	v22 =	vmul.f32 v3, v13;
	v7 =	vld [tilespmem:s20+$0x1B0];
	[tilespmem:s20+$0x1F0] =	vst v9  }
0x4ab: {  	v10 =	vmul.f32 v3, v14;
	v9 =	vmul.f32 v3, v19;
	v8 =	vld [tilespmem:s20+$0x1C0];
	[tilespmem:s4+$0xE0] =	vst v6  }
0x4ac: {  	v14 =	vmul.f32 v21, v3;
	v13 =	vmul.f32 v16, v3;
	v25 =	vld [tilespmem:s20+$0x1D0];
	v26 =	vpop (erf);
	[tilespmem:s4+$0xF0] =	vst v2  }
0x4ad: {  	v16 =	vmul.f32 v4, v3;
	v17 =	vmul.f32 v15, v3;
	[tilespmem:s2+$0xFFFFFFD0] =	vst v26;
	v21 =	vld [tilespmem:s20+$0x1E0];
	v27 =	vpop (erf)  }
0x4ae: {  	v18 =	vmul.f32 v23, v3;
	v6 =	vmul.f32 v20, v24;
	v28 =	vld [tilespmem:s20+$0xFFFFFE80];
	[tilespmem:s2+$0xFFFFFFE0] =	vst v27;
	v19 =	vpop (erf)  }
0x4af: {  	v15 =	vmul.f32 v20, v12;
	v11 =	vmul.f32 v20, v5;
	v23 =	vld [tilespmem:s20+$0xFFFFFE90];
	[tilespmem:s2+$0xFFFFFFF0] =	vst v19;
	v24 =	vpop (erf)  }
0x4b0: {  	v12 =	vmul.f32 v7, v20;
	[tilespmem:s2+$0xFFFFFFC0] =	vst v24;
	v29 =	vld [tilespmem:s20+$0xFFFFFEA0];
	v7 =	vmul.f32 v8, v20;
	v4 =	vpop (erf)  }
0x4b1: {  	v30 =	vld [tilespmem:s20+$0xFFFFFE00];
	[tilespmem:s2+$0x0] =	vst v4;
	v8 =	vmul.f32 v25, v20;
	v2 =	vpop (erf)  }
0x4b2: {  	v25 =	vld [tilespmem:s20+$0xFFFFFE10];
	[tilespmem:s2+$0x10] =	vst v2;
	v5 =	vmul.f32 v21, v20;
	v3 =	vpop (erf)  }
0x4b3: {  	v20 =	vld [tilespmem:s20+$0xFFFFFE20];
	v21 =	vmul.f32 v26, v28;
	[tilespmem:s2+$0x20] =	vst v3  }
0x4b4: {  	v28 =	vld [tilespmem:s20+$0xFFFFFE30];
	v23 =	vmul.f32 v26, v23;
	[tilespmem:s4+$0x100] =	vst v22  }
0x4b5: {  	v22 =	vld [tilespmem:s20+$0xFFFFFE40];
	[tilespmem:s20+$0xFFFFFE80] =	vst v21;
	v21 =	vmul.f32 v26, v29  }
0x4b6: {  	v29 =	vmul.f32 v24, v30;
	v30 =	vld [tilespmem:s20+$0xFFFFFE50];
	[tilespmem:s20+$0xFFFFFE90] =	vst v23  }
0x4b7: {  	v23 =	vmul.f32 v24, v25;
	v25 =	vld [tilespmem:s20+$0xFFFFFE60];
	[tilespmem:s20+$0xFFFFFEA0] =	vst v21  }
0x4b8: {  	[tilespmem:s20+$0xFFFFFE00] =	vst v29;
	v20 =	vmul.f32 v24, v20;
	v21 =	vld [tilespmem:s20+$0xFFFFFE70]  }
0x4b9: {  	[tilespmem:s20+$0xFFFFFE10] =	vst v23;
	v23 =	vmul.f32 v28, v24;
	v28 =	vld [tilespmem:s20+$0xFFFFFEB0]  }
0x4ba: {  	[tilespmem:s20+$0xFFFFFE20] =	vst v20;
	v20 =	vmul.f32 v22, v24;
	v22 =	vld [tilespmem:s20+$0xFFFFFEC0]  }
0x4bb: {  	[tilespmem:s20+$0xFFFFFE30] =	vst v23;
	v23 =	vmul.f32 v30, v24;
	v29 =	vld [tilespmem:s20+$0xFFFFFED0]  }
0x4bc: {  	[tilespmem:s20+$0xFFFFFE40] =	vst v20;
	v20 =	vmul.f32 v25, v24;
	v25 =	vld [tilespmem:s20+$0xFFFFFEE0]  }
0x4bd: {  	[tilespmem:s20+$0xFFFFFE50] =	vst v23;
	v21 =	vmul.f32 v21, v24;
	v23 =	vld [tilespmem:s20+$0xFFFFFEF0]  }
0x4be: {  	[tilespmem:s20+$0xFFFFFE60] =	vst v20;
	v20 =	vmul.f32 v28, v26;
	v24 =	vld [tilespmem:s20+$0xFFFFFF00]  }
0x4bf: {  	[tilespmem:s20+$0xFFFFFE70] =	vst v21;
	v21 =	vmul.f32 v22, v26;
	v22 =	vld [tilespmem:s20+$0xFFFFFF10]  }
0x4c0: {  	[tilespmem:s20+$0xFFFFFEB0] =	vst v20;
	v20 =	vmul.f32 v29, v26;
	v28 =	vld [tilespmem:s20+$0xFFFFFF20]  }
0x4c1: {  	[tilespmem:s20+$0xFFFFFEC0] =	vst v21;
	v21 =	vmul.f32 v25, v26;
	v25 =	vld [tilespmem:s20+$0xFFFFFF30]  }
0x4c2: {  	[tilespmem:s20+$0xFFFFFED0] =	vst v20;
	v20 =	vmul.f32 v23, v26;
	v23 =	vld [tilespmem:s20+$0xFFFFFF40]  }
0x4c3: {  	[tilespmem:s20+$0xFFFFFEE0] =	vst v21;
	v21 =	vmul.f32 v27, v24;
	v24 =	vld [tilespmem:s20+$0xFFFFFF50]  }
0x4c4: {  	[tilespmem:s20+$0xFFFFFEF0] =	vst v20;
	v20 =	vmul.f32 v27, v22;
	v22 =	vld [tilespmem:s20+$0xFFFFFF60]  }
0x4c5: {  	[tilespmem:s20+$0xFFFFFF00] =	vst v21;
	v21 =	vmul.f32 v27, v28;
	v26 =	vld [tilespmem:s20+$0xFFFFFF70]  }
0x4c6: {  	[tilespmem:s20+$0xFFFFFF10] =	vst v20;
	v20 =	vmul.f32 v25, v27;
	v25 =	vld [tilespmem:s20+$0xFFFFFF80]  }
0x4c7: {  	[tilespmem:s20+$0xFFFFFF20] =	vst v21;
	v21 =	vmul.f32 v23, v27;
	v23 =	vld [tilespmem:s20+$0xFFFFFF90]  }
0x4c8: {  	[tilespmem:s20+$0xFFFFFF30] =	vst v20;
	v20 =	vmul.f32 v24, v27;
	v24 =	vld [tilespmem:s20+$0xFFFFFFA0]  }
0x4c9: {  	[tilespmem:s20+$0xFFFFFF40] =	vst v21;
	v21 =	vmul.f32 v22, v27;
	v22 =	vld [tilespmem:s20+$0xFFFFFFB0]  }
0x4ca: {  	[tilespmem:s20+$0xFFFFFF50] =	vst v20;
	v20 =	vmul.f32 v26, v27;
	v26 =	vld [tilespmem:s20+$0xFFFFFFC0]  }
0x4cb: {  	[tilespmem:s20+$0xFFFFFF60] =	vst v21;
	v21 =	vmul.f32 v19, v25;
	v25 =	vld [tilespmem:s20+$0xFFFFFFD0]  }
0x4cc: {  	[tilespmem:s20+$0xFFFFFF70] =	vst v20;
	v20 =	vmul.f32 v19, v23;
	v23 =	vld [tilespmem:s20+$0xFFFFFFE0]  }
0x4cd: {  	[tilespmem:s20+$0xFFFFFF80] =	vst v21;
	v21 =	vmul.f32 v19, v24;
	v24 =	vld [tilespmem:s20+$0xFFFFFFF0]  }
0x4ce: {  	[tilespmem:s20+$0xFFFFFF90] =	vst v20;
	v20 =	vmul.f32 v22, v19;
	v22 =	vld [tilespmem:s20+$0x0]  }
0x4cf: {  	[tilespmem:s20+$0xFFFFFFA0] =	vst v21;
	v21 =	vmul.f32 v26, v19;
	v26 =	vld [tilespmem:s20+$0x10]  }
0x4d0: {  	[tilespmem:s20+$0xFFFFFFB0] =	vst v20;
	v20 =	vmul.f32 v25, v19;
	v25 =	vld [tilespmem:s20+$0x20]  }
0x4d1: {  	[tilespmem:s20+$0xFFFFFFC0] =	vst v21;
	v21 =	vmul.f32 v23, v19;
	v23 =	vld [tilespmem:s20+$0x30]  }
0x4d2: {  	[tilespmem:s20+$0xFFFFFFD0] =	vst v20;
	v19 =	vmul.f32 v24, v19;
	v24 =	vld [tilespmem:s20+$0x40]  }
0x4d3: {  	[tilespmem:s20+$0xFFFFFFE0] =	vst v21;
	v21 =	vmul.f32 v4, v22;
	v27 =	vld [tilespmem:s20+$0x50]  }
.Ltmp9:
0x4d4: {  	[tilespmem:s20+$0xFFFFFFF0] =	vst v19;
	v19 =	vmul.f32 v4, v26;
	v20 =	vld [tilespmem:s20+$0x60];
	(pc) =	sbr.rel @p1 .LBB2_16-.Ltmp9, $4  }
0x4d5: {  	[tilespmem:s20+$0x0] =	vst v21;
	v25 =	vmul.f32 v4, v25;
	v21 =	vld [tilespmem:s20+$0x70]  }
0x4d6: {  	[tilespmem:s20+$0x10] =	vst v19;
	v23 =	vmul.f32 v23, v4;
	v22 =	vld [tilespmem:s20+$0x80]  }
0x4d7: {  	[tilespmem:s20+$0x20] =	vst v25;
	v25 =	vmul.f32 v24, v4;
	v19 =	vld [tilespmem:s20+$0x90]  }
0x4d8: {  	s2 =	sadd.s32 $0x80, s2;
	[tilespmem:s20+$0x30] =	vst v23;
	v24 =	vmul.f32 v27, v4;
	v23 =	vld [tilespmem:s20+$0xA0]  }
0x4d9: {  	[tilespmem:s20+$0x40] =	vst v25  }
0x4da: {  	[tilespmem:s4+$0x110] =	vst v9  }
0x4db: {  	[tilespmem:s4+$0x120] =	vst v10  }
0x4dc: {  	[tilespmem:s4+$0x130] =	vst v13  }
0x4dd: {  	[tilespmem:s4+$0x140] =	vst v14  }
0x4de: {  	[tilespmem:s4+$0x150] =	vst v16  }
0x4df: {  	[tilespmem:s4+$0x160] =	vst v17  }
0x4e0: {  	[tilespmem:s4+$0x170] =	vst v18  }
0x4e1: {  	[tilespmem:s20+$0x180] =	vst v6  }
0x4e2: {  	[tilespmem:s20+$0x190] =	vst v15  }
0x4e3: {  	[tilespmem:s20+$0x1A0] =	vst v11  }
0x4e4: {  	[tilespmem:s20+$0x1B0] =	vst v12  }
0x4e5: {  	v20 =	vmul.f32 v20, v4;
	[tilespmem:s20+$0x1C0] =	vst v7;
	v4 =	vmul.f32 v21, v4  }
0x4e6: {  	[tilespmem:s20+$0x1D0] =	vst v8  }
0x4e7: {  	v6 =	vld [tilespmem:s20+$0xC0];
	[tilespmem:s20+$0x70] =	vst v4;
	v4 =	vmul.f32 v2, v19  }
0x4e8: {  	v7 =	vld [tilespmem:s20+$0x100];
	[tilespmem:s20+$0x1E0] =	vst v5  }
0x4e9: {  	[tilespmem:s20+$0x90] =	vst v4;
	v4 =	vld [tilespmem:s20+$0xB0]  }
0x4ea: {  	v10 =	vld [tilespmem:s20+$0xE0];
	[tilespmem:s20+$0x60] =	vst v20;
	v20 =	vmul.f32 v2, v22  }
0x4eb: {  	v9 =	vld [tilespmem:s20+$0xD0];
	[tilespmem:s20+$0x50] =	vst v24;
	v19 =	vmul.f32 v2, v23  }
0x4ec: {  	v11 =	vld [tilespmem:s20+$0xF0];
	[tilespmem:s20+$0x80] =	vst v20;
	v6 =	vmul.f32 v6, v2  }
0x4ed: {  	v8 =	vld [tilespmem:s20+$0x110];
	v7 =	vmul.f32 v3, v7;
	[tilespmem:s20+$0xA0] =	vst v19  }
0x4ee: {  	v5 =	vld [tilespmem:s20+$0x120];
	[tilespmem:s20+$0xC0] =	vst v6;
	v4 =	vmul.f32 v4, v2  }
0x4ef: {  	v12 =	vld [tilespmem:s20+$0x130];
	v6 =	vmul.f32 v10, v2;
	[tilespmem:s20+$0x100] =	vst v7  }
0x4f0: {  	v10 =	vld [tilespmem:s20+$0x150];
	[tilespmem:s20+$0xB0] =	vst v4;
	v4 =	vmul.f32 v9, v2  }
0x4f1: {  	[tilespmem:s20+$0xE0] =	vst v6;
	v9 =	vld [tilespmem:s20+$0x140];
	v2 =	vmul.f32 v11, v2  }
0x4f2: {  	v8 =	vmul.f32 v3, v8;
	[tilespmem:s20+$0xD0] =	vst v4;
	v4 =	vld [tilespmem:s20+$0x160]  }
0x4f3: {  	v6 =	vld [tilespmem:s20+$0x170];
	[tilespmem:s20+$0xF0] =	vst v2;
	v2 =	vmul.f32 v3, v5  }
0x4f4: {  	[tilespmem:s20+$0x110] =	vst v8;
	v5 =	vmul.f32 v12, v3  }
0x4f5: {  	[tilespmem:s20+$0x120] =	vst v2;
	v2 =	vmul.f32 v10, v3  }
0x4f6: {  	[tilespmem:s20+$0x130] =	vst v5;
	v7 =	vmul.f32 v9, v3  }
0x4f7: {  	[tilespmem:s20+$0x150] =	vst v2;
	v4 =	vmul.f32 v4, v3  }
0x4f8: {  	[tilespmem:s20+$0x140] =	vst v7;
	v3 =	vmul.f32 v6, v3  }
0x4f9: {  	[tilespmem:s20+$0x160] =	vst v4  }
0x4fa: {  	s1 =	rddreg [dreg:$0x3];
	[tilespmem:s20+$0x170] =	vst v3  }
0x4fb: {  	[spmem:s1] =	stream.indirect.scatter.add.f32 [tilespmem:s30], [sflag:$0xD], $0x10, s18, s8, $0xb8;
	[tilespmem:$0x1F7F0] =	vst v63  }
0x4fc: {  	s4 =	rddreg [dreg:$0x2]  }
0x4fd: {  	[spmem:s4] =	stream.indirect.scatter.add.f32 [tilespmem:s29], [sflag:$0x10], $0x80, s18, s8, $0xb8;
	[tilespmem:$0x1F7F0] =	vst v63  }
0x4fe: {  	_ =	swait.ge [sflag:s0], $0x500  }
0x4ff: {  	[sflag:s0] =	ssyncset.done $0x0  }
0x500: {  	[sflag:s0] =	ssyncadd.s32 $0xFFFFFB00  }
0x501: {  	_ =	swait.ge [sflag:s31], $0x2800  }
0x502: {  	[sflag:s31] =	ssyncset.done $0x0  }
0x503: {  	[sflag:s31] =	ssyncadd.s32 $0xFFFFD800  }
0x504: {  	_ =	swait.ge [sflag:s14], $0x2800  }
0x505: {  	[sflag:s14] =	ssyncset.done $0x0  }
0x506: {  	s13 =	simm.s32 $0x5;
	[sflag:s14] =	ssyncadd.s32 $0xFFFFD800  }
0x507: {  	_ =	swait.ge [sflag:s13], $0x500  }
0x508: {  	[sflag:s13] =	ssyncset.done $0x0  }
0x509: {  	[sflag:s13] =	ssyncadd.s32 $0xFFFFFB00  }
0x50a: {  	_ =	swait.ge [sflag:s15], $0x500  }
0x50b: {  	[sflag:s15] =	ssyncset.done $0x0  }
0x50c: {  	s20 =	simm.s32 $0x166E0;
	[sflag:s15] =	ssyncadd.s32 $0xFFFFFB00  }
0x50d: {  	s2 =	simm.s32 $0x175E0;
	v2 =	vld [tilespmem:s20+$0x0]  }
0x50e: {  	v3 =	vld [tilespmem:s2+$0x0];
	_ =	sdelay $0x4  }
0x50f: {  	v2 =	vadd.f32 v3, v2  }
0x510: {  	v4 =	vld [tilespmem:s20+$0xFFFFFFA0]  }
0x511: {  	v6 =	vld [tilespmem:s2+$0xFFFFFFA0];
	v5 =	vmul.f32 $9.999999770e-03, v2  }
0x512: {  	vm0 =	vgt.f32 v2, $0.0e+00  }
0x513: {  	v2 =	vsel vm0, v2, v5  }
0x514: {  	v2 =	vsub.f32 v2, v1  }
0x515: {  	v7 =	vld [tilespmem:s20+$0xFFFFFFB0]  }
0x516: {  	v8 =	vld [tilespmem:s20+$0xFFFFFFC0];
	v4 =	vadd.f32 v6, v4;
	v2 =	vmul.f32 $1.442695020e+00, v2  }
0x517: {  	v9 =	vld [tilespmem:s2+$0xFFFFFFC0]  }
0x518: {  	v5 =	vld [tilespmem:s2+$0xFFFFFFB0];
	(erf) = vpow2.f32 v2;
	v2 =	vmul.f32 $9.999999770e-03, v4  }
0x519: {  	v10 =	vld [tilespmem:s20+$0xFFFFFF90];
	vm13 =	vgt.f32 v4, $0.0e+00  }
0x51a: {  	v3 =	vld [tilespmem:s2+$0xFFFFFF90];
	v2 =	vsel vm13, v4, v2  }
0x51b: {  	v2 =	vsub.f32 v2, v1  }
0x51c: {  	v12 =	vld [tilespmem:s2+$0xFFFFFFD0]  }
0x51d: {  	v13 =	vld [tilespmem:s20+$0xFFFFFFE0];
	v6 =	vadd.f32 v9, v8;
	v5 =	vadd.f32 v5, v7;
	v8 =	vmul.f32 $1.442695020e+00, v2  }
0x51e: {  	v14 =	vld [tilespmem:s2+$0xFFFFFFE0]  }
0x51f: {  	v15 =	vld [tilespmem:s20+$0xFFFFFFF0];
	v3 =	vadd.f32 v3, v10;
	v7 =	vmul.f32 $9.999999770e-03, v5;
	(erf) = vpow2.f32 v8  }
0x520: {  	s24 =	simm.s32 $0x16760;
	v16 =	vld [tilespmem:s2+$0xFFFFFFF0];
	vm14 =	vgt.f32 v5, $0.0e+00;
	v4 =	vmul.f32 $9.999999770e-03, v6  }
0x521: {  	s13 =	simm.s32 $0x17660;
	v44 =	vld [tilespmem:s24+$0x0];
	vm15 =	vgt.f32 v6, $0.0e+00;
	v5 =	vsel vm14, v5, v7;
	v7 =	vmul.f32 $9.999999770e-03, v3;
	v2 =	vpop (erf)  }
0x522: {  	s4 =	simm.s32 $0x1AB60;
	v47 =	vld [tilespmem:s13+$0xFFFFFFF0];
	vm4 =	vgt.f32 v3, $0.0e+00;
	v4 =	vsel vm15, v6, v4;
	v5 =	vsub.f32 v5, v1;
	[tilespmem:s20+$0x0] =	vst v2  }
0x523: {  	v4 =	vsub.f32 v4, v1;
	v3 =	vsel vm4, v3, v7;
	v7 =	vld [tilespmem:s4+$0x0]  }
0x524: {  	v6 =	vld [tilespmem:s20+$0xFFFFFFD0];
	v5 =	vmul.f32 $1.442695020e+00, v5;
	v3 =	vsub.f32 v3, v1  }
0x525: {  	v4 =	vmul.f32 $1.442695020e+00, v4;
	v11 =	vld [tilespmem:s4+$0xFFFFFF90]  }
0x526: {  	v3 =	vmul.f32 $1.442695020e+00, v3;
	(erf) = vpow2.f32 v5;
	v10 =	vld [tilespmem:s4+$0xFFFFFFA0]  }
0x527: {  	(erf) = vpow2.f32 v4;
	v9 =	vld [tilespmem:s4+$0xFFFFFFB0]  }
0x528: {  	(erf) = vpow2.f32 v3;
	v4 =	vld [tilespmem:s4+$0xFFFFFFD0];
	v3 =	vmul.f32 v7, v2;
	v17 =	vpop (erf)  }
0x529: {  	v6 =	vadd.f32 v12, v6;
	v7 =	vld [tilespmem:s4+$0xFFFFFFC0];
	[tilespmem:s20+$0xFFFFFFA0] =	vst v17  }
0x52a: {  	[tilespmem:s4+$0x0] =	vst v3;
	v3 =	vld [tilespmem:s4+$0xFFFFFFE0]  }
0x52b: {  	v27 =	vmul.f32 $9.999999770e-03, v6;
	v5 =	vld [tilespmem:s4+$0xFFFFFC90]  }
0x52c: {  	vm5 =	vgt.f32 v6, $0.0e+00;
	v19 =	vld [tilespmem:s4+$0xFFFFFCA0]  }
0x52d: {  	v6 =	vsel vm5, v6, v27;
	v21 =	vld [tilespmem:s4+$0xFFFFFCB0]  }
0x52e: {  	v13 =	vadd.f32 v14, v13;
	v6 =	vsub.f32 v6, v1;
	v14 =	vld [tilespmem:s4+$0xFFFFFCD0]  }
0x52f: {  	v27 =	vld [tilespmem:s4+$0xFFFFFCE0]  }
0x530: {  	v6 =	vmul.f32 $1.442695020e+00, v6;
	v18 =	vpop (erf);
	v29 =	vld [tilespmem:s4+$0xFFFFFCF0]  }
0x531: {  	v28 =	vmul.f32 $9.999999770e-03, v13;
	v34 =	vld [tilespmem:s4+$0xFFFFFD00];
	[tilespmem:s20+$0xFFFFFFB0] =	vst v18  }
0x532: {  	vm6 =	vgt.f32 v13, $0.0e+00;
	(erf) = vpow2.f32 v6;
	v6 =	vld [tilespmem:s4+$0xFFFFFD10]  }
0x533: {  	v13 =	vsel vm6, v13, v28;
	v63 =	vld [tilespmem:s4+$0xFFFFFD20]  }
0x534: {  	v13 =	vsub.f32 v13, v1;
	v30 =	vld [tilespmem:s4+$0xFFFFFD30]  }
0x535: {  	v31 =	vld [tilespmem:s4+$0xFFFFFD40]  }
0x536: {  	v13 =	vmul.f32 $1.442695020e+00, v13;
	v32 =	vld [tilespmem:s4+$0xFFFFFD50]  }
0x537: {  	v33 =	vld [tilespmem:s4+$0xFFFFFD60]  }
0x538: {  	v8 =	vpop (erf);
	(erf) = vpow2.f32 v13;
	v13 =	vld [tilespmem:s4+$0xFFFFFD70]  }
0x539: {  	v11 =	vmul.f32 v2, v11;
	[tilespmem:s20+$0xFFFFFFC0] =	vst v8;
	v35 =	vld [tilespmem:s4+$0xFFFFFD80]  }
0x53a: {  	v37 =	vld [tilespmem:s4+$0xFFFFFDA0]  }
0x53b: {  	[tilespmem:s4+$0xFFFFFF90] =	vst v11;
	v20 =	vpop (erf);
	v38 =	vld [tilespmem:s4+$0xFFFFFDD0];
	v5 =	vmul.f32 v17, v5  }
0x53c: {  	[tilespmem:s20+$0xFFFFFF90] =	vst v20;
	v40 =	vld [tilespmem:s4+$0xFFFFFE00];
	v12 =	vmul.f32 v17, v19  }
0x53d: {  	v22 =	vld [tilespmem:s4+$0xFFFFFC10];
	v21 =	vmul.f32 v17, v21;
	[tilespmem:s4+$0xFFFFFC90] =	vst v5  }
0x53e: {  	v23 =	vld [tilespmem:s4+$0xFFFFFC20];
	v14 =	vmul.f32 v14, v17;
	[tilespmem:s4+$0xFFFFFCA0] =	vst v12  }
0x53f: {  	v15 =	vadd.f32 v16, v15;
	v24 =	vld [tilespmem:s4+$0xFFFFFC30];
	v16 =	vmul.f32 v29, v17;
	[tilespmem:s4+$0xFFFFFCB0] =	vst v21  }
0x540: {  	v25 =	vld [tilespmem:s4+$0xFFFFFC40];
	v6 =	vmul.f32 v18, v6;
	[tilespmem:s4+$0xFFFFFCD0] =	vst v14  }
0x541: {  	v26 =	vld [tilespmem:s4+$0xFFFFFC60];
	[tilespmem:s4+$0xFFFFFCF0] =	vst v16;
	v16 =	vmul.f32 v18, v63  }
0x542: {  	v19 =	vld [tilespmem:s4+$0xFFFFFC50];
	v13 =	vmul.f32 v13, v18;
	[tilespmem:s4+$0xFFFFFD10] =	vst v6  }
0x543: {  	v12 =	vld [tilespmem:s4+$0xFFFFFC70];
	[tilespmem:s4+$0xFFFFFD20] =	vst v16  }
0x544: {  	v5 =	vld [tilespmem:s4+$0xFFFFFFF0];
	v22 =	vmul.f32 v20, v22;
	v36 =	vpop (erf);
	[tilespmem:s4+$0xFFFFFD70] =	vst v13  }
0x545: {  	v21 =	vld [tilespmem:s4+$0xFFFFFC80];
	v6 =	vmul.f32 v20, v23;
	[tilespmem:s20+$0xFFFFFFD0] =	vst v36  }
0x546: {  	v23 =	vld [tilespmem:s4+$0xFFFFFD90];
	v24 =	vmul.f32 v20, v24;
	[tilespmem:s4+$0xFFFFFC10] =	vst v22  }
0x547: {  	v26 =	vmul.f32 v26, v20;
	v22 =	vld [tilespmem:s4+$0xFFFFFCC0];
	[tilespmem:s4+$0xFFFFFC20] =	vst v6  }
0x548: {  	v13 =	vld [tilespmem:s24+$0xFFFFFFA0];
	v19 =	vmul.f32 v19, v20;
	[tilespmem:s4+$0xFFFFFC30] =	vst v24  }
0x549: {  	v6 =	vmul.f32 v25, v20;
	v25 =	vld [tilespmem:s4+$0xFFFFFDB0];
	[tilespmem:s4+$0xFFFFFC60] =	vst v26  }
0x54a: {  	v24 =	vld [tilespmem:s4+$0xFFFFFDC0];
	[tilespmem:s4+$0xFFFFFC50] =	vst v19;
	v12 =	vmul.f32 v12, v20  }
0x54b: {  	v20 =	vmul.f32 v21, v20;
	v21 =	vld [tilespmem:s4+$0xFFFFFE10];
	[tilespmem:s4+$0xFFFFFC40] =	vst v6  }
0x54c: {  	v26 =	vld [tilespmem:s4+$0xFFFFFDF0];
	[tilespmem:s4+$0xFFFFFC70] =	vst v12;
	v12 =	vmul.f32 v22, v17  }
0x54d: {  	v41 =	vld [tilespmem:s4+$0xFFFFFE80];
	[tilespmem:s4+$0xFFFFFC80] =	vst v20  }
0x54e: {  	v19 =	vld [tilespmem:s4+$0xFFFFFDE0];
	v6 =	vpop (erf);
	[tilespmem:s4+$0xFFFFFCC0] =	vst v12;
	v12 =	vmul.f32 v27, v17  }
0x54f: {  	v20 =	vld [tilespmem:s4+$0xFFFFFE30];
	v14 =	vmul.f32 v8, v23;
	[tilespmem:s20+$0xFFFFFFE0] =	vst v6  }
0x550: {  	v23 =	vld [tilespmem:s4+$0xFFFFFE50];
	[tilespmem:s4+$0xFFFFFCE0] =	vst v12;
	v12 =	vmul.f32 v36, v21  }
0x551: {  	v45 =	vmul.f32 v2, v10;
	v22 =	vld [tilespmem:s4+$0xFFFFFE20];
	[tilespmem:s4+$0xFFFFFD90] =	vst v14;
	v17 =	vmul.f32 v34, v17  }
0x552: {  	v14 =	vld [tilespmem:s4+$0xFFFFFE70];
	v10 =	vmul.f32 v24, v8;
	[tilespmem:s4+$0xFFFFFE10] =	vst v12;
	v12 =	vmul.f32 $9.999999770e-03, v15  }
0x553: {  	vm7 =	vgt.f32 v15, $0.0e+00;
	v24 =	vld [tilespmem:s13+$0xFFFFFFB0];
	[tilespmem:s4+$0xFFFFFD00] =	vst v17;
	v17 =	vmul.f32 v18, v30  }
0x554: {  	v42 =	vld [tilespmem:s4+$0xFFFFFE90];
	[tilespmem:s4+$0xFFFFFDC0] =	vst v10;
	v12 =	vsel vm7, v15, v12;
	v15 =	vmul.f32 v31, v18  }
0x555: {  	v16 =	vld [tilespmem:s4+$0xFFFFFEA0];
	[tilespmem:s4+$0xFFFFFD30] =	vst v17;
	v17 =	vmul.f32 v32, v18;
	v12 =	vsub.f32 v12, v1  }
0x556: {  	v46 =	vmul.f32 v7, v2;
	v43 =	vld [tilespmem:s4+$0xFFFFFEB0];
	[tilespmem:s4+$0xFFFFFD40] =	vst v15;
	v15 =	vmul.f32 v33, v18  }
0x557: {  	v7 =	vmul.f32 v19, v8;
	[tilespmem:s4+$0xFFFFFD50] =	vst v17;
	v17 =	vld [tilespmem:s13+$0x0];
	v12 =	vmul.f32 $1.442695020e+00, v12  }
0x558: {  	v19 =	vld [tilespmem:s13+$0xFFFFFFC0];
	[tilespmem:s4+$0xFFFFFD60] =	vst v15;
	v15 =	vmul.f32 v35, v18  }
0x559: {  	v48 =	vld [tilespmem:s4+$0xFFFFFEC0];
	[tilespmem:s4+$0xFFFFFDE0] =	vst v7;
	(erf) = vpow2.f32 v12;
	v12 =	vmul.f32 v8, v37  }
0x55a: {  	v21 =	vld [tilespmem:s4+$0xFFFFFE60];
	[tilespmem:s4+$0xFFFFFD80] =	vst v15;
	v15 =	vmul.f32 v8, v25  }
0x55b: {  	v9 =	vmul.f32 v2, v9;
	v7 =	vmul.f32 v40, v8;
	v25 =	vld [tilespmem:s13+$0xFFFFFFA0];
	[tilespmem:s4+$0xFFFFFDA0] =	vst v12  }
0x55c: {  	v4 =	vmul.f32 v4, v2;
	v17 =	vadd.f32 v17, v44;
	v12 =	vld [tilespmem:s24+$0xFFFFFFB0];
	[tilespmem:s4+$0xFFFFFDB0] =	vst v15;
	v15 =	vmul.f32 v38, v8  }
0x55d: {  	v3 =	vmul.f32 v3, v2;
	v49 =	vld [tilespmem:s4+$0xFFFFFF00];
	[tilespmem:s4+$0xFFFFFE00] =	vst v7;
	v7 =	vmul.f32 v6, v42  }
0x55e: {  	v10 =	vld [tilespmem:s24+$0xFFFFFFC0];
	[tilespmem:s4+$0xFFFFFDD0] =	vst v15;
	v15 =	vmul.f32 v26, v8;
	v26 =	vmul.f32 $9.999999770e-03, v17  }
0x55f: {  	v27 =	vld [tilespmem:s4+$0xFFFFFE40];
	v14 =	vmul.f32 v14, v36;
	[tilespmem:s4+$0xFFFFFE90] =	vst v7;
	vm8 =	vgt.f32 v17, $0.0e+00;
	v8 =	vmul.f32 v36, v22  }
0x560: {  	v16 =	vmul.f32 v6, v16;
	v18 =	vld [tilespmem:s13+$0xFFFFFF90];
	v13 =	vadd.f32 v25, v13;
	v17 =	vsel vm8, v17, v26;
	[tilespmem:s4+$0xFFFFFDF0] =	vst v15  }
0x561: {  	v15 =	vmul.f32 v36, v20;
	[tilespmem:s4+$0xFFFFFE20] =	vst v8;
	v8 =	vmul.f32 v21, v36;
	v21 =	vld [tilespmem:s24+$0xFFFFFF90];
	v12 =	vadd.f32 v24, v12  }
0x562: {  	v7 =	vmul.f32 v6, v43;
	[tilespmem:s4+$0xFFFFFEA0] =	vst v16;
	v16 =	vld [tilespmem:s24+$0xFFFFFFF0];
	v17 =	vsub.f32 v17, v1;
	v24 =	vmul.f32 $9.999999770e-03, v13  }
0x563: {  	v10 =	vadd.f32 v19, v10;
	v22 =	vld [tilespmem:s24+$0xFFFFFFD0];
	vm9 =	vgt.f32 v13, $0.0e+00;
	[tilespmem:s4+$0xFFFFFE30] =	vst v15;
	v15 =	vmul.f32 $9.999999770e-03, v12  }
0x564: {  	[tilespmem:s4+$0xFFFFFFA0] =	vst v45;
	v26 =	vld [tilespmem:s13+$0xFFFFFFD0];
	vm10 =	vgt.f32 v12, $0.0e+00;
	v17 =	vmul.f32 $1.442695020e+00, v17;
	v13 =	vsel vm9, v13, v24  }
0x565: {  	[tilespmem:s4+$0xFFFFFE70] =	vst v14;
	v25 =	vld [tilespmem:s13+$0xFFFFFFE0];
	v20 =	vmul.f32 v27, v36;
	v13 =	vsub.f32 v13, v1;
	v12 =	vsel vm10, v12, v15  }
0x566: {  	[tilespmem:s4+$0xFFFFFEB0] =	vst v7;
	v27 =	vld [tilespmem:s24+$0xFFFFFFE0];
	v7 =	vpop (erf);
	(erf) = vpow2.f32 v17;
	v17 =	vadd.f32 v18, v21;
	v18 =	vmul.f32 $9.999999770e-03, v10  }
0x567: {  	v2 =	vmul.f32 v5, v2;
	vm11 =	vgt.f32 v10, $0.0e+00;
	[tilespmem:s20+$0xFFFFFFF0] =	vst v7;
	v24 =	vld [tilespmem:s4+$0xFFFFFED0];
	v12 =	vsub.f32 v12, v1  }
0x568: {  	[tilespmem:s4+$0xFFFFFE60] =	vst v8;
	v50 =	vld [tilespmem:s4+$0xFFFFFF10];
	v13 =	vmul.f32 $1.442695020e+00, v13;
	v15 =	vmul.f32 $9.999999770e-03, v17;
	v8 =	vsel vm11, v10, v18  }
0x569: {  	[tilespmem:s4+$0xFFFFFE40] =	vst v20;
	v11 =	vld [tilespmem:s4+$0xFFFFFF40];
	v20 =	vadd.f32 v26, v22;
	vm12 =	vgt.f32 v17, $0.0e+00;
	v14 =	vsub.f32 v8, v1  }
0x56a: {  	[tilespmem:s4+$0xFFFFFFB0] =	vst v9;
	v5 =	vld [tilespmem:s4+$0xFFFFFF80];
	v12 =	vmul.f32 $1.442695020e+00, v12;
	(erf) = vpow2.f32 v13;
	v10 =	vsel vm12, v17, v15  }
0x56b: {  	[tilespmem:s4+$0xFFFFFFD0] =	vst v4;
	v28 =	vmul.f32 v41, v36;
	v21 =	vld [tilespmem:s4+$0xFFFFFEE0];
	v17 =	vsub.f32 v10, v1;
	v14 =	vmul.f32 $1.442695020e+00, v14  }
0x56c: {  	[tilespmem:s4+$0xFFFFFFC0] =	vst v46;
	v26 =	vld [tilespmem:s4+$0xFFFFFEF0];
	v15 =	vmul.f32 $9.999999770e-03, v20;
	(erf) = vpow2.f32 v12  }
0x56d: {  	[tilespmem:s4+$0xFFFFFFE0] =	vst v3;
	vm13 =	vgt.f32 v20, $0.0e+00;
	v8 =	vld [tilespmem:s4+$0xFFFFFF20];
	v13 =	vmul.f32 $1.442695020e+00, v17;
	(erf) = vpow2.f32 v14  }
0x56e: {  	[tilespmem:s4+$0xFFFFFFF0] =	vst v2;
	v9 =	vadd.f32 v25, v27;
	v12 =	vld [tilespmem:s4+$0xFFFFFF50];
	v14 =	vsel vm13, v20, v15  }
0x56f: {  	[tilespmem:s4+$0xFFFFFE80] =	vst v28;
	v23 =	vmul.f32 v23, v36;
	v10 =	vld [tilespmem:s4+$0xFFFFFF30];
	v19 =	vpop (erf);
	(erf) = vpow2.f32 v13;
	v13 =	vsub.f32 v14, v1  }
0x570: {  	s20 =	simm.s32 $0x1AF60;
	v4 =	vmul.f32 $9.999999770e-03, v9;
	v2 =	vmul.f32 v24, v6;
	v15 =	vld [tilespmem:s4+$0xFFFFFF60];
	[tilespmem:s24+$0x0] =	vst v19  }
0x571: {  	[tilespmem:s4+$0xFFFFFE50] =	vst v23;
	vm14 =	vgt.f32 v9, $0.0e+00;
	v22 =	vld [tilespmem:s20+$0x0];
	v3 =	vmul.f32 $1.442695020e+00, v13;
	v13 =	vmul.f32 v48, v6  }
0x572: {  	v4 =	vsel vm14, v9, v4;
	[tilespmem:s4+$0xFFFFFED0] =	vst v2;
	v17 =	vld [tilespmem:s4+$0xFFFFFF70]  }
0x573: {  	v18 =	vld [tilespmem:s20+$0xFFFFFF90];
	v9 =	vpop (erf);
	(erf) = vpow2.f32 v3;
	[tilespmem:s4+$0xFFFFFEC0] =	vst v13;
	v3 =	vsub.f32 v4, v1;
	v4 =	vmul.f32 v21, v6  }
0x574: {  	v20 =	vld [tilespmem:s20+$0xFFFFFFA0];
	[tilespmem:s24+$0xFFFFFFA0] =	vst v9  }
0x575: {  	v14 =	vld [tilespmem:s20+$0xFFFFFC90];
	v13 =	vpop (erf);
	v3 =	vmul.f32 $1.442695020e+00, v3;
	[tilespmem:s4+$0xFFFFFEE0] =	vst v4  }
0x576: {  	v53 =	vld [tilespmem:s20+$0xFFFFFFD0];
	v4 =	vmul.f32 v26, v6;
	v2 =	vmul.f32 v22, v19;
	v23 =	vpop (erf);
	[tilespmem:s24+$0xFFFFFFB0] =	vst v13  }
0x577: {  	(erf) = vpow2.f32 v3;
	v3 =	vmul.f32 v49, v6;
	v6 =	vld [tilespmem:s20+$0xFFFFFCB0];
	[tilespmem:s24+$0xFFFFFFC0] =	vst v23  }
0x578: {  	[tilespmem:s20+$0x0] =	vst v2;
	v2 =	vld [tilespmem:s20+$0xFFFFFCA0];
	v24 =	vpop (erf)  }
0x579: {  	v60 =	vld [tilespmem:s20+$0xFFFFFDF0];
	[tilespmem:s24+$0xFFFFFF90] =	vst v24  }
0x57a: {  	[tilespmem:s4+$0xFFFFFEF0] =	vst v4;
	v14 =	vmul.f32 v9, v14;
	v25 =	vld [tilespmem:s20+$0xFFFFFC10]  }
0x57b: {  	v57 =	vld [tilespmem:s20+$0xFFFFFFE0];
	[tilespmem:s4+$0xFFFFFF00] =	vst v3  }
0x57c: {  	v16 =	vadd.f32 v47, v16;
	v3 =	vld [tilespmem:s20+$0xFFFFFC20];
	[tilespmem:s20+$0xFFFFFC90] =	vst v14;
	v4 =	vpop (erf);
	v6 =	vmul.f32 v9, v6  }
0x57d: {  	v26 =	vld [tilespmem:s20+$0xFFFFFC30];
	[tilespmem:s24+$0xFFFFFFD0] =	vst v4;
	v2 =	vmul.f32 v9, v2  }
0x57e: {  	v29 =	vmul.f32 $9.999999770e-03, v16;
	v27 =	vld [tilespmem:s20+$0xFFFFFC40];
	v61 =	vmul.f32 v60, v23;
	[tilespmem:s20+$0xFFFFFCB0] =	vst v6  }
0x57f: {  	vm15 =	vgt.f32 v16, $0.0e+00;
	v21 =	vld [tilespmem:s20+$0xFFFFFFB0];
	v14 =	vmul.f32 v24, v25;
	[tilespmem:s20+$0xFFFFFCA0] =	vst v2  }
0x580: {  	v25 =	vld [tilespmem:s20+$0xFFFFFC60];
	v2 =	vsel vm15, v16, v29;
	v16 =	vmul.f32 v7, v50;
	[tilespmem:s20+$0xFFFFFDF0] =	vst v61  }
0x581: {  	v51 =	vld [tilespmem:s20+$0xFFFFFC50];
	v3 =	vmul.f32 v24, v3;
	[tilespmem:s20+$0xFFFFFC10] =	vst v14  }
0x582: {  	v6 =	vld [tilespmem:s20+$0xFFFFFC80];
	v14 =	vsub.f32 v2, v1;
	[tilespmem:s4+$0xFFFFFF10] =	vst v16;
	v16 =	vmul.f32 v24, v26  }
0x583: {  	v52 =	vld [tilespmem:s20+$0xFFFFFC70];
	[tilespmem:s20+$0xFFFFFC20] =	vst v3;
	v3 =	vmul.f32 v27, v24  }
0x584: {  	v26 =	vld [tilespmem:s20+$0xFFFFFCD0];
	v14 =	vmul.f32 $1.442695020e+00, v14;
	[tilespmem:s20+$0xFFFFFC30] =	vst v16  }
0x585: {  	v2 =	vpop (erf);
	v16 =	vld [tilespmem:s20+$0xFFFFFCF0];
	[tilespmem:s20+$0xFFFFFC40] =	vst v3;
	v3 =	vmul.f32 v25, v24  }
0x586: {  	v54 =	vld [tilespmem:s20+$0xFFFFFCC0];
	[tilespmem:s24+$0xFFFFFFE0] =	vst v2;
	(erf) = vpow2.f32 v14;
	v14 =	vmul.f32 v51, v24  }
0x587: {  	v55 =	vld [tilespmem:s20+$0xFFFFFD10];
	[tilespmem:s20+$0xFFFFFC60] =	vst v3;
	v3 =	vmul.f32 v6, v24  }
0x588: {  	v27 =	vld [tilespmem:s20+$0xFFFFFCE0];
	[tilespmem:s20+$0xFFFFFC50] =	vst v14;
	v14 =	vmul.f32 v52, v24  }
0x589: {  	v25 =	vld [tilespmem:s20+$0xFFFFFD00];
	[tilespmem:s20+$0xFFFFFC80] =	vst v3;
	v3 =	vmul.f32 v26, v9  }
0x58a: {  	v6 =	vld [tilespmem:s20+$0xFFFFFD20];
	v16 =	vmul.f32 v16, v9;
	[tilespmem:s20+$0xFFFFFC70] =	vst v14  }
0x58b: {  	v22 =	vld [tilespmem:s20+$0xFFFFFFC0];
	v14 =	vmul.f32 v54, v9;
	[tilespmem:s20+$0xFFFFFCD0] =	vst v3  }
0x58c: {  	v26 =	vld [tilespmem:s20+$0xFFFFFD40];
	v3 =	vmul.f32 v13, v55;
	[tilespmem:s20+$0xFFFFFCF0] =	vst v16  }
0x58d: {  	v24 =	vld [tilespmem:s20+$0xFFFFFD30];
	[tilespmem:s20+$0xFFFFFCC0] =	vst v14;
	v14 =	vmul.f32 v27, v9  }
0x58e: {  	v56 =	vld [tilespmem:s20+$0xFFFFFD60];
	v9 =	vmul.f32 v25, v9;
	[tilespmem:s20+$0xFFFFFD10] =	vst v3  }
0x58f: {  	v16 =	vld [tilespmem:s20+$0xFFFFFD90];
	v6 =	vmul.f32 v13, v6;
	[tilespmem:s20+$0xFFFFFCE0] =	vst v14  }
0x590: {  	v27 =	vld [tilespmem:s20+$0xFFFFFD50];
	[tilespmem:s20+$0xFFFFFD00] =	vst v9  }
0x591: {  	v25 =	vld [tilespmem:s20+$0xFFFFFD80];
	[tilespmem:s20+$0xFFFFFD20] =	vst v6;
	v6 =	vmul.f32 v26, v13;
	v3 =	vpop (erf)  }
0x592: {  	v14 =	vld [tilespmem:s20+$0xFFFFFD70];
	v9 =	vmul.f32 v13, v24;
	[tilespmem:s24+$0xFFFFFFF0] =	vst v3  }
0x593: {  	v24 =	vld [tilespmem:s20+$0xFFFFFDA0];
	[tilespmem:s20+$0xFFFFFD40] =	vst v6;
	v6 =	vmul.f32 v56, v13  }
0x594: {  	v26 =	vld [tilespmem:s20+$0xFFFFFDB0];
	[tilespmem:s20+$0xFFFFFD30] =	vst v9;
	v16 =	vmul.f32 v23, v16  }
0x595: {  	v9 =	vmul.f32 v27, v13;
	v27 =	vld [tilespmem:s20+$0xFFFFFDC0];
	[tilespmem:s20+$0xFFFFFD60] =	vst v6  }
0x596: {  	v58 =	vld [tilespmem:s20+$0xFFFFFDD0];
	v6 =	vmul.f32 v25, v13;
	[tilespmem:s20+$0xFFFFFD90] =	vst v16  }
0x597: {  	v59 =	vld [tilespmem:s20+$0xFFFFFDE0];
	[tilespmem:s20+$0xFFFFFD50] =	vst v9;
	v14 =	vmul.f32 v14, v13;
	v9 =	vmul.f32 v7, v8  }
0x598: {  	v8 =	vmul.f32 v23, v24;
	v13 =	vmul.f32 v11, v7;
	v11 =	vld [tilespmem:s20+$0xFFFFFE10];
	[tilespmem:s20+$0xFFFFFD80] =	vst v6  }
0x599: {  	v10 =	vmul.f32 v7, v10;
	v24 =	vld [tilespmem:s20+$0xFFFFFE00];
	v6 =	vmul.f32 v23, v26;
	[tilespmem:s20+$0xFFFFFD70] =	vst v14  }
0x59a: {  	v16 =	vmul.f32 v15, v7;
	v26 =	vld [tilespmem:s20+$0xFFFFFE30];
	[tilespmem:s20+$0xFFFFFDA0] =	vst v8;
	v8 =	vmul.f32 v27, v23  }
0x59b: {  	v15 =	vmul.f32 v58, v23;
	v14 =	vmul.f32 v12, v7;
	v12 =	vld [tilespmem:s20+$0xFFFFFE20];
	[tilespmem:s20+$0xFFFFFDB0] =	vst v6  }
0x59c: {  	v27 =	vld [tilespmem:s20+$0xFFFFFE40];
	v6 =	vmul.f32 v19, v18;
	[tilespmem:s20+$0xFFFFFDC0] =	vst v8;
	v8 =	vmul.f32 v59, v23  }
0x59d: {  	v25 =	vld [tilespmem:s20+$0xFFFFFFF0];
	[tilespmem:s20+$0xFFFFFDD0] =	vst v15;
	v18 =	vmul.f32 v5, v7;
	v5 =	vmul.f32 v4, v11  }
0x59e: {  	v17 =	vmul.f32 v17, v7;
	v62 =	vld [tilespmem:s20+$0xFFFFFE50];
	v7 =	vmul.f32 v24, v23;
	[tilespmem:s20+$0xFFFFFDE0] =	vst v8  }
0x59f: {  	v63 =	vld [tilespmem:s20+$0xFFFFFE60];
	v15 =	vmul.f32 v19, v20;
	v23 =	vmul.f32 v4, v26;
	[tilespmem:s20+$0xFFFFFE10] =	vst v5  }
0x5a0: {  	v20 =	vld [tilespmem:s20+$0xFFFFFE70];
	v11 =	vmul.f32 v19, v21;
	v8 =	vmul.f32 v4, v12;
	[tilespmem:s20+$0xFFFFFE00] =	vst v7  }
0x5a1: {  	v21 =	vld [tilespmem:s20+$0xFFFFFE80];
	v12 =	vmul.f32 v22, v19;
	v24 =	vmul.f32 v27, v4;
	[tilespmem:s20+$0xFFFFFE30] =	vst v23  }
0x5a2: {  	v7 =	vmul.f32 v53, v19;
	v22 =	vld [tilespmem:s20+$0xFFFFFE90];
	v5 =	vmul.f32 v25, v19;
	[tilespmem:s20+$0xFFFFFE20] =	vst v8  }
0x5a3: {  	v25 =	vmul.f32 v62, v4;
	v8 =	vmul.f32 v57, v19;
	v19 =	vld [tilespmem:s20+$0xFFFFFEA0];
	[tilespmem:s20+$0xFFFFFE40] =	vst v24  }
0x5a4: {  	s1 =	simm.s32 $0x8;
	s2 =	simm.s32 $0x167E0;
	v23 =	vld [tilespmem:s20+$0xFFFFFEB0];
	v24 =	vmul.f32 v63, v4;
	s24 =	rddreg [dreg:$0x7]  }
.LBB2_18:
0x5a5: {  	v26 =	vld [tilespmem:s2+$0x0];
	[tilespmem:s20+$0xFFFFFE50] =	vst v25;
	v20 =	vmul.f32 v20, v4;
	s13 =	sadd.s32 $0x80, s13  }
0x5a6: {  	s1 =	sadd.s32 $0x8, s1;
	v25 =	vld [tilespmem:s13+$0x0];
	[tilespmem:s20+$0xFFFFFE60] =	vst v24;
	v4 =	vmul.f32 v21, v4  }
0x5a7: {  	p1 =	slt.u32 s1, $0x48;
	v21 =	vld [tilespmem:s13+$0xFFFFFF90];
	[tilespmem:s20+$0xFFFFFE70] =	vst v20;
	v20 =	vmul.f32 v2, v22  }
0x5a8: {  	v22 =	vld [tilespmem:s2+$0xFFFFFFA0];
	[tilespmem:s20+$0xFFFFFE80] =	vst v4;
	v4 =	vmul.f32 v2, v19  }
0x5a9: {  	v19 =	vld [tilespmem:s13+$0xFFFFFFA0];
	[tilespmem:s20+$0xFFFFFE90] =	vst v20;
	v20 =	vmul.f32 v2, v23  }
0x5aa: {  	v23 =	vld [tilespmem:s2+$0xFFFFFFB0];
	[tilespmem:s20+$0xFFFFFEA0] =	vst v4  }
0x5ab: {  	v4 =	vld [tilespmem:s13+$0xFFFFFFB0];
	v24 =	vadd.f32 v25, v26;
	[tilespmem:s20+$0xFFFFFEB0] =	vst v20  }
0x5ac: {  	v20 =	vld [tilespmem:s2+$0xFFFFFFC0];
	[tilespmem:s4+$0xFFFFFF20] =	vst v9  }
0x5ad: {  	v9 =	vld [tilespmem:s13+$0xFFFFFFC0];
	v25 =	vmul.f32 $9.999999770e-03, v24;
	[tilespmem:s4+$0xFFFFFF30] =	vst v10  }
0x5ae: {  	vm0 =	vgt.f32 v24, $0.0e+00;
	v10 =	vadd.f32 v19, v22;
	v19 =	vld [tilespmem:s2+$0xFFFFFFD0];
	[tilespmem:s4+$0xFFFFFF40] =	vst v13  }
0x5af: {  	v13 =	vld [tilespmem:s13+$0xFFFFFFD0];
	v22 =	vsel vm0, v24, v25;
	[tilespmem:s4+$0xFFFFFF50] =	vst v14  }
0x5b0: {  	v14 =	vmul.f32 $9.999999770e-03, v10;
	v4 =	vadd.f32 v4, v23;
	v23 =	vld [tilespmem:s2+$0xFFFFFFE0];
	v22 =	vsub.f32 v22, v1;
	[tilespmem:s4+$0xFFFFFF60] =	vst v16  }
0x5b1: {  	vm0 =	vgt.f32 v10, $0.0e+00;
	v16 =	vld [tilespmem:s13+$0xFFFFFFE0];
	[tilespmem:s4+$0xFFFFFF70] =	vst v17  }
0x5b2: {  	v17 =	vmul.f32 $9.999999770e-03, v4;
	v9 =	vadd.f32 v9, v20;
	v20 =	vld [tilespmem:s2+$0xFFFFFFF0];
	v22 =	vmul.f32 $1.442695020e+00, v22;
	[tilespmem:s4+$0xFFFFFF80] =	vst v18;
	s4 =	smov.u32 s20  }
0x5b3: {  	v10 =	vsel vm0, v10, v14;
	vm0 =	vgt.f32 v4, $0.0e+00;
	v14 =	vld [tilespmem:s13+$0xFFFFFFF0];
	[tilespmem:s20+$0xFFFFFF90] =	vst v6  }
0x5b4: {  	v6 =	vld [tilespmem:s2+$0xFFFFFF90];
	v18 =	vmul.f32 $9.999999770e-03, v9;
	v13 =	vadd.f32 v13, v19;
	(erf) = vpow2.f32 v22;
	[tilespmem:s20+$0xFFFFFFA0] =	vst v15  }
0x5b5: {  	v10 =	vsub.f32 v10, v1;
	v4 =	vsel vm0, v4, v17;
	vm0 =	vgt.f32 v9, $0.0e+00;
	v15 =	vld [tilespmem:s20+$0xFFFFFEC0];
	[tilespmem:s20+$0xFFFFFFB0] =	vst v11  }
0x5b6: {  	vm1 =	vgt.f32 v13, $0.0e+00;
	v11 =	vmul.f32 $9.999999770e-03, v13;
	v16 =	vadd.f32 v16, v23;
	v17 =	vld [tilespmem:s20+$0xFFFFFED0];
	[tilespmem:s20+$0xFFFFFFC0] =	vst v12  }
0x5b7: {  	v10 =	vmul.f32 $1.442695020e+00, v10;
	v4 =	vsub.f32 v4, v1;
	v9 =	vsel vm0, v9, v18;
	v12 =	vld [tilespmem:s20+$0xFFFFFEE0];
	[tilespmem:s20+$0xFFFFFFD0] =	vst v7  }
0x5b8: {  	vm0 =	vgt.f32 v16, $0.0e+00;
	v7 =	vmul.f32 $9.999999770e-03, v16;
	v14 =	vadd.f32 v14, v20;
	v18 =	vld [tilespmem:s20+$0xFFFFFEF0];
	[tilespmem:s20+$0xFFFFFFE0] =	vst v8  }
0x5b9: {  	v8 =	vsub.f32 v9, v1;
	v9 =	vsel vm1, v13, v11;
	v6 =	vadd.f32 v21, v6;
	v11 =	vld [tilespmem:s20+$0xFFFFFF00];
	[tilespmem:s20+$0xFFFFFFF0] =	vst v5  }
0x5ba: {  	v5 =	vsel vm0, v16, v7;
	vm0 =	vgt.f32 v14, $0.0e+00;
	v7 =	vmul.f32 $9.999999770e-03, v14;
	v13 =	vld [tilespmem:s20+$0xFFFFFF10]  }
0x5bb: {  	v9 =	vsub.f32 v9, v1;
	vm1 =	vgt.f32 v6, $0.0e+00;
	v16 =	vmul.f32 $9.999999770e-03, v6;
	v19 =	vld [tilespmem:s20+$0xFFFFFF20]  }
0x5bc: {  	v4 =	vmul.f32 $1.442695020e+00, v4;
	v5 =	vsub.f32 v5, v1;
	v7 =	vsel vm0, v14, v7;
	v14 =	vld [tilespmem:s20+$0xFFFFFF30]  }
0x5bd: {  	v8 =	vmul.f32 $1.442695020e+00, v8;
	v6 =	vsel vm1, v6, v16;
	v7 =	vsub.f32 v7, v1;
	v20 =	vpop (erf);
	v16 =	vld [tilespmem:s20+$0xFFFFFF40]  }
0x5be: {  	v9 =	vmul.f32 $1.442695020e+00, v9;
	v5 =	vmul.f32 $1.442695020e+00, v5;
	s20 =	sadd.s32 $0x400, s20;
	v6 =	vsub.f32 v6, v1;
	[tilespmem:s2+$0x0] =	vst v20;
	v21 =	vld [tilespmem:s4+$0xFFFFFF50]  }
0x5bf: {  	v7 =	vmul.f32 $1.442695020e+00, v7;
	v22 =	vld [tilespmem:s20+$0x0];
	(erf) = vpow2.f32 v10  }
0x5c0: {  	v6 =	vmul.f32 $1.442695020e+00, v6;
	(erf) = vpow2.f32 v4;
	v4 =	vld [tilespmem:s4+$0xFFFFFF60]  }
0x5c1: {  	(erf) = vpow2.f32 v8;
	v8 =	vmul.f32 v15, v2;
	v15 =	vld [tilespmem:s4+$0xFFFFFF70]  }
0x5c2: {  	(erf) = vpow2.f32 v6;
	v6 =	vmul.f32 v17, v2;
	v23 =	vld [tilespmem:s4+$0xFFFFFF80]  }
0x5c3: {  	v24 =	vld [tilespmem:s20+$0xFFFFFF90];
	(erf) = vpow2.f32 v9;
	[tilespmem:s4+$0xFFFFFEC0] =	vst v8;
	v8 =	vmul.f32 v12, v2  }
0x5c4: {  	v12 =	vld [tilespmem:s20+$0xFFFFFFA0];
	v9 =	vmul.f32 v22, v20;
	(erf) = vpow2.f32 v5;
	[tilespmem:s4+$0xFFFFFED0] =	vst v6  }
0x5c5: {  	v6 =	vmul.f32 v18, v2;
	v5 =	vld [tilespmem:s20+$0xFFFFFFB0];
	(erf) = vpow2.f32 v7;
	[tilespmem:s4+$0xFFFFFEE0] =	vst v8  }
0x5c6: {  	v2 =	vmul.f32 v11, v2;
	v22 =	vmul.f32 v3, v13;
	v7 =	vld [tilespmem:s20+$0xFFFFFFC0];
	[tilespmem:s20+$0x0] =	vst v9  }
0x5c7: {  	v10 =	vmul.f32 v3, v14;
	v9 =	vmul.f32 v3, v19;
	v8 =	vld [tilespmem:s20+$0xFFFFFFD0];
	[tilespmem:s4+$0xFFFFFEF0] =	vst v6  }
0x5c8: {  	v14 =	vmul.f32 v21, v3;
	v13 =	vmul.f32 v16, v3;
	v25 =	vld [tilespmem:s20+$0xFFFFFFE0];
	v26 =	vpop (erf);
	[tilespmem:s4+$0xFFFFFF00] =	vst v2  }
0x5c9: {  	v16 =	vmul.f32 v4, v3;
	v17 =	vmul.f32 v15, v3;
	[tilespmem:s2+$0xFFFFFFA0] =	vst v26;
	v21 =	vld [tilespmem:s20+$0xFFFFFFF0];
	v27 =	vpop (erf)  }
0x5ca: {  	v18 =	vmul.f32 v23, v3;
	v6 =	vmul.f32 v20, v24;
	v28 =	vld [tilespmem:s20+$0xFFFFFC90];
	[tilespmem:s2+$0xFFFFFFB0] =	vst v27;
	v19 =	vpop (erf)  }
0x5cb: {  	v15 =	vmul.f32 v20, v12;
	v11 =	vmul.f32 v20, v5;
	v23 =	vld [tilespmem:s20+$0xFFFFFCA0];
	[tilespmem:s2+$0xFFFFFFC0] =	vst v19;
	v24 =	vpop (erf)  }
0x5cc: {  	v12 =	vmul.f32 v7, v20;
	[tilespmem:s2+$0xFFFFFF90] =	vst v24;
	v29 =	vld [tilespmem:s20+$0xFFFFFCB0];
	v7 =	vmul.f32 v8, v20;
	v4 =	vpop (erf)  }
0x5cd: {  	v30 =	vld [tilespmem:s20+$0xFFFFFC10];
	[tilespmem:s2+$0xFFFFFFD0] =	vst v4;
	v8 =	vmul.f32 v25, v20;
	v2 =	vpop (erf)  }
0x5ce: {  	v25 =	vld [tilespmem:s20+$0xFFFFFC20];
	[tilespmem:s2+$0xFFFFFFE0] =	vst v2;
	v5 =	vmul.f32 v21, v20;
	v3 =	vpop (erf)  }
0x5cf: {  	v20 =	vld [tilespmem:s20+$0xFFFFFC30];
	v21 =	vmul.f32 v26, v28;
	[tilespmem:s2+$0xFFFFFFF0] =	vst v3  }
0x5d0: {  	v28 =	vld [tilespmem:s20+$0xFFFFFC40];
	v23 =	vmul.f32 v26, v23;
	[tilespmem:s4+$0xFFFFFF10] =	vst v22  }
0x5d1: {  	v22 =	vld [tilespmem:s20+$0xFFFFFC50];
	[tilespmem:s20+$0xFFFFFC90] =	vst v21;
	v21 =	vmul.f32 v26, v29  }
0x5d2: {  	v29 =	vmul.f32 v24, v30;
	v30 =	vld [tilespmem:s20+$0xFFFFFC60];
	[tilespmem:s20+$0xFFFFFCA0] =	vst v23  }
0x5d3: {  	v23 =	vmul.f32 v24, v25;
	v25 =	vld [tilespmem:s20+$0xFFFFFC70];
	[tilespmem:s20+$0xFFFFFCB0] =	vst v21  }
0x5d4: {  	[tilespmem:s20+$0xFFFFFC10] =	vst v29;
	v20 =	vmul.f32 v24, v20;
	v21 =	vld [tilespmem:s20+$0xFFFFFC80]  }
0x5d5: {  	[tilespmem:s20+$0xFFFFFC20] =	vst v23;
	v23 =	vmul.f32 v28, v24;
	v28 =	vld [tilespmem:s20+$0xFFFFFCC0]  }
0x5d6: {  	[tilespmem:s20+$0xFFFFFC30] =	vst v20;
	v20 =	vmul.f32 v22, v24;
	v22 =	vld [tilespmem:s20+$0xFFFFFCD0]  }
0x5d7: {  	[tilespmem:s20+$0xFFFFFC40] =	vst v23;
	v23 =	vmul.f32 v30, v24;
	v29 =	vld [tilespmem:s20+$0xFFFFFCE0]  }
0x5d8: {  	[tilespmem:s20+$0xFFFFFC50] =	vst v20;
	v20 =	vmul.f32 v25, v24;
	v25 =	vld [tilespmem:s20+$0xFFFFFCF0]  }
0x5d9: {  	[tilespmem:s20+$0xFFFFFC60] =	vst v23;
	v21 =	vmul.f32 v21, v24;
	v23 =	vld [tilespmem:s20+$0xFFFFFD00]  }
0x5da: {  	[tilespmem:s20+$0xFFFFFC70] =	vst v20;
	v20 =	vmul.f32 v28, v26;
	v24 =	vld [tilespmem:s20+$0xFFFFFD10]  }
0x5db: {  	[tilespmem:s20+$0xFFFFFC80] =	vst v21;
	v21 =	vmul.f32 v22, v26;
	v22 =	vld [tilespmem:s20+$0xFFFFFD20]  }
0x5dc: {  	[tilespmem:s20+$0xFFFFFCC0] =	vst v20;
	v20 =	vmul.f32 v29, v26;
	v28 =	vld [tilespmem:s20+$0xFFFFFD30]  }
0x5dd: {  	[tilespmem:s20+$0xFFFFFCD0] =	vst v21;
	v21 =	vmul.f32 v25, v26;
	v25 =	vld [tilespmem:s20+$0xFFFFFD40]  }
0x5de: {  	[tilespmem:s20+$0xFFFFFCE0] =	vst v20;
	v20 =	vmul.f32 v23, v26;
	v23 =	vld [tilespmem:s20+$0xFFFFFD50]  }
0x5df: {  	[tilespmem:s20+$0xFFFFFCF0] =	vst v21;
	v21 =	vmul.f32 v27, v24;
	v24 =	vld [tilespmem:s20+$0xFFFFFD60]  }
0x5e0: {  	[tilespmem:s20+$0xFFFFFD00] =	vst v20;
	v20 =	vmul.f32 v27, v22;
	v22 =	vld [tilespmem:s20+$0xFFFFFD70]  }
0x5e1: {  	[tilespmem:s20+$0xFFFFFD10] =	vst v21;
	v21 =	vmul.f32 v27, v28;
	v26 =	vld [tilespmem:s20+$0xFFFFFD80]  }
0x5e2: {  	[tilespmem:s20+$0xFFFFFD20] =	vst v20;
	v20 =	vmul.f32 v25, v27;
	v25 =	vld [tilespmem:s20+$0xFFFFFD90]  }
0x5e3: {  	[tilespmem:s20+$0xFFFFFD30] =	vst v21;
	v21 =	vmul.f32 v23, v27;
	v23 =	vld [tilespmem:s20+$0xFFFFFDA0]  }
0x5e4: {  	[tilespmem:s20+$0xFFFFFD40] =	vst v20;
	v20 =	vmul.f32 v24, v27;
	v24 =	vld [tilespmem:s20+$0xFFFFFDB0]  }
0x5e5: {  	[tilespmem:s20+$0xFFFFFD50] =	vst v21;
	v21 =	vmul.f32 v22, v27;
	v22 =	vld [tilespmem:s20+$0xFFFFFDC0]  }
0x5e6: {  	[tilespmem:s20+$0xFFFFFD60] =	vst v20;
	v20 =	vmul.f32 v26, v27;
	v26 =	vld [tilespmem:s20+$0xFFFFFDD0]  }
0x5e7: {  	[tilespmem:s20+$0xFFFFFD70] =	vst v21;
	v21 =	vmul.f32 v19, v25;
	v25 =	vld [tilespmem:s20+$0xFFFFFDE0]  }
0x5e8: {  	[tilespmem:s20+$0xFFFFFD80] =	vst v20;
	v20 =	vmul.f32 v19, v23;
	v23 =	vld [tilespmem:s20+$0xFFFFFDF0]  }
0x5e9: {  	[tilespmem:s20+$0xFFFFFD90] =	vst v21;
	v21 =	vmul.f32 v19, v24;
	v24 =	vld [tilespmem:s20+$0xFFFFFE00]  }
0x5ea: {  	[tilespmem:s20+$0xFFFFFDA0] =	vst v20;
	v20 =	vmul.f32 v22, v19;
	v22 =	vld [tilespmem:s20+$0xFFFFFE10]  }
0x5eb: {  	[tilespmem:s20+$0xFFFFFDB0] =	vst v21;
	v21 =	vmul.f32 v26, v19;
	v26 =	vld [tilespmem:s20+$0xFFFFFE20]  }
0x5ec: {  	[tilespmem:s20+$0xFFFFFDC0] =	vst v20;
	v20 =	vmul.f32 v25, v19;
	v25 =	vld [tilespmem:s20+$0xFFFFFE30]  }
0x5ed: {  	[tilespmem:s20+$0xFFFFFDD0] =	vst v21;
	v21 =	vmul.f32 v23, v19;
	v23 =	vld [tilespmem:s20+$0xFFFFFE40]  }
0x5ee: {  	[tilespmem:s20+$0xFFFFFDE0] =	vst v20;
	v19 =	vmul.f32 v24, v19;
	v24 =	vld [tilespmem:s20+$0xFFFFFE50]  }
0x5ef: {  	[tilespmem:s20+$0xFFFFFDF0] =	vst v21;
	v21 =	vmul.f32 v4, v22;
	v27 =	vld [tilespmem:s20+$0xFFFFFE60]  }
.Ltmp10:
0x5f0: {  	[tilespmem:s20+$0xFFFFFE00] =	vst v19;
	v19 =	vmul.f32 v4, v26;
	v20 =	vld [tilespmem:s20+$0xFFFFFE70];
	(pc) =	sbr.rel @p1 .LBB2_18-.Ltmp10, $4  }
0x5f1: {  	[tilespmem:s20+$0xFFFFFE10] =	vst v21;
	v25 =	vmul.f32 v4, v25;
	v21 =	vld [tilespmem:s20+$0xFFFFFE80]  }
0x5f2: {  	[tilespmem:s20+$0xFFFFFE20] =	vst v19;
	v23 =	vmul.f32 v23, v4;
	v22 =	vld [tilespmem:s20+$0xFFFFFE90]  }
0x5f3: {  	[tilespmem:s20+$0xFFFFFE30] =	vst v25;
	v25 =	vmul.f32 v24, v4;
	v19 =	vld [tilespmem:s20+$0xFFFFFEA0]  }
0x5f4: {  	s2 =	sadd.s32 $0x80, s2;
	[tilespmem:s20+$0xFFFFFE40] =	vst v23;
	v24 =	vmul.f32 v27, v4;
	v23 =	vld [tilespmem:s20+$0xFFFFFEB0]  }
0x5f5: {  	[tilespmem:s20+$0xFFFFFE50] =	vst v25  }
0x5f6: {  	[tilespmem:s4+$0xFFFFFF20] =	vst v9  }
0x5f7: {  	[tilespmem:s4+$0xFFFFFF30] =	vst v10  }
0x5f8: {  	[tilespmem:s4+$0xFFFFFF40] =	vst v13  }
0x5f9: {  	[tilespmem:s4+$0xFFFFFF50] =	vst v14  }
0x5fa: {  	[tilespmem:s4+$0xFFFFFF60] =	vst v16  }
0x5fb: {  	[tilespmem:s4+$0xFFFFFF70] =	vst v17  }
0x5fc: {  	[tilespmem:s4+$0xFFFFFF80] =	vst v18  }
0x5fd: {  	[tilespmem:s20+$0xFFFFFF90] =	vst v6  }
0x5fe: {  	[tilespmem:s20+$0xFFFFFFA0] =	vst v15  }
0x5ff: {  	v1 =	vmul.f32 v20, v4;
	[tilespmem:s20+$0xFFFFFFB0] =	vst v11  }
0x600: {  	[tilespmem:s20+$0xFFFFFFC0] =	vst v12  }
0x601: {  	[tilespmem:s20+$0xFFFFFE70] =	vst v1;
	v1 =	vmul.f32 v2, v22  }
0x602: {  	[tilespmem:s20+$0xFFFFFFD0] =	vst v7  }
0x603: {  	v51 =	vld [tilespmem:s20+$0xFFFFFED0];
	[tilespmem:s20+$0xFFFFFE90] =	vst v1;
	v1 =	vmul.f32 v2, v23  }
0x604: {  	v53 =	vld [tilespmem:s20+$0xFFFFFEF0];
	[tilespmem:s20+$0xFFFFFFE0] =	vst v8  }
0x605: {  	[tilespmem:s20+$0xFFFFFEB0] =	vst v1;
	v1 =	vld [tilespmem:s20+$0xFFFFFEC0]  }
0x606: {  	v55 =	vld [tilespmem:s20+$0xFFFFFF10];
	[tilespmem:s20+$0xFFFFFFF0] =	vst v5;
	v49 =	vmul.f32 v21, v4  }
0x607: {  	v52 =	vld [tilespmem:s20+$0xFFFFFEE0];
	[tilespmem:s20+$0xFFFFFE60] =	vst v24;
	v50 =	vmul.f32 v2, v19  }
0x608: {  	v56 =	vld [tilespmem:s20+$0xFFFFFF20];
	[tilespmem:s20+$0xFFFFFE80] =	vst v49;
	v4 =	vmul.f32 v51, v2  }
0x609: {  	v54 =	vld [tilespmem:s20+$0xFFFFFF00];
	[tilespmem:s20+$0xFFFFFEA0] =	vst v50;
	v60 =	vmul.f32 v53, v2  }
0x60a: {  	v58 =	vld [tilespmem:s20+$0xFFFFFF40];
	[tilespmem:s20+$0xFFFFFED0] =	vst v4;
	v1 =	vmul.f32 v1, v2  }
0x60b: {  	v57 =	vld [tilespmem:s20+$0xFFFFFF30];
	v7 =	vmul.f32 v3, v55;
	[tilespmem:s20+$0xFFFFFEF0] =	vst v60  }
0x60c: {  	v59 =	vld [tilespmem:s20+$0xFFFFFF50];
	[tilespmem:s20+$0xFFFFFEC0] =	vst v1;
	v1 =	vmul.f32 v52, v2  }
0x60d: {  	v61 =	vld [tilespmem:s20+$0xFFFFFF60];
	v8 =	vmul.f32 v3, v56;
	[tilespmem:s20+$0xFFFFFF10] =	vst v7  }
0x60e: {  	[tilespmem:s20+$0xFFFFFEE0] =	vst v1;
	v1 =	vmul.f32 v54, v2;
	v2 =	vld [tilespmem:s20+$0xFFFFFF70]  }
0x60f: {  	v62 =	vld [tilespmem:s20+$0xFFFFFF80];
	v63 =	vmul.f32 v58, v3;
	[tilespmem:s20+$0xFFFFFF20] =	vst v8  }
0x610: {  	[tilespmem:s20+$0xFFFFFF00] =	vst v1;
	v1 =	vmul.f32 v3, v57  }
0x611: {  	v6 =	vmul.f32 v59, v3;
	[tilespmem:s20+$0xFFFFFF40] =	vst v63  }
0x612: {  	[tilespmem:s20+$0xFFFFFF30] =	vst v1;
	v1 =	vmul.f32 v61, v3  }
0x613: {  	[tilespmem:s20+$0xFFFFFF50] =	vst v6;
	v2 =	vmul.f32 v2, v3  }
0x614: {  	v3 =	vmul.f32 v62, v3;
	[tilespmem:s20+$0xFFFFFF60] =	vst v1  }
0x615: {  	[tilespmem:s20+$0xFFFFFF70] =	vst v2  }
0x616: {  	s1 =	rddreg [dreg:$0x3];
	s2 =	simm.s32 $0x16670;
	[tilespmem:s20+$0xFFFFFF80] =	vst v3  }
0x617: {  	[spmem:s1] =	stream.indirect.scatter.add.f32 [tilespmem:s2], [sflag:$0xE], $0x10, s26, s8, $0xb8;
	[tilespmem:$0x1F7F0] =	vst v63  }
0x618: {  	s2 =	rddreg [dreg:$0x2]  }
0x619: {  	[spmem:s2] =	stream.indirect.scatter.add.f32 [tilespmem:s25], [sflag:$0x11], $0x80, s26, s8, $0xb8;
	[tilespmem:$0x1F7F0] =	vst v63  }
0x61a: {  	_ =	swait.ge [sflag:s19], $0x500  }
0x61b: {  	[sflag:s19] =	ssyncset.done $0x0  }
0x61c: {  	[sflag:s19] =	ssyncadd.s32 $0xFFFFFB00  }
0x61d: {  	_ =	swait.ge [sflag:s5], $0x2800  }
0x61e: {  	[sflag:s5] =	ssyncset.done $0x0  }
0x61f: {  	[sflag:s5] =	ssyncadd.s32 $0xFFFFD800  }
0x620: {  	[bflag:$0x0] =	sbarrier.arrive $0xFFFF  }
0x621: {  	s2 =	rddreg [dreg:$0xf]  }
0x622: {  	s1 =	simm.s32 @p0 $0x1FD0;
	s4 =	rddreg [dreg:$0x14]  }
0x623: {  	[hbm:s2], [sflag:s1] =	dma.local @p0 [spmem:s4], $0x1900  }
0x624: {  	s2 =	rddreg [dreg:$0x10]  }
0x625: {  	s1 =	simm.s32 @p0 $0x1FCD;
	s4 =	rddreg [dreg:$0x15]  }
0x626: {  	[hbm:s2], [sflag:s1] =	dma.local @p0 [spmem:s4], $0x320  }
0x627: {  	s1 =	simm.s32 @p0 $0x10  }
0x628: {  	_ =	swait.ge @p0 [sflag:s1], $0x1900  }
0x629: {  	[sflag:s1] =	ssyncset.done @p0 $0x0  }
0x62a: {  	[sflag:s1] =	ssyncadd.s32 @p0 $0xFFFFE700;
	s1 =	simm.s32 @p0 $0xD  }
0x62b: {  	s2 =	stileid.u32;
	_ =	swait.ge @p0 [sflag:s1], $0x320  }
0x62c: {  	s2 =	sshll.u32 @!p0 s2, $0x6;
	[sflag:s1] =	ssyncset.done @p0 $0x0;
	s4 =	rddreg [dreg:$0xd]  }
0x62d: {  	s13 =	rddreg [dreg:$0x16];
	[sflag:s1] =	ssyncadd.s32 @p0 $0xFFFFFCE0;
	s1 =	sor.u32 @!p0 $0x1C10, s2  }
0x62e: {  	[hbm:s4], [sflag:s1] =	dma.local @!p0 [spmem:s13], $0x2800  }
0x62f: {  	s1 =	sor.u32 @!p0 $0x1C0D, s2;
	s2 =	rddreg [dreg:$0xe]  }
0x630: {  	s4 =	rddreg [dreg:$0x17]  }
0x631: {  	[hbm:s2], [sflag:s1] =	dma.local @!p0 [spmem:s4], $0x500  }
0x632: {  	s1 =	simm.s32 @!p0 $0x10  }
0x633: {  	_ =	swait.ge @!p0 [sflag:s1], $0x2800  }
0x634: {  	[sflag:s1] =	ssyncset.done @!p0 $0x0  }
0x635: {  	[sflag:s1] =	ssyncadd.s32 @!p0 $0xFFFFD800;
	s1 =	simm.s32 @!p0 $0xD  }
0x636: {  	_ =	swait.ge @!p0 [sflag:s1], $0x500  }
0x637: {  	s4 =	rddreg [dreg:$0x5]  }
0x638: {  	s13 =	rddreg [dreg:$0x11];
	s20 =	sadd.s32 $0x1, s4  }
0x639: {  	p1 =	sne.s32 s20, s13  }
.Ltmp11:
0x63a: {  	_ = 	snop;
	(pc) =	sbr.rel @p1 .LBB2_1-.Ltmp11, $3  }
0x63b: {  	_ =	sdelay $0x1  }
0x63c: {  	[sflag:s1] =	ssyncset.done @!p0 $0x0  }
0x63d: {  	[sflag:s1] =	ssyncadd.s32 @!p0 $0xFFFFFB00  }
0x63e: {  	_ =	sfence.sel $0x180000  }
0x63f: {  	[bflag:$0x0] =	sbarrier.arrive $0xFFFF  }
0x640: {  	_ =	strace $0x90000047  }
0x641: {  	s0 =	stileid.u32;
	[bflag:$0x2] =	sbarrier.arrive $0xFFFF  }
0x642: {  	p0 =	sne.s32 s0, $0x0;
	s0 =	rddreg [dreg:$0x4]  }
0x643: {  	s0 =	sadd.s32 @!p0 $0x100000, s0  }
0x644: {  	[sflag:s0] =	ssyncadd.tile.s32 @!p0 $0x1;
	_ =	shalt  }
.Lfunc_end2:
_tile_overlayer_lowered:
.L_overlay_start_2:
0x645: {  	(tag) =	ssettag $0x2  }
0x646: {  	s0 =	rddreg [dreg:$0x0];
	s2 =	stileid.u32  }
0x647: {  	s1 =	rddreg [dreg:$0x1];
	p0 =	sne.s32 s2, $0x0  }
0x648: {  	s3 =	rddreg [dreg:$0x2];
	[bflag:$0x3] =	sbarrier.arrive $0xFFFF;
	s2 =	simm.s32 @!p0 $0x1C13  }
0x649: {  	[timem:s3], [sflag:s2] =	dma.local @!p0 [hbm:s0], s1  }
0x64a: {  	s0 =	simm.s32 @!p0 $0x13  }
0x64b: {  	_ =	swait.ge @!p0 [sflag:s0], s1  }
0x64c: {  	s1 =	ssub.s32 @!p0 $0x0, s1;
	[sflag:s0] =	ssyncset.done @!p0 $0x0  }
0x64d: {  	[sflag:s0] =	ssyncadd.s32 @!p0 s1  }
0x64e: {  	[bflag:$0x3] =	sbarrier.arrive $0xFFFF  }
0x64f: {  	_ =	shalt  }

</sc_bundles>
